<compile_context>
chip_gen: v7x
topology: tpu7x:2x2x1
jax: 0.10.2.dev20260603
libtpu: 0.0.44.dev20260713+nightly
codegen_flags: <defaults>
</compile_context>

<pallas_src>
import functools

import jax
import jax.numpy as jnp
from jax import lax
from jax.experimental import pallas as pl
from jax.experimental.pallas import tpu as pltpu
from jax.experimental.pallas import tpu_sc as plsc

B = 16384
D = 64
H = 128
OUT = 64

NC = 2
NS = 16
NW = NC * NS
B_PER_W = B // NW

NCHUNK = 2
CH = B_PER_W // NCHUNK
LAGG = 8


def _sc_gather_both(user_table, product_table, user_ids, product_ids):
  mesh = plsc.VectorSubcoreMesh(core_axis_name="c", subcore_axis_name="s")

  @functools.partial(
      pl.kernel,
      mesh=mesh,
      compiler_params=pltpu.CompilerParams(disable_bounds_checks=True),
      out_type=(
          jax.ShapeDtypeStruct((B, D), jnp.float32),
          jax.ShapeDtypeStruct((B, D), jnp.float32),
      ),
      scratch_types=[
          pltpu.VMEM((B_PER_W,), jnp.int32),
          pltpu.VMEM((B_PER_W,), jnp.int32),
          pltpu.VMEM((CH, D), jnp.float32),
          pltpu.VMEM((CH, D), jnp.float32),
          pltpu.SemaphoreType.DMA,
      ],
  )
  def k(utab_hbm, ptab_hbm, uid_hbm, pid_hbm, uout_hbm, pout_hbm,
        uidx_s, pidx_s, urows, prows, sem):
    wid = lax.axis_index("s") * NC + lax.axis_index("c")
    base = wid * B_PER_W
    cu = pltpu.make_async_copy(uid_hbm.at[pl.ds(base, B_PER_W)], uidx_s, sem)
    cp = pltpu.make_async_copy(pid_hbm.at[pl.ds(base, B_PER_W)], pidx_s, sem)
    cu.start()
    cp.start()
    cu.wait()
    cp.wait()

    ng = CH // 16

    def fire_group(tab_hbm, idx_s, rows, coff, g):
      v = idx_s[pl.ds(coff + g * 16, 16)]
      for j in range(16):
        pltpu.async_copy(
            tab_hbm.at[pl.ds(v[j], 1)],
            rows.at[pl.ds(g * 16 + j, 1)], sem)

    def drain_groups():
      for _ in range(32):
        pltpu.make_async_copy(
            utab_hbm.at[pl.ds(0, 1)],
            urows.at[pl.ds(0, 1)], sem).wait()

    for c in range(NCHUNK):
      coff = c * CH

      @pl.loop(0, ng)
      def _body(g):
        fire_group(utab_hbm, uidx_s, urows, coff, g)
        fire_group(ptab_hbm, pidx_s, prows, coff, g)

        @pl.when(g >= LAGG)
        def _drain():
          drain_groups()

      @pl.loop(0, min(LAGG, ng))
      def _epilogue(g):
        drain_groups()

      pltpu.sync_copy(urows, uout_hbm.at[pl.ds(base + coff, CH)])
      pltpu.sync_copy(prows, pout_hbm.at[pl.ds(base + coff, CH)])

  return k(user_table, product_table, user_ids, product_ids)


BM = 2048


def _tc_mlp_body(u_ref, p_ref, wq1, bq1, wq2, bq2,
                 wc1, bc1, wc2, bc2, q_ref, c_ref):
  q = jnp.maximum(
      jnp.dot(u_ref[...], wq1[...], preferred_element_type=jnp.float32)
      + bq1[...], 0.0)
  q_ref[...] = jnp.maximum(
      jnp.dot(q, wq2[...], preferred_element_type=jnp.float32)
      + bq2[...], 0.0)
  c = jnp.maximum(
      jnp.dot(p_ref[...], wc1[...], preferred_element_type=jnp.float32)
      + bc1[...], 0.0)
  c_ref[...] = jnp.maximum(
      jnp.dot(c, wc2[...], preferred_element_type=jnp.float32)
      + bc2[...], 0.0)


def _tc_towers(pooled_u, pooled_p, Wq1, bq1, Wq2, bq2, Wc1, bc1, Wc2, bc2):
  full = lambda shape: pl.BlockSpec(shape, lambda i: (0, 0))
  return pl.pallas_call(
      _tc_mlp_body,
      grid=(B // BM,),
      in_specs=[
          pl.BlockSpec((BM, D), lambda i: (i, 0)),
          pl.BlockSpec((BM, D), lambda i: (i, 0)),
          full((D, H)), full((1, H)), full((H, OUT)), full((1, OUT)),
          full((D, H)), full((1, H)), full((H, OUT)), full((1, OUT)),
      ],
      out_specs=[
          pl.BlockSpec((BM, OUT), lambda i: (i, 0)),
          pl.BlockSpec((BM, OUT), lambda i: (i, 0)),
      ],
      out_shape=[
          jax.ShapeDtypeStruct((B, OUT), jnp.float32),
          jax.ShapeDtypeStruct((B, OUT), jnp.float32),
      ],
  )(pooled_u, pooled_p,
    Wq1, bq1.reshape(1, H), Wq2, bq2.reshape(1, OUT),
    Wc1, bc1.reshape(1, H), Wc2, bc2.reshape(1, OUT))


@jax.jit
def kernel(user_ids, product_ids, user_table, product_table,
           Wq1, bq1, Wq2, bq2, Wc1, bc1, Wc2, bc2):
  pooled_u, pooled_p = _sc_gather_both(
      user_table, product_table, user_ids, product_ids)
  q, c = _tc_towers(pooled_u, pooled_p,
                    Wq1, bq1, Wq2, bq2, Wc1, bc1, Wc2, bc2)
  return (q, c)

# --- scband reference (transcript-rebuilt; emitter-appended) ---
"""Pipeline reference for scband-two-tower-24988119728410 (READ-ONLY COPY).

The authoritative reference and input builder live on the scoring server;
editing this copy changes nothing except your own understanding.
"""

import jax, jax.numpy as jnp
import numpy as np

B = 16384
D = 64
USER_VOCAB = 1000000
PRODUCT_VOCAB = 100000
H = 128
OUT = 64


def setup_inputs(seed: int = 0) -> dict:
    key = jax.random.key(seed)
    ks = jax.random.split(key, 12)
    inp = {}
    inp["user_ids"] = jax.random.randint(ks[0], (B,), 0, USER_VOCAB, dtype=jnp.int32)
    inp["product_ids"] = jax.random.randint(ks[1], (B,), 0, PRODUCT_VOCAB, dtype=jnp.int32)
    inp["user_table"] = jax.random.normal(ks[2], (USER_VOCAB, D), dtype=jnp.float32) * 0.02
    inp["product_table"] = jax.random.normal(ks[3], (PRODUCT_VOCAB, D), dtype=jnp.float32) * 0.02
    inp["Wq1"] = jax.random.normal(ks[4], (D, H), dtype=jnp.float32) * 0.05
    inp["bq1"] = jnp.zeros((H,), dtype=jnp.float32)
    inp["Wq2"] = jax.random.normal(ks[5], (H, OUT), dtype=jnp.float32) * 0.05
    inp["bq2"] = jnp.zeros((OUT,), dtype=jnp.float32)
    inp["Wc1"] = jax.random.normal(ks[6], (D, H), dtype=jnp.float32) * 0.05
    inp["bc1"] = jnp.zeros((H,), dtype=jnp.float32)
    inp["Wc2"] = jax.random.normal(ks[7], (H, OUT), dtype=jnp.float32) * 0.05
    inp["bc2"] = jnp.zeros((OUT,), dtype=jnp.float32)
    return inp


def reference(user_ids, product_ids, user_table, product_table,
              Wq1, bq1, Wq2, bq2, Wc1, bc1, Wc2, bc2):
    # EmbeddingBagCollection with one id per sample per feature -> pooled
    # embedding is just a row gather from each table (SparseCore gather).
    pooled_user = jnp.take(user_table, user_ids, axis=0)        # [B, D]
    pooled_product = jnp.take(product_table, product_ids, axis=0)  # [B, D]
    # query tower MLP (torchrec MLP applies ReLU after each layer)
    q = jax.nn.relu(pooled_user @ Wq1 + bq1)
    q = jax.nn.relu(q @ Wq2 + bq2)
    # candidate tower MLP
    c = jax.nn.relu(pooled_product @ Wc1 + bc1)
    c = jax.nn.relu(c @ Wc2 + bc2)
    return (q, c)

if __name__ == "__main__":
    import jax
    _d = setup_inputs()
    print(jax.jit(kernel)(*tuple(_d.values())))

</pallas_src>

<mosaic_0001>
#map = affine_map<(d0, d1) -> (0, 0)>
#map1 = affine_map<(d0, d1) -> (0)>
module attributes {stable_mosaic.version = 14 : i64} {
  func.func @k(%arg0: i32, %arg1: i32, %arg2: memref<1000000x64xf32, #tpu.memory_space<hbm>>, %arg3: memref<100000x64xf32, #tpu.memory_space<hbm>>, %arg4: memref<16384xi32, #tpu.memory_space<hbm>>, %arg5: memref<16384xi32, #tpu.memory_space<hbm>>, %arg6: memref<16384x64xf32, #tpu.memory_space<hbm>>, %arg7: memref<16384x64xf32, #tpu.memory_space<hbm>>, %arg8: memref<512xi32, #tpu.memory_space<vmem>>, %arg9: memref<512xi32, #tpu.memory_space<vmem>>, %arg10: memref<256x64xf32, #tpu.memory_space<vmem>>, %arg11: memref<256x64xf32, #tpu.memory_space<vmem>>, %arg12: memref<!tpu.dma_semaphore, #tpu.memory_space<semaphore_mem>>) attributes {dimension_semantics = [#tpu.dimension_semantics<core_parallel>, #tpu.dimension_semantics<subcore_parallel>], iteration_bounds = array<i64: 2, 16>, scalar_prefetch = 0 : i64, scratch_operands = 5 : i64, tpu.core_type = #tpu.core_type<sc_vector_subcore>, window_params = [{transform_indices = #map}, {transform_indices = #map}, {transform_indices = #map1}, {transform_indices = #map1}, {transform_indices = #map}, {transform_indices = #map}]} {
    %mul3A = arith.constant 2 : i32
    %mul3A_0 = arith.muli %arg1, %mul3A : i32
    %add3A = arith.addi %mul3A_0, %arg0 : i32
    %mul3A_1 = arith.constant 512 : i32
    %mul3A_2 = arith.muli %add3A, %mul3A_1 : i32
    %dma_start3A = tpu.memref_slice %arg4[%mul3A_2] : memref<16384xi32, #tpu.memory_space<hbm>> -> memref<512xi32, #tpu.memory_space<hbm>>
    %dma_start3A_3 = tpu.memref_slice %arg4[%mul3A_2] : memref<16384xi32, #tpu.memory_space<hbm>> -> memref<512xi32, #tpu.memory_space<hbm>>
    tpu.enqueue_dma source(%dma_start3A_3 : memref<512xi32, #tpu.memory_space<hbm>>) target(%arg8 : memref<512xi32, #tpu.memory_space<vmem>>) target_semaphore(%arg12 : memref<!tpu.dma_semaphore, #tpu.memory_space<semaphore_mem>>)
    %dma_start3A_4 = tpu.memref_slice %arg5[%mul3A_2] : memref<16384xi32, #tpu.memory_space<hbm>> -> memref<512xi32, #tpu.memory_space<hbm>>
    %dma_start3A_5 = tpu.memref_slice %arg5[%mul3A_2] : memref<16384xi32, #tpu.memory_space<hbm>> -> memref<512xi32, #tpu.memory_space<hbm>>
    tpu.enqueue_dma source(%dma_start3A_5 : memref<512xi32, #tpu.memory_space<hbm>>) target(%arg9 : memref<512xi32, #tpu.memory_space<vmem>>) target_semaphore(%arg12 : memref<!tpu.dma_semaphore, #tpu.memory_space<semaphore_mem>>)
    %dma_wait3A = tpu.memref_slice %arg4[%mul3A_2] : memref<16384xi32, #tpu.memory_space<hbm>> -> memref<512xi32, #tpu.memory_space<hbm>>
    %dma_wait3A_6 = tpu.memref_slice %arg4[%mul3A_2] : memref<16384xi32, #tpu.memory_space<hbm>> -> memref<512xi32, #tpu.memory_space<hbm>>
    tpu.wait_dma2 semaphore(%arg12 : memref<!tpu.dma_semaphore, #tpu.memory_space<semaphore_mem>>) src(%dma_wait3A_6 : memref<512xi32, #tpu.memory_space<hbm>>) dst(%arg8 : memref<512xi32, #tpu.memory_space<vmem>>)
    %dma_wait3A_7 = tpu.memref_slice %arg5[%mul3A_2] : memref<16384xi32, #tpu.memory_space<hbm>> -> memref<512xi32, #tpu.memory_space<hbm>>
    %dma_wait3A_8 = tpu.memref_slice %arg5[%mul3A_2] : memref<16384xi32, #tpu.memory_space<hbm>> -> memref<512xi32, #tpu.memory_space<hbm>>
    tpu.wait_dma2 semaphore(%arg12 : memref<!tpu.dma_semaphore, #tpu.memory_space<semaphore_mem>>) src(%dma_wait3A_8 : memref<512xi32, #tpu.memory_space<hbm>>) dst(%arg9 : memref<512xi32, #tpu.memory_space<vmem>>)
    %scan3A = arith.constant 0 : i32
    %scan3A_9 = arith.constant 16 : i32
    %scan3A_10 = arith.addi %scan3A, %scan3A_9 : i32
    %scan3A_11 = arith.constant 1 : i32
    scf.for %scan3A_36 = %scan3A to %scan3A_10 step %scan3A_11  : i32 {
      %mul3A_37 = arith.constant 1 : i32
      %mul3A_38 = arith.muli %scan3A_36, %mul3A_37 : i32
      %add3A_39 = arith.constant 0 : i32
      %add3A_40 = arith.addi %add3A_39, %mul3A_38 : i32
      %mul3A_41 = arith.constant 16 : i32
      %mul3A_42 = arith.muli %add3A_40, %mul3A_41 : i32
      %add3A_43 = arith.constant 0 : i32
      %add3A_44 = arith.addi %add3A_43, %mul3A_42 : i32
      %get3A = arith.index_cast %add3A_44 : i32 to index
      %get3A_45 = tpu.vector_load %arg8[%get3A] {strides = array<i32>} : memref<512xi32, #tpu.memory_space<vmem>>, vector<16xi32>,
      %get3A_46 = vector.shape_cast %get3A_45 : vector<16xi32> to vector<16xi32>
      %slice3A = vector.extract_strided_slice %get3A_46 {offsets = [0], sizes = [1], strides = [1]} : vector<16xi32> to vector<1xi32>
      %squeeze3A = vector.extract %slice3A[0] : i32 from vector<1xi32>
      %mul3A_47 = arith.constant 16 : i32
      %mul3A_48 = arith.muli %add3A_40, %mul3A_47 : i32
      %add3A_49 = arith.constant 0 : i32
      %add3A_50 = arith.addi %mul3A_48, %add3A_49 : i32
      %dma_start3A_51 = arith.constant 0 : i32
      %dma_start3A_52 = tpu.memref_slice %arg10[%add3A_50, %dma_start3A_51] : memref<256x64xf32, #tpu.memory_space<vmem>> -> memref<1x64xf32, #tpu.memory_space<vmem>>
      %dma_start3A_53 = arith.constant 0 : i32
      %dma_start3A_54 = tpu.memref_slice %arg2[%squeeze3A, %dma_start3A_53] : memref<1000000x64xf32, #tpu.memory_space<hbm>> -> memref<1x64xf32, #tpu.memory_space<hbm>>
      %dma_start3A_55 = arith.constant 0 : i32
      %dma_start3A_56 = tpu.memref_slice %arg10[%add3A_50, %dma_start3A_55] : memref<256x64xf32, #tpu.memory_space<vmem>> -> memref<1x64xf32, #tpu.memory_space<vmem>>
      %dma_start3A_57 = arith.constant 0 : i32
      %dma_start3A_58 = tpu.memref_slice %arg2[%squeeze3A, %dma_start3A_57] : memref<1000000x64xf32, #tpu.memory_space<hbm>> -> memref<1x64xf32, #tpu.memory_space<hbm>>
      tpu.enqueue_dma source(%dma_start3A_58 : memref<1x64xf32, #tpu.memory_space<hbm>>) target(%dma_start3A_56 : memref<1x64xf32, #tpu.memory_space<vmem>>) target_semaphore(%arg12 : memref<!tpu.dma_semaphore, #tpu.memory_space<semaphore_mem>>)
      %slice3A_59 = vector.extract_strided_slice %get3A_46 {offsets = [1], sizes = [1], strides = [1]} : vector<16xi32> to vector<1xi32>
      %squeeze3A_60 = vector.extract %slice3A_59[0] : i32 from vector<1xi32>
      %mul3A_61 = arith.constant 16 : i32
      %mul3A_62 = arith.muli %add3A_40, %mul3A_61 : i32
      %add3A_63 = arith.constant 1 : i32
      %add3A_64 = arith.addi %mul3A_62, %add3A_63 : i32
      %dma_start3A_65 = arith.constant 0 : i32
      %dma_start3A_66 = tpu.memref_slice %arg10[%add3A_64, %dma_start3A_65] : memref<256x64xf32, #tpu.memory_space<vmem>> -> memref<1x64xf32, #tpu.memory_space<vmem>>
      %dma_start3A_67 = arith.constant 0 : i32
      %dma_start3A_68 = tpu.memref_slice %arg2[%squeeze3A_60, %dma_start3A_67] : memref<1000000x64xf32, #tpu.memory_space<hbm>> -> memref<1x64xf32, #tpu.memory_space<hbm>>
      %dma_start3A_69 = arith.constant 0 : i32
      %dma_start3A_70 = tpu.memref_slice %arg10[%add3A_64, %dma_start3A_69] : memref<256x64xf32, #tpu.memory_space<vmem>> -> memref<1x64xf32, #tpu.memory_space<vmem>>
      %dma_start3A_71 = arith.constant 0 : i32
      %dma_start3A_72 = tpu.memref_slice %arg2[%squeeze3A_60, %dma_start3A_71] : memref<1000000x64xf32, #tpu.memory_space<hbm>> -> memref<1x64xf32, #tpu.memory_space<hbm>>
      tpu.enqueue_dma source(%dma_start3A_72 : memref<1x64xf32, #tpu.memory_space<hbm>>) target(%dma_start3A_70 : memref<1x64xf32, #tpu.memory_space<vmem>>) target_semaphore(%arg12 : memref<!tpu.dma_semaphore, #tpu.memory_space<semaphore_mem>>)
      %slice3A_73 = vector.extract_strided_slice %get3A_46 {offsets = [2], sizes = [1], strides = [1]} : vector<16xi32> to vector<1xi32>
      %squeeze3A_74 = vector.extract %slice3A_73[0] : i32 from vector<1xi32>
      %mul3A_75 = arith.constant 16 : i32
      %mul3A_76 = arith.muli %add3A_40, %mul3A_75 : i32
      %add3A_77 = arith.constant 2 : i32
      %add3A_78 = arith.addi %mul3A_76, %add3A_77 : i32
      %dma_start3A_79 = arith.constant 0 : i32
      %dma_start3A_80 = tpu.memref_slice %arg10[%add3A_78, %dma_start3A_79] : memref<256x64xf32, #tpu.memory_space<vmem>> -> memref<1x64xf32, #tpu.memory_space<vmem>>
      %dma_start3A_81 = arith.constant 0 : i32
      %dma_start3A_82 = tpu.memref_slice %arg2[%squeeze3A_74, %dma_start3A_81] : memref<1000000x64xf32, #tpu.memory_space<hbm>> -> memref<1x64xf32, #tpu.memory_space<hbm>>
      %dma_start3A_83 = arith.constant 0 : i32
      %dma_start3A_84 = tpu.memref_slice %arg10[%add3A_78, %dma_start3A_83] : memref<256x64xf32, #tpu.memory_space<vmem>> -> memref<1x64xf32, #tpu.memory_space<vmem>>
      %dma_start3A_85 = arith.constant 0 : i32
      %dma_start3A_86 = tpu.memref_slice %arg2[%squeeze3A_74, %dma_start3A_85] : memref<1000000x64xf32, #tpu.memory_space<hbm>> -> memref<1x64xf32, #tpu.memory_space<hbm>>
      tpu.enqueue_dma source(%dma_start3A_86 : memref<1x64xf32, #tpu.memory_space<hbm>>) target(%dma_start3A_84 : memref<1x64xf32, #tpu.memory_space<vmem>>) target_semaphore(%arg12 : memref<!tpu.dma_semaphore, #tpu.memory_space<semaphore_mem>>)
      %slice3A_87 = vector.extract_strided_slice %get3A_46 {offsets = [3], sizes = [1], strides = [1]} : vector<16xi32> to vector<1xi32>
      %squeeze3A_88 = vector.extract %slice3A_87[0] : i32 from vector<1xi32>
      %mul3A_89 = arith.constant 16 : i32
      %mul3A_90 = arith.muli %add3A_40, %mul3A_89 : i32
      %add3A_91 = arith.constant 3 : i32
      %add3A_92 = arith.addi %mul3A_90, %add3A_91 : i32
      %dma_start3A_93 = arith.constant 0 : i32
      %dma_start3A_94 = tpu.memref_slice %arg10[%add3A_92, %dma_start3A_93] : memref<256x64xf32, #tpu.memory_space<vmem>> -> memref<1x64xf32, #tpu.memory_space<vmem>>
      %dma_start3A_95 = arith.constant 0 : i32
      %dma_start3A_96 = tpu.memref_slice %arg2[%squeeze3A_88, %dma_start3A_95] : memref<1000000x64xf32, #tpu.memory_space<hbm>> -> memref<1x64xf32, #tpu.memory_space<hbm>>
      %dma_start3A_97 = arith.constant 0 : i32
      %dma_start3A_98 = tpu.memref_slice %arg10[%add3A_92, %dma_start3A_97] : memref<256x64xf32, #tpu.memory_space<vmem>> -> memref<1x64xf32, #tpu.memory_space<vmem>>
      %dma_start3A_99 = arith.constant 0 : i32
      %dma_start3A_100 = tpu.memref_slice %arg2[%squeeze3A_88, %dma_start3A_99] : memref<1000000x64xf32, #tpu.memory_space<hbm>> -> memref<1x64xf32, #tpu.memory_space<hbm>>
      tpu.enqueue_dma source(%dma_start3A_100 : memref<1x64xf32, #tpu.memory_space<hbm>>) target(%dma_start3A_98 : memref<1x64xf32, #tpu.memory_space<vmem>>) target_semaphore(%arg12 : memref<!tpu.dma_semaphore, #tpu.memory_space<semaphore_mem>>)
      %slice3A_101 = vector.extract_strided_slice %get3A_46 {offsets = [4], sizes = [1], strides = [1]} : vector<16xi32> to vector<1xi32>
      %squeeze3A_102 = vector.extract %slice3A_101[0] : i32 from vector<1xi32>
      %mul3A_103 = arith.constant 16 : i32
      %mul3A_104 = arith.muli %add3A_40, %mul3A_103 : i32
      %add3A_105 = arith.constant 4 : i32
      %add3A_106 = arith.addi %mul3A_104, %add3A_105 : i32
      %dma_start3A_107 = arith.constant 0 : i32
      %dma_start3A_108 = tpu.memref_slice %arg10[%add3A_106, %dma_start3A_107] : memref<256x64xf32, #tpu.memory_space<vmem>> -> memref<1x64xf32, #tpu.memory_space<vmem>>
      %dma_start3A_109 = arith.constant 0 : i32
      %dma_start3A_110 = tpu.memref_slice %arg2[%squeeze3A_102, %dma_start3A_109] : memref<1000000x64xf32, #tpu.memory_space<hbm>> -> memref<1x64xf32, #tpu.memory_space<hbm>>
      %dma_start3A_111 = arith.constant 0 : i32
      %dma_start3A_112 = tpu.memref_slice %arg10[%add3A_106, %dma_start3A_111] : memref<256x64xf32, #tpu.memory_space<vmem>> -> memref<1x64xf32, #tpu.memory_space<vmem>>
      %dma_start3A_113 = arith.constant 0 : i32
      %dma_start3A_114 = tpu.memref_slice %arg2[%squeeze3A_102, %dma_start3A_113] : memref<1000000x64xf32, #tpu.memory_space<hbm>> -> memref<1x64xf32, #tpu.memory_space<hbm>>
      tpu.enqueue_dma source(%dma_start3A_114 : memref<1x64xf32, #tpu.memory_space<hbm>>) target(%dma_start3A_112 : memref<1x64xf32, #tpu.memory_space<vmem>>) target_semaphore(%arg12 : memref<!tpu.dma_semaphore, #tpu.memory_space<semaphore_mem>>)
      %slice3A_115 = vector.extract_strided_slice %get3A_46 {offsets = [5], sizes = [1], strides = [1]} : vector<16xi32> to vector<1xi32>
      %squeeze3A_116 = vector.extract %slice3A_115[0] : i32 from vector<1xi32>
      %mul3A_117 = arith.constant 16 : i32
      %mul3A_118 = arith.muli %add3A_40, %mul3A_117 : i32
      %add3A_119 = arith.constant 5 : i32
      %add3A_120 = arith.addi %mul3A_118, %add3A_119 : i32
      %dma_start3A_121 = arith.constant 0 : i32
      %dma_start3A_122 = tpu.memref_slice %arg10[%add3A_120, %dma_start3A_121] : memref<256x64xf32, #tpu.memory_space<vmem>> -> memref<1x64xf32, #tpu.memory_space<vmem>>
      %dma_start3A_123 = arith.constant 0 : i32
      %dma_start3A_124 = tpu.memref_slice %arg2[%squeeze3A_116, %dma_start3A_123] : memref<1000000x64xf32, #tpu.memory_space<hbm>> -> memref<1x64xf32, #tpu.memory_space<hbm>>
      %dma_start3A_125 = arith.constant 0 : i32
      %dma_start3A_126 = tpu.memref_slice %arg10[%add3A_120, %dma_start3A_125] : memref<256x64xf32, #tpu.memory_space<vmem>> -> memref<1x64xf32, #tpu.memory_space<vmem>>
      %dma_start3A_127 = arith.constant 0 : i32
      %dma_start3A_128 = tpu.memref_slice %arg2[%squeeze3A_116, %dma_start3A_127] : memref<1000000x64xf32, #tpu.memory_space<hbm>> -> memref<1x64xf32, #tpu.memory_space<hbm>>
      tpu.enqueue_dma source(%dma_start3A_128 : memref<1x64xf32, #tpu.memory_space<hbm>>) target(%dma_start3A_126 : memref<1x64xf32, #tpu.memory_space<vmem>>) target_semaphore(%arg12 : memref<!tpu.dma_semaphore, #tpu.memory_space<semaphore_mem>>)
      %slice3A_129 = vector.extract_strided_slice %get3A_46 {offsets = [6], sizes = [1], strides = [1]} : vector<16xi32> to vector<1xi32>
      %squeeze3A_130 = vector.extract %slice3A_129[0] : i32 from vector<1xi32>
      %mul3A_131 = arith.constant 16 : i32
      %mul3A_132 = arith.muli %add3A_40, %mul3A_131 : i32
      %add3A_133 = arith.constant 6 : i32
      %add3A_134 = arith.addi %mul3A_132, %add3A_133 : i32
      %dma_start3A_135 = arith.constant 0 : i32
      %dma_start3A_136 = tpu.memref_slice %arg10[%add3A_134, %dma_start3A_135] : memref<256x64xf32, #tpu.memory_space<vmem>> -> memref<1x64xf32, #tpu.memory_space<vmem>>
      %dma_start3A_137 = arith.constant 0 : i32
      %dma_start3A_138 = tpu.memref_slice %arg2[%squeeze3A_130, %dma_start3A_137] : memref<1000000x64xf32, #tpu.memory_space<hbm>> -> memref<1x64xf32, #tpu.memory_space<hbm>>
      %dma_start3A_139 = arith.constant 0 : i32
      %dma_start3A_140 = tpu.memref_slice %arg10[%add3A_134, %dma_start3A_139] : memref<256x64xf32, #tpu.memory_space<vmem>> -> memref<1x64xf32, #tpu.memory_space<vmem>>
      %dma_start3A_141 = arith.constant 0 : i32
      %dma_start3A_142 = tpu.memref_slice %arg2[%squeeze3A_130, %dma_start3A_141] : memref<1000000x64xf32, #tpu.memory_space<hbm>> -> memref<1x64xf32, #tpu.memory_space<hbm>>
      tpu.enqueue_dma source(%dma_start3A_142 : memref<1x64xf32, #tpu.memory_space<hbm>>) target(%dma_start3A_140 : memref<1x64xf32, #tpu.memory_space<vmem>>) target_semaphore(%arg12 : memref<!tpu.dma_semaphore, #tpu.memory_space<semaphore_mem>>)
      %slice3A_143 = vector.extract_strided_slice %get3A_46 {offsets = [7], sizes = [1], strides = [1]} : vector<16xi32> to vector<1xi32>
      %squeeze3A_144 = vector.extract %slice3A_143[0] : i32 from vector<1xi32>
      %mul3A_145 = arith.constant 16 : i32
      %mul3A_146 = arith.muli %add3A_40, %mul3A_145 : i32
      %add3A_147 = arith.constant 7 : i32
      %add3A_148 = arith.addi %mul3A_146, %add3A_147 : i32
      %dma_start3A_149 = arith.constant 0 : i32
      %dma_start3A_150 = tpu.memref_slice %arg10[%add3A_148, %dma_start3A_149] : memref<256x64xf32, #tpu.memory_space<vmem>> -> memref<1x64xf32, #tpu.memory_space<vmem>>
      %dma_start3A_151 = arith.constant 0 : i32
      %dma_start3A_152 = tpu.memref_slice %arg2[%squeeze3A_144, %dma_start3A_151] : memref<1000000x64xf32, #tpu.memory_space<hbm>> -> memref<1x64xf32, #tpu.memory_space<hbm>>
      %dma_start3A_153 = arith.constant 0 : i32
      %dma_start3A_154 = tpu.memref_slice %arg10[%add3A_148, %dma_start3A_153] : memref<256x64xf32, #tpu.memory_space<vmem>> -> memref<1x64xf32, #tpu.memory_space<vmem>>
      %dma_start3A_155 = arith.constant 0 : i32
      %dma_start3A_156 = tpu.memref_slice %arg2[%squeeze3A_144, %dma_start3A_155] : memref<1000000x64xf32, #tpu.memory_space<hbm>> -> memref<1x64xf32, #tpu.memory_space<hbm>>
      tpu.enqueue_dma source(%dma_start3A_156 : memref<1x64xf32, #tpu.memory_space<hbm>>) target(%dma_start3A_154 : memref<1x64xf32, #tpu.memory_space<vmem>>) target_semaphore(%arg12 : memref<!tpu.dma_semaphore, #tpu.memory_space<semaphore_mem>>)
      %slice3A_157 = vector.extract_strided_slice %get3A_46 {offsets = [8], sizes = [1], strides = [1]} : vector<16xi32> to vector<1xi32>
      %squeeze3A_158 = vector.extract %slice3A_157[0] : i32 from vector<1xi32>
      %mul3A_159 = arith.constant 16 : i32
      %mul3A_160 = arith.muli %add3A_40, %mul3A_159 : i32
      %add3A_161 = arith.constant 8 : i32
      %add3A_162 = arith.addi %mul3A_160, %add3A_161 : i32
      %dma_start3A_163 = arith.constant 0 : i32
      %dma_start3A_164 = tpu.memref_slice %arg10[%add3A_162, %dma_start3A_163] : memref<256x64xf32, #tpu.memory_space<vmem>> -> memref<1x64xf32, #tpu.memory_space<vmem>>
      %dma_start3A_165 = arith.constant 0 : i32
      %dma_start3A_166 = tpu.memref_slice %arg2[%squeeze3A_158, %dma_start3A_165] : memref<1000000x64xf32, #tpu.memory_space<hbm>> -> memref<1x64xf32, #tpu.memory_space<hbm>>
      %dma_start3A_167 = arith.constant 0 : i32
      %dma_start3A_168 = tpu.memref_slice %arg10[%add3A_162, %dma_start3A_167] : memref<256x64xf32, #tpu.memory_space<vmem>> -> memref<1x64xf32, #tpu.memory_space<vmem>>
      %dma_start3A_169 = arith.constant 0 : i32
      %dma_start3A_170 = tpu.memref_slice %arg2[%squeeze3A_158, %dma_start3A_169] : memref<1000000x64xf32, #tpu.memory_space<hbm>> -> memref<1x64xf32, #tpu.memory_space<hbm>>
      tpu.enqueue_dma source(%dma_start3A_170 : memref<1x64xf32, #tpu.memory_space<hbm>>) target(%dma_start3A_168 : memref<1x64xf32, #tpu.memory_space<vmem>>) target_semaphore(%arg12 : memref<!tpu.dma_semaphore, #tpu.memory_space<semaphore_mem>>)
      %slice3A_171 = vector.extract_strided_slice %get3A_46 {offsets = [9], sizes = [1], strides = [1]} : vector<16xi32> to vector<1xi32>
      %squeeze3A_172 = vector.extract %slice3A_171[0] : i32 from vector<1xi32>
      %mul3A_173 = arith.constant 16 : i32
      %mul3A_174 = arith.muli %add3A_40, %mul3A_173 : i32
      %add3A_175 = arith.constant 9 : i32
      %add3A_176 = arith.addi %mul3A_174, %add3A_175 : i32
      %dma_start3A_177 = arith.constant 0 : i32
      %dma_start3A_178 = tpu.memref_slice %arg10[%add3A_176, %dma_start3A_177] : memref<256x64xf32, #tpu.memory_space<vmem>> -> memref<1x64xf32, #tpu.memory_space<vmem>>
      %dma_start3A_179 = arith.constant 0 : i32
      %dma_start3A_180 = tpu.memref_slice %arg2[%squeeze3A_172, %dma_start3A_179] : memref<1000000x64xf32, #tpu.memory_space<hbm>> -> memref<1x64xf32, #tpu.memory_space<hbm>>
      %dma_start3A_181 = arith.constant 0 : i32
      %dma_start3A_182 = tpu.memref_slice %arg10[%add3A_176, %dma_start3A_181] : memref<256x64xf32, #tpu.memory_space<vmem>> -> memref<1x64xf32, #tpu.memory_space<vmem>>
      %dma_start3A_183 = arith.constant 0 : i32
      %dma_start3A_184 = tpu.memref_slice %arg2[%squeeze3A_172, %dma_start3A_183] : memref<1000000x64xf32, #tpu.memory_space<hbm>> -> memref<1x64xf32, #tpu.memory_space<hbm>>
      tpu.enqueue_dma source(%dma_start3A_184 : memref<1x64xf32, #tpu.memory_space<hbm>>) target(%dma_start3A_182 : memref<1x64xf32, #tpu.memory_space<vmem>>) target_semaphore(%arg12 : memref<!tpu.dma_semaphore, #tpu.memory_space<semaphore_mem>>)
      %slice3A_185 = vector.extract_strided_slice %get3A_46 {offsets = [10], sizes = [1], strides = [1]} : vector<16xi32> to vector<1xi32>
      %squeeze3A_186 = vector.extract %slice3A_185[0] : i32 from vector<1xi32>
      %mul3A_187 = arith.constant 16 : i32
      %mul3A_188 = arith.muli %add3A_40, %mul3A_187 : i32
      %add3A_189 = arith.constant 10 : i32
      %add3A_190 = arith.addi %mul3A_188, %add3A_189 : i32
      %dma_start3A_191 = arith.constant 0 : i32
      %dma_start3A_192 = tpu.memref_slice %arg10[%add3A_190, %dma_start3A_191] : memref<256x64xf32, #tpu.memory_space<vmem>> -> memref<1x64xf32, #tpu.memory_space<vmem>>
      %dma_start3A_193 = arith.constant 0 : i32
      %dma_start3A_194 = tpu.memref_slice %arg2[%squeeze3A_186, %dma_start3A_193] : memref<1000000x64xf32, #tpu.memory_space<hbm>> -> memref<1x64xf32, #tpu.memory_space<hbm>>
      %dma_start3A_195 = arith.constant 0 : i32
      %dma_start3A_196 = tpu.memref_slice %arg10[%add3A_190, %dma_start3A_195] : memref<256x64xf32, #tpu.memory_space<vmem>> -> memref<1x64xf32, #tpu.memory_space<vmem>>
      %dma_start3A_197 = arith.constant 0 : i32
      %dma_start3A_198 = tpu.memref_slice %arg2[%squeeze3A_186, %dma_start3A_197] : memref<1000000x64xf32, #tpu.memory_space<hbm>> -> memref<1x64xf32, #tpu.memory_space<hbm>>
      tpu.enqueue_dma source(%dma_start3A_198 : memref<1x64xf32, #tpu.memory_space<hbm>>) target(%dma_start3A_196 : memref<1x64xf32, #tpu.memory_space<vmem>>) target_semaphore(%arg12 : memref<!tpu.dma_semaphore, #tpu.memory_space<semaphore_mem>>)
      %slice3A_199 = vector.extract_strided_slice %get3A_46 {offsets = [11], sizes = [1], strides = [1]} : vector<16xi32> to vector<1xi32>
      %squeeze3A_200 = vector.extract %slice3A_199[0] : i32 from vector<1xi32>
      %mul3A_201 = arith.constant 16 : i32
      %mul3A_202 = arith.muli %add3A_40, %mul3A_201 : i32
      %add3A_203 = arith.constant 11 : i32
      %add3A_204 = arith.addi %mul3A_202, %add3A_203 : i32
      %dma_start3A_205 = arith.constant 0 : i32
      %dma_start3A_206 = tpu.memref_slice %arg10[%add3A_204, %dma_start3A_205] : memref<256x64xf32, #tpu.memory_space<vmem>> -> memref<1x64xf32, #tpu.memory_space<vmem>>
      %dma_start3A_207 = arith.constant 0 : i32
      %dma_start3A_208 = tpu.memref_slice %arg2[%squeeze3A_200, %dma_start3A_207] : memref<1000000x64xf32, #tpu.memory_space<hbm>> -> memref<1x64xf32, #tpu.memory_space<hbm>>
      %dma_start3A_209 = arith.constant 0 : i32
      %dma_start3A_210 = tpu.memref_slice %arg10[%add3A_204, %dma_start3A_209] : memref<256x64xf32, #tpu.memory_space<vmem>> -> memref<1x64xf32, #tpu.memory_space<vmem>>
      %dma_start3A_211 = arith.constant 0 : i32
      %dma_start3A_212 = tpu.memref_slice %arg2[%squeeze3A_200, %dma_start3A_211] : memref<1000000x64xf32, #tpu.memory_space<hbm>> -> memref<1x64xf32, #tpu.memory_space<hbm>>
      tpu.enqueue_dma source(%dma_start3A_212 : memref<1x64xf32, #tpu.memory_space<hbm>>) target(%dma_start3A_210 : memref<1x64xf32, #tpu.memory_space<vmem>>) target_semaphore(%arg12 : memref<!tpu.dma_semaphore, #tpu.memory_space<semaphore_mem>>)
      %slice3A_213 = vector.extract_strided_slice %get3A_46 {offsets = [12], sizes = [1], strides = [1]} : vector<16xi32> to vector<1xi32>
      %squeeze3A_214 = vector.extract %slice3A_213[0] : i32 from vector<1xi32>
      %mul3A_215 = arith.constant 16 : i32
      %mul3A_216 = arith.muli %add3A_40, %mul3A_215 : i32
      %add3A_217 = arith.constant 12 : i32
      %add3A_218 = arith.addi %mul3A_216, %add3A_217 : i32
      %dma_start3A_219 = arith.constant 0 : i32
      %dma_start3A_220 = tpu.memref_slice %arg10[%add3A_218, %dma_start3A_219] : memref<256x64xf32, #tpu.memory_space<vmem>> -> memref<1x64xf32, #tpu.memory_space<vmem>>
      %dma_start3A_221 = arith.constant 0 : i32
      %dma_start3A_222 = tpu.memref_slice %arg2[%squeeze3A_214, %dma_start3A_221] : memref<1000000x64xf32, #tpu.memory_space<hbm>> -> memref<1x64xf32, #tpu.memory_space<hbm>>
      %dma_start3A_223 = arith.constant 0 : i32
      %dma_start3A_224 = tpu.memref_slice %arg10[%add3A_218, %dma_start3A_223] : memref<256x64xf32, #tpu.memory_space<vmem>> -> memref<1x64xf32, #tpu.memory_space<vmem>>
      %dma_start3A_225 = arith.constant 0 : i32
      %dma_start3A_226 = tpu.memref_slice %arg2[%squeeze3A_214, %dma_start3A_225] : memref<1000000x64xf32, #tpu.memory_space<hbm>> -> memref<1x64xf32, #tpu.memory_space<hbm>>
      tpu.enqueue_dma source(%dma_start3A_226 : memref<1x64xf32, #tpu.memory_space<hbm>>) target(%dma_start3A_224 : memref<1x64xf32, #tpu.memory_space<vmem>>) target_semaphore(%arg12 : memref<!tpu.dma_semaphore, #tpu.memory_space<semaphore_mem>>)
      %slice3A_227 = vector.extract_strided_slice %get3A_46 {offsets = [13], sizes = [1], strides = [1]} : vector<16xi32> to vector<1xi32>
      %squeeze3A_228 = vector.extract %slice3A_227[0] : i32 from vector<1xi32>
      %mul3A_229 = arith.constant 16 : i32
      %mul3A_230 = arith.muli %add3A_40, %mul3A_229 : i32
      %add3A_231 = arith.constant 13 : i32
      %add3A_232 = arith.addi %mul3A_230, %add3A_231 : i32
      %dma_start3A_233 = arith.constant 0 : i32
      %dma_start3A_234 = tpu.memref_slice %arg10[%add3A_232, %dma_start3A_233] : memref<256x64xf32, #tpu.memory_space<vmem>> -> memref<1x64xf32, #tpu.memory_space<vmem>>
      %dma_start3A_235 = arith.constant 0 : i32
      %dma_start3A_236 = tpu.memref_slice %arg2[%squeeze3A_228, %dma_start3A_235] : memref<1000000x64xf32, #tpu.memory_space<hbm>> -> memref<1x64xf32, #tpu.memory_space<hbm>>
      %dma_start3A_237 = arith.constant 0 : i32
      %dma_start3A_238 = tpu.memref_slice %arg10[%add3A_232, %dma_start3A_237] : memref<256x64xf32, #tpu.memory_space<vmem>> -> memref<1x64xf32, #tpu.memory_space<vmem>>
      %dma_start3A_239 = arith.constant 0 : i32
      %dma_start3A_240 = tpu.memref_slice %arg2[%squeeze3A_228, %dma_start3A_239] : memref<1000000x64xf32, #tpu.memory_space<hbm>> -> memref<1x64xf32, #tpu.memory_space<hbm>>
      tpu.enqueue_dma source(%dma_start3A_240 : memref<1x64xf32, #tpu.memory_space<hbm>>) target(%dma_start3A_238 : memref<1x64xf32, #tpu.memory_space<vmem>>) target_semaphore(%arg12 : memref<!tpu.dma_semaphore, #tpu.memory_space<semaphore_mem>>)
      %slice3A_241 = vector.extract_strided_slice %get3A_46 {offsets = [14], sizes = [1], strides = [1]} : vector<16xi32> to vector<1xi32>
      %squeeze3A_242 = vector.extract %slice3A_241[0] : i32 from vector<1xi32>
      %mul3A_243 = arith.constant 16 : i32
      %mul3A_244 = arith.muli %add3A_40, %mul3A_243 : i32
      %add3A_245 = arith.constant 14 : i32
      %add3A_246 = arith.addi %mul3A_244, %add3A_245 : i32
      %dma_start3A_247 = arith.constant 0 : i32
      %dma_start3A_248 = tpu.memref_slice %arg10[%add3A_246, %dma_start3A_247] : memref<256x64xf32, #tpu.memory_space<vmem>> -> memref<1x64xf32, #tpu.memory_space<vmem>>
      %dma_start3A_249 = arith.constant 0 : i32
      %dma_start3A_250 = tpu.memref_slice %arg2[%squeeze3A_242, %dma_start3A_249] : memref<1000000x64xf32, #tpu.memory_space<hbm>> -> memref<1x64xf32, #tpu.memory_space<hbm>>
      %dma_start3A_251 = arith.constant 0 : i32
      %dma_start3A_252 = tpu.memref_slice %arg10[%add3A_246, %dma_start3A_251] : memref<256x64xf32, #tpu.memory_space<vmem>> -> memref<1x64xf32, #tpu.memory_space<vmem>>
      %dma_start3A_253 = arith.constant 0 : i32
      %dma_start3A_254 = tpu.memref_slice %arg2[%squeeze3A_242, %dma_start3A_253] : memref<1000000x64xf32, #tpu.memory_space<hbm>> -> memref<1x64xf32, #tpu.memory_space<hbm>>
      tpu.enqueue_dma source(%dma_start3A_254 : memref<1x64xf32, #tpu.memory_space<hbm>>) target(%dma_start3A_252 : memref<1x64xf32, #tpu.memory_space<vmem>>) target_semaphore(%arg12 : memref<!tpu.dma_semaphore, #tpu.memory_space<semaphore_mem>>)
      %slice3A_255 = vector.extract_strided_slice %get3A_46 {offsets = [15], sizes = [1], strides = [1]} : vector<16xi32> to vector<1xi32>
      %squeeze3A_256 = vector.extract %slice3A_255[0] : i32 from vector<1xi32>
      %mul3A_257 = arith.constant 16 : i32
      %mul3A_258 = arith.muli %add3A_40, %mul3A_257 : i32
      %add3A_259 = arith.constant 15 : i32
      %add3A_260 = arith.addi %mul3A_258, %add3A_259 : i32
      %dma_start3A_261 = arith.constant 0 : i32
      %dma_start3A_262 = tpu.memref_slice %arg10[%add3A_260, %dma_start3A_261] : memref<256x64xf32, #tpu.memory_space<vmem>> -> memref<1x64xf32, #tpu.memory_space<vmem>>
      %dma_start3A_263 = arith.constant 0 : i32
      %dma_start3A_264 = tpu.memref_slice %arg2[%squeeze3A_256, %dma_start3A_263] : memref<1000000x64xf32, #tpu.memory_space<hbm>> -> memref<1x64xf32, #tpu.memory_space<hbm>>
      %dma_start3A_265 = arith.constant 0 : i32
      %dma_start3A_266 = tpu.memref_slice %arg10[%add3A_260, %dma_start3A_265] : memref<256x64xf32, #tpu.memory_space<vmem>> -> memref<1x64xf32, #tpu.memory_space<vmem>>
      %dma_start3A_267 = arith.constant 0 : i32
      %dma_start3A_268 = tpu.memref_slice %arg2[%squeeze3A_256, %dma_start3A_267] : memref<1000000x64xf32, #tpu.memory_space<hbm>> -> memref<1x64xf32, #tpu.memory_space<hbm>>
      tpu.enqueue_dma source(%dma_start3A_268 : memref<1x64xf32, #tpu.memory_space<hbm>>) target(%dma_start3A_266 : memref<1x64xf32, #tpu.memory_space<vmem>>) target_semaphore(%arg12 : memref<!tpu.dma_semaphore, #tpu.memory_space<semaphore_mem>>)
      %mul3A_269 = arith.constant 16 : i32
      %mul3A_270 = arith.muli %add3A_40, %mul3A_269 : i32
      %add3A_271 = arith.constant 0 : i32
      %add3A_272 = arith.addi %add3A_271, %mul3A_270 : i32
      %get3A_273 = arith.index_cast %add3A_272 : i32 to index
      %get3A_274 = tpu.vector_load %arg9[%get3A_273] {strides = array<i32>} : memref<512xi32, #tpu.memory_space<vmem>>, vector<16xi32>,
      %get3A_275 = vector.shape_cast %get3A_274 : vector<16xi32> to vector<16xi32>
      %slice3A_276 = vector.extract_strided_slice %get3A_275 {offsets = [0], sizes = [1], strides = [1]} : vector<16xi32> to vector<1xi32>
      %squeeze3A_277 = vector.extract %slice3A_276[0] : i32 from vector<1xi32>
      %mul3A_278 = arith.constant 16 : i32
      %mul3A_279 = arith.muli %add3A_40, %mul3A_278 : i32
      %add3A_280 = arith.constant 0 : i32
      %add3A_281 = arith.addi %mul3A_279, %add3A_280 : i32
      %dma_start3A_282 = arith.constant 0 : i32
      %dma_start3A_283 = tpu.memref_slice %arg11[%add3A_281, %dma_start3A_282] : memref<256x64xf32, #tpu.memory_space<vmem>> -> memref<1x64xf32, #tpu.memory_space<vmem>>
      %dma_start3A_284 = arith.constant 0 : i32
      %dma_start3A_285 = tpu.memref_slice %arg3[%squeeze3A_277, %dma_start3A_284] : memref<100000x64xf32, #tpu.memory_space<hbm>> -> memref<1x64xf32, #tpu.memory_space<hbm>>
      %dma_start3A_286 = arith.constant 0 : i32
      %dma_start3A_287 = tpu.memref_slice %arg11[%add3A_281, %dma_start3A_286] : memref<256x64xf32, #tpu.memory_space<vmem>> -> memref<1x64xf32, #tpu.memory_space<vmem>>
      %dma_start3A_288 = arith.constant 0 : i32
      %dma_start3A_289 = tpu.memref_slice %arg3[%squeeze3A_277, %dma_start3A_288] : memref<100000x64xf32, #tpu.memory_space<hbm>> -> memref<1x64xf32, #tpu.memory_space<hbm>>
      tpu.enqueue_dma source(%dma_start3A_289 : memref<1x64xf32, #tpu.memory_space<hbm>>) target(%dma_start3A_287 : memref<1x64xf32, #tpu.memory_space<vmem>>) target_semaphore(%arg12 : memref<!tpu.dma_semaphore, #tpu.memory_space<semaphore_mem>>)
      %slice3A_290 = vector.extract_strided_slice %get3A_275 {offsets = [1], sizes = [1], strides = [1]} : vector<16xi32> to vector<1xi32>
      %squeeze3A_291 = vector.extract %slice3A_290[0] : i32 from vector<1xi32>
      %mul3A_292 = arith.constant 16 : i32
      %mul3A_293 = arith.muli %add3A_40, %mul3A_292 : i32
      %add3A_294 = arith.constant 1 : i32
      %add3A_295 = arith.addi %mul3A_293, %add3A_294 : i32
      %dma_start3A_296 = arith.constant 0 : i32
      %dma_start3A_297 = tpu.memref_slice %arg11[%add3A_295, %dma_start3A_296] : memref<256x64xf32, #tpu.memory_space<vmem>> -> memref<1x64xf32, #tpu.memory_space<vmem>>
      %dma_start3A_298 = arith.constant 0 : i32
      %dma_start3A_299 = tpu.memref_slice %arg3[%squeeze3A_291, %dma_start3A_298] : memref<100000x64xf32, #tpu.memory_space<hbm>> -> memref<1x64xf32, #tpu.memory_space<hbm>>
      %dma_start3A_300 = arith.constant 0 : i32
      %dma_start3A_301 = tpu.memref_slice %arg11[%add3A_295, %dma_start3A_300] : memref<256x64xf32, #tpu.memory_space<vmem>> -> memref<1x64xf32, #tpu.memory_space<vmem>>
      %dma_start3A_302 = arith.constant 0 : i32
      %dma_start3A_303 = tpu.memref_slice %arg3[%squeeze3A_291, %dma_start3A_302] : memref<100000x64xf32, #tpu.memory_space<hbm>> -> memref<1x64xf32, #tpu.memory_space<hbm>>
      tpu.enqueue_dma source(%dma_start3A_303 : memref<1x64xf32, #tpu.memory_space<hbm>>) target(%dma_start3A_301 : memref<1x64xf32, #tpu.memory_space<vmem>>) target_semaphore(%arg12 : memref<!tpu.dma_semaphore, #tpu.memory_space<semaphore_mem>>)
      %slice3A_304 = vector.extract_strided_slice %get3A_275 {offsets = [2], sizes = [1], strides = [1]} : vector<16xi32> to vector<1xi32>
      %squeeze3A_305 = vector.extract %slice3A_304[0] : i32 from vector<1xi32>
      %mul3A_306 = arith.constant 16 : i32
      %mul3A_307 = arith.muli %add3A_40, %mul3A_306 : i32
      %add3A_308 = arith.constant 2 : i32
      %add3A_309 = arith.addi %mul3A_307, %add3A_308 : i32
      %dma_start3A_310 = arith.constant 0 : i32
      %dma_start3A_311 = tpu.memref_slice %arg11[%add3A_309, %dma_start3A_310] : memref<256x64xf32, #tpu.memory_space<vmem>> -> memref<1x64xf32, #tpu.memory_space<vmem>>
      %dma_start3A_312 = arith.constant 0 : i32
      %dma_start3A_313 = tpu.memref_slice %arg3[%squeeze3A_305, %dma_start3A_312] : memref<100000x64xf32, #tpu.memory_space<hbm>> -> memref<1x64xf32, #tpu.memory_space<hbm>>
      %dma_start3A_314 = arith.constant 0 : i32
      %dma_start3A_315 = tpu.memref_slice %arg11[%add3A_309, %dma_start3A_314] : memref<256x64xf32, #tpu.memory_space<vmem>> -> memref<1x64xf32, #tpu.memory_space<vmem>>
      %dma_start3A_316 = arith.constant 0 : i32
      %dma_start3A_317 = tpu.memref_slice %arg3[%squeeze3A_305, %dma_start3A_316] : memref<100000x64xf32, #tpu.memory_space<hbm>> -> memref<1x64xf32, #tpu.memory_space<hbm>>
      tpu.enqueue_dma source(%dma_start3A_317 : memref<1x64xf32, #tpu.memory_space<hbm>>) target(%dma_start3A_315 : memref<1x64xf32, #tpu.memory_space<vmem>>) target_semaphore(%arg12 : memref<!tpu.dma_semaphore, #tpu.memory_space<semaphore_mem>>)
      %slice3A_318 = vector.extract_strided_slice %get3A_275 {offsets = [3], sizes = [1], strides = [1]} : vector<16xi32> to vector<1xi32>
      %squeeze3A_319 = vector.extract %slice3A_318[0] : i32 from vector<1xi32>
      %mul3A_320 = arith.constant 16 : i32
      %mul3A_321 = arith.muli %add3A_40, %mul3A_320 : i32
      %add3A_322 = arith.constant 3 : i32
      %add3A_323 = arith.addi %mul3A_321, %add3A_322 : i32
      %dma_start3A_324 = arith.constant 0 : i32
      %dma_start3A_325 = tpu.memref_slice %arg11[%add3A_323, %dma_start3A_324] : memref<256x64xf32, #tpu.memory_space<vmem>> -> memref<1x64xf32, #tpu.memory_space<vmem>>
      %dma_start3A_326 = arith.constant 0 : i32
      %dma_start3A_327 = tpu.memref_slice %arg3[%squeeze3A_319, %dma_start3A_326] : memref<100000x64xf32, #tpu.memory_space<hbm>> -> memref<1x64xf32, #tpu.memory_space<hbm>>
      %dma_start3A_328 = arith.constant 0 : i32
      %dma_start3A_329 = tpu.memref_slice %arg11[%add3A_323, %dma_start3A_328] : memref<256x64xf32, #tpu.memory_space<vmem>> -> memref<1x64xf32, #tpu.memory_space<vmem>>
      %dma_start3A_330 = arith.constant 0 : i32
      %dma_start3A_331 = tpu.memref_slice %arg3[%squeeze3A_319, %dma_start3A_330] : memref<100000x64xf32, #tpu.memory_space<hbm>> -> memref<1x64xf32, #tpu.memory_space<hbm>>
      tpu.enqueue_dma source(%dma_start3A_331 : memref<1x64xf32, #tpu.memory_space<hbm>>) target(%dma_start3A_329 : memref<1x64xf32, #tpu.memory_space<vmem>>) target_semaphore(%arg12 : memref<!tpu.dma_semaphore, #tpu.memory_space<semaphore_mem>>)
      %slice3A_332 = vector.extract_strided_slice %get3A_275 {offsets = [4], sizes = [1], strides = [1]} : vector<16xi32> to vector<1xi32>
      %squeeze3A_333 = vector.extract %slice3A_332[0] : i32 from vector<1xi32>
      %mul3A_334 = arith.constant 16 : i32
      %mul3A_335 = arith.muli %add3A_40, %mul3A_334 : i32
      %add3A_336 = arith.constant 4 : i32
      %add3A_337 = arith.addi %mul3A_335, %add3A_336 : i32
      %dma_start3A_338 = arith.constant 0 : i32
      %dma_start3A_339 = tpu.memref_slice %arg11[%add3A_337, %dma_start3A_338] : memref<256x64xf32, #tpu.memory_space<vmem>> -> memref<1x64xf32, #tpu.memory_space<vmem>>
      %dma_start3A_340 = arith.constant 0 : i32
      %dma_start3A_341 = tpu.memref_slice %arg3[%squeeze3A_333, %dma_start3A_340] : memref<100000x64xf32, #tpu.memory_space<hbm>> -> memref<1x64xf32, #tpu.memory_space<hbm>>
      %dma_start3A_342 = arith.constant 0 : i32
      %dma_start3A_343 = tpu.memref_slice %arg11[%add3A_337, %dma_start3A_342] : memref<256x64xf32, #tpu.memory_space<vmem>> -> memref<1x64xf32, #tpu.memory_space<vmem>>
      %dma_start3A_344 = arith.constant 0 : i32
      %dma_start3A_345 = tpu.memref_slice %arg3[%squeeze3A_333, %dma_start3A_344] : memref<100000x64xf32, #tpu.memory_space<hbm>> -> memref<1x64xf32, #tpu.memory_space<hbm>>
      tpu.enqueue_dma source(%dma_start3A_345 : memref<1x64xf32, #tpu.memory_space<hbm>>) target(%dma_start3A_343 : memref<1x64xf32, #tpu.memory_space<vmem>>) target_semaphore(%arg12 : memref<!tpu.dma_semaphore, #tpu.memory_space<semaphore_mem>>)
      %slice3A_346 = vector.extract_strided_slice %get3A_275 {offsets = [5], sizes = [1], strides = [1]} : vector<16xi32> to vector<1xi32>
      %squeeze3A_347 = vector.extract %slice3A_346[0] : i32 from vector<1xi32>
      %mul3A_348 = arith.constant 16 : i32
      %mul3A_349 = arith.muli %add3A_40, %mul3A_348 : i32
      %add3A_350 = arith.constant 5 : i32
      %add3A_351 = arith.addi %mul3A_349, %add3A_350 : i32
      %dma_start3A_352 = arith.constant 0 : i32
      %dma_start3A_353 = tpu.memref_slice %arg11[%add3A_351, %dma_start3A_352] : memref<256x64xf32, #tpu.memory_space<vmem>> -> memref<1x64xf32, #tpu.memory_space<vmem>>
      %dma_start3A_354 = arith.constant 0 : i32
      %dma_start3A_355 = tpu.memref_slice %arg3[%squeeze3A_347, %dma_start3A_354] : memref<100000x64xf32, #tpu.memory_space<hbm>> -> memref<1x64xf32, #tpu.memory_space<hbm>>
      %dma_start3A_356 = arith.constant 0 : i32
      %dma_start3A_357 = tpu.memref_slice %arg11[%add3A_351, %dma_start3A_356] : memref<256x64xf32, #tpu.memory_space<vmem>> -> memref<1x64xf32, #tpu.memory_space<vmem>>
      %dma_start3A_358 = arith.constant 0 : i32
      %dma_start3A_359 = tpu.memref_slice %arg3[%squeeze3A_347, %dma_start3A_358] : memref<100000x64xf32, #tpu.memory_space<hbm>> -> memref<1x64xf32, #tpu.memory_space<hbm>>
      tpu.enqueue_dma source(%dma_start3A_359 : memref<1x64xf32, #tpu.memory_space<hbm>>) target(%dma_start3A_357 : memref<1x64xf32, #tpu.memory_space<vmem>>) target_semaphore(%arg12 : memref<!tpu.dma_semaphore, #tpu.memory_space<semaphore_mem>>)
      %slice3A_360 = vector.extract_strided_slice %get3A_275 {offsets = [6], sizes = [1], strides = [1]} : vector<16xi32> to vector<1xi32>
      %squeeze3A_361 = vector.extract %slice3A_360[0] : i32 from vector<1xi32>
      %mul3A_362 = arith.constant 16 : i32
      %mul3A_363 = arith.muli %add3A_40, %mul3A_362 : i32
      %add3A_364 = arith.constant 6 : i32
      %add3A_365 = arith.addi %mul3A_363, %add3A_364 : i32
      %dma_start3A_366 = arith.constant 0 : i32
      %dma_start3A_367 = tpu.memref_slice %arg11[%add3A_365, %dma_start3A_366] : memref<256x64xf32, #tpu.memory_space<vmem>> -> memref<1x64xf32, #tpu.memory_space<vmem>>
      %dma_start3A_368 = arith.constant 0 : i32
      %dma_start3A_369 = tpu.memref_slice %arg3[%squeeze3A_361, %dma_start3A_368] : memref<100000x64xf32, #tpu.memory_space<hbm>> -> memref<1x64xf32, #tpu.memory_space<hbm>>
      %dma_start3A_370 = arith.constant 0 : i32
      %dma_start3A_371 = tpu.memref_slice %arg11[%add3A_365, %dma_start3A_370] : memref<256x64xf32, #tpu.memory_space<vmem>> -> memref<1x64xf32, #tpu.memory_space<vmem>>
      %dma_start3A_372 = arith.constant 0 : i32
      %dma_start3A_373 = tpu.memref_slice %arg3[%squeeze3A_361, %dma_start3A_372] : memref<100000x64xf32, #tpu.memory_space<hbm>> -> memref<1x64xf32, #tpu.memory_space<hbm>>
      tpu.enqueue_dma source(%dma_start3A_373 : memref<1x64xf32, #tpu.memory_space<hbm>>) target(%dma_start3A_371 : memref<1x64xf32, #tpu.memory_space<vmem>>) target_semaphore(%arg12 : memref<!tpu.dma_semaphore, #tpu.memory_space<semaphore_mem>>)
      %slice3A_374 = vector.extract_strided_slice %get3A_275 {offsets = [7], sizes = [1], strides = [1]} : vector<16xi32> to vector<1xi32>
      %squeeze3A_375 = vector.extract %slice3A_374[0] : i32 from vector<1xi32>
      %mul3A_376 = arith.constant 16 : i32
      %mul3A_377 = arith.muli %add3A_40, %mul3A_376 : i32
      %add3A_378 = arith.constant 7 : i32
      %add3A_379 = arith.addi %mul3A_377, %add3A_378 : i32
      %dma_start3A_380 = arith.constant 0 : i32
      %dma_start3A_381 = tpu.memref_slice %arg11[%add3A_379, %dma_start3A_380] : memref<256x64xf32, #tpu.memory_space<vmem>> -> memref<1x64xf32, #tpu.memory_space<vmem>>
      %dma_start3A_382 = arith.constant 0 : i32
      %dma_start3A_383 = tpu.memref_slice %arg3[%squeeze3A_375, %dma_start3A_382] : memref<100000x64xf32, #tpu.memory_space<hbm>> -> memref<1x64xf32, #tpu.memory_space<hbm>>
      %dma_start3A_384 = arith.constant 0 : i32
      %dma_start3A_385 = tpu.memref_slice %arg11[%add3A_379, %dma_start3A_384] : memref<256x64xf32, #tpu.memory_space<vmem>> -> memref<1x64xf32, #tpu.memory_space<vmem>>
      %dma_start3A_386 = arith.constant 0 : i32
      %dma_start3A_387 = tpu.memref_slice %arg3[%squeeze3A_375, %dma_start3A_386] : memref<100000x64xf32, #tpu.memory_space<hbm>> -> memref<1x64xf32, #tpu.memory_space<hbm>>
      tpu.enqueue_dma source(%dma_start3A_387 : memref<1x64xf32, #tpu.memory_space<hbm>>) target(%dma_start3A_385 : memref<1x64xf32, #tpu.memory_space<vmem>>) target_semaphore(%arg12 : memref<!tpu.dma_semaphore, #tpu.memory_space<semaphore_mem>>)
      %slice3A_388 = vector.extract_strided_slice %get3A_275 {offsets = [8], sizes = [1], strides = [1]} : vector<16xi32> to vector<1xi32>
      %squeeze3A_389 = vector.extract %slice3A_388[0] : i32 from vector<1xi32>
      %mul3A_390 = arith.constant 16 : i32
      %mul3A_391 = arith.muli %add3A_40, %mul3A_390 : i32
      %add3A_392 = arith.constant 8 : i32
      %add3A_393 = arith.addi %mul3A_391, %add3A_392 : i32
      %dma_start3A_394 = arith.constant 0 : i32
      %dma_start3A_395 = tpu.memref_slice %arg11[%add3A_393, %dma_start3A_394] : memref<256x64xf32, #tpu.memory_space<vmem>> -> memref<1x64xf32, #tpu.memory_space<vmem>>
      %dma_start3A_396 = arith.constant 0 : i32
      %dma_start3A_397 = tpu.memref_slice %arg3[%squeeze3A_389, %dma_start3A_396] : memref<100000x64xf32, #tpu.memory_space<hbm>> -> memref<1x64xf32, #tpu.memory_space<hbm>>
      %dma_start3A_398 = arith.constant 0 : i32
      %dma_start3A_399 = tpu.memref_slice %arg11[%add3A_393, %dma_start3A_398] : memref<256x64xf32, #tpu.memory_space<vmem>> -> memref<1x64xf32, #tpu.memory_space<vmem>>
      %dma_start3A_400 = arith.constant 0 : i32
      %dma_start3A_401 = tpu.memref_slice %arg3[%squeeze3A_389, %dma_start3A_400] : memref<100000x64xf32, #tpu.memory_space<hbm>> -> memref<1x64xf32, #tpu.memory_space<hbm>>
      tpu.enqueue_dma source(%dma_start3A_401 : memref<1x64xf32, #tpu.memory_space<hbm>>) target(%dma_start3A_399 : memref<1x64xf32, #tpu.memory_space<vmem>>) target_semaphore(%arg12 : memref<!tpu.dma_semaphore, #tpu.memory_space<semaphore_mem>>)
      %slice3A_402 = vector.extract_strided_slice %get3A_275 {offsets = [9], sizes = [1], strides = [1]} : vector<16xi32> to vector<1xi32>
      %squeeze3A_403 = vector.extract %slice3A_402[0] : i32 from vector<1xi32>
      %mul3A_404 = arith.constant 16 : i32
      %mul3A_405 = arith.muli %add3A_40, %mul3A_404 : i32
      %add3A_406 = arith.constant 9 : i32
      %add3A_407 = arith.addi %mul3A_405, %add3A_406 : i32
      %dma_start3A_408 = arith.constant 0 : i32
      %dma_start3A_409 = tpu.memref_slice %arg11[%add3A_407, %dma_start3A_408] : memref<256x64xf32, #tpu.memory_space<vmem>> -> memref<1x64xf32, #tpu.memory_space<vmem>>
      %dma_start3A_410 = arith.constant 0 : i32
      %dma_start3A_411 = tpu.memref_slice %arg3[%squeeze3A_403, %dma_start3A_410] : memref<100000x64xf32, #tpu.memory_space<hbm>> -> memref<1x64xf32, #tpu.memory_space<hbm>>
      %dma_start3A_412 = arith.constant 0 : i32
      %dma_start3A_413 = tpu.memref_slice %arg11[%add3A_407, %dma_start3A_412] : memref<256x64xf32, #tpu.memory_space<vmem>> -> memref<1x64xf32, #tpu.memory_space<vmem>>
      %dma_start3A_414 = arith.constant 0 : i32
      %dma_start3A_415 = tpu.memref_slice %arg3[%squeeze3A_403, %dma_start3A_414] : memref<100000x64xf32, #tpu.memory_space<hbm>> -> memref<1x64xf32, #tpu.memory_space<hbm>>
      tpu.enqueue_dma source(%dma_start3A_415 : memref<1x64xf32, #tpu.memory_space<hbm>>) target(%dma_start3A_413 : memref<1x64xf32, #tpu.memory_space<vmem>>) target_semaphore(%arg12 : memref<!tpu.dma_semaphore, #tpu.memory_space<semaphore_mem>>)
      %slice3A_416 = vector.extract_strided_slice %get3A_275 {offsets = [10], sizes = [1], strides = [1]} : vector<16xi32> to vector<1xi32>
      %squeeze3A_417 = vector.extract %slice3A_416[0] : i32 from vector<1xi32>
      %mul3A_418 = arith.constant 16 : i32
      %mul3A_419 = arith.muli %add3A_40, %mul3A_418 : i32
      %add3A_420 = arith.constant 10 : i32
      %add3A_421 = arith.addi %mul3A_419, %add3A_420 : i32
      %dma_start3A_422 = arith.constant 0 : i32
      %dma_start3A_423 = tpu.memref_slice %arg11[%add3A_421, %dma_start3A_422] : memref<256x64xf32, #tpu.memory_space<vmem>> -> memref<1x64xf32, #tpu.memory_space<vmem>>
      %dma_start3A_424 = arith.constant 0 : i32
      %dma_start3A_425 = tpu.memref_slice %arg3[%squeeze3A_417, %dma_start3A_424] : memref<100000x64xf32, #tpu.memory_space<hbm>> -> memref<1x64xf32, #tpu.memory_space<hbm>>
      %dma_start3A_426 = arith.constant 0 : i32
      %dma_start3A_427 = tpu.memref_slice %arg11[%add3A_421, %dma_start3A_426] : memref<256x64xf32, #tpu.memory_space<vmem>> -> memref<1x64xf32, #tpu.memory_space<vmem>>
      %dma_start3A_428 = arith.constant 0 : i32
      %dma_start3A_429 = tpu.memref_slice %arg3[%squeeze3A_417, %dma_start3A_428] : memref<100000x64xf32, #tpu.memory_space<hbm>> -> memref<1x64xf32, #tpu.memory_space<hbm>>
      tpu.enqueue_dma source(%dma_start3A_429 : memref<1x64xf32, #tpu.memory_space<hbm>>) target(%dma_start3A_427 : memref<1x64xf32, #tpu.memory_space<vmem>>) target_semaphore(%arg12 : memref<!tpu.dma_semaphore, #tpu.memory_space<semaphore_mem>>)
      %slice3A_430 = vector.extract_strided_slice %get3A_275 {offsets = [11], sizes = [1], strides = [1]} : vector<16xi32> to vector<1xi32>
      %squeeze3A_431 = vector.extract %slice3A_430[0] : i32 from vector<1xi32>
      %mul3A_432 = arith.constant 16 : i32
      %mul3A_433 = arith.muli %add3A_40, %mul3A_432 : i32
      %add3A_434 = arith.constant 11 : i32
      %add3A_435 = arith.addi %mul3A_433, %add3A_434 : i32
      %dma_start3A_436 = arith.constant 0 : i32
      %dma_start3A_437 = tpu.memref_slice %arg11[%add3A_435, %dma_start3A_436] : memref<256x64xf32, #tpu.memory_space<vmem>> -> memref<1x64xf32, #tpu.memory_space<vmem>>
      %dma_start3A_438 = arith.constant 0 : i32
      %dma_start3A_439 = tpu.memref_slice %arg3[%squeeze3A_431, %dma_start3A_438] : memref<100000x64xf32, #tpu.memory_space<hbm>> -> memref<1x64xf32, #tpu.memory_space<hbm>>
      %dma_start3A_440 = arith.constant 0 : i32
      %dma_start3A_441 = tpu.memref_slice %arg11[%add3A_435, %dma_start3A_440] : memref<256x64xf32, #tpu.memory_space<vmem>> -> memref<1x64xf32, #tpu.memory_space<vmem>>
      %dma_start3A_442 = arith.constant 0 : i32
      %dma_start3A_443 = tpu.memref_slice %arg3[%squeeze3A_431, %dma_start3A_442] : memref<100000x64xf32, #tpu.memory_space<hbm>> -> memref<1x64xf32, #tpu.memory_space<hbm>>
      tpu.enqueue_dma source(%dma_start3A_443 : memref<1x64xf32, #tpu.memory_space<hbm>>) target(%dma_start3A_441 : memref<1x64xf32, #tpu.memory_space<vmem>>) target_semaphore(%arg12 : memref<!tpu.dma_semaphore, #tpu.memory_space<semaphore_mem>>)
      %slice3A_444 = vector.extract_strided_slice %get3A_275 {offsets = [12], sizes = [1], strides = [1]} : vector<16xi32> to vector<1xi32>
      %squeeze3A_445 = vector.extract %slice3A_444[0] : i32 from vector<1xi32>
      %mul3A_446 = arith.constant 16 : i32
      %mul3A_447 = arith.muli %add3A_40, %mul3A_446 : i32
      %add3A_448 = arith.constant 12 : i32
      %add3A_449 = arith.addi %mul3A_447, %add3A_448 : i32
      %dma_start3A_450 = arith.constant 0 : i32
      %dma_start3A_451 = tpu.memref_slice %arg11[%add3A_449, %dma_start3A_450] : memref<256x64xf32, #tpu.memory_space<vmem>> -> memref<1x64xf32, #tpu.memory_space<vmem>>
      %dma_start3A_452 = arith.constant 0 : i32
      %dma_start3A_453 = tpu.memref_slice %arg3[%squeeze3A_445, %dma_start3A_452] : memref<100000x64xf32, #tpu.memory_space<hbm>> -> memref<1x64xf32, #tpu.memory_space<hbm>>
      %dma_start3A_454 = arith.constant 0 : i32
      %dma_start3A_455 = tpu.memref_slice %arg11[%add3A_449, %dma_start3A_454] : memref<256x64xf32, #tpu.memory_space<vmem>> -> memref<1x64xf32, #tpu.memory_space<vmem>>
      %dma_start3A_456 = arith.constant 0 : i32
      %dma_start3A_457 = tpu.memref_slice %arg3[%squeeze3A_445, %dma_start3A_456] : memref<100000x64xf32, #tpu.memory_space<hbm>> -> memref<1x64xf32, #tpu.memory_space<hbm>>
      tpu.enqueue_dma source(%dma_start3A_457 : memref<1x64xf32, #tpu.memory_space<hbm>>) target(%dma_start3A_455 : memref<1x64xf32, #tpu.memory_space<vmem>>) target_semaphore(%arg12 : memref<!tpu.dma_semaphore, #tpu.memory_space<semaphore_mem>>)
      %slice3A_458 = vector.extract_strided_slice %get3A_275 {offsets = [13], sizes = [1], strides = [1]} : vector<16xi32> to vector<1xi32>
      %squeeze3A_459 = vector.extract %slice3A_458[0] : i32 from vector<1xi32>
      %mul3A_460 = arith.constant 16 : i32
      %mul3A_461 = arith.muli %add3A_40, %mul3A_460 : i32
      %add3A_462 = arith.constant 13 : i32
      %add3A_463 = arith.addi %mul3A_461, %add3A_462 : i32
      %dma_start3A_464 = arith.constant 0 : i32
      %dma_start3A_465 = tpu.memref_slice %arg11[%add3A_463, %dma_start3A_464] : memref<256x64xf32, #tpu.memory_space<vmem>> -> memref<1x64xf32, #tpu.memory_space<vmem>>
      %dma_start3A_466 = arith.constant 0 : i32
      %dma_start3A_467 = tpu.memref_slice %arg3[%squeeze3A_459, %dma_start3A_466] : memref<100000x64xf32, #tpu.memory_space<hbm>> -> memref<1x64xf32, #tpu.memory_space<hbm>>
      %dma_start3A_468 = arith.constant 0 : i32
      %dma_start3A_469 = tpu.memref_slice %arg11[%add3A_463, %dma_start3A_468] : memref<256x64xf32, #tpu.memory_space<vmem>> -> memref<1x64xf32, #tpu.memory_space<vmem>>
      %dma_start3A_470 = arith.constant 0 : i32
      %dma_start3A_471 = tpu.memref_slice %arg3[%squeeze3A_459, %dma_start3A_470] : memref<100000x64xf32, #tpu.memory_space<hbm>> -> memref<1x64xf32, #tpu.memory_space<hbm>>
      tpu.enqueue_dma source(%dma_start3A_471 : memref<1x64xf32, #tpu.memory_space<hbm>>) target(%dma_start3A_469 : memref<1x64xf32, #tpu.memory_space<vmem>>) target_semaphore(%arg12 : memref<!tpu.dma_semaphore, #tpu.memory_space<semaphore_mem>>)
      %slice3A_472 = vector.extract_strided_slice %get3A_275 {offsets = [14], sizes = [1], strides = [1]} : vector<16xi32> to vector<1xi32>
      %squeeze3A_473 = vector.extract %slice3A_472[0] : i32 from vector<1xi32>
      %mul3A_474 = arith.constant 16 : i32
      %mul3A_475 = arith.muli %add3A_40, %mul3A_474 : i32
      %add3A_476 = arith.constant 14 : i32
      %add3A_477 = arith.addi %mul3A_475, %add3A_476 : i32
      %dma_start3A_478 = arith.constant 0 : i32
      %dma_start3A_479 = tpu.memref_slice %arg11[%add3A_477, %dma_start3A_478] : memref<256x64xf32, #tpu.memory_space<vmem>> -> memref<1x64xf32, #tpu.memory_space<vmem>>
      %dma_start3A_480 = arith.constant 0 : i32
      %dma_start3A_481 = tpu.memref_slice %arg3[%squeeze3A_473, %dma_start3A_480] : memref<100000x64xf32, #tpu.memory_space<hbm>> -> memref<1x64xf32, #tpu.memory_space<hbm>>
      %dma_start3A_482 = arith.constant 0 : i32
      %dma_start3A_483 = tpu.memref_slice %arg11[%add3A_477, %dma_start3A_482] : memref<256x64xf32, #tpu.memory_space<vmem>> -> memref<1x64xf32, #tpu.memory_space<vmem>>
      %dma_start3A_484 = arith.constant 0 : i32
      %dma_start3A_485 = tpu.memref_slice %arg3[%squeeze3A_473, %dma_start3A_484] : memref<100000x64xf32, #tpu.memory_space<hbm>> -> memref<1x64xf32, #tpu.memory_space<hbm>>
      tpu.enqueue_dma source(%dma_start3A_485 : memref<1x64xf32, #tpu.memory_space<hbm>>) target(%dma_start3A_483 : memref<1x64xf32, #tpu.memory_space<vmem>>) target_semaphore(%arg12 : memref<!tpu.dma_semaphore, #tpu.memory_space<semaphore_mem>>)
      %slice3A_486 = vector.extract_strided_slice %get3A_275 {offsets = [15], sizes = [1], strides = [1]} : vector<16xi32> to vector<1xi32>
      %squeeze3A_487 = vector.extract %slice3A_486[0] : i32 from vector<1xi32>
      %mul3A_488 = arith.constant 16 : i32
      %mul3A_489 = arith.muli %add3A_40, %mul3A_488 : i32
      %add3A_490 = arith.constant 15 : i32
      %add3A_491 = arith.addi %mul3A_489, %add3A_490 : i32
      %dma_start3A_492 = arith.constant 0 : i32
      %dma_start3A_493 = tpu.memref_slice %arg11[%add3A_491, %dma_start3A_492] : memref<256x64xf32, #tpu.memory_space<vmem>> -> memref<1x64xf32, #tpu.memory_space<vmem>>
      %dma_start3A_494 = arith.constant 0 : i32
      %dma_start3A_495 = tpu.memref_slice %arg3[%squeeze3A_487, %dma_start3A_494] : memref<100000x64xf32, #tpu.memory_space<hbm>> -> memref<1x64xf32, #tpu.memory_space<hbm>>
      %dma_start3A_496 = arith.constant 0 : i32
      %dma_start3A_497 = tpu.memref_slice %arg11[%add3A_491, %dma_start3A_496] : memref<256x64xf32, #tpu.memory_space<vmem>> -> memref<1x64xf32, #tpu.memory_space<vmem>>
      %dma_start3A_498 = arith.constant 0 : i32
      %dma_start3A_499 = tpu.memref_slice %arg3[%squeeze3A_487, %dma_start3A_498] : memref<100000x64xf32, #tpu.memory_space<hbm>> -> memref<1x64xf32, #tpu.memory_space<hbm>>
      tpu.enqueue_dma source(%dma_start3A_499 : memref<1x64xf32, #tpu.memory_space<hbm>>) target(%dma_start3A_497 : memref<1x64xf32, #tpu.memory_space<vmem>>) target_semaphore(%arg12 : memref<!tpu.dma_semaphore, #tpu.memory_space<semaphore_mem>>)
      %ge3A = arith.constant 8 : i32
      %ge3A_500 = arith.cmpi sge, %add3A_40, %ge3A : i32
      %convert_element_type3A = arith.extui %ge3A_500 : i1 to i32
      %cond3A = arith.constant 0 : i32
      %cond3A_501 = arith.cmpi ne, %convert_element_type3A, %cond3A : i32
      scf.if %cond3A_501 {
        %dma_wait3A_502 = arith.constant 0 : i32
        %dma_wait3A_503 = arith.constant 0 : i32
        %dma_wait3A_504 = tpu.memref_slice %arg10[%dma_wait3A_502, %dma_wait3A_503] : memref<256x64xf32, #tpu.memory_space<vmem>> -> memref<1x64xf32, #tpu.memory_space<vmem>>
        %dma_wait3A_505 = arith.constant 0 : i32
        %dma_wait3A_506 = arith.constant 0 : i32
        %dma_wait3A_507 = tpu.memref_slice %arg2[%dma_wait3A_505, %dma_wait3A_506] : memref<1000000x64xf32, #tpu.memory_space<hbm>> -> memref<1x64xf32, #tpu.memory_space<hbm>>
        %dma_wait3A_508 = arith.constant 0 : i32
        %dma_wait3A_509 = arith.constant 0 : i32
        %dma_wait3A_510 = tpu.memref_slice %arg10[%dma_wait3A_508, %dma_wait3A_509] : memref<256x64xf32, #tpu.memory_space<vmem>> -> memref<1x64xf32, #tpu.memory_space<vmem>>
        %dma_wait3A_511 = arith.constant 0 : i32
        %dma_wait3A_512 = arith.constant 0 : i32
        %dma_wait3A_513 = tpu.memref_slice %arg2[%dma_wait3A_511, %dma_wait3A_512] : memref<1000000x64xf32, #tpu.memory_space<hbm>> -> memref<1x64xf32, #tpu.memory_space<hbm>>
        tpu.wait_dma2 semaphore(%arg12 : memref<!tpu.dma_semaphore, #tpu.memory_space<semaphore_mem>>) src(%dma_wait3A_513 : memref<1x64xf32, #tpu.memory_space<hbm>>) dst(%dma_wait3A_510 : memref<1x64xf32, #tpu.memory_space<vmem>>)
        %dma_wait3A_514 = arith.constant 0 : i32
        %dma_wait3A_515 = arith.constant 0 : i32
        %dma_wait3A_516 = tpu.memref_slice %arg10[%dma_wait3A_514, %dma_wait3A_515] : memref<256x64xf32, #tpu.memory_space<vmem>> -> memref<1x64xf32, #tpu.memory_space<vmem>>
        %dma_wait3A_517 = arith.constant 0 : i32
        %dma_wait3A_518 = arith.constant 0 : i32
        %dma_wait3A_519 = tpu.memref_slice %arg2[%dma_wait3A_517, %dma_wait3A_518] : memref<1000000x64xf32, #tpu.memory_space<hbm>> -> memref<1x64xf32, #tpu.memory_space<hbm>>
        %dma_wait3A_520 = arith.constant 0 : i32
        %dma_wait3A_521 = arith.constant 0 : i32
        %dma_wait3A_522 = tpu.memref_slice %arg10[%dma_wait3A_520, %dma_wait3A_521] : memref<256x64xf32, #tpu.memory_space<vmem>> -> memref<1x64xf32, #tpu.memory_space<vmem>>
        %dma_wait3A_523 = arith.constant 0 : i32
        %dma_wait3A_524 = arith.constant 0 : i32
        %dma_wait3A_525 = tpu.memref_slice %arg2[%dma_wait3A_523, %dma_wait3A_524] : memref<1000000x64xf32, #tpu.memory_space<hbm>> -> memref<1x64xf32, #tpu.memory_space<hbm>>
        tpu.wait_dma2 semaphore(%arg12 : memref<!tpu.dma_semaphore, #tpu.memory_space<semaphore_mem>>) src(%dma_wait3A_525 : memref<1x64xf32, #tpu.memory_space<hbm>>) dst(%dma_wait3A_522 : memref<1x64xf32, #tpu.memory_space<vmem>>)
        %dma_wait3A_526 = arith.constant 0 : i32
        %dma_wait3A_527 = arith.constant 0 : i32
        %dma_wait3A_528 = tpu.memref_slice %arg10[%dma_wait3A_526, %dma_wait3A_527] : memref<256x64xf32, #tpu.memory_space<vmem>> -> memref<1x64xf32, #tpu.memory_space<vmem>>
        %dma_wait3A_529 = arith.constant 0 : i32
        %dma_wait3A_530 = arith.constant 0 : i32
        %dma_wait3A_531 = tpu.memref_slice %arg2[%dma_wait3A_529, %dma_wait3A_530] : memref<1000000x64xf32, #tpu.memory_space<hbm>> -> memref<1x64xf32, #tpu.memory_space<hbm>>
        %dma_wait3A_532 = arith.constant 0 : i32
        %dma_wait3A_533 = arith.constant 0 : i32
        %dma_wait3A_534 = tpu.memref_slice %arg10[%dma_wait3A_532, %dma_wait3A_533] : memref<256x64xf32, #tpu.memory_space<vmem>> -> memref<1x64xf32, #tpu.memory_space<vmem>>
        %dma_wait3A_535 = arith.constant 0 : i32
        %dma_wait3A_536 = arith.constant 0 : i32
        %dma_wait3A_537 = tpu.memref_slice %arg2[%dma_wait3A_535, %dma_wait3A_536] : memref<1000000x64xf32, #tpu.memory_space<hbm>> -> memref<1x64xf32, #tpu.memory_space<hbm>>
        tpu.wait_dma2 semaphore(%arg12 : memref<!tpu.dma_semaphore, #tpu.memory_space<semaphore_mem>>) src(%dma_wait3A_537 : memref<1x64xf32, #tpu.memory_space<hbm>>) dst(%dma_wait3A_534 : memref<1x64xf32, #tpu.memory_space<vmem>>)
        %dma_wait3A_538 = arith.constant 0 : i32
        %dma_wait3A_539 = arith.constant 0 : i32
        %dma_wait3A_540 = tpu.memref_slice %arg10[%dma_wait3A_538, %dma_wait3A_539] : memref<256x64xf32, #tpu.memory_space<vmem>> -> memref<1x64xf32, #tpu.memory_space<vmem>>
        %dma_wait3A_541 = arith.constant 0 : i32
        %dma_wait3A_542 = arith.constant 0 : i32
        %dma_wait3A_543 = tpu.memref_slice %arg2[%dma_wait3A_541, %dma_wait3A_542] : memref<1000000x64xf32, #tpu.memory_space<hbm>> -> memref<1x64xf32, #tpu.memory_space<hbm>>
        %dma_wait3A_544 = arith.constant 0 : i32
        %dma_wait3A_545 = arith.constant 0 : i32
        %dma_wait3A_546 = tpu.memref_slice %arg10[%dma_wait3A_544, %dma_wait3A_545] : memref<256x64xf32, #tpu.memory_space<vmem>> -> memref<1x64xf32, #tpu.memory_space<vmem>>
        %dma_wait3A_547 = arith.constant 0 : i32
        %dma_wait3A_548 = arith.constant 0 : i32
        %dma_wait3A_549 = tpu.memref_slice %arg2[%dma_wait3A_547, %dma_wait3A_548] : memref<1000000x64xf32, #tpu.memory_space<hbm>> -> memref<1x64xf32, #tpu.memory_space<hbm>>
        tpu.wait_dma2 semaphore(%arg12 : memref<!tpu.dma_semaphore, #tpu.memory_space<semaphore_mem>>) src(%dma_wait3A_549 : memref<1x64xf32, #tpu.memory_space<hbm>>) dst(%dma_wait3A_546 : memref<1x64xf32, #tpu.memory_space<vmem>>)
        %dma_wait3A_550 = arith.constant 0 : i32
        %dma_wait3A_551 = arith.constant 0 : i32
        %dma_wait3A_552 = tpu.memref_slice %arg10[%dma_wait3A_550, %dma_wait3A_551] : memref<256x64xf32, #tpu.memory_space<vmem>> -> memref<1x64xf32, #tpu.memory_space<vmem>>
        %dma_wait3A_553 = arith.constant 0 : i32
        %dma_wait3A_554 = arith.constant 0 : i32
        %dma_wait3A_555 = tpu.memref_slice %arg2[%dma_wait3A_553, %dma_wait3A_554] : memref<1000000x64xf32, #tpu.memory_space<hbm>> -> memref<1x64xf32, #tpu.memory_space<hbm>>
        %dma_wait3A_556 = arith.constant 0 : i32
        %dma_wait3A_557 = arith.constant 0 : i32
        %dma_wait3A_558 = tpu.memref_slice %arg10[%dma_wait3A_556, %dma_wait3A_557] : memref<256x64xf32, #tpu.memory_space<vmem>> -> memref<1x64xf32, #tpu.memory_space<vmem>>
        %dma_wait3A_559 = arith.constant 0 : i32
        %dma_wait3A_560 = arith.constant 0 : i32
        %dma_wait3A_561 = tpu.memref_slice %arg2[%dma_wait3A_559, %dma_wait3A_560] : memref<1000000x64xf32, #tpu.memory_space<hbm>> -> memref<1x64xf32, #tpu.memory_space<hbm>>
        tpu.wait_dma2 semaphore(%arg12 : memref<!tpu.dma_semaphore, #tpu.memory_space<semaphore_mem>>) src(%dma_wait3A_561 : memref<1x64xf32, #tpu.memory_space<hbm>>) dst(%dma_wait3A_558 : memref<1x64xf32, #tpu.memory_space<vmem>>)
        %dma_wait3A_562 = arith.constant 0 : i32
        %dma_wait3A_563 = arith.constant 0 : i32
        %dma_wait3A_564 = tpu.memref_slice %arg10[%dma_wait3A_562, %dma_wait3A_563] : memref<256x64xf32, #tpu.memory_space<vmem>> -> memref<1x64xf32, #tpu.memory_space<vmem>>
        %dma_wait3A_565 = arith.constant 0 : i32
        %dma_wait3A_566 = arith.constant 0 : i32
        %dma_wait3A_567 = tpu.memref_slice %arg2[%dma_wait3A_565, %dma_wait3A_566] : memref<1000000x64xf32, #tpu.memory_space<hbm>> -> memref<1x64xf32, #tpu.memory_space<hbm>>
        %dma_wait3A_568 = arith.constant 0 : i32
        %dma_wait3A_569 = arith.constant 0 : i32
        %dma_wait3A_570 = tpu.memref_slice %arg10[%dma_wait3A_568, %dma_wait3A_569] : memref<256x64xf32, #tpu.memory_space<vmem>> -> memref<1x64xf32, #tpu.memory_space<vmem>>
        %dma_wait3A_571 = arith.constant 0 : i32
        %dma_wait3A_572 = arith.constant 0 : i32
        %dma_wait3A_573 = tpu.memref_slice %arg2[%dma_wait3A_571, %dma_wait3A_572] : memref<1000000x64xf32, #tpu.memory_space<hbm>> -> memref<1x64xf32, #tpu.memory_space<hbm>>
        tpu.wait_dma2 semaphore(%arg12 : memref<!tpu.dma_semaphore, #tpu.memory_space<semaphore_mem>>) src(%dma_wait3A_573 : memref<1x64xf32, #tpu.memory_space<hbm>>) dst(%dma_wait3A_570 : memref<1x64xf32, #tpu.memory_space<vmem>>)
        %dma_wait3A_574 = arith.constant 0 : i32
        %dma_wait3A_575 = arith.constant 0 : i32
        %dma_wait3A_576 = tpu.memref_slice %arg10[%dma_wait3A_574, %dma_wait3A_575] : memref<256x64xf32, #tpu.memory_space<vmem>> -> memref<1x64xf32, #tpu.memory_space<vmem>>
        %dma_wait3A_577 = arith.constant 0 : i32
        %dma_wait3A_578 = arith.constant 0 : i32
        %dma_wait3A_579 = tpu.memref_slice %arg2[%dma_wait3A_577, %dma_wait3A_578] : memref<1000000x64xf32, #tpu.memory_space<hbm>> -> memref<1x64xf32, #tpu.memory_space<hbm>>
        %dma_wait3A_580 = arith.constant 0 : i32
        %dma_wait3A_581 = arith.constant 0 : i32
        %dma_wait3A_582 = tpu.memref_slice %arg10[%dma_wait3A_580, %dma_wait3A_581] : memref<256x64xf32, #tpu.memory_space<vmem>> -> memref<1x64xf32, #tpu.memory_space<vmem>>
        %dma_wait3A_583 = arith.constant 0 : i32
        %dma_wait3A_584 = arith.constant 0 : i32
        %dma_wait3A_585 = tpu.memref_slice %arg2[%dma_wait3A_583, %dma_wait3A_584] : memref<1000000x64xf32, #tpu.memory_space<hbm>> -> memref<1x64xf32, #tpu.memory_space<hbm>>
        tpu.wait_dma2 semaphore(%arg12 : memref<!tpu.dma_semaphore, #tpu.memory_space<semaphore_mem>>) src(%dma_wait3A_585 : memref<1x64xf32, #tpu.memory_space<hbm>>) dst(%dma_wait3A_582 : memref<1x64xf32, #tpu.memory_space<vmem>>)
        %dma_wait3A_586 = arith.constant 0 : i32
        %dma_wait3A_587 = arith.constant 0 : i32
        %dma_wait3A_588 = tpu.memref_slice %arg10[%dma_wait3A_586, %dma_wait3A_587] : memref<256x64xf32, #tpu.memory_space<vmem>> -> memref<1x64xf32, #tpu.memory_space<vmem>>
        %dma_wait3A_589 = arith.constant 0 : i32
        %dma_wait3A_590 = arith.constant 0 : i32
        %dma_wait3A_591 = tpu.memref_slice %arg2[%dma_wait3A_589, %dma_wait3A_590] : memref<1000000x64xf32, #tpu.memory_space<hbm>> -> memref<1x64xf32, #tpu.memory_space<hbm>>
        %dma_wait3A_592 = arith.constant 0 : i32
        %dma_wait3A_593 = arith.constant 0 : i32
        %dma_wait3A_594 = tpu.memref_slice %arg10[%dma_wait3A_592, %dma_wait3A_593] : memref<256x64xf32, #tpu.memory_space<vmem>> -> memref<1x64xf32, #tpu.memory_space<vmem>>
        %dma_wait3A_595 = arith.constant 0 : i32
        %dma_wait3A_596 = arith.constant 0 : i32
        %dma_wait3A_597 = tpu.memref_slice %arg2[%dma_wait3A_595, %dma_wait3A_596] : memref<1000000x64xf32, #tpu.memory_space<hbm>> -> memref<1x64xf32, #tpu.memory_space<hbm>>
        tpu.wait_dma2 semaphore(%arg12 : memref<!tpu.dma_semaphore, #tpu.memory_space<semaphore_mem>>) src(%dma_wait3A_597 : memref<1x64xf32, #tpu.memory_space<hbm>>) dst(%dma_wait3A_594 : memref<1x64xf32, #tpu.memory_space<vmem>>)
        %dma_wait3A_598 = arith.constant 0 : i32
        %dma_wait3A_599 = arith.constant 0 : i32
        %dma_wait3A_600 = tpu.memref_slice %arg10[%dma_wait3A_598, %dma_wait3A_599] : memref<256x64xf32, #tpu.memory_space<vmem>> -> memref<1x64xf32, #tpu.memory_space<vmem>>
        %dma_wait3A_601 = arith.constant 0 : i32
        %dma_wait3A_602 = arith.constant 0 : i32
        %dma_wait3A_603 = tpu.memref_slice %arg2[%dma_wait3A_601, %dma_wait3A_602] : memref<1000000x64xf32, #tpu.memory_space<hbm>> -> memref<1x64xf32, #tpu.memory_space<hbm>>
        %dma_wait3A_604 = arith.constant 0 : i32
        %dma_wait3A_605 = arith.constant 0 : i32
        %dma_wait3A_606 = tpu.memref_slice %arg10[%dma_wait3A_604, %dma_wait3A_605] : memref<256x64xf32, #tpu.memory_space<vmem>> -> memref<1x64xf32, #tpu.memory_space<vmem>>
        %dma_wait3A_607 = arith.constant 0 : i32
        %dma_wait3A_608 = arith.constant 0 : i32
        %dma_wait3A_609 = tpu.memref_slice %arg2[%dma_wait3A_607, %dma_wait3A_608] : memref<1000000x64xf32, #tpu.memory_space<hbm>> -> memref<1x64xf32, #tpu.memory_space<hbm>>
        tpu.wait_dma2 semaphore(%arg12 : memref<!tpu.dma_semaphore, #tpu.memory_space<semaphore_mem>>) src(%dma_wait3A_609 : memref<1x64xf32, #tpu.memory_space<hbm>>) dst(%dma_wait3A_606 : memref<1x64xf32, #tpu.memory_space<vmem>>)
        %dma_wait3A_610 = arith.constant 0 : i32
        %dma_wait3A_611 = arith.constant 0 : i32
        %dma_wait3A_612 = tpu.memref_slice %arg10[%dma_wait3A_610, %dma_wait3A_611] : memref<256x64xf32, #tpu.memory_space<vmem>> -> memref<1x64xf32, #tpu.memory_space<vmem>>
        %dma_wait3A_613 = arith.constant 0 : i32
        %dma_wait3A_614 = arith.constant 0 : i32
        %dma_wait3A_615 = tpu.memref_slice %arg2[%dma_wait3A_613, %dma_wait3A_614] : memref<1000000x64xf32, #tpu.memory_space<hbm>> -> memref<1x64xf32, #tpu.memory_space<hbm>>
        %dma_wait3A_616 = arith.constant 0 : i32
        %dma_wait3A_617 = arith.constant 0 : i32
        %dma_wait3A_618 = tpu.memref_slice %arg10[%dma_wait3A_616, %dma_wait3A_617] : memref<256x64xf32, #tpu.memory_space<vmem>> -> memref<1x64xf32, #tpu.memory_space<vmem>>
        %dma_wait3A_619 = arith.constant 0 : i32
        %dma_wait3A_620 = arith.constant 0 : i32
        %dma_wait3A_621 = tpu.memref_slice %arg2[%dma_wait3A_619, %dma_wait3A_620] : memref<1000000x64xf32, #tpu.memory_space<hbm>> -> memref<1x64xf32, #tpu.memory_space<hbm>>
        tpu.wait_dma2 semaphore(%arg12 : memref<!tpu.dma_semaphore, #tpu.memory_space<semaphore_mem>>) src(%dma_wait3A_621 : memref<1x64xf32, #tpu.memory_space<hbm>>) dst(%dma_wait3A_618 : memref<1x64xf32, #tpu.memory_space<vmem>>)
        %dma_wait3A_622 = arith.constant 0 : i32
        %dma_wait3A_623 = arith.constant 0 : i32
        %dma_wait3A_624 = tpu.memref_slice %arg10[%dma_wait3A_622, %dma_wait3A_623] : memref<256x64xf32, #tpu.memory_space<vmem>> -> memref<1x64xf32, #tpu.memory_space<vmem>>
        %dma_wait3A_625 = arith.constant 0 : i32
        %dma_wait3A_626 = arith.constant 0 : i32
        %dma_wait3A_627 = tpu.memref_slice %arg2[%dma_wait3A_625, %dma_wait3A_626] : memref<1000000x64xf32, #tpu.memory_space<hbm>> -> memref<1x64xf32, #tpu.memory_space<hbm>>
        %dma_wait3A_628 = arith.constant 0 : i32
        %dma_wait3A_629 = arith.constant 0 : i32
        %dma_wait3A_630 = tpu.memref_slice %arg10[%dma_wait3A_628, %dma_wait3A_629] : memref<256x64xf32, #tpu.memory_space<vmem>> -> memref<1x64xf32, #tpu.memory_space<vmem>>
        %dma_wait3A_631 = arith.constant 0 : i32
        %dma_wait3A_632 = arith.constant 0 : i32
        %dma_wait3A_633 = tpu.memref_slice %arg2[%dma_wait3A_631, %dma_wait3A_632] : memref<1000000x64xf32, #tpu.memory_space<hbm>> -> memref<1x64xf32, #tpu.memory_space<hbm>>
        tpu.wait_dma2 semaphore(%arg12 : memref<!tpu.dma_semaphore, #tpu.memory_space<semaphore_mem>>) src(%dma_wait3A_633 : memref<1x64xf32, #tpu.memory_space<hbm>>) dst(%dma_wait3A_630 : memref<1x64xf32, #tpu.memory_space<vmem>>)
        %dma_wait3A_634 = arith.constant 0 : i32
        %dma_wait3A_635 = arith.constant 0 : i32
        %dma_wait3A_636 = tpu.memref_slice %arg10[%dma_wait3A_634, %dma_wait3A_635] : memref<256x64xf32, #tpu.memory_space<vmem>> -> memref<1x64xf32, #tpu.memory_space<vmem>>
        %dma_wait3A_637 = arith.constant 0 : i32
        %dma_wait3A_638 = arith.constant 0 : i32
        %dma_wait3A_639 = tpu.memref_slice %arg2[%dma_wait3A_637, %dma_wait3A_638] : memref<1000000x64xf32, #tpu.memory_space<hbm>> -> memref<1x64xf32, #tpu.memory_space<hbm>>
        %dma_wait3A_640 = arith.constant 0 : i32
        %dma_wait3A_641 = arith.constant 0 : i32
        %dma_wait3A_642 = tpu.memref_slice %arg10[%dma_wait3A_640, %dma_wait3A_641] : memref<256x64xf32, #tpu.memory_space<vmem>> -> memref<1x64xf32, #tpu.memory_space<vmem>>
        %dma_wait3A_643 = arith.constant 0 : i32
        %dma_wait3A_644 = arith.constant 0 : i32
        %dma_wait3A_645 = tpu.memref_slice %arg2[%dma_wait3A_643, %dma_wait3A_644] : memref<1000000x64xf32, #tpu.memory_space<hbm>> -> memref<1x64xf32, #tpu.memory_space<hbm>>
        tpu.wait_dma2 semaphore(%arg12 : memref<!tpu.dma_semaphore, #tpu.memory_space<semaphore_mem>>) src(%dma_wait3A_645 : memref<1x64xf32, #tpu.memory_space<hbm>>) dst(%dma_wait3A_642 : memref<1x64xf32, #tpu.memory_space<vmem>>)
        %dma_wait3A_646 = arith.constant 0 : i32
        %dma_wait3A_647 = arith.constant 0 : i32
        %dma_wait3A_648 = tpu.memref_slice %arg10[%dma_wait3A_646, %dma_wait3A_647] : memref<256x64xf32, #tpu.memory_space<vmem>> -> memref<1x64xf32, #tpu.memory_space<vmem>>
        %dma_wait3A_649 = arith.constant 0 : i32
        %dma_wait3A_650 = arith.constant 0 : i32
        %dma_wait3A_651 = tpu.memref_slice %arg2[%dma_wait3A_649, %dma_wait3A_650] : memref<1000000x64xf32, #tpu.memory_space<hbm>> -> memref<1x64xf32, #tpu.memory_space<hbm>>
        %dma_wait3A_652 = arith.constant 0 : i32
        %dma_wait3A_653 = arith.constant 0 : i32
        %dma_wait3A_654 = tpu.memref_slice %arg10[%dma_wait3A_652, %dma_wait3A_653] : memref<256x64xf32, #tpu.memory_space<vmem>> -> memref<1x64xf32, #tpu.memory_space<vmem>>
        %dma_wait3A_655 = arith.constant 0 : i32
        %dma_wait3A_656 = arith.constant 0 : i32
        %dma_wait3A_657 = tpu.memref_slice %arg2[%dma_wait3A_655, %dma_wait3A_656] : memref<1000000x64xf32, #tpu.memory_space<hbm>> -> memref<1x64xf32, #tpu.memory_space<hbm>>
        tpu.wait_dma2 semaphore(%arg12 : memref<!tpu.dma_semaphore, #tpu.memory_space<semaphore_mem>>) src(%dma_wait3A_657 : memref<1x64xf32, #tpu.memory_space<hbm>>) dst(%dma_wait3A_654 : memref<1x64xf32, #tpu.memory_space<vmem>>)
        %dma_wait3A_658 = arith.constant 0 : i32
        %dma_wait3A_659 = arith.constant 0 : i32
        %dma_wait3A_660 = tpu.memref_slice %arg10[%dma_wait3A_658, %dma_wait3A_659] : memref<256x64xf32, #tpu.memory_space<vmem>> -> memref<1x64xf32, #tpu.memory_space<vmem>>
        %dma_wait3A_661 = arith.constant 0 : i32
        %dma_wait3A_662 = arith.constant 0 : i32
        %dma_wait3A_663 = tpu.memref_slice %arg2[%dma_wait3A_661, %dma_wait3A_662] : memref<1000000x64xf32, #tpu.memory_space<hbm>> -> memref<1x64xf32, #tpu.memory_space<hbm>>
        %dma_wait3A_664 = arith.constant 0 : i32
        %dma_wait3A_665 = arith.constant 0 : i32
        %dma_wait3A_666 = tpu.memref_slice %arg10[%dma_wait3A_664, %dma_wait3A_665] : memref<256x64xf32, #tpu.memory_space<vmem>> -> memref<1x64xf32, #tpu.memory_space<vmem>>
        %dma_wait3A_667 = arith.constant 0 : i32
        %dma_wait3A_668 = arith.constant 0 : i32
        %dma_wait3A_669 = tpu.memref_slice %arg2[%dma_wait3A_667, %dma_wait3A_668] : memref<1000000x64xf32, #tpu.memory_space<hbm>> -> memref<1x64xf32, #tpu.memory_space<hbm>>
        tpu.wait_dma2 semaphore(%arg12 : memref<!tpu.dma_semaphore, #tpu.memory_space<semaphore_mem>>) src(%dma_wait3A_669 : memref<1x64xf32, #tpu.memory_space<hbm>>) dst(%dma_wait3A_666 : memref<1x64xf32, #tpu.memory_space<vmem>>)
        %dma_wait3A_670 = arith.constant 0 : i32
        %dma_wait3A_671 = arith.constant 0 : i32
        %dma_wait3A_672 = tpu.memref_slice %arg10[%dma_wait3A_670, %dma_wait3A_671] : memref<256x64xf32, #tpu.memory_space<vmem>> -> memref<1x64xf32, #tpu.memory_space<vmem>>
        %dma_wait3A_673 = arith.constant 0 : i32
        %dma_wait3A_674 = arith.constant 0 : i32
        %dma_wait3A_675 = tpu.memref_slice %arg2[%dma_wait3A_673, %dma_wait3A_674] : memref<1000000x64xf32, #tpu.memory_space<hbm>> -> memref<1x64xf32, #tpu.memory_space<hbm>>
        %dma_wait3A_676 = arith.constant 0 : i32
        %dma_wait3A_677 = arith.constant 0 : i32
        %dma_wait3A_678 = tpu.memref_slice %arg10[%dma_wait3A_676, %dma_wait3A_677] : memref<256x64xf32, #tpu.memory_space<vmem>> -> memref<1x64xf32, #tpu.memory_space<vmem>>
        %dma_wait3A_679 = arith.constant 0 : i32
        %dma_wait3A_680 = arith.constant 0 : i32
        %dma_wait3A_681 = tpu.memref_slice %arg2[%dma_wait3A_679, %dma_wait3A_680] : memref<1000000x64xf32, #tpu.memory_space<hbm>> -> memref<1x64xf32, #tpu.memory_space<hbm>>
        tpu.wait_dma2 semaphore(%arg12 : memref<!tpu.dma_semaphore, #tpu.memory_space<semaphore_mem>>) src(%dma_wait3A_681 : memref<1x64xf32, #tpu.memory_space<hbm>>) dst(%dma_wait3A_678 : memref<1x64xf32, #tpu.memory_space<vmem>>)
        %dma_wait3A_682 = arith.constant 0 : i32
        %dma_wait3A_683 = arith.constant 0 : i32
        %dma_wait3A_684 = tpu.memref_slice %arg10[%dma_wait3A_682, %dma_wait3A_683] : memref<256x64xf32, #tpu.memory_space<vmem>> -> memref<1x64xf32, #tpu.memory_space<vmem>>
        %dma_wait3A_685 = arith.constant 0 : i32
        %dma_wait3A_686 = arith.constant 0 : i32
        %dma_wait3A_687 = tpu.memref_slice %arg2[%dma_wait3A_685, %dma_wait3A_686] : memref<1000000x64xf32, #tpu.memory_space<hbm>> -> memref<1x64xf32, #tpu.memory_space<hbm>>
        %dma_wait3A_688 = arith.constant 0 : i32
        %dma_wait3A_689 = arith.constant 0 : i32
        %dma_wait3A_690 = tpu.memref_slice %arg10[%dma_wait3A_688, %dma_wait3A_689] : memref<256x64xf32, #tpu.memory_space<vmem>> -> memref<1x64xf32, #tpu.memory_space<vmem>>
        %dma_wait3A_691 = arith.constant 0 : i32
        %dma_wait3A_692 = arith.constant 0 : i32
        %dma_wait3A_693 = tpu.memref_slice %arg2[%dma_wait3A_691, %dma_wait3A_692] : memref<1000000x64xf32, #tpu.memory_space<hbm>> -> memref<1x64xf32, #tpu.memory_space<hbm>>
        tpu.wait_dma2 semaphore(%arg12 : memref<!tpu.dma_semaphore, #tpu.memory_space<semaphore_mem>>) src(%dma_wait3A_693 : memref<1x64xf32, #tpu.memory_space<hbm>>) dst(%dma_wait3A_690 : memref<1x64xf32, #tpu.memory_space<vmem>>)
        %dma_wait3A_694 = arith.constant 0 : i32
        %dma_wait3A_695 = arith.constant 0 : i32
        %dma_wait3A_696 = tpu.memref_slice %arg10[%dma_wait3A_694, %dma_wait3A_695] : memref<256x64xf32, #tpu.memory_space<vmem>> -> memref<1x64xf32, #tpu.memory_space<vmem>>
        %dma_wait3A_697 = arith.constant 0 : i32
        %dma_wait3A_698 = arith.constant 0 : i32
        %dma_wait3A_699 = tpu.memref_slice %arg2[%dma_wait3A_697, %dma_wait3A_698] : memref<1000000x64xf32, #tpu.memory_space<hbm>> -> memref<1x64xf32, #tpu.memory_space<hbm>>
        %dma_wait3A_700 = arith.constant 0 : i32
        %dma_wait3A_701 = arith.constant 0 : i32
        %dma_wait3A_702 = tpu.memref_slice %arg10[%dma_wait3A_700, %dma_wait3A_701] : memref<256x64xf32, #tpu.memory_space<vmem>> -> memref<1x64xf32, #tpu.memory_space<vmem>>
        %dma_wait3A_703 = arith.constant 0 : i32
        %dma_wait3A_704 = arith.constant 0 : i32
        %dma_wait3A_705 = tpu.memref_slice %arg2[%dma_wait3A_703, %dma_wait3A_704] : memref<1000000x64xf32, #tpu.memory_space<hbm>> -> memref<1x64xf32, #tpu.memory_space<hbm>>
        tpu.wait_dma2 semaphore(%arg12 : memref<!tpu.dma_semaphore, #tpu.memory_space<semaphore_mem>>) src(%dma_wait3A_705 : memref<1x64xf32, #tpu.memory_space<hbm>>) dst(%dma_wait3A_702 : memref<1x64xf32, #tpu.memory_space<vmem>>)
        %dma_wait3A_706 = arith.constant 0 : i32
        %dma_wait3A_707 = arith.constant 0 : i32
        %dma_wait3A_708 = tpu.memref_slice %arg10[%dma_wait3A_706, %dma_wait3A_707] : memref<256x64xf32, #tpu.memory_space<vmem>> -> memref<1x64xf32, #tpu.memory_space<vmem>>
        %dma_wait3A_709 = arith.constant 0 : i32
        %dma_wait3A_710 = arith.constant 0 : i32
        %dma_wait3A_711 = tpu.memref_slice %arg2[%dma_wait3A_709, %dma_wait3A_710] : memref<1000000x64xf32, #tpu.memory_space<hbm>> -> memref<1x64xf32, #tpu.memory_space<hbm>>
        %dma_wait3A_712 = arith.constant 0 : i32
        %dma_wait3A_713 = arith.constant 0 : i32
        %dma_wait3A_714 = tpu.memref_slice %arg10[%dma_wait3A_712, %dma_wait3A_713] : memref<256x64xf32, #tpu.memory_space<vmem>> -> memref<1x64xf32, #tpu.memory_space<vmem>>
        %dma_wait3A_715 = arith.constant 0 : i32
        %dma_wait3A_716 = arith.constant 0 : i32
        %dma_wait3A_717 = tpu.memref_slice %arg2[%dma_wait3A_715, %dma_wait3A_716] : memref<1000000x64xf32, #tpu.memory_space<hbm>> -> memref<1x64xf32, #tpu.memory_space<hbm>>
        tpu.wait_dma2 semaphore(%arg12 : memref<!tpu.dma_semaphore, #tpu.memory_space<semaphore_mem>>) src(%dma_wait3A_717 : memref<1x64xf32, #tpu.memory_space<hbm>>) dst(%dma_wait3A_714 : memref<1x64xf32, #tpu.memory_space<vmem>>)
        %dma_wait3A_718 = arith.constant 0 : i32
        %dma_wait3A_719 = arith.constant 0 : i32
        %dma_wait3A_720 = tpu.memref_slice %arg10[%dma_wait3A_718, %dma_wait3A_719] : memref<256x64xf32, #tpu.memory_space<vmem>> -> memref<1x64xf32, #tpu.memory_space<vmem>>
        %dma_wait3A_721 = arith.constant 0 : i32
        %dma_wait3A_722 = arith.constant 0 : i32
        %dma_wait3A_723 = tpu.memref_slice %arg2[%dma_wait3A_721, %dma_wait3A_722] : memref<1000000x64xf32, #tpu.memory_space<hbm>> -> memref<1x64xf32, #tpu.memory_space<hbm>>
        %dma_wait3A_724 = arith.constant 0 : i32
        %dma_wait3A_725 = arith.constant 0 : i32
        %dma_wait3A_726 = tpu.memref_slice %arg10[%dma_wait3A_724, %dma_wait3A_725] : memref<256x64xf32, #tpu.memory_space<vmem>> -> memref<1x64xf32, #tpu.memory_space<vmem>>
        %dma_wait3A_727 = arith.constant 0 : i32
        %dma_wait3A_728 = arith.constant 0 : i32
        %dma_wait3A_729 = tpu.memref_slice %arg2[%dma_wait3A_727, %dma_wait3A_728] : memref<1000000x64xf32, #tpu.memory_space<hbm>> -> memref<1x64xf32, #tpu.memory_space<hbm>>
        tpu.wait_dma2 semaphore(%arg12 : memref<!tpu.dma_semaphore, #tpu.memory_space<semaphore_mem>>) src(%dma_wait3A_729 : memref<1x64xf32, #tpu.memory_space<hbm>>) dst(%dma_wait3A_726 : memref<1x64xf32, #tpu.memory_space<vmem>>)
        %dma_wait3A_730 = arith.constant 0 : i32
        %dma_wait3A_731 = arith.constant 0 : i32
        %dma_wait3A_732 = tpu.memref_slice %arg10[%dma_wait3A_730, %dma_wait3A_731] : memref<256x64xf32, #tpu.memory_space<vmem>> -> memref<1x64xf32, #tpu.memory_space<vmem>>
        %dma_wait3A_733 = arith.constant 0 : i32
        %dma_wait3A_734 = arith.constant 0 : i32
        %dma_wait3A_735 = tpu.memref_slice %arg2[%dma_wait3A_733, %dma_wait3A_734] : memref<1000000x64xf32, #tpu.memory_space<hbm>> -> memref<1x64xf32, #tpu.memory_space<hbm>>
        %dma_wait3A_736 = arith.constant 0 : i32
        %dma_wait3A_737 = arith.constant 0 : i32
        %dma_wait3A_738 = tpu.memref_slice %arg10[%dma_wait3A_736, %dma_wait3A_737] : memref<256x64xf32, #tpu.memory_space<vmem>> -> memref<1x64xf32, #tpu.memory_space<vmem>>
        %dma_wait3A_739 = arith.constant 0 : i32
        %dma_wait3A_740 = arith.constant 0 : i32
        %dma_wait3A_741 = tpu.memref_slice %arg2[%dma_wait3A_739, %dma_wait3A_740] : memref<1000000x64xf32, #tpu.memory_space<hbm>> -> memref<1x64xf32, #tpu.memory_space<hbm>>
        tpu.wait_dma2 semaphore(%arg12 : memref<!tpu.dma_semaphore, #tpu.memory_space<semaphore_mem>>) src(%dma_wait3A_741 : memref<1x64xf32, #tpu.memory_space<hbm>>) dst(%dma_wait3A_738 : memref<1x64xf32, #tpu.memory_space<vmem>>)
        %dma_wait3A_742 = arith.constant 0 : i32
        %dma_wait3A_743 = arith.constant 0 : i32
        %dma_wait3A_744 = tpu.memref_slice %arg10[%dma_wait3A_742, %dma_wait3A_743] : memref<256x64xf32, #tpu.memory_space<vmem>> -> memref<1x64xf32, #tpu.memory_space<vmem>>
        %dma_wait3A_745 = arith.constant 0 : i32
        %dma_wait3A_746 = arith.constant 0 : i32
        %dma_wait3A_747 = tpu.memref_slice %arg2[%dma_wait3A_745, %dma_wait3A_746] : memref<1000000x64xf32, #tpu.memory_space<hbm>> -> memref<1x64xf32, #tpu.memory_space<hbm>>
        %dma_wait3A_748 = arith.constant 0 : i32
        %dma_wait3A_749 = arith.constant 0 : i32
        %dma_wait3A_750 = tpu.memref_slice %arg10[%dma_wait3A_748, %dma_wait3A_749] : memref<256x64xf32, #tpu.memory_space<vmem>> -> memref<1x64xf32, #tpu.memory_space<vmem>>
        %dma_wait3A_751 = arith.constant 0 : i32
        %dma_wait3A_752 = arith.constant 0 : i32
        %dma_wait3A_753 = tpu.memref_slice %arg2[%dma_wait3A_751, %dma_wait3A_752] : memref<1000000x64xf32, #tpu.memory_space<hbm>> -> memref<1x64xf32, #tpu.memory_space<hbm>>
        tpu.wait_dma2 semaphore(%arg12 : memref<!tpu.dma_semaphore, #tpu.memory_space<semaphore_mem>>) src(%dma_wait3A_753 : memref<1x64xf32, #tpu.memory_space<hbm>>) dst(%dma_wait3A_750 : memref<1x64xf32, #tpu.memory_space<vmem>>)
        %dma_wait3A_754 = arith.constant 0 : i32
        %dma_wait3A_755 = arith.constant 0 : i32
        %dma_wait3A_756 = tpu.memref_slice %arg10[%dma_wait3A_754, %dma_wait3A_755] : memref<256x64xf32, #tpu.memory_space<vmem>> -> memref<1x64xf32, #tpu.memory_space<vmem>>
        %dma_wait3A_757 = arith.constant 0 : i32
        %dma_wait3A_758 = arith.constant 0 : i32
        %dma_wait3A_759 = tpu.memref_slice %arg2[%dma_wait3A_757, %dma_wait3A_758] : memref<1000000x64xf32, #tpu.memory_space<hbm>> -> memref<1x64xf32, #tpu.memory_space<hbm>>
        %dma_wait3A_760 = arith.constant 0 : i32
        %dma_wait3A_761 = arith.constant 0 : i32
        %dma_wait3A_762 = tpu.memref_slice %arg10[%dma_wait3A_760, %dma_wait3A_761] : memref<256x64xf32, #tpu.memory_space<vmem>> -> memref<1x64xf32, #tpu.memory_space<vmem>>
        %dma_wait3A_763 = arith.constant 0 : i32
        %dma_wait3A_764 = arith.constant 0 : i32
        %dma_wait3A_765 = tpu.memref_slice %arg2[%dma_wait3A_763, %dma_wait3A_764] : memref<1000000x64xf32, #tpu.memory_space<hbm>> -> memref<1x64xf32, #tpu.memory_space<hbm>>
        tpu.wait_dma2 semaphore(%arg12 : memref<!tpu.dma_semaphore, #tpu.memory_space<semaphore_mem>>) src(%dma_wait3A_765 : memref<1x64xf32, #tpu.memory_space<hbm>>) dst(%dma_wait3A_762 : memref<1x64xf32, #tpu.memory_space<vmem>>)
        %dma_wait3A_766 = arith.constant 0 : i32
        %dma_wait3A_767 = arith.constant 0 : i32
        %dma_wait3A_768 = tpu.memref_slice %arg10[%dma_wait3A_766, %dma_wait3A_767] : memref<256x64xf32, #tpu.memory_space<vmem>> -> memref<1x64xf32, #tpu.memory_space<vmem>>
        %dma_wait3A_769 = arith.constant 0 : i32
        %dma_wait3A_770 = arith.constant 0 : i32
        %dma_wait3A_771 = tpu.memref_slice %arg2[%dma_wait3A_769, %dma_wait3A_770] : memref<1000000x64xf32, #tpu.memory_space<hbm>> -> memref<1x64xf32, #tpu.memory_space<hbm>>
        %dma_wait3A_772 = arith.constant 0 : i32
        %dma_wait3A_773 = arith.constant 0 : i32
        %dma_wait3A_774 = tpu.memref_slice %arg10[%dma_wait3A_772, %dma_wait3A_773] : memref<256x64xf32, #tpu.memory_space<vmem>> -> memref<1x64xf32, #tpu.memory_space<vmem>>
        %dma_wait3A_775 = arith.constant 0 : i32
        %dma_wait3A_776 = arith.constant 0 : i32
        %dma_wait3A_777 = tpu.memref_slice %arg2[%dma_wait3A_775, %dma_wait3A_776] : memref<1000000x64xf32, #tpu.memory_space<hbm>> -> memref<1x64xf32, #tpu.memory_space<hbm>>
        tpu.wait_dma2 semaphore(%arg12 : memref<!tpu.dma_semaphore, #tpu.memory_space<semaphore_mem>>) src(%dma_wait3A_777 : memref<1x64xf32, #tpu.memory_space<hbm>>) dst(%dma_wait3A_774 : memref<1x64xf32, #tpu.memory_space<vmem>>)
        %dma_wait3A_778 = arith.constant 0 : i32
        %dma_wait3A_779 = arith.constant 0 : i32
        %dma_wait3A_780 = tpu.memref_slice %arg10[%dma_wait3A_778, %dma_wait3A_779] : memref<256x64xf32, #tpu.memory_space<vmem>> -> memref<1x64xf32, #tpu.memory_space<vmem>>
        %dma_wait3A_781 = arith.constant 0 : i32
        %dma_wait3A_782 = arith.constant 0 : i32
        %dma_wait3A_783 = tpu.memref_slice %arg2[%dma_wait3A_781, %dma_wait3A_782] : memref<1000000x64xf32, #tpu.memory_space<hbm>> -> memref<1x64xf32, #tpu.memory_space<hbm>>
        %dma_wait3A_784 = arith.constant 0 : i32
        %dma_wait3A_785 = arith.constant 0 : i32
        %dma_wait3A_786 = tpu.memref_slice %arg10[%dma_wait3A_784, %dma_wait3A_785] : memref<256x64xf32, #tpu.memory_space<vmem>> -> memref<1x64xf32, #tpu.memory_space<vmem>>
        %dma_wait3A_787 = arith.constant 0 : i32
        %dma_wait3A_788 = arith.constant 0 : i32
        %dma_wait3A_789 = tpu.memref_slice %arg2[%dma_wait3A_787, %dma_wait3A_788] : memref<1000000x64xf32, #tpu.memory_space<hbm>> -> memref<1x64xf32, #tpu.memory_space<hbm>>
        tpu.wait_dma2 semaphore(%arg12 : memref<!tpu.dma_semaphore, #tpu.memory_space<semaphore_mem>>) src(%dma_wait3A_789 : memref<1x64xf32, #tpu.memory_space<hbm>>) dst(%dma_wait3A_786 : memref<1x64xf32, #tpu.memory_space<vmem>>)
        %dma_wait3A_790 = arith.constant 0 : i32
        %dma_wait3A_791 = arith.constant 0 : i32
        %dma_wait3A_792 = tpu.memref_slice %arg10[%dma_wait3A_790, %dma_wait3A_791] : memref<256x64xf32, #tpu.memory_space<vmem>> -> memref<1x64xf32, #tpu.memory_space<vmem>>
        %dma_wait3A_793 = arith.constant 0 : i32
        %dma_wait3A_794 = arith.constant 0 : i32
        %dma_wait3A_795 = tpu.memref_slice %arg2[%dma_wait3A_793, %dma_wait3A_794] : memref<1000000x64xf32, #tpu.memory_space<hbm>> -> memref<1x64xf32, #tpu.memory_space<hbm>>
        %dma_wait3A_796 = arith.constant 0 : i32
        %dma_wait3A_797 = arith.constant 0 : i32
        %dma_wait3A_798 = tpu.memref_slice %arg10[%dma_wait3A_796, %dma_wait3A_797] : memref<256x64xf32, #tpu.memory_space<vmem>> -> memref<1x64xf32, #tpu.memory_space<vmem>>
        %dma_wait3A_799 = arith.constant 0 : i32
        %dma_wait3A_800 = arith.constant 0 : i32
        %dma_wait3A_801 = tpu.memref_slice %arg2[%dma_wait3A_799, %dma_wait3A_800] : memref<1000000x64xf32, #tpu.memory_space<hbm>> -> memref<1x64xf32, #tpu.memory_space<hbm>>
        tpu.wait_dma2 semaphore(%arg12 : memref<!tpu.dma_semaphore, #tpu.memory_space<semaphore_mem>>) src(%dma_wait3A_801 : memref<1x64xf32, #tpu.memory_space<hbm>>) dst(%dma_wait3A_798 : memref<1x64xf32, #tpu.memory_space<vmem>>)
        %dma_wait3A_802 = arith.constant 0 : i32
        %dma_wait3A_803 = arith.constant 0 : i32
        %dma_wait3A_804 = tpu.memref_slice %arg10[%dma_wait3A_802, %dma_wait3A_803] : memref<256x64xf32, #tpu.memory_space<vmem>> -> memref<1x64xf32, #tpu.memory_space<vmem>>
        %dma_wait3A_805 = arith.constant 0 : i32
        %dma_wait3A_806 = arith.constant 0 : i32
        %dma_wait3A_807 = tpu.memref_slice %arg2[%dma_wait3A_805, %dma_wait3A_806] : memref<1000000x64xf32, #tpu.memory_space<hbm>> -> memref<1x64xf32, #tpu.memory_space<hbm>>
        %dma_wait3A_808 = arith.constant 0 : i32
        %dma_wait3A_809 = arith.constant 0 : i32
        %dma_wait3A_810 = tpu.memref_slice %arg10[%dma_wait3A_808, %dma_wait3A_809] : memref<256x64xf32, #tpu.memory_space<vmem>> -> memref<1x64xf32, #tpu.memory_space<vmem>>
        %dma_wait3A_811 = arith.constant 0 : i32
        %dma_wait3A_812 = arith.constant 0 : i32
        %dma_wait3A_813 = tpu.memref_slice %arg2[%dma_wait3A_811, %dma_wait3A_812] : memref<1000000x64xf32, #tpu.memory_space<hbm>> -> memref<1x64xf32, #tpu.memory_space<hbm>>
        tpu.wait_dma2 semaphore(%arg12 : memref<!tpu.dma_semaphore, #tpu.memory_space<semaphore_mem>>) src(%dma_wait3A_813 : memref<1x64xf32, #tpu.memory_space<hbm>>) dst(%dma_wait3A_810 : memref<1x64xf32, #tpu.memory_space<vmem>>)
        %dma_wait3A_814 = arith.constant 0 : i32
        %dma_wait3A_815 = arith.constant 0 : i32
        %dma_wait3A_816 = tpu.memref_slice %arg10[%dma_wait3A_814, %dma_wait3A_815] : memref<256x64xf32, #tpu.memory_space<vmem>> -> memref<1x64xf32, #tpu.memory_space<vmem>>
        %dma_wait3A_817 = arith.constant 0 : i32
        %dma_wait3A_818 = arith.constant 0 : i32
        %dma_wait3A_819 = tpu.memref_slice %arg2[%dma_wait3A_817, %dma_wait3A_818] : memref<1000000x64xf32, #tpu.memory_space<hbm>> -> memref<1x64xf32, #tpu.memory_space<hbm>>
        %dma_wait3A_820 = arith.constant 0 : i32
        %dma_wait3A_821 = arith.constant 0 : i32
        %dma_wait3A_822 = tpu.memref_slice %arg10[%dma_wait3A_820, %dma_wait3A_821] : memref<256x64xf32, #tpu.memory_space<vmem>> -> memref<1x64xf32, #tpu.memory_space<vmem>>
        %dma_wait3A_823 = arith.constant 0 : i32
        %dma_wait3A_824 = arith.constant 0 : i32
        %dma_wait3A_825 = tpu.memref_slice %arg2[%dma_wait3A_823, %dma_wait3A_824] : memref<1000000x64xf32, #tpu.memory_space<hbm>> -> memref<1x64xf32, #tpu.memory_space<hbm>>
        tpu.wait_dma2 semaphore(%arg12 : memref<!tpu.dma_semaphore, #tpu.memory_space<semaphore_mem>>) src(%dma_wait3A_825 : memref<1x64xf32, #tpu.memory_space<hbm>>) dst(%dma_wait3A_822 : memref<1x64xf32, #tpu.memory_space<vmem>>)
        %dma_wait3A_826 = arith.constant 0 : i32
        %dma_wait3A_827 = arith.constant 0 : i32
        %dma_wait3A_828 = tpu.memref_slice %arg10[%dma_wait3A_826, %dma_wait3A_827] : memref<256x64xf32, #tpu.memory_space<vmem>> -> memref<1x64xf32, #tpu.memory_space<vmem>>
        %dma_wait3A_829 = arith.constant 0 : i32
        %dma_wait3A_830 = arith.constant 0 : i32
        %dma_wait3A_831 = tpu.memref_slice %arg2[%dma_wait3A_829, %dma_wait3A_830] : memref<1000000x64xf32, #tpu.memory_space<hbm>> -> memref<1x64xf32, #tpu.memory_space<hbm>>
        %dma_wait3A_832 = arith.constant 0 : i32
        %dma_wait3A_833 = arith.constant 0 : i32
        %dma_wait3A_834 = tpu.memref_slice %arg10[%dma_wait3A_832, %dma_wait3A_833] : memref<256x64xf32, #tpu.memory_space<vmem>> -> memref<1x64xf32, #tpu.memory_space<vmem>>
        %dma_wait3A_835 = arith.constant 0 : i32
        %dma_wait3A_836 = arith.constant 0 : i32
        %dma_wait3A_837 = tpu.memref_slice %arg2[%dma_wait3A_835, %dma_wait3A_836] : memref<1000000x64xf32, #tpu.memory_space<hbm>> -> memref<1x64xf32, #tpu.memory_space<hbm>>
        tpu.wait_dma2 semaphore(%arg12 : memref<!tpu.dma_semaphore, #tpu.memory_space<semaphore_mem>>) src(%dma_wait3A_837 : memref<1x64xf32, #tpu.memory_space<hbm>>) dst(%dma_wait3A_834 : memref<1x64xf32, #tpu.memory_space<vmem>>)
        %dma_wait3A_838 = arith.constant 0 : i32
        %dma_wait3A_839 = arith.constant 0 : i32
        %dma_wait3A_840 = tpu.memref_slice %arg10[%dma_wait3A_838, %dma_wait3A_839] : memref<256x64xf32, #tpu.memory_space<vmem>> -> memref<1x64xf32, #tpu.memory_space<vmem>>
        %dma_wait3A_841 = arith.constant 0 : i32
        %dma_wait3A_842 = arith.constant 0 : i32
        %dma_wait3A_843 = tpu.memref_slice %arg2[%dma_wait3A_841, %dma_wait3A_842] : memref<1000000x64xf32, #tpu.memory_space<hbm>> -> memref<1x64xf32, #tpu.memory_space<hbm>>
        %dma_wait3A_844 = arith.constant 0 : i32
        %dma_wait3A_845 = arith.constant 0 : i32
        %dma_wait3A_846 = tpu.memref_slice %arg10[%dma_wait3A_844, %dma_wait3A_845] : memref<256x64xf32, #tpu.memory_space<vmem>> -> memref<1x64xf32, #tpu.memory_space<vmem>>
        %dma_wait3A_847 = arith.constant 0 : i32
        %dma_wait3A_848 = arith.constant 0 : i32
        %dma_wait3A_849 = tpu.memref_slice %arg2[%dma_wait3A_847, %dma_wait3A_848] : memref<1000000x64xf32, #tpu.memory_space<hbm>> -> memref<1x64xf32, #tpu.memory_space<hbm>>
        tpu.wait_dma2 semaphore(%arg12 : memref<!tpu.dma_semaphore, #tpu.memory_space<semaphore_mem>>) src(%dma_wait3A_849 : memref<1x64xf32, #tpu.memory_space<hbm>>) dst(%dma_wait3A_846 : memref<1x64xf32, #tpu.memory_space<vmem>>)
        %dma_wait3A_850 = arith.constant 0 : i32
        %dma_wait3A_851 = arith.constant 0 : i32
        %dma_wait3A_852 = tpu.memref_slice %arg10[%dma_wait3A_850, %dma_wait3A_851] : memref<256x64xf32, #tpu.memory_space<vmem>> -> memref<1x64xf32, #tpu.memory_space<vmem>>
        %dma_wait3A_853 = arith.constant 0 : i32
        %dma_wait3A_854 = arith.constant 0 : i32
        %dma_wait3A_855 = tpu.memref_slice %arg2[%dma_wait3A_853, %dma_wait3A_854] : memref<1000000x64xf32, #tpu.memory_space<hbm>> -> memref<1x64xf32, #tpu.memory_space<hbm>>
        %dma_wait3A_856 = arith.constant 0 : i32
        %dma_wait3A_857 = arith.constant 0 : i32
        %dma_wait3A_858 = tpu.memref_slice %arg10[%dma_wait3A_856, %dma_wait3A_857] : memref<256x64xf32, #tpu.memory_space<vmem>> -> memref<1x64xf32, #tpu.memory_space<vmem>>
        %dma_wait3A_859 = arith.constant 0 : i32
        %dma_wait3A_860 = arith.constant 0 : i32
        %dma_wait3A_861 = tpu.memref_slice %arg2[%dma_wait3A_859, %dma_wait3A_860] : memref<1000000x64xf32, #tpu.memory_space<hbm>> -> memref<1x64xf32, #tpu.memory_space<hbm>>
        tpu.wait_dma2 semaphore(%arg12 : memref<!tpu.dma_semaphore, #tpu.memory_space<semaphore_mem>>) src(%dma_wait3A_861 : memref<1x64xf32, #tpu.memory_space<hbm>>) dst(%dma_wait3A_858 : memref<1x64xf32, #tpu.memory_space<vmem>>)
        %dma_wait3A_862 = arith.constant 0 : i32
        %dma_wait3A_863 = arith.constant 0 : i32
        %dma_wait3A_864 = tpu.memref_slice %arg10[%dma_wait3A_862, %dma_wait3A_863] : memref<256x64xf32, #tpu.memory_space<vmem>> -> memref<1x64xf32, #tpu.memory_space<vmem>>
        %dma_wait3A_865 = arith.constant 0 : i32
        %dma_wait3A_866 = arith.constant 0 : i32
        %dma_wait3A_867 = tpu.memref_slice %arg2[%dma_wait3A_865, %dma_wait3A_866] : memref<1000000x64xf32, #tpu.memory_space<hbm>> -> memref<1x64xf32, #tpu.memory_space<hbm>>
        %dma_wait3A_868 = arith.constant 0 : i32
        %dma_wait3A_869 = arith.constant 0 : i32
        %dma_wait3A_870 = tpu.memref_slice %arg10[%dma_wait3A_868, %dma_wait3A_869] : memref<256x64xf32, #tpu.memory_space<vmem>> -> memref<1x64xf32, #tpu.memory_space<vmem>>
        %dma_wait3A_871 = arith.constant 0 : i32
        %dma_wait3A_872 = arith.constant 0 : i32
        %dma_wait3A_873 = tpu.memref_slice %arg2[%dma_wait3A_871, %dma_wait3A_872] : memref<1000000x64xf32, #tpu.memory_space<hbm>> -> memref<1x64xf32, #tpu.memory_space<hbm>>
        tpu.wait_dma2 semaphore(%arg12 : memref<!tpu.dma_semaphore, #tpu.memory_space<semaphore_mem>>) src(%dma_wait3A_873 : memref<1x64xf32, #tpu.memory_space<hbm>>) dst(%dma_wait3A_870 : memref<1x64xf32, #tpu.memory_space<vmem>>)
        %dma_wait3A_874 = arith.constant 0 : i32
        %dma_wait3A_875 = arith.constant 0 : i32
        %dma_wait3A_876 = tpu.memref_slice %arg10[%dma_wait3A_874, %dma_wait3A_875] : memref<256x64xf32, #tpu.memory_space<vmem>> -> memref<1x64xf32, #tpu.memory_space<vmem>>
        %dma_wait3A_877 = arith.constant 0 : i32
        %dma_wait3A_878 = arith.constant 0 : i32
        %dma_wait3A_879 = tpu.memref_slice %arg2[%dma_wait3A_877, %dma_wait3A_878] : memref<1000000x64xf32, #tpu.memory_space<hbm>> -> memref<1x64xf32, #tpu.memory_space<hbm>>
        %dma_wait3A_880 = arith.constant 0 : i32
        %dma_wait3A_881 = arith.constant 0 : i32
        %dma_wait3A_882 = tpu.memref_slice %arg10[%dma_wait3A_880, %dma_wait3A_881] : memref<256x64xf32, #tpu.memory_space<vmem>> -> memref<1x64xf32, #tpu.memory_space<vmem>>
        %dma_wait3A_883 = arith.constant 0 : i32
        %dma_wait3A_884 = arith.constant 0 : i32
        %dma_wait3A_885 = tpu.memref_slice %arg2[%dma_wait3A_883, %dma_wait3A_884] : memref<1000000x64xf32, #tpu.memory_space<hbm>> -> memref<1x64xf32, #tpu.memory_space<hbm>>
        tpu.wait_dma2 semaphore(%arg12 : memref<!tpu.dma_semaphore, #tpu.memory_space<semaphore_mem>>) src(%dma_wait3A_885 : memref<1x64xf32, #tpu.memory_space<hbm>>) dst(%dma_wait3A_882 : memref<1x64xf32, #tpu.memory_space<vmem>>)
      } else {
      }
    }
    %scan3A_12 = arith.constant 16 : i32
    %scan3A_13 = arith.constant 0 : i32
    %scan3A_14 = arith.constant 8 : i32
    %scan3A_15 = arith.addi %scan3A_13, %scan3A_14 : i32
    %scan3A_16 = arith.constant 1 : i32
    scf.for %scan3A_36 = %scan3A_13 to %scan3A_15 step %scan3A_16  : i32 {
      %mul3A_37 = arith.constant 1 : i32
      %mul3A_38 = arith.muli %scan3A_36, %mul3A_37 : i32
      %add3A_39 = arith.constant 0 : i32
      %add3A_40 = arith.addi %add3A_39, %mul3A_38 : i32
      %dma_wait3A_41 = arith.constant 0 : i32
      %dma_wait3A_42 = arith.constant 0 : i32
      %dma_wait3A_43 = tpu.memref_slice %arg10[%dma_wait3A_41, %dma_wait3A_42] : memref<256x64xf32, #tpu.memory_space<vmem>> -> memref<1x64xf32, #tpu.memory_space<vmem>>
      %dma_wait3A_44 = arith.constant 0 : i32
      %dma_wait3A_45 = arith.constant 0 : i32
      %dma_wait3A_46 = tpu.memref_slice %arg2[%dma_wait3A_44, %dma_wait3A_45] : memref<1000000x64xf32, #tpu.memory_space<hbm>> -> memref<1x64xf32, #tpu.memory_space<hbm>>
      %dma_wait3A_47 = arith.constant 0 : i32
      %dma_wait3A_48 = arith.constant 0 : i32
      %dma_wait3A_49 = tpu.memref_slice %arg10[%dma_wait3A_47, %dma_wait3A_48] : memref<256x64xf32, #tpu.memory_space<vmem>> -> memref<1x64xf32, #tpu.memory_space<vmem>>
      %dma_wait3A_50 = arith.constant 0 : i32
      %dma_wait3A_51 = arith.constant 0 : i32
      %dma_wait3A_52 = tpu.memref_slice %arg2[%dma_wait3A_50, %dma_wait3A_51] : memref<1000000x64xf32, #tpu.memory_space<hbm>> -> memref<1x64xf32, #tpu.memory_space<hbm>>
      tpu.wait_dma2 semaphore(%arg12 : memref<!tpu.dma_semaphore, #tpu.memory_space<semaphore_mem>>) src(%dma_wait3A_52 : memref<1x64xf32, #tpu.memory_space<hbm>>) dst(%dma_wait3A_49 : memref<1x64xf32, #tpu.memory_space<vmem>>)
      %dma_wait3A_53 = arith.constant 0 : i32
      %dma_wait3A_54 = arith.constant 0 : i32
      %dma_wait3A_55 = tpu.memref_slice %arg10[%dma_wait3A_53, %dma_wait3A_54] : memref<256x64xf32, #tpu.memory_space<vmem>> -> memref<1x64xf32, #tpu.memory_space<vmem>>
      %dma_wait3A_56 = arith.constant 0 : i32
      %dma_wait3A_57 = arith.constant 0 : i32
      %dma_wait3A_58 = tpu.memref_slice %arg2[%dma_wait3A_56, %dma_wait3A_57] : memref<1000000x64xf32, #tpu.memory_space<hbm>> -> memref<1x64xf32, #tpu.memory_space<hbm>>
      %dma_wait3A_59 = arith.constant 0 : i32
      %dma_wait3A_60 = arith.constant 0 : i32
      %dma_wait3A_61 = tpu.memref_slice %arg10[%dma_wait3A_59, %dma_wait3A_60] : memref<256x64xf32, #tpu.memory_space<vmem>> -> memref<1x64xf32, #tpu.memory_space<vmem>>
      %dma_wait3A_62 = arith.constant 0 : i32
      %dma_wait3A_63 = arith.constant 0 : i32
      %dma_wait3A_64 = tpu.memref_slice %arg2[%dma_wait3A_62, %dma_wait3A_63] : memref<1000000x64xf32, #tpu.memory_space<hbm>> -> memref<1x64xf32, #tpu.memory_space<hbm>>
      tpu.wait_dma2 semaphore(%arg12 : memref<!tpu.dma_semaphore, #tpu.memory_space<semaphore_mem>>) src(%dma_wait3A_64 : memref<1x64xf32, #tpu.memory_space<hbm>>) dst(%dma_wait3A_61 : memref<1x64xf32, #tpu.memory_space<vmem>>)
      %dma_wait3A_65 = arith.constant 0 : i32
      %dma_wait3A_66 = arith.constant 0 : i32
      %dma_wait3A_67 = tpu.memref_slice %arg10[%dma_wait3A_65, %dma_wait3A_66] : memref<256x64xf32, #tpu.memory_space<vmem>> -> memref<1x64xf32, #tpu.memory_space<vmem>>
      %dma_wait3A_68 = arith.constant 0 : i32
      %dma_wait3A_69 = arith.constant 0 : i32
      %dma_wait3A_70 = tpu.memref_slice %arg2[%dma_wait3A_68, %dma_wait3A_69] : memref<1000000x64xf32, #tpu.memory_space<hbm>> -> memref<1x64xf32, #tpu.memory_space<hbm>>
      %dma_wait3A_71 = arith.constant 0 : i32
      %dma_wait3A_72 = arith.constant 0 : i32
      %dma_wait3A_73 = tpu.memref_slice %arg10[%dma_wait3A_71, %dma_wait3A_72] : memref<256x64xf32, #tpu.memory_space<vmem>> -> memref<1x64xf32, #tpu.memory_space<vmem>>
      %dma_wait3A_74 = arith.constant 0 : i32
      %dma_wait3A_75 = arith.constant 0 : i32
      %dma_wait3A_76 = tpu.memref_slice %arg2[%dma_wait3A_74, %dma_wait3A_75] : memref<1000000x64xf32, #tpu.memory_space<hbm>> -> memref<1x64xf32, #tpu.memory_space<hbm>>
      tpu.wait_dma2 semaphore(%arg12 : memref<!tpu.dma_semaphore, #tpu.memory_space<semaphore_mem>>) src(%dma_wait3A_76 : memref<1x64xf32, #tpu.memory_space<hbm>>) dst(%dma_wait3A_73 : memref<1x64xf32, #tpu.memory_space<vmem>>)
      %dma_wait3A_77 = arith.constant 0 : i32
      %dma_wait3A_78 = arith.constant 0 : i32
      %dma_wait3A_79 = tpu.memref_slice %arg10[%dma_wait3A_77, %dma_wait3A_78] : memref<256x64xf32, #tpu.memory_space<vmem>> -> memref<1x64xf32, #tpu.memory_space<vmem>>
      %dma_wait3A_80 = arith.constant 0 : i32
      %dma_wait3A_81 = arith.constant 0 : i32
      %dma_wait3A_82 = tpu.memref_slice %arg2[%dma_wait3A_80, %dma_wait3A_81] : memref<1000000x64xf32, #tpu.memory_space<hbm>> -> memref<1x64xf32, #tpu.memory_space<hbm>>
      %dma_wait3A_83 = arith.constant 0 : i32
      %dma_wait3A_84 = arith.constant 0 : i32
      %dma_wait3A_85 = tpu.memref_slice %arg10[%dma_wait3A_83, %dma_wait3A_84] : memref<256x64xf32, #tpu.memory_space<vmem>> -> memref<1x64xf32, #tpu.memory_space<vmem>>
      %dma_wait3A_86 = arith.constant 0 : i32
      %dma_wait3A_87 = arith.constant 0 : i32
      %dma_wait3A_88 = tpu.memref_slice %arg2[%dma_wait3A_86, %dma_wait3A_87] : memref<1000000x64xf32, #tpu.memory_space<hbm>> -> memref<1x64xf32, #tpu.memory_space<hbm>>
      tpu.wait_dma2 semaphore(%arg12 : memref<!tpu.dma_semaphore, #tpu.memory_space<semaphore_mem>>) src(%dma_wait3A_88 : memref<1x64xf32, #tpu.memory_space<hbm>>) dst(%dma_wait3A_85 : memref<1x64xf32, #tpu.memory_space<vmem>>)
      %dma_wait3A_89 = arith.constant 0 : i32
      %dma_wait3A_90 = arith.constant 0 : i32
      %dma_wait3A_91 = tpu.memref_slice %arg10[%dma_wait3A_89, %dma_wait3A_90] : memref<256x64xf32, #tpu.memory_space<vmem>> -> memref<1x64xf32, #tpu.memory_space<vmem>>
      %dma_wait3A_92 = arith.constant 0 : i32
      %dma_wait3A_93 = arith.constant 0 : i32
      %dma_wait3A_94 = tpu.memref_slice %arg2[%dma_wait3A_92, %dma_wait3A_93] : memref<1000000x64xf32, #tpu.memory_space<hbm>> -> memref<1x64xf32, #tpu.memory_space<hbm>>
      %dma_wait3A_95 = arith.constant 0 : i32
      %dma_wait3A_96 = arith.constant 0 : i32
      %dma_wait3A_97 = tpu.memref_slice %arg10[%dma_wait3A_95, %dma_wait3A_96] : memref<256x64xf32, #tpu.memory_space<vmem>> -> memref<1x64xf32, #tpu.memory_space<vmem>>
      %dma_wait3A_98 = arith.constant 0 : i32
      %dma_wait3A_99 = arith.constant 0 : i32
      %dma_wait3A_100 = tpu.memref_slice %arg2[%dma_wait3A_98, %dma_wait3A_99] : memref<1000000x64xf32, #tpu.memory_space<hbm>> -> memref<1x64xf32, #tpu.memory_space<hbm>>
      tpu.wait_dma2 semaphore(%arg12 : memref<!tpu.dma_semaphore, #tpu.memory_space<semaphore_mem>>) src(%dma_wait3A_100 : memref<1x64xf32, #tpu.memory_space<hbm>>) dst(%dma_wait3A_97 : memref<1x64xf32, #tpu.memory_space<vmem>>)
      %dma_wait3A_101 = arith.constant 0 : i32
      %dma_wait3A_102 = arith.constant 0 : i32
      %dma_wait3A_103 = tpu.memref_slice %arg10[%dma_wait3A_101, %dma_wait3A_102] : memref<256x64xf32, #tpu.memory_space<vmem>> -> memref<1x64xf32, #tpu.memory_space<vmem>>
      %dma_wait3A_104 = arith.constant 0 : i32
      %dma_wait3A_105 = arith.constant 0 : i32
      %dma_wait3A_106 = tpu.memref_slice %arg2[%dma_wait3A_104, %dma_wait3A_105] : memref<1000000x64xf32, #tpu.memory_space<hbm>> -> memref<1x64xf32, #tpu.memory_space<hbm>>
      %dma_wait3A_107 = arith.constant 0 : i32
      %dma_wait3A_108 = arith.constant 0 : i32
      %dma_wait3A_109 = tpu.memref_slice %arg10[%dma_wait3A_107, %dma_wait3A_108] : memref<256x64xf32, #tpu.memory_space<vmem>> -> memref<1x64xf32, #tpu.memory_space<vmem>>
      %dma_wait3A_110 = arith.constant 0 : i32
      %dma_wait3A_111 = arith.constant 0 : i32
      %dma_wait3A_112 = tpu.memref_slice %arg2[%dma_wait3A_110, %dma_wait3A_111] : memref<1000000x64xf32, #tpu.memory_space<hbm>> -> memref<1x64xf32, #tpu.memory_space<hbm>>
      tpu.wait_dma2 semaphore(%arg12 : memref<!tpu.dma_semaphore, #tpu.memory_space<semaphore_mem>>) src(%dma_wait3A_112 : memref<1x64xf32, #tpu.memory_space<hbm>>) dst(%dma_wait3A_109 : memref<1x64xf32, #tpu.memory_space<vmem>>)
      %dma_wait3A_113 = arith.constant 0 : i32
      %dma_wait3A_114 = arith.constant 0 : i32
      %dma_wait3A_115 = tpu.memref_slice %arg10[%dma_wait3A_113, %dma_wait3A_114] : memref<256x64xf32, #tpu.memory_space<vmem>> -> memref<1x64xf32, #tpu.memory_space<vmem>>
      %dma_wait3A_116 = arith.constant 0 : i32
      %dma_wait3A_117 = arith.constant 0 : i32
      %dma_wait3A_118 = tpu.memref_slice %arg2[%dma_wait3A_116, %dma_wait3A_117] : memref<1000000x64xf32, #tpu.memory_space<hbm>> -> memref<1x64xf32, #tpu.memory_space<hbm>>
      %dma_wait3A_119 = arith.constant 0 : i32
      %dma_wait3A_120 = arith.constant 0 : i32
      %dma_wait3A_121 = tpu.memref_slice %arg10[%dma_wait3A_119, %dma_wait3A_120] : memref<256x64xf32, #tpu.memory_space<vmem>> -> memref<1x64xf32, #tpu.memory_space<vmem>>
      %dma_wait3A_122 = arith.constant 0 : i32
      %dma_wait3A_123 = arith.constant 0 : i32
      %dma_wait3A_124 = tpu.memref_slice %arg2[%dma_wait3A_122, %dma_wait3A_123] : memref<1000000x64xf32, #tpu.memory_space<hbm>> -> memref<1x64xf32, #tpu.memory_space<hbm>>
      tpu.wait_dma2 semaphore(%arg12 : memref<!tpu.dma_semaphore, #tpu.memory_space<semaphore_mem>>) src(%dma_wait3A_124 : memref<1x64xf32, #tpu.memory_space<hbm>>) dst(%dma_wait3A_121 : memref<1x64xf32, #tpu.memory_space<vmem>>)
      %dma_wait3A_125 = arith.constant 0 : i32
      %dma_wait3A_126 = arith.constant 0 : i32
      %dma_wait3A_127 = tpu.memref_slice %arg10[%dma_wait3A_125, %dma_wait3A_126] : memref<256x64xf32, #tpu.memory_space<vmem>> -> memref<1x64xf32, #tpu.memory_space<vmem>>
      %dma_wait3A_128 = arith.constant 0 : i32
      %dma_wait3A_129 = arith.constant 0 : i32
      %dma_wait3A_130 = tpu.memref_slice %arg2[%dma_wait3A_128, %dma_wait3A_129] : memref<1000000x64xf32, #tpu.memory_space<hbm>> -> memref<1x64xf32, #tpu.memory_space<hbm>>
      %dma_wait3A_131 = arith.constant 0 : i32
      %dma_wait3A_132 = arith.constant 0 : i32
      %dma_wait3A_133 = tpu.memref_slice %arg10[%dma_wait3A_131, %dma_wait3A_132] : memref<256x64xf32, #tpu.memory_space<vmem>> -> memref<1x64xf32, #tpu.memory_space<vmem>>
      %dma_wait3A_134 = arith.constant 0 : i32
      %dma_wait3A_135 = arith.constant 0 : i32
      %dma_wait3A_136 = tpu.memref_slice %arg2[%dma_wait3A_134, %dma_wait3A_135] : memref<1000000x64xf32, #tpu.memory_space<hbm>> -> memref<1x64xf32, #tpu.memory_space<hbm>>
      tpu.wait_dma2 semaphore(%arg12 : memref<!tpu.dma_semaphore, #tpu.memory_space<semaphore_mem>>) src(%dma_wait3A_136 : memref<1x64xf32, #tpu.memory_space<hbm>>) dst(%dma_wait3A_133 : memref<1x64xf32, #tpu.memory_space<vmem>>)
      %dma_wait3A_137 = arith.constant 0 : i32
      %dma_wait3A_138 = arith.constant 0 : i32
      %dma_wait3A_139 = tpu.memref_slice %arg10[%dma_wait3A_137, %dma_wait3A_138] : memref<256x64xf32, #tpu.memory_space<vmem>> -> memref<1x64xf32, #tpu.memory_space<vmem>>
      %dma_wait3A_140 = arith.constant 0 : i32
      %dma_wait3A_141 = arith.constant 0 : i32
      %dma_wait3A_142 = tpu.memref_slice %arg2[%dma_wait3A_140, %dma_wait3A_141] : memref<1000000x64xf32, #tpu.memory_space<hbm>> -> memref<1x64xf32, #tpu.memory_space<hbm>>
      %dma_wait3A_143 = arith.constant 0 : i32
      %dma_wait3A_144 = arith.constant 0 : i32
      %dma_wait3A_145 = tpu.memref_slice %arg10[%dma_wait3A_143, %dma_wait3A_144] : memref<256x64xf32, #tpu.memory_space<vmem>> -> memref<1x64xf32, #tpu.memory_space<vmem>>
      %dma_wait3A_146 = arith.constant 0 : i32
      %dma_wait3A_147 = arith.constant 0 : i32
      %dma_wait3A_148 = tpu.memref_slice %arg2[%dma_wait3A_146, %dma_wait3A_147] : memref<1000000x64xf32, #tpu.memory_space<hbm>> -> memref<1x64xf32, #tpu.memory_space<hbm>>
      tpu.wait_dma2 semaphore(%arg12 : memref<!tpu.dma_semaphore, #tpu.memory_space<semaphore_mem>>) src(%dma_wait3A_148 : memref<1x64xf32, #tpu.memory_space<hbm>>) dst(%dma_wait3A_145 : memref<1x64xf32, #tpu.memory_space<vmem>>)
      %dma_wait3A_149 = arith.constant 0 : i32
      %dma_wait3A_150 = arith.constant 0 : i32
      %dma_wait3A_151 = tpu.memref_slice %arg10[%dma_wait3A_149, %dma_wait3A_150] : memref<256x64xf32, #tpu.memory_space<vmem>> -> memref<1x64xf32, #tpu.memory_space<vmem>>
      %dma_wait3A_152 = arith.constant 0 : i32
      %dma_wait3A_153 = arith.constant 0 : i32
      %dma_wait3A_154 = tpu.memref_slice %arg2[%dma_wait3A_152, %dma_wait3A_153] : memref<1000000x64xf32, #tpu.memory_space<hbm>> -> memref<1x64xf32, #tpu.memory_space<hbm>>
      %dma_wait3A_155 = arith.constant 0 : i32
      %dma_wait3A_156 = arith.constant 0 : i32
      %dma_wait3A_157 = tpu.memref_slice %arg10[%dma_wait3A_155, %dma_wait3A_156] : memref<256x64xf32, #tpu.memory_space<vmem>> -> memref<1x64xf32, #tpu.memory_space<vmem>>
      %dma_wait3A_158 = arith.constant 0 : i32
      %dma_wait3A_159 = arith.constant 0 : i32
      %dma_wait3A_160 = tpu.memref_slice %arg2[%dma_wait3A_158, %dma_wait3A_159] : memref<1000000x64xf32, #tpu.memory_space<hbm>> -> memref<1x64xf32, #tpu.memory_space<hbm>>
      tpu.wait_dma2 semaphore(%arg12 : memref<!tpu.dma_semaphore, #tpu.memory_space<semaphore_mem>>) src(%dma_wait3A_160 : memref<1x64xf32, #tpu.memory_space<hbm>>) dst(%dma_wait3A_157 : memref<1x64xf32, #tpu.memory_space<vmem>>)
      %dma_wait3A_161 = arith.constant 0 : i32
      %dma_wait3A_162 = arith.constant 0 : i32
      %dma_wait3A_163 = tpu.memref_slice %arg10[%dma_wait3A_161, %dma_wait3A_162] : memref<256x64xf32, #tpu.memory_space<vmem>> -> memref<1x64xf32, #tpu.memory_space<vmem>>
      %dma_wait3A_164 = arith.constant 0 : i32
      %dma_wait3A_165 = arith.constant 0 : i32
      %dma_wait3A_166 = tpu.memref_slice %arg2[%dma_wait3A_164, %dma_wait3A_165] : memref<1000000x64xf32, #tpu.memory_space<hbm>> -> memref<1x64xf32, #tpu.memory_space<hbm>>
      %dma_wait3A_167 = arith.constant 0 : i32
      %dma_wait3A_168 = arith.constant 0 : i32
      %dma_wait3A_169 = tpu.memref_slice %arg10[%dma_wait3A_167, %dma_wait3A_168] : memref<256x64xf32, #tpu.memory_space<vmem>> -> memref<1x64xf32, #tpu.memory_space<vmem>>
      %dma_wait3A_170 = arith.constant 0 : i32
      %dma_wait3A_171 = arith.constant 0 : i32
      %dma_wait3A_172 = tpu.memref_slice %arg2[%dma_wait3A_170, %dma_wait3A_171] : memref<1000000x64xf32, #tpu.memory_space<hbm>> -> memref<1x64xf32, #tpu.memory_space<hbm>>
      tpu.wait_dma2 semaphore(%arg12 : memref<!tpu.dma_semaphore, #tpu.memory_space<semaphore_mem>>) src(%dma_wait3A_172 : memref<1x64xf32, #tpu.memory_space<hbm>>) dst(%dma_wait3A_169 : memref<1x64xf32, #tpu.memory_space<vmem>>)
      %dma_wait3A_173 = arith.constant 0 : i32
      %dma_wait3A_174 = arith.constant 0 : i32
      %dma_wait3A_175 = tpu.memref_slice %arg10[%dma_wait3A_173, %dma_wait3A_174] : memref<256x64xf32, #tpu.memory_space<vmem>> -> memref<1x64xf32, #tpu.memory_space<vmem>>
      %dma_wait3A_176 = arith.constant 0 : i32
      %dma_wait3A_177 = arith.constant 0 : i32
      %dma_wait3A_178 = tpu.memref_slice %arg2[%dma_wait3A_176, %dma_wait3A_177] : memref<1000000x64xf32, #tpu.memory_space<hbm>> -> memref<1x64xf32, #tpu.memory_space<hbm>>
      %dma_wait3A_179 = arith.constant 0 : i32
      %dma_wait3A_180 = arith.constant 0 : i32
      %dma_wait3A_181 = tpu.memref_slice %arg10[%dma_wait3A_179, %dma_wait3A_180] : memref<256x64xf32, #tpu.memory_space<vmem>> -> memref<1x64xf32, #tpu.memory_space<vmem>>
      %dma_wait3A_182 = arith.constant 0 : i32
      %dma_wait3A_183 = arith.constant 0 : i32
      %dma_wait3A_184 = tpu.memref_slice %arg2[%dma_wait3A_182, %dma_wait3A_183] : memref<1000000x64xf32, #tpu.memory_space<hbm>> -> memref<1x64xf32, #tpu.memory_space<hbm>>
      tpu.wait_dma2 semaphore(%arg12 : memref<!tpu.dma_semaphore, #tpu.memory_space<semaphore_mem>>) src(%dma_wait3A_184 : memref<1x64xf32, #tpu.memory_space<hbm>>) dst(%dma_wait3A_181 : memref<1x64xf32, #tpu.memory_space<vmem>>)
      %dma_wait3A_185 = arith.constant 0 : i32
      %dma_wait3A_186 = arith.constant 0 : i32
      %dma_wait3A_187 = tpu.memref_slice %arg10[%dma_wait3A_185, %dma_wait3A_186] : memref<256x64xf32, #tpu.memory_space<vmem>> -> memref<1x64xf32, #tpu.memory_space<vmem>>
      %dma_wait3A_188 = arith.constant 0 : i32
      %dma_wait3A_189 = arith.constant 0 : i32
      %dma_wait3A_190 = tpu.memref_slice %arg2[%dma_wait3A_188, %dma_wait3A_189] : memref<1000000x64xf32, #tpu.memory_space<hbm>> -> memref<1x64xf32, #tpu.memory_space<hbm>>
      %dma_wait3A_191 = arith.constant 0 : i32
      %dma_wait3A_192 = arith.constant 0 : i32
      %dma_wait3A_193 = tpu.memref_slice %arg10[%dma_wait3A_191, %dma_wait3A_192] : memref<256x64xf32, #tpu.memory_space<vmem>> -> memref<1x64xf32, #tpu.memory_space<vmem>>
      %dma_wait3A_194 = arith.constant 0 : i32
      %dma_wait3A_195 = arith.constant 0 : i32
      %dma_wait3A_196 = tpu.memref_slice %arg2[%dma_wait3A_194, %dma_wait3A_195] : memref<1000000x64xf32, #tpu.memory_space<hbm>> -> memref<1x64xf32, #tpu.memory_space<hbm>>
      tpu.wait_dma2 semaphore(%arg12 : memref<!tpu.dma_semaphore, #tpu.memory_space<semaphore_mem>>) src(%dma_wait3A_196 : memref<1x64xf32, #tpu.memory_space<hbm>>) dst(%dma_wait3A_193 : memref<1x64xf32, #tpu.memory_space<vmem>>)
      %dma_wait3A_197 = arith.constant 0 : i32
      %dma_wait3A_198 = arith.constant 0 : i32
      %dma_wait3A_199 = tpu.memref_slice %arg10[%dma_wait3A_197, %dma_wait3A_198] : memref<256x64xf32, #tpu.memory_space<vmem>> -> memref<1x64xf32, #tpu.memory_space<vmem>>
      %dma_wait3A_200 = arith.constant 0 : i32
      %dma_wait3A_201 = arith.constant 0 : i32
      %dma_wait3A_202 = tpu.memref_slice %arg2[%dma_wait3A_200, %dma_wait3A_201] : memref<1000000x64xf32, #tpu.memory_space<hbm>> -> memref<1x64xf32, #tpu.memory_space<hbm>>
      %dma_wait3A_203 = arith.constant 0 : i32
      %dma_wait3A_204 = arith.constant 0 : i32
      %dma_wait3A_205 = tpu.memref_slice %arg10[%dma_wait3A_203, %dma_wait3A_204] : memref<256x64xf32, #tpu.memory_space<vmem>> -> memref<1x64xf32, #tpu.memory_space<vmem>>
      %dma_wait3A_206 = arith.constant 0 : i32
      %dma_wait3A_207 = arith.constant 0 : i32
      %dma_wait3A_208 = tpu.memref_slice %arg2[%dma_wait3A_206, %dma_wait3A_207] : memref<1000000x64xf32, #tpu.memory_space<hbm>> -> memref<1x64xf32, #tpu.memory_space<hbm>>
      tpu.wait_dma2 semaphore(%arg12 : memref<!tpu.dma_semaphore, #tpu.memory_space<semaphore_mem>>) src(%dma_wait3A_208 : memref<1x64xf32, #tpu.memory_space<hbm>>) dst(%dma_wait3A_205 : memref<1x64xf32, #tpu.memory_space<vmem>>)
      %dma_wait3A_209 = arith.constant 0 : i32
      %dma_wait3A_210 = arith.constant 0 : i32
      %dma_wait3A_211 = tpu.memref_slice %arg10[%dma_wait3A_209, %dma_wait3A_210] : memref<256x64xf32, #tpu.memory_space<vmem>> -> memref<1x64xf32, #tpu.memory_space<vmem>>
      %dma_wait3A_212 = arith.constant 0 : i32
      %dma_wait3A_213 = arith.constant 0 : i32
      %dma_wait3A_214 = tpu.memref_slice %arg2[%dma_wait3A_212, %dma_wait3A_213] : memref<1000000x64xf32, #tpu.memory_space<hbm>> -> memref<1x64xf32, #tpu.memory_space<hbm>>
      %dma_wait3A_215 = arith.constant 0 : i32
      %dma_wait3A_216 = arith.constant 0 : i32
      %dma_wait3A_217 = tpu.memref_slice %arg10[%dma_wait3A_215, %dma_wait3A_216] : memref<256x64xf32, #tpu.memory_space<vmem>> -> memref<1x64xf32, #tpu.memory_space<vmem>>
      %dma_wait3A_218 = arith.constant 0 : i32
      %dma_wait3A_219 = arith.constant 0 : i32
      %dma_wait3A_220 = tpu.memref_slice %arg2[%dma_wait3A_218, %dma_wait3A_219] : memref<1000000x64xf32, #tpu.memory_space<hbm>> -> memref<1x64xf32, #tpu.memory_space<hbm>>
      tpu.wait_dma2 semaphore(%arg12 : memref<!tpu.dma_semaphore, #tpu.memory_space<semaphore_mem>>) src(%dma_wait3A_220 : memref<1x64xf32, #tpu.memory_space<hbm>>) dst(%dma_wait3A_217 : memref<1x64xf32, #tpu.memory_space<vmem>>)
      %dma_wait3A_221 = arith.constant 0 : i32
      %dma_wait3A_222 = arith.constant 0 : i32
      %dma_wait3A_223 = tpu.memref_slice %arg10[%dma_wait3A_221, %dma_wait3A_222] : memref<256x64xf32, #tpu.memory_space<vmem>> -> memref<1x64xf32, #tpu.memory_space<vmem>>
      %dma_wait3A_224 = arith.constant 0 : i32
      %dma_wait3A_225 = arith.constant 0 : i32
      %dma_wait3A_226 = tpu.memref_slice %arg2[%dma_wait3A_224, %dma_wait3A_225] : memref<1000000x64xf32, #tpu.memory_space<hbm>> -> memref<1x64xf32, #tpu.memory_space<hbm>>
      %dma_wait3A_227 = arith.constant 0 : i32
      %dma_wait3A_228 = arith.constant 0 : i32
      %dma_wait3A_229 = tpu.memref_slice %arg10[%dma_wait3A_227, %dma_wait3A_228] : memref<256x64xf32, #tpu.memory_space<vmem>> -> memref<1x64xf32, #tpu.memory_space<vmem>>
      %dma_wait3A_230 = arith.constant 0 : i32
      %dma_wait3A_231 = arith.constant 0 : i32
      %dma_wait3A_232 = tpu.memref_slice %arg2[%dma_wait3A_230, %dma_wait3A_231] : memref<1000000x64xf32, #tpu.memory_space<hbm>> -> memref<1x64xf32, #tpu.memory_space<hbm>>
      tpu.wait_dma2 semaphore(%arg12 : memref<!tpu.dma_semaphore, #tpu.memory_space<semaphore_mem>>) src(%dma_wait3A_232 : memref<1x64xf32, #tpu.memory_space<hbm>>) dst(%dma_wait3A_229 : memref<1x64xf32, #tpu.memory_space<vmem>>)
      %dma_wait3A_233 = arith.constant 0 : i32
      %dma_wait3A_234 = arith.constant 0 : i32
      %dma_wait3A_235 = tpu.memref_slice %arg10[%dma_wait3A_233, %dma_wait3A_234] : memref<256x64xf32, #tpu.memory_space<vmem>> -> memref<1x64xf32, #tpu.memory_space<vmem>>
      %dma_wait3A_236 = arith.constant 0 : i32
      %dma_wait3A_237 = arith.constant 0 : i32
      %dma_wait3A_238 = tpu.memref_slice %arg2[%dma_wait3A_236, %dma_wait3A_237] : memref<1000000x64xf32, #tpu.memory_space<hbm>> -> memref<1x64xf32, #tpu.memory_space<hbm>>
      %dma_wait3A_239 = arith.constant 0 : i32
      %dma_wait3A_240 = arith.constant 0 : i32
      %dma_wait3A_241 = tpu.memref_slice %arg10[%dma_wait3A_239, %dma_wait3A_240] : memref<256x64xf32, #tpu.memory_space<vmem>> -> memref<1x64xf32, #tpu.memory_space<vmem>>
      %dma_wait3A_242 = arith.constant 0 : i32
      %dma_wait3A_243 = arith.constant 0 : i32
      %dma_wait3A_244 = tpu.memref_slice %arg2[%dma_wait3A_242, %dma_wait3A_243] : memref<1000000x64xf32, #tpu.memory_space<hbm>> -> memref<1x64xf32, #tpu.memory_space<hbm>>
      tpu.wait_dma2 semaphore(%arg12 : memref<!tpu.dma_semaphore, #tpu.memory_space<semaphore_mem>>) src(%dma_wait3A_244 : memref<1x64xf32, #tpu.memory_space<hbm>>) dst(%dma_wait3A_241 : memref<1x64xf32, #tpu.memory_space<vmem>>)
      %dma_wait3A_245 = arith.constant 0 : i32
      %dma_wait3A_246 = arith.constant 0 : i32
      %dma_wait3A_247 = tpu.memref_slice %arg10[%dma_wait3A_245, %dma_wait3A_246] : memref<256x64xf32, #tpu.memory_space<vmem>> -> memref<1x64xf32, #tpu.memory_space<vmem>>
      %dma_wait3A_248 = arith.constant 0 : i32
      %dma_wait3A_249 = arith.constant 0 : i32
      %dma_wait3A_250 = tpu.memref_slice %arg2[%dma_wait3A_248, %dma_wait3A_249] : memref<1000000x64xf32, #tpu.memory_space<hbm>> -> memref<1x64xf32, #tpu.memory_space<hbm>>
      %dma_wait3A_251 = arith.constant 0 : i32
      %dma_wait3A_252 = arith.constant 0 : i32
      %dma_wait3A_253 = tpu.memref_slice %arg10[%dma_wait3A_251, %dma_wait3A_252] : memref<256x64xf32, #tpu.memory_space<vmem>> -> memref<1x64xf32, #tpu.memory_space<vmem>>
      %dma_wait3A_254 = arith.constant 0 : i32
      %dma_wait3A_255 = arith.constant 0 : i32
      %dma_wait3A_256 = tpu.memref_slice %arg2[%dma_wait3A_254, %dma_wait3A_255] : memref<1000000x64xf32, #tpu.memory_space<hbm>> -> memref<1x64xf32, #tpu.memory_space<hbm>>
      tpu.wait_dma2 semaphore(%arg12 : memref<!tpu.dma_semaphore, #tpu.memory_space<semaphore_mem>>) src(%dma_wait3A_256 : memref<1x64xf32, #tpu.memory_space<hbm>>) dst(%dma_wait3A_253 : memref<1x64xf32, #tpu.memory_space<vmem>>)
      %dma_wait3A_257 = arith.constant 0 : i32
      %dma_wait3A_258 = arith.constant 0 : i32
      %dma_wait3A_259 = tpu.memref_slice %arg10[%dma_wait3A_257, %dma_wait3A_258] : memref<256x64xf32, #tpu.memory_space<vmem>> -> memref<1x64xf32, #tpu.memory_space<vmem>>
      %dma_wait3A_260 = arith.constant 0 : i32
      %dma_wait3A_261 = arith.constant 0 : i32
      %dma_wait3A_262 = tpu.memref_slice %arg2[%dma_wait3A_260, %dma_wait3A_261] : memref<1000000x64xf32, #tpu.memory_space<hbm>> -> memref<1x64xf32, #tpu.memory_space<hbm>>
      %dma_wait3A_263 = arith.constant 0 : i32
      %dma_wait3A_264 = arith.constant 0 : i32
      %dma_wait3A_265 = tpu.memref_slice %arg10[%dma_wait3A_263, %dma_wait3A_264] : memref<256x64xf32, #tpu.memory_space<vmem>> -> memref<1x64xf32, #tpu.memory_space<vmem>>
      %dma_wait3A_266 = arith.constant 0 : i32
      %dma_wait3A_267 = arith.constant 0 : i32
      %dma_wait3A_268 = tpu.memref_slice %arg2[%dma_wait3A_266, %dma_wait3A_267] : memref<1000000x64xf32, #tpu.memory_space<hbm>> -> memref<1x64xf32, #tpu.memory_space<hbm>>
      tpu.wait_dma2 semaphore(%arg12 : memref<!tpu.dma_semaphore, #tpu.memory_space<semaphore_mem>>) src(%dma_wait3A_268 : memref<1x64xf32, #tpu.memory_space<hbm>>) dst(%dma_wait3A_265 : memref<1x64xf32, #tpu.memory_space<vmem>>)
      %dma_wait3A_269 = arith.constant 0 : i32
      %dma_wait3A_270 = arith.constant 0 : i32
      %dma_wait3A_271 = tpu.memref_slice %arg10[%dma_wait3A_269, %dma_wait3A_270] : memref<256x64xf32, #tpu.memory_space<vmem>> -> memref<1x64xf32, #tpu.memory_space<vmem>>
      %dma_wait3A_272 = arith.constant 0 : i32
      %dma_wait3A_273 = arith.constant 0 : i32
      %dma_wait3A_274 = tpu.memref_slice %arg2[%dma_wait3A_272, %dma_wait3A_273] : memref<1000000x64xf32, #tpu.memory_space<hbm>> -> memref<1x64xf32, #tpu.memory_space<hbm>>
      %dma_wait3A_275 = arith.constant 0 : i32
      %dma_wait3A_276 = arith.constant 0 : i32
      %dma_wait3A_277 = tpu.memref_slice %arg10[%dma_wait3A_275, %dma_wait3A_276] : memref<256x64xf32, #tpu.memory_space<vmem>> -> memref<1x64xf32, #tpu.memory_space<vmem>>
      %dma_wait3A_278 = arith.constant 0 : i32
      %dma_wait3A_279 = arith.constant 0 : i32
      %dma_wait3A_280 = tpu.memref_slice %arg2[%dma_wait3A_278, %dma_wait3A_279] : memref<1000000x64xf32, #tpu.memory_space<hbm>> -> memref<1x64xf32, #tpu.memory_space<hbm>>
      tpu.wait_dma2 semaphore(%arg12 : memref<!tpu.dma_semaphore, #tpu.memory_space<semaphore_mem>>) src(%dma_wait3A_280 : memref<1x64xf32, #tpu.memory_space<hbm>>) dst(%dma_wait3A_277 : memref<1x64xf32, #tpu.memory_space<vmem>>)
      %dma_wait3A_281 = arith.constant 0 : i32
      %dma_wait3A_282 = arith.constant 0 : i32
      %dma_wait3A_283 = tpu.memref_slice %arg10[%dma_wait3A_281, %dma_wait3A_282] : memref<256x64xf32, #tpu.memory_space<vmem>> -> memref<1x64xf32, #tpu.memory_space<vmem>>
      %dma_wait3A_284 = arith.constant 0 : i32
      %dma_wait3A_285 = arith.constant 0 : i32
      %dma_wait3A_286 = tpu.memref_slice %arg2[%dma_wait3A_284, %dma_wait3A_285] : memref<1000000x64xf32, #tpu.memory_space<hbm>> -> memref<1x64xf32, #tpu.memory_space<hbm>>
      %dma_wait3A_287 = arith.constant 0 : i32
      %dma_wait3A_288 = arith.constant 0 : i32
      %dma_wait3A_289 = tpu.memref_slice %arg10[%dma_wait3A_287, %dma_wait3A_288] : memref<256x64xf32, #tpu.memory_space<vmem>> -> memref<1x64xf32, #tpu.memory_space<vmem>>
      %dma_wait3A_290 = arith.constant 0 : i32
      %dma_wait3A_291 = arith.constant 0 : i32
      %dma_wait3A_292 = tpu.memref_slice %arg2[%dma_wait3A_290, %dma_wait3A_291] : memref<1000000x64xf32, #tpu.memory_space<hbm>> -> memref<1x64xf32, #tpu.memory_space<hbm>>
      tpu.wait_dma2 semaphore(%arg12 : memref<!tpu.dma_semaphore, #tpu.memory_space<semaphore_mem>>) src(%dma_wait3A_292 : memref<1x64xf32, #tpu.memory_space<hbm>>) dst(%dma_wait3A_289 : memref<1x64xf32, #tpu.memory_space<vmem>>)
      %dma_wait3A_293 = arith.constant 0 : i32
      %dma_wait3A_294 = arith.constant 0 : i32
      %dma_wait3A_295 = tpu.memref_slice %arg10[%dma_wait3A_293, %dma_wait3A_294] : memref<256x64xf32, #tpu.memory_space<vmem>> -> memref<1x64xf32, #tpu.memory_space<vmem>>
      %dma_wait3A_296 = arith.constant 0 : i32
      %dma_wait3A_297 = arith.constant 0 : i32
      %dma_wait3A_298 = tpu.memref_slice %arg2[%dma_wait3A_296, %dma_wait3A_297] : memref<1000000x64xf32, #tpu.memory_space<hbm>> -> memref<1x64xf32, #tpu.memory_space<hbm>>
      %dma_wait3A_299 = arith.constant 0 : i32
      %dma_wait3A_300 = arith.constant 0 : i32
      %dma_wait3A_301 = tpu.memref_slice %arg10[%dma_wait3A_299, %dma_wait3A_300] : memref<256x64xf32, #tpu.memory_space<vmem>> -> memref<1x64xf32, #tpu.memory_space<vmem>>
      %dma_wait3A_302 = arith.constant 0 : i32
      %dma_wait3A_303 = arith.constant 0 : i32
      %dma_wait3A_304 = tpu.memref_slice %arg2[%dma_wait3A_302, %dma_wait3A_303] : memref<1000000x64xf32, #tpu.memory_space<hbm>> -> memref<1x64xf32, #tpu.memory_space<hbm>>
      tpu.wait_dma2 semaphore(%arg12 : memref<!tpu.dma_semaphore, #tpu.memory_space<semaphore_mem>>) src(%dma_wait3A_304 : memref<1x64xf32, #tpu.memory_space<hbm>>) dst(%dma_wait3A_301 : memref<1x64xf32, #tpu.memory_space<vmem>>)
      %dma_wait3A_305 = arith.constant 0 : i32
      %dma_wait3A_306 = arith.constant 0 : i32
      %dma_wait3A_307 = tpu.memref_slice %arg10[%dma_wait3A_305, %dma_wait3A_306] : memref<256x64xf32, #tpu.memory_space<vmem>> -> memref<1x64xf32, #tpu.memory_space<vmem>>
      %dma_wait3A_308 = arith.constant 0 : i32
      %dma_wait3A_309 = arith.constant 0 : i32
      %dma_wait3A_310 = tpu.memref_slice %arg2[%dma_wait3A_308, %dma_wait3A_309] : memref<1000000x64xf32, #tpu.memory_space<hbm>> -> memref<1x64xf32, #tpu.memory_space<hbm>>
      %dma_wait3A_311 = arith.constant 0 : i32
      %dma_wait3A_312 = arith.constant 0 : i32
      %dma_wait3A_313 = tpu.memref_slice %arg10[%dma_wait3A_311, %dma_wait3A_312] : memref<256x64xf32, #tpu.memory_space<vmem>> -> memref<1x64xf32, #tpu.memory_space<vmem>>
      %dma_wait3A_314 = arith.constant 0 : i32
      %dma_wait3A_315 = arith.constant 0 : i32
      %dma_wait3A_316 = tpu.memref_slice %arg2[%dma_wait3A_314, %dma_wait3A_315] : memref<1000000x64xf32, #tpu.memory_space<hbm>> -> memref<1x64xf32, #tpu.memory_space<hbm>>
      tpu.wait_dma2 semaphore(%arg12 : memref<!tpu.dma_semaphore, #tpu.memory_space<semaphore_mem>>) src(%dma_wait3A_316 : memref<1x64xf32, #tpu.memory_space<hbm>>) dst(%dma_wait3A_313 : memref<1x64xf32, #tpu.memory_space<vmem>>)
      %dma_wait3A_317 = arith.constant 0 : i32
      %dma_wait3A_318 = arith.constant 0 : i32
      %dma_wait3A_319 = tpu.memref_slice %arg10[%dma_wait3A_317, %dma_wait3A_318] : memref<256x64xf32, #tpu.memory_space<vmem>> -> memref<1x64xf32, #tpu.memory_space<vmem>>
      %dma_wait3A_320 = arith.constant 0 : i32
      %dma_wait3A_321 = arith.constant 0 : i32
      %dma_wait3A_322 = tpu.memref_slice %arg2[%dma_wait3A_320, %dma_wait3A_321] : memref<1000000x64xf32, #tpu.memory_space<hbm>> -> memref<1x64xf32, #tpu.memory_space<hbm>>
      %dma_wait3A_323 = arith.constant 0 : i32
      %dma_wait3A_324 = arith.constant 0 : i32
      %dma_wait3A_325 = tpu.memref_slice %arg10[%dma_wait3A_323, %dma_wait3A_324] : memref<256x64xf32, #tpu.memory_space<vmem>> -> memref<1x64xf32, #tpu.memory_space<vmem>>
      %dma_wait3A_326 = arith.constant 0 : i32
      %dma_wait3A_327 = arith.constant 0 : i32
      %dma_wait3A_328 = tpu.memref_slice %arg2[%dma_wait3A_326, %dma_wait3A_327] : memref<1000000x64xf32, #tpu.memory_space<hbm>> -> memref<1x64xf32, #tpu.memory_space<hbm>>
      tpu.wait_dma2 semaphore(%arg12 : memref<!tpu.dma_semaphore, #tpu.memory_space<semaphore_mem>>) src(%dma_wait3A_328 : memref<1x64xf32, #tpu.memory_space<hbm>>) dst(%dma_wait3A_325 : memref<1x64xf32, #tpu.memory_space<vmem>>)
      %dma_wait3A_329 = arith.constant 0 : i32
      %dma_wait3A_330 = arith.constant 0 : i32
      %dma_wait3A_331 = tpu.memref_slice %arg10[%dma_wait3A_329, %dma_wait3A_330] : memref<256x64xf32, #tpu.memory_space<vmem>> -> memref<1x64xf32, #tpu.memory_space<vmem>>
      %dma_wait3A_332 = arith.constant 0 : i32
      %dma_wait3A_333 = arith.constant 0 : i32
      %dma_wait3A_334 = tpu.memref_slice %arg2[%dma_wait3A_332, %dma_wait3A_333] : memref<1000000x64xf32, #tpu.memory_space<hbm>> -> memref<1x64xf32, #tpu.memory_space<hbm>>
      %dma_wait3A_335 = arith.constant 0 : i32
      %dma_wait3A_336 = arith.constant 0 : i32
      %dma_wait3A_337 = tpu.memref_slice %arg10[%dma_wait3A_335, %dma_wait3A_336] : memref<256x64xf32, #tpu.memory_space<vmem>> -> memref<1x64xf32, #tpu.memory_space<vmem>>
      %dma_wait3A_338 = arith.constant 0 : i32
      %dma_wait3A_339 = arith.constant 0 : i32
      %dma_wait3A_340 = tpu.memref_slice %arg2[%dma_wait3A_338, %dma_wait3A_339] : memref<1000000x64xf32, #tpu.memory_space<hbm>> -> memref<1x64xf32, #tpu.memory_space<hbm>>
      tpu.wait_dma2 semaphore(%arg12 : memref<!tpu.dma_semaphore, #tpu.memory_space<semaphore_mem>>) src(%dma_wait3A_340 : memref<1x64xf32, #tpu.memory_space<hbm>>) dst(%dma_wait3A_337 : memref<1x64xf32, #tpu.memory_space<vmem>>)
      %dma_wait3A_341 = arith.constant 0 : i32
      %dma_wait3A_342 = arith.constant 0 : i32
      %dma_wait3A_343 = tpu.memref_slice %arg10[%dma_wait3A_341, %dma_wait3A_342] : memref<256x64xf32, #tpu.memory_space<vmem>> -> memref<1x64xf32, #tpu.memory_space<vmem>>
      %dma_wait3A_344 = arith.constant 0 : i32
      %dma_wait3A_345 = arith.constant 0 : i32
      %dma_wait3A_346 = tpu.memref_slice %arg2[%dma_wait3A_344, %dma_wait3A_345] : memref<1000000x64xf32, #tpu.memory_space<hbm>> -> memref<1x64xf32, #tpu.memory_space<hbm>>
      %dma_wait3A_347 = arith.constant 0 : i32
      %dma_wait3A_348 = arith.constant 0 : i32
      %dma_wait3A_349 = tpu.memref_slice %arg10[%dma_wait3A_347, %dma_wait3A_348] : memref<256x64xf32, #tpu.memory_space<vmem>> -> memref<1x64xf32, #tpu.memory_space<vmem>>
      %dma_wait3A_350 = arith.constant 0 : i32
      %dma_wait3A_351 = arith.constant 0 : i32
      %dma_wait3A_352 = tpu.memref_slice %arg2[%dma_wait3A_350, %dma_wait3A_351] : memref<1000000x64xf32, #tpu.memory_space<hbm>> -> memref<1x64xf32, #tpu.memory_space<hbm>>
      tpu.wait_dma2 semaphore(%arg12 : memref<!tpu.dma_semaphore, #tpu.memory_space<semaphore_mem>>) src(%dma_wait3A_352 : memref<1x64xf32, #tpu.memory_space<hbm>>) dst(%dma_wait3A_349 : memref<1x64xf32, #tpu.memory_space<vmem>>)
      %dma_wait3A_353 = arith.constant 0 : i32
      %dma_wait3A_354 = arith.constant 0 : i32
      %dma_wait3A_355 = tpu.memref_slice %arg10[%dma_wait3A_353, %dma_wait3A_354] : memref<256x64xf32, #tpu.memory_space<vmem>> -> memref<1x64xf32, #tpu.memory_space<vmem>>
      %dma_wait3A_356 = arith.constant 0 : i32
      %dma_wait3A_357 = arith.constant 0 : i32
      %dma_wait3A_358 = tpu.memref_slice %arg2[%dma_wait3A_356, %dma_wait3A_357] : memref<1000000x64xf32, #tpu.memory_space<hbm>> -> memref<1x64xf32, #tpu.memory_space<hbm>>
      %dma_wait3A_359 = arith.constant 0 : i32
      %dma_wait3A_360 = arith.constant 0 : i32
      %dma_wait3A_361 = tpu.memref_slice %arg10[%dma_wait3A_359, %dma_wait3A_360] : memref<256x64xf32, #tpu.memory_space<vmem>> -> memref<1x64xf32, #tpu.memory_space<vmem>>
      %dma_wait3A_362 = arith.constant 0 : i32
      %dma_wait3A_363 = arith.constant 0 : i32
      %dma_wait3A_364 = tpu.memref_slice %arg2[%dma_wait3A_362, %dma_wait3A_363] : memref<1000000x64xf32, #tpu.memory_space<hbm>> -> memref<1x64xf32, #tpu.memory_space<hbm>>
      tpu.wait_dma2 semaphore(%arg12 : memref<!tpu.dma_semaphore, #tpu.memory_space<semaphore_mem>>) src(%dma_wait3A_364 : memref<1x64xf32, #tpu.memory_space<hbm>>) dst(%dma_wait3A_361 : memref<1x64xf32, #tpu.memory_space<vmem>>)
      %dma_wait3A_365 = arith.constant 0 : i32
      %dma_wait3A_366 = arith.constant 0 : i32
      %dma_wait3A_367 = tpu.memref_slice %arg10[%dma_wait3A_365, %dma_wait3A_366] : memref<256x64xf32, #tpu.memory_space<vmem>> -> memref<1x64xf32, #tpu.memory_space<vmem>>
      %dma_wait3A_368 = arith.constant 0 : i32
      %dma_wait3A_369 = arith.constant 0 : i32
      %dma_wait3A_370 = tpu.memref_slice %arg2[%dma_wait3A_368, %dma_wait3A_369] : memref<1000000x64xf32, #tpu.memory_space<hbm>> -> memref<1x64xf32, #tpu.memory_space<hbm>>
      %dma_wait3A_371 = arith.constant 0 : i32
      %dma_wait3A_372 = arith.constant 0 : i32
      %dma_wait3A_373 = tpu.memref_slice %arg10[%dma_wait3A_371, %dma_wait3A_372] : memref<256x64xf32, #tpu.memory_space<vmem>> -> memref<1x64xf32, #tpu.memory_space<vmem>>
      %dma_wait3A_374 = arith.constant 0 : i32
      %dma_wait3A_375 = arith.constant 0 : i32
      %dma_wait3A_376 = tpu.memref_slice %arg2[%dma_wait3A_374, %dma_wait3A_375] : memref<1000000x64xf32, #tpu.memory_space<hbm>> -> memref<1x64xf32, #tpu.memory_space<hbm>>
      tpu.wait_dma2 semaphore(%arg12 : memref<!tpu.dma_semaphore, #tpu.memory_space<semaphore_mem>>) src(%dma_wait3A_376 : memref<1x64xf32, #tpu.memory_space<hbm>>) dst(%dma_wait3A_373 : memref<1x64xf32, #tpu.memory_space<vmem>>)
      %dma_wait3A_377 = arith.constant 0 : i32
      %dma_wait3A_378 = arith.constant 0 : i32
      %dma_wait3A_379 = tpu.memref_slice %arg10[%dma_wait3A_377, %dma_wait3A_378] : memref<256x64xf32, #tpu.memory_space<vmem>> -> memref<1x64xf32, #tpu.memory_space<vmem>>
      %dma_wait3A_380 = arith.constant 0 : i32
      %dma_wait3A_381 = arith.constant 0 : i32
      %dma_wait3A_382 = tpu.memref_slice %arg2[%dma_wait3A_380, %dma_wait3A_381] : memref<1000000x64xf32, #tpu.memory_space<hbm>> -> memref<1x64xf32, #tpu.memory_space<hbm>>
      %dma_wait3A_383 = arith.constant 0 : i32
      %dma_wait3A_384 = arith.constant 0 : i32
      %dma_wait3A_385 = tpu.memref_slice %arg10[%dma_wait3A_383, %dma_wait3A_384] : memref<256x64xf32, #tpu.memory_space<vmem>> -> memref<1x64xf32, #tpu.memory_space<vmem>>
      %dma_wait3A_386 = arith.constant 0 : i32
      %dma_wait3A_387 = arith.constant 0 : i32
      %dma_wait3A_388 = tpu.memref_slice %arg2[%dma_wait3A_386, %dma_wait3A_387] : memref<1000000x64xf32, #tpu.memory_space<hbm>> -> memref<1x64xf32, #tpu.memory_space<hbm>>
      tpu.wait_dma2 semaphore(%arg12 : memref<!tpu.dma_semaphore, #tpu.memory_space<semaphore_mem>>) src(%dma_wait3A_388 : memref<1x64xf32, #tpu.memory_space<hbm>>) dst(%dma_wait3A_385 : memref<1x64xf32, #tpu.memory_space<vmem>>)
      %dma_wait3A_389 = arith.constant 0 : i32
      %dma_wait3A_390 = arith.constant 0 : i32
      %dma_wait3A_391 = tpu.memref_slice %arg10[%dma_wait3A_389, %dma_wait3A_390] : memref<256x64xf32, #tpu.memory_space<vmem>> -> memref<1x64xf32, #tpu.memory_space<vmem>>
      %dma_wait3A_392 = arith.constant 0 : i32
      %dma_wait3A_393 = arith.constant 0 : i32
      %dma_wait3A_394 = tpu.memref_slice %arg2[%dma_wait3A_392, %dma_wait3A_393] : memref<1000000x64xf32, #tpu.memory_space<hbm>> -> memref<1x64xf32, #tpu.memory_space<hbm>>
      %dma_wait3A_395 = arith.constant 0 : i32
      %dma_wait3A_396 = arith.constant 0 : i32
      %dma_wait3A_397 = tpu.memref_slice %arg10[%dma_wait3A_395, %dma_wait3A_396] : memref<256x64xf32, #tpu.memory_space<vmem>> -> memref<1x64xf32, #tpu.memory_space<vmem>>
      %dma_wait3A_398 = arith.constant 0 : i32
      %dma_wait3A_399 = arith.constant 0 : i32
      %dma_wait3A_400 = tpu.memref_slice %arg2[%dma_wait3A_398, %dma_wait3A_399] : memref<1000000x64xf32, #tpu.memory_space<hbm>> -> memref<1x64xf32, #tpu.memory_space<hbm>>
      tpu.wait_dma2 semaphore(%arg12 : memref<!tpu.dma_semaphore, #tpu.memory_space<semaphore_mem>>) src(%dma_wait3A_400 : memref<1x64xf32, #tpu.memory_space<hbm>>) dst(%dma_wait3A_397 : memref<1x64xf32, #tpu.memory_space<vmem>>)
      %dma_wait3A_401 = arith.constant 0 : i32
      %dma_wait3A_402 = arith.constant 0 : i32
      %dma_wait3A_403 = tpu.memref_slice %arg10[%dma_wait3A_401, %dma_wait3A_402] : memref<256x64xf32, #tpu.memory_space<vmem>> -> memref<1x64xf32, #tpu.memory_space<vmem>>
      %dma_wait3A_404 = arith.constant 0 : i32
      %dma_wait3A_405 = arith.constant 0 : i32
      %dma_wait3A_406 = tpu.memref_slice %arg2[%dma_wait3A_404, %dma_wait3A_405] : memref<1000000x64xf32, #tpu.memory_space<hbm>> -> memref<1x64xf32, #tpu.memory_space<hbm>>
      %dma_wait3A_407 = arith.constant 0 : i32
      %dma_wait3A_408 = arith.constant 0 : i32
      %dma_wait3A_409 = tpu.memref_slice %arg10[%dma_wait3A_407, %dma_wait3A_408] : memref<256x64xf32, #tpu.memory_space<vmem>> -> memref<1x64xf32, #tpu.memory_space<vmem>>
      %dma_wait3A_410 = arith.constant 0 : i32
      %dma_wait3A_411 = arith.constant 0 : i32
      %dma_wait3A_412 = tpu.memref_slice %arg2[%dma_wait3A_410, %dma_wait3A_411] : memref<1000000x64xf32, #tpu.memory_space<hbm>> -> memref<1x64xf32, #tpu.memory_space<hbm>>
      tpu.wait_dma2 semaphore(%arg12 : memref<!tpu.dma_semaphore, #tpu.memory_space<semaphore_mem>>) src(%dma_wait3A_412 : memref<1x64xf32, #tpu.memory_space<hbm>>) dst(%dma_wait3A_409 : memref<1x64xf32, #tpu.memory_space<vmem>>)
      %dma_wait3A_413 = arith.constant 0 : i32
      %dma_wait3A_414 = arith.constant 0 : i32
      %dma_wait3A_415 = tpu.memref_slice %arg10[%dma_wait3A_413, %dma_wait3A_414] : memref<256x64xf32, #tpu.memory_space<vmem>> -> memref<1x64xf32, #tpu.memory_space<vmem>>
      %dma_wait3A_416 = arith.constant 0 : i32
      %dma_wait3A_417 = arith.constant 0 : i32
      %dma_wait3A_418 = tpu.memref_slice %arg2[%dma_wait3A_416, %dma_wait3A_417] : memref<1000000x64xf32, #tpu.memory_space<hbm>> -> memref<1x64xf32, #tpu.memory_space<hbm>>
      %dma_wait3A_419 = arith.constant 0 : i32
      %dma_wait3A_420 = arith.constant 0 : i32
      %dma_wait3A_421 = tpu.memref_slice %arg10[%dma_wait3A_419, %dma_wait3A_420] : memref<256x64xf32, #tpu.memory_space<vmem>> -> memref<1x64xf32, #tpu.memory_space<vmem>>
      %dma_wait3A_422 = arith.constant 0 : i32
      %dma_wait3A_423 = arith.constant 0 : i32
      %dma_wait3A_424 = tpu.memref_slice %arg2[%dma_wait3A_422, %dma_wait3A_423] : memref<1000000x64xf32, #tpu.memory_space<hbm>> -> memref<1x64xf32, #tpu.memory_space<hbm>>
      tpu.wait_dma2 semaphore(%arg12 : memref<!tpu.dma_semaphore, #tpu.memory_space<semaphore_mem>>) src(%dma_wait3A_424 : memref<1x64xf32, #tpu.memory_space<hbm>>) dst(%dma_wait3A_421 : memref<1x64xf32, #tpu.memory_space<vmem>>)
    }
    %scan3A_17 = arith.constant 8 : i32
    %add3A_18 = arith.constant 0 : i32
    %add3A_19 = arith.addi %mul3A_2, %add3A_18 : i32
    "tpu.region"() ({
      %run_scoped3A = tpu.sem_alloc : memref<!tpu.dma_semaphore, #tpu.memory_space<semaphore_mem>>
      %dma_start3A_36 = arith.constant 0 : i32
      %dma_start3A_37 = tpu.memref_slice %arg6[%add3A_19, %dma_start3A_36] : memref<16384x64xf32, #tpu.memory_space<hbm>> -> memref<256x64xf32, #tpu.memory_space<hbm>>
      %dma_start3A_38 = arith.constant 0 : i32
      %dma_start3A_39 = tpu.memref_slice %arg6[%add3A_19, %dma_start3A_38] : memref<16384x64xf32, #tpu.memory_space<hbm>> -> memref<256x64xf32, #tpu.memory_space<hbm>>
      tpu.enqueue_dma source(%arg10 : memref<256x64xf32, #tpu.memory_space<vmem>>) target(%dma_start3A_39 : memref<256x64xf32, #tpu.memory_space<hbm>>) target_semaphore(%run_scoped3A : memref<!tpu.dma_semaphore, #tpu.memory_space<semaphore_mem>>)
      %dma_wait3A_40 = arith.constant 0 : i32
      %dma_wait3A_41 = tpu.memref_slice %arg6[%add3A_19, %dma_wait3A_40] : memref<16384x64xf32, #tpu.memory_space<hbm>> -> memref<256x64xf32, #tpu.memory_space<hbm>>
      %dma_wait3A_42 = arith.constant 0 : i32
      %dma_wait3A_43 = tpu.memref_slice %arg6[%add3A_19, %dma_wait3A_42] : memref<16384x64xf32, #tpu.memory_space<hbm>> -> memref<256x64xf32, #tpu.memory_space<hbm>>
      tpu.wait_dma2 semaphore(%run_scoped3A : memref<!tpu.dma_semaphore, #tpu.memory_space<semaphore_mem>>) src(%arg10 : memref<256x64xf32, #tpu.memory_space<vmem>>) dst(%dma_wait3A_43 : memref<256x64xf32, #tpu.memory_space<hbm>>)
      tpu.yield
    }) : () -> ()
    %add3A_20 = arith.constant 0 : i32
    %add3A_21 = arith.addi %mul3A_2, %add3A_20 : i32
    "tpu.region"() ({
      %run_scoped3A = tpu.sem_alloc : memref<!tpu.dma_semaphore, #tpu.memory_space<semaphore_mem>>
      %dma_start3A_36 = arith.constant 0 : i32
      %dma_start3A_37 = tpu.memref_slice %arg7[%add3A_21, %dma_start3A_36] : memref<16384x64xf32, #tpu.memory_space<hbm>> -> memref<256x64xf32, #tpu.memory_space<hbm>>
      %dma_start3A_38 = arith.constant 0 : i32
      %dma_start3A_39 = tpu.memref_slice %arg7[%add3A_21, %dma_start3A_38] : memref<16384x64xf32, #tpu.memory_space<hbm>> -> memref<256x64xf32, #tpu.memory_space<hbm>>
      tpu.enqueue_dma source(%arg11 : memref<256x64xf32, #tpu.memory_space<vmem>>) target(%dma_start3A_39 : memref<256x64xf32, #tpu.memory_space<hbm>>) target_semaphore(%run_scoped3A : memref<!tpu.dma_semaphore, #tpu.memory_space<semaphore_mem>>)
      %dma_wait3A_40 = arith.constant 0 : i32
      %dma_wait3A_41 = tpu.memref_slice %arg7[%add3A_21, %dma_wait3A_40] : memref<16384x64xf32, #tpu.memory_space<hbm>> -> memref<256x64xf32, #tpu.memory_space<hbm>>
      %dma_wait3A_42 = arith.constant 0 : i32
      %dma_wait3A_43 = tpu.memref_slice %arg7[%add3A_21, %dma_wait3A_42] : memref<16384x64xf32, #tpu.memory_space<hbm>> -> memref<256x64xf32, #tpu.memory_space<hbm>>
      tpu.wait_dma2 semaphore(%run_scoped3A : memref<!tpu.dma_semaphore, #tpu.memory_space<semaphore_mem>>) src(%arg11 : memref<256x64xf32, #tpu.memory_space<vmem>>) dst(%dma_wait3A_43 : memref<256x64xf32, #tpu.memory_space<hbm>>)
      tpu.yield
    }) : () -> ()
    %scan3A_22 = arith.constant 0 : i32
    %scan3A_23 = arith.constant 16 : i32
    %scan3A_24 = arith.addi %scan3A_22, %scan3A_23 : i32
    %scan3A_25 = arith.constant 1 : i32
    scf.for %scan3A_36 = %scan3A_22 to %scan3A_24 step %scan3A_25  : i32 {
      %mul3A_37 = arith.constant 1 : i32
      %mul3A_38 = arith.muli %scan3A_36, %mul3A_37 : i32
      %add3A_39 = arith.constant 0 : i32
      %add3A_40 = arith.addi %add3A_39, %mul3A_38 : i32
      %mul3A_41 = arith.constant 16 : i32
      %mul3A_42 = arith.muli %add3A_40, %mul3A_41 : i32
      %add3A_43 = arith.constant 256 : i32
      %add3A_44 = arith.addi %add3A_43, %mul3A_42 : i32
      %get3A = arith.index_cast %add3A_44 : i32 to index
      %get3A_45 = tpu.vector_load %arg8[%get3A] {strides = array<i32>} : memref<512xi32, #tpu.memory_space<vmem>>, vector<16xi32>,
      %get3A_46 = vector.shape_cast %get3A_45 : vector<16xi32> to vector<16xi32>
      %slice3A = vector.extract_strided_slice %get3A_46 {offsets = [0], sizes = [1], strides = [1]} : vector<16xi32> to vector<1xi32>
      %squeeze3A = vector.extract %slice3A[0] : i32 from vector<1xi32>
      %mul3A_47 = arith.constant 16 : i32
      %mul3A_48 = arith.muli %add3A_40, %mul3A_47 : i32
      %add3A_49 = arith.constant 0 : i32
      %add3A_50 = arith.addi %mul3A_48, %add3A_49 : i32
      %dma_start3A_51 = arith.constant 0 : i32
      %dma_start3A_52 = tpu.memref_slice %arg10[%add3A_50, %dma_start3A_51] : memref<256x64xf32, #tpu.memory_space<vmem>> -> memref<1x64xf32, #tpu.memory_space<vmem>>
      %dma_start3A_53 = arith.constant 0 : i32
      %dma_start3A_54 = tpu.memref_slice %arg2[%squeeze3A, %dma_start3A_53] : memref<1000000x64xf32, #tpu.memory_space<hbm>> -> memref<1x64xf32, #tpu.memory_space<hbm>>
      %dma_start3A_55 = arith.constant 0 : i32
      %dma_start3A_56 = tpu.memref_slice %arg10[%add3A_50, %dma_start3A_55] : memref<256x64xf32, #tpu.memory_space<vmem>> -> memref<1x64xf32, #tpu.memory_space<vmem>>
      %dma_start3A_57 = arith.constant 0 : i32
      %dma_start3A_58 = tpu.memref_slice %arg2[%squeeze3A, %dma_start3A_57] : memref<1000000x64xf32, #tpu.memory_space<hbm>> -> memref<1x64xf32, #tpu.memory_space<hbm>>
      tpu.enqueue_dma source(%dma_start3A_58 : memref<1x64xf32, #tpu.memory_space<hbm>>) target(%dma_start3A_56 : memref<1x64xf32, #tpu.memory_space<vmem>>) target_semaphore(%arg12 : memref<!tpu.dma_semaphore, #tpu.memory_space<semaphore_mem>>)
      %slice3A_59 = vector.extract_strided_slice %get3A_46 {offsets = [1], sizes = [1], strides = [1]} : vector<16xi32> to vector<1xi32>
      %squeeze3A_60 = vector.extract %slice3A_59[0] : i32 from vector<1xi32>
      %mul3A_61 = arith.constant 16 : i32
      %mul3A_62 = arith.muli %add3A_40, %mul3A_61 : i32
      %add3A_63 = arith.constant 1 : i32
      %add3A_64 = arith.addi %mul3A_62, %add3A_63 : i32
      %dma_start3A_65 = arith.constant 0 : i32
      %dma_start3A_66 = tpu.memref_slice %arg10[%add3A_64, %dma_start3A_65] : memref<256x64xf32, #tpu.memory_space<vmem>> -> memref<1x64xf32, #tpu.memory_space<vmem>>
      %dma_start3A_67 = arith.constant 0 : i32
      %dma_start3A_68 = tpu.memref_slice %arg2[%squeeze3A_60, %dma_start3A_67] : memref<1000000x64xf32, #tpu.memory_space<hbm>> -> memref<1x64xf32, #tpu.memory_space<hbm>>
      %dma_start3A_69 = arith.constant 0 : i32
      %dma_start3A_70 = tpu.memref_slice %arg10[%add3A_64, %dma_start3A_69] : memref<256x64xf32, #tpu.memory_space<vmem>> -> memref<1x64xf32, #tpu.memory_space<vmem>>
      %dma_start3A_71 = arith.constant 0 : i32
      %dma_start3A_72 = tpu.memref_slice %arg2[%squeeze3A_60, %dma_start3A_71] : memref<1000000x64xf32, #tpu.memory_space<hbm>> -> memref<1x64xf32, #tpu.memory_space<hbm>>
      tpu.enqueue_dma source(%dma_start3A_72 : memref<1x64xf32, #tpu.memory_space<hbm>>) target(%dma_start3A_70 : memref<1x64xf32, #tpu.memory_space<vmem>>) target_semaphore(%arg12 : memref<!tpu.dma_semaphore, #tpu.memory_space<semaphore_mem>>)
      %slice3A_73 = vector.extract_strided_slice %get3A_46 {offsets = [2], sizes = [1], strides = [1]} : vector<16xi32> to vector<1xi32>
      %squeeze3A_74 = vector.extract %slice3A_73[0] : i32 from vector<1xi32>
      %mul3A_75 = arith.constant 16 : i32
      %mul3A_76 = arith.muli %add3A_40, %mul3A_75 : i32
      %add3A_77 = arith.constant 2 : i32
      %add3A_78 = arith.addi %mul3A_76, %add3A_77 : i32
      %dma_start3A_79 = arith.constant 0 : i32
      %dma_start3A_80 = tpu.memref_slice %arg10[%add3A_78, %dma_start3A_79] : memref<256x64xf32, #tpu.memory_space<vmem>> -> memref<1x64xf32, #tpu.memory_space<vmem>>
      %dma_start3A_81 = arith.constant 0 : i32
      %dma_start3A_82 = tpu.memref_slice %arg2[%squeeze3A_74, %dma_start3A_81] : memref<1000000x64xf32, #tpu.memory_space<hbm>> -> memref<1x64xf32, #tpu.memory_space<hbm>>
      %dma_start3A_83 = arith.constant 0 : i32
      %dma_start3A_84 = tpu.memref_slice %arg10[%add3A_78, %dma_start3A_83] : memref<256x64xf32, #tpu.memory_space<vmem>> -> memref<1x64xf32, #tpu.memory_space<vmem>>
      %dma_start3A_85 = arith.constant 0 : i32
      %dma_start3A_86 = tpu.memref_slice %arg2[%squeeze3A_74, %dma_start3A_85] : memref<1000000x64xf32, #tpu.memory_space<hbm>> -> memref<1x64xf32, #tpu.memory_space<hbm>>
      tpu.enqueue_dma source(%dma_start3A_86 : memref<1x64xf32, #tpu.memory_space<hbm>>) target(%dma_start3A_84 : memref<1x64xf32, #tpu.memory_space<vmem>>) target_semaphore(%arg12 : memref<!tpu.dma_semaphore, #tpu.memory_space<semaphore_mem>>)
      %slice3A_87 = vector.extract_strided_slice %get3A_46 {offsets = [3], sizes = [1], strides = [1]} : vector<16xi32> to vector<1xi32>
      %squeeze3A_88 = vector.extract %slice3A_87[0] : i32 from vector<1xi32>
      %mul3A_89 = arith.constant 16 : i32
      %mul3A_90 = arith.muli %add3A_40, %mul3A_89 : i32
      %add3A_91 = arith.constant 3 : i32
      %add3A_92 = arith.addi %mul3A_90, %add3A_91 : i32
      %dma_start3A_93 = arith.constant 0 : i32
      %dma_start3A_94 = tpu.memref_slice %arg10[%add3A_92, %dma_start3A_93] : memref<256x64xf32, #tpu.memory_space<vmem>> -> memref<1x64xf32, #tpu.memory_space<vmem>>
      %dma_start3A_95 = arith.constant 0 : i32
      %dma_start3A_96 = tpu.memref_slice %arg2[%squeeze3A_88, %dma_start3A_95] : memref<1000000x64xf32, #tpu.memory_space<hbm>> -> memref<1x64xf32, #tpu.memory_space<hbm>>
      %dma_start3A_97 = arith.constant 0 : i32
      %dma_start3A_98 = tpu.memref_slice %arg10[%add3A_92, %dma_start3A_97] : memref<256x64xf32, #tpu.memory_space<vmem>> -> memref<1x64xf32, #tpu.memory_space<vmem>>
      %dma_start3A_99 = arith.constant 0 : i32
      %dma_start3A_100 = tpu.memref_slice %arg2[%squeeze3A_88, %dma_start3A_99] : memref<1000000x64xf32, #tpu.memory_space<hbm>> -> memref<1x64xf32, #tpu.memory_space<hbm>>
      tpu.enqueue_dma source(%dma_start3A_100 : memref<1x64xf32, #tpu.memory_space<hbm>>) target(%dma_start3A_98 : memref<1x64xf32, #tpu.memory_space<vmem>>) target_semaphore(%arg12 : memref<!tpu.dma_semaphore, #tpu.memory_space<semaphore_mem>>)
      %slice3A_101 = vector.extract_strided_slice %get3A_46 {offsets = [4], sizes = [1], strides = [1]} : vector<16xi32> to vector<1xi32>
      %squeeze3A_102 = vector.extract %slice3A_101[0] : i32 from vector<1xi32>
      %mul3A_103 = arith.constant 16 : i32
      %mul3A_104 = arith.muli %add3A_40, %mul3A_103 : i32
      %add3A_105 = arith.constant 4 : i32
      %add3A_106 = arith.addi %mul3A_104, %add3A_105 : i32
      %dma_start3A_107 = arith.constant 0 : i32
      %dma_start3A_108 = tpu.memref_slice %arg10[%add3A_106, %dma_start3A_107] : memref<256x64xf32, #tpu.memory_space<vmem>> -> memref<1x64xf32, #tpu.memory_space<vmem>>
      %dma_start3A_109 = arith.constant 0 : i32
      %dma_start3A_110 = tpu.memref_slice %arg2[%squeeze3A_102, %dma_start3A_109] : memref<1000000x64xf32, #tpu.memory_space<hbm>> -> memref<1x64xf32, #tpu.memory_space<hbm>>
      %dma_start3A_111 = arith.constant 0 : i32
      %dma_start3A_112 = tpu.memref_slice %arg10[%add3A_106, %dma_start3A_111] : memref<256x64xf32, #tpu.memory_space<vmem>> -> memref<1x64xf32, #tpu.memory_space<vmem>>
      %dma_start3A_113 = arith.constant 0 : i32
      %dma_start3A_114 = tpu.memref_slice %arg2[%squeeze3A_102, %dma_start3A_113] : memref<1000000x64xf32, #tpu.memory_space<hbm>> -> memref<1x64xf32, #tpu.memory_space<hbm>>
      tpu.enqueue_dma source(%dma_start3A_114 : memref<1x64xf32, #tpu.memory_space<hbm>>) target(%dma_start3A_112 : memref<1x64xf32, #tpu.memory_space<vmem>>) target_semaphore(%arg12 : memref<!tpu.dma_semaphore, #tpu.memory_space<semaphore_mem>>)
      %slice3A_115 = vector.extract_strided_slice %get3A_46 {offsets = [5], sizes = [1], strides = [1]} : vector<16xi32> to vector<1xi32>
      %squeeze3A_116 = vector.extract %slice3A_115[0] : i32 from vector<1xi32>
      %mul3A_117 = arith.constant 16 : i32
      %mul3A_118 = arith.muli %add3A_40, %mul3A_117 : i32
      %add3A_119 = arith.constant 5 : i32
      %add3A_120 = arith.addi %mul3A_118, %add3A_119 : i32
      %dma_start3A_121 = arith.constant 0 : i32
      %dma_start3A_122 = tpu.memref_slice %arg10[%add3A_120, %dma_start3A_121] : memref<256x64xf32, #tpu.memory_space<vmem>> -> memref<1x64xf32, #tpu.memory_space<vmem>>
      %dma_start3A_123 = arith.constant 0 : i32
      %dma_start3A_124 = tpu.memref_slice %arg2[%squeeze3A_116, %dma_start3A_123] : memref<1000000x64xf32, #tpu.memory_space<hbm>> -> memref<1x64xf32, #tpu.memory_space<hbm>>
      %dma_start3A_125 = arith.constant 0 : i32
      %dma_start3A_126 = tpu.memref_slice %arg10[%add3A_120, %dma_start3A_125] : memref<256x64xf32, #tpu.memory_space<vmem>> -> memref<1x64xf32, #tpu.memory_space<vmem>>
      %dma_start3A_127 = arith.constant 0 : i32
      %dma_start3A_128 = tpu.memref_slice %arg2[%squeeze3A_116, %dma_start3A_127] : memref<1000000x64xf32, #tpu.memory_space<hbm>> -> memref<1x64xf32, #tpu.memory_space<hbm>>
      tpu.enqueue_dma source(%dma_start3A_128 : memref<1x64xf32, #tpu.memory_space<hbm>>) target(%dma_start3A_126 : memref<1x64xf32, #tpu.memory_space<vmem>>) target_semaphore(%arg12 : memref<!tpu.dma_semaphore, #tpu.memory_space<semaphore_mem>>)
      %slice3A_129 = vector.extract_strided_slice %get3A_46 {offsets = [6], sizes = [1], strides = [1]} : vector<16xi32> to vector<1xi32>
      %squeeze3A_130 = vector.extract %slice3A_129[0] : i32 from vector<1xi32>
      %mul3A_131 = arith.constant 16 : i32
      %mul3A_132 = arith.muli %add3A_40, %mul3A_131 : i32
      %add3A_133 = arith.constant 6 : i32
      %add3A_134 = arith.addi %mul3A_132, %add3A_133 : i32
      %dma_start3A_135 = arith.constant 0 : i32
      %dma_start3A_136 = tpu.memref_slice %arg10[%add3A_134, %dma_start3A_135] : memref<256x64xf32, #tpu.memory_space<vmem>> -> memref<1x64xf32, #tpu.memory_space<vmem>>
      %dma_start3A_137 = arith.constant 0 : i32
      %dma_start3A_138 = tpu.memref_slice %arg2[%squeeze3A_130, %dma_start3A_137] : memref<1000000x64xf32, #tpu.memory_space<hbm>> -> memref<1x64xf32, #tpu.memory_space<hbm>>
      %dma_start3A_139 = arith.constant 0 : i32
      %dma_start3A_140 = tpu.memref_slice %arg10[%add3A_134, %dma_start3A_139] : memref<256x64xf32, #tpu.memory_space<vmem>> -> memref<1x64xf32, #tpu.memory_space<vmem>>
      %dma_start3A_141 = arith.constant 0 : i32
      %dma_start3A_142 = tpu.memref_slice %arg2[%squeeze3A_130, %dma_start3A_141] : memref<1000000x64xf32, #tpu.memory_space<hbm>> -> memref<1x64xf32, #tpu.memory_space<hbm>>
      tpu.enqueue_dma source(%dma_start3A_142 : memref<1x64xf32, #tpu.memory_space<hbm>>) target(%dma_start3A_140 : memref<1x64xf32, #tpu.memory_space<vmem>>) target_semaphore(%arg12 : memref<!tpu.dma_semaphore, #tpu.memory_space<semaphore_mem>>)
      %slice3A_143 = vector.extract_strided_slice %get3A_46 {offsets = [7], sizes = [1], strides = [1]} : vector<16xi32> to vector<1xi32>
      %squeeze3A_144 = vector.extract %slice3A_143[0] : i32 from vector<1xi32>
      %mul3A_145 = arith.constant 16 : i32
      %mul3A_146 = arith.muli %add3A_40, %mul3A_145 : i32
      %add3A_147 = arith.constant 7 : i32
      %add3A_148 = arith.addi %mul3A_146, %add3A_147 : i32
      %dma_start3A_149 = arith.constant 0 : i32
      %dma_start3A_150 = tpu.memref_slice %arg10[%add3A_148, %dma_start3A_149] : memref<256x64xf32, #tpu.memory_space<vmem>> -> memref<1x64xf32, #tpu.memory_space<vmem>>
      %dma_start3A_151 = arith.constant 0 : i32
      %dma_start3A_152 = tpu.memref_slice %arg2[%squeeze3A_144, %dma_start3A_151] : memref<1000000x64xf32, #tpu.memory_space<hbm>> -> memref<1x64xf32, #tpu.memory_space<hbm>>
      %dma_start3A_153 = arith.constant 0 : i32
      %dma_start3A_154 = tpu.memref_slice %arg10[%add3A_148, %dma_start3A_153] : memref<256x64xf32, #tpu.memory_space<vmem>> -> memref<1x64xf32, #tpu.memory_space<vmem>>
      %dma_start3A_155 = arith.constant 0 : i32
      %dma_start3A_156 = tpu.memref_slice %arg2[%squeeze3A_144, %dma_start3A_155] : memref<1000000x64xf32, #tpu.memory_space<hbm>> -> memref<1x64xf32, #tpu.memory_space<hbm>>
      tpu.enqueue_dma source(%dma_start3A_156 : memref<1x64xf32, #tpu.memory_space<hbm>>) target(%dma_start3A_154 : memref<1x64xf32, #tpu.memory_space<vmem>>) target_semaphore(%arg12 : memref<!tpu.dma_semaphore, #tpu.memory_space<semaphore_mem>>)
      %slice3A_157 = vector.extract_strided_slice %get3A_46 {offsets = [8], sizes = [1], strides = [1]} : vector<16xi32> to vector<1xi32>
      %squeeze3A_158 = vector.extract %slice3A_157[0] : i32 from vector<1xi32>
      %mul3A_159 = arith.constant 16 : i32
      %mul3A_160 = arith.muli %add3A_40, %mul3A_159 : i32
      %add3A_161 = arith.constant 8 : i32
      %add3A_162 = arith.addi %mul3A_160, %add3A_161 : i32
      %dma_start3A_163 = arith.constant 0 : i32
      %dma_start3A_164 = tpu.memref_slice %arg10[%add3A_162, %dma_start3A_163] : memref<256x64xf32, #tpu.memory_space<vmem>> -> memref<1x64xf32, #tpu.memory_space<vmem>>
      %dma_start3A_165 = arith.constant 0 : i32
      %dma_start3A_166 = tpu.memref_slice %arg2[%squeeze3A_158, %dma_start3A_165] : memref<1000000x64xf32, #tpu.memory_space<hbm>> -> memref<1x64xf32, #tpu.memory_space<hbm>>
      %dma_start3A_167 = arith.constant 0 : i32
      %dma_start3A_168 = tpu.memref_slice %arg10[%add3A_162, %dma_start3A_167] : memref<256x64xf32, #tpu.memory_space<vmem>> -> memref<1x64xf32, #tpu.memory_space<vmem>>
      %dma_start3A_169 = arith.constant 0 : i32
      %dma_start3A_170 = tpu.memref_slice %arg2[%squeeze3A_158, %dma_start3A_169] : memref<1000000x64xf32, #tpu.memory_space<hbm>> -> memref<1x64xf32, #tpu.memory_space<hbm>>
      tpu.enqueue_dma source(%dma_start3A_170 : memref<1x64xf32, #tpu.memory_space<hbm>>) target(%dma_start3A_168 : memref<1x64xf32, #tpu.memory_space<vmem>>) target_semaphore(%arg12 : memref<!tpu.dma_semaphore, #tpu.memory_space<semaphore_mem>>)
      %slice3A_171 = vector.extract_strided_slice %get3A_46 {offsets = [9], sizes = [1], strides = [1]} : vector<16xi32> to vector<1xi32>
      %squeeze3A_172 = vector.extract %slice3A_171[0] : i32 from vector<1xi32>
      %mul3A_173 = arith.constant 16 : i32
      %mul3A_174 = arith.muli %add3A_40, %mul3A_173 : i32
      %add3A_175 = arith.constant 9 : i32
      %add3A_176 = arith.addi %mul3A_174, %add3A_175 : i32
      %dma_start3A_177 = arith.constant 0 : i32
      %dma_start3A_178 = tpu.memref_slice %arg10[%add3A_176, %dma_start3A_177] : memref<256x64xf32, #tpu.memory_space<vmem>> -> memref<1x64xf32, #tpu.memory_space<vmem>>
      %dma_start3A_179 = arith.constant 0 : i32
      %dma_start3A_180 = tpu.memref_slice %arg2[%squeeze3A_172, %dma_start3A_179] : memref<1000000x64xf32, #tpu.memory_space<hbm>> -> memref<1x64xf32, #tpu.memory_space<hbm>>
      %dma_start3A_181 = arith.constant 0 : i32
      %dma_start3A_182 = tpu.memref_slice %arg10[%add3A_176, %dma_start3A_181] : memref<256x64xf32, #tpu.memory_space<vmem>> -> memref<1x64xf32, #tpu.memory_space<vmem>>
      %dma_start3A_183 = arith.constant 0 : i32
      %dma_start3A_184 = tpu.memref_slice %arg2[%squeeze3A_172, %dma_start3A_183] : memref<1000000x64xf32, #tpu.memory_space<hbm>> -> memref<1x64xf32, #tpu.memory_space<hbm>>
      tpu.enqueue_dma source(%dma_start3A_184 : memref<1x64xf32, #tpu.memory_space<hbm>>) target(%dma_start3A_182 : memref<1x64xf32, #tpu.memory_space<vmem>>) target_semaphore(%arg12 : memref<!tpu.dma_semaphore, #tpu.memory_space<semaphore_mem>>)
      %slice3A_185 = vector.extract_strided_slice %get3A_46 {offsets = [10], sizes = [1], strides = [1]} : vector<16xi32> to vector<1xi32>
      %squeeze3A_186 = vector.extract %slice3A_185[0] : i32 from vector<1xi32>
      %mul3A_187 = arith.constant 16 : i32
      %mul3A_188 = arith.muli %add3A_40, %mul3A_187 : i32
      %add3A_189 = arith.constant 10 : i32
      %add3A_190 = arith.addi %mul3A_188, %add3A_189 : i32
      %dma_start3A_191 = arith.constant 0 : i32
      %dma_start3A_192 = tpu.memref_slice %arg10[%add3A_190, %dma_start3A_191] : memref<256x64xf32, #tpu.memory_space<vmem>> -> memref<1x64xf32, #tpu.memory_space<vmem>>
      %dma_start3A_193 = arith.constant 0 : i32
      %dma_start3A_194 = tpu.memref_slice %arg2[%squeeze3A_186, %dma_start3A_193] : memref<1000000x64xf32, #tpu.memory_space<hbm>> -> memref<1x64xf32, #tpu.memory_space<hbm>>
      %dma_start3A_195 = arith.constant 0 : i32
      %dma_start3A_196 = tpu.memref_slice %arg10[%add3A_190, %dma_start3A_195] : memref<256x64xf32, #tpu.memory_space<vmem>> -> memref<1x64xf32, #tpu.memory_space<vmem>>
      %dma_start3A_197 = arith.constant 0 : i32
      %dma_start3A_198 = tpu.memref_slice %arg2[%squeeze3A_186, %dma_start3A_197] : memref<1000000x64xf32, #tpu.memory_space<hbm>> -> memref<1x64xf32, #tpu.memory_space<hbm>>
      tpu.enqueue_dma source(%dma_start3A_198 : memref<1x64xf32, #tpu.memory_space<hbm>>) target(%dma_start3A_196 : memref<1x64xf32, #tpu.memory_space<vmem>>) target_semaphore(%arg12 : memref<!tpu.dma_semaphore, #tpu.memory_space<semaphore_mem>>)
      %slice3A_199 = vector.extract_strided_slice %get3A_46 {offsets = [11], sizes = [1], strides = [1]} : vector<16xi32> to vector<1xi32>
      %squeeze3A_200 = vector.extract %slice3A_199[0] : i32 from vector<1xi32>
      %mul3A_201 = arith.constant 16 : i32
      %mul3A_202 = arith.muli %add3A_40, %mul3A_201 : i32
      %add3A_203 = arith.constant 11 : i32
      %add3A_204 = arith.addi %mul3A_202, %add3A_203 : i32
      %dma_start3A_205 = arith.constant 0 : i32
      %dma_start3A_206 = tpu.memref_slice %arg10[%add3A_204, %dma_start3A_205] : memref<256x64xf32, #tpu.memory_space<vmem>> -> memref<1x64xf32, #tpu.memory_space<vmem>>
      %dma_start3A_207 = arith.constant 0 : i32
      %dma_start3A_208 = tpu.memref_slice %arg2[%squeeze3A_200, %dma_start3A_207] : memref<1000000x64xf32, #tpu.memory_space<hbm>> -> memref<1x64xf32, #tpu.memory_space<hbm>>
      %dma_start3A_209 = arith.constant 0 : i32
      %dma_start3A_210 = tpu.memref_slice %arg10[%add3A_204, %dma_start3A_209] : memref<256x64xf32, #tpu.memory_space<vmem>> -> memref<1x64xf32, #tpu.memory_space<vmem>>
      %dma_start3A_211 = arith.constant 0 : i32
      %dma_start3A_212 = tpu.memref_slice %arg2[%squeeze3A_200, %dma_start3A_211] : memref<1000000x64xf32, #tpu.memory_space<hbm>> -> memref<1x64xf32, #tpu.memory_space<hbm>>
      tpu.enqueue_dma source(%dma_start3A_212 : memref<1x64xf32, #tpu.memory_space<hbm>>) target(%dma_start3A_210 : memref<1x64xf32, #tpu.memory_space<vmem>>) target_semaphore(%arg12 : memref<!tpu.dma_semaphore, #tpu.memory_space<semaphore_mem>>)
      %slice3A_213 = vector.extract_strided_slice %get3A_46 {offsets = [12], sizes = [1], strides = [1]} : vector<16xi32> to vector<1xi32>
      %squeeze3A_214 = vector.extract %slice3A_213[0] : i32 from vector<1xi32>
      %mul3A_215 = arith.constant 16 : i32
      %mul3A_216 = arith.muli %add3A_40, %mul3A_215 : i32
      %add3A_217 = arith.constant 12 : i32
      %add3A_218 = arith.addi %mul3A_216, %add3A_217 : i32
      %dma_start3A_219 = arith.constant 0 : i32
      %dma_start3A_220 = tpu.memref_slice %arg10[%add3A_218, %dma_start3A_219] : memref<256x64xf32, #tpu.memory_space<vmem>> -> memref<1x64xf32, #tpu.memory_space<vmem>>
      %dma_start3A_221 = arith.constant 0 : i32
      %dma_start3A_222 = tpu.memref_slice %arg2[%squeeze3A_214, %dma_start3A_221] : memref<1000000x64xf32, #tpu.memory_space<hbm>> -> memref<1x64xf32, #tpu.memory_space<hbm>>
      %dma_start3A_223 = arith.constant 0 : i32
      %dma_start3A_224 = tpu.memref_slice %arg10[%add3A_218, %dma_start3A_223] : memref<256x64xf32, #tpu.memory_space<vmem>> -> memref<1x64xf32, #tpu.memory_space<vmem>>
      %dma_start3A_225 = arith.constant 0 : i32
      %dma_start3A_226 = tpu.memref_slice %arg2[%squeeze3A_214, %dma_start3A_225] : memref<1000000x64xf32, #tpu.memory_space<hbm>> -> memref<1x64xf32, #tpu.memory_space<hbm>>
      tpu.enqueue_dma source(%dma_start3A_226 : memref<1x64xf32, #tpu.memory_space<hbm>>) target(%dma_start3A_224 : memref<1x64xf32, #tpu.memory_space<vmem>>) target_semaphore(%arg12 : memref<!tpu.dma_semaphore, #tpu.memory_space<semaphore_mem>>)
      %slice3A_227 = vector.extract_strided_slice %get3A_46 {offsets = [13], sizes = [1], strides = [1]} : vector<16xi32> to vector<1xi32>
      %squeeze3A_228 = vector.extract %slice3A_227[0] : i32 from vector<1xi32>
      %mul3A_229 = arith.constant 16 : i32
      %mul3A_230 = arith.muli %add3A_40, %mul3A_229 : i32
      %add3A_231 = arith.constant 13 : i32
      %add3A_232 = arith.addi %mul3A_230, %add3A_231 : i32
      %dma_start3A_233 = arith.constant 0 : i32
      %dma_start3A_234 = tpu.memref_slice %arg10[%add3A_232, %dma_start3A_233] : memref<256x64xf32, #tpu.memory_space<vmem>> -> memref<1x64xf32, #tpu.memory_space<vmem>>
      %dma_start3A_235 = arith.constant 0 : i32
      %dma_start3A_236 = tpu.memref_slice %arg2[%squeeze3A_228, %dma_start3A_235] : memref<1000000x64xf32, #tpu.memory_space<hbm>> -> memref<1x64xf32, #tpu.memory_space<hbm>>
      %dma_start3A_237 = arith.constant 0 : i32
      %dma_start3A_238 = tpu.memref_slice %arg10[%add3A_232, %dma_start3A_237] : memref<256x64xf32, #tpu.memory_space<vmem>> -> memref<1x64xf32, #tpu.memory_space<vmem>>
      %dma_start3A_239 = arith.constant 0 : i32
      %dma_start3A_240 = tpu.memref_slice %arg2[%squeeze3A_228, %dma_start3A_239] : memref<1000000x64xf32, #tpu.memory_space<hbm>> -> memref<1x64xf32, #tpu.memory_space<hbm>>
      tpu.enqueue_dma source(%dma_start3A_240 : memref<1x64xf32, #tpu.memory_space<hbm>>) target(%dma_start3A_238 : memref<1x64xf32, #tpu.memory_space<vmem>>) target_semaphore(%arg12 : memref<!tpu.dma_semaphore, #tpu.memory_space<semaphore_mem>>)
      %slice3A_241 = vector.extract_strided_slice %get3A_46 {offsets = [14], sizes = [1], strides = [1]} : vector<16xi32> to vector<1xi32>
      %squeeze3A_242 = vector.extract %slice3A_241[0] : i32 from vector<1xi32>
      %mul3A_243 = arith.constant 16 : i32
      %mul3A_244 = arith.muli %add3A_40, %mul3A_243 : i32
      %add3A_245 = arith.constant 14 : i32
      %add3A_246 = arith.addi %mul3A_244, %add3A_245 : i32
      %dma_start3A_247 = arith.constant 0 : i32
      %dma_start3A_248 = tpu.memref_slice %arg10[%add3A_246, %dma_start3A_247] : memref<256x64xf32, #tpu.memory_space<vmem>> -> memref<1x64xf32, #tpu.memory_space<vmem>>
      %dma_start3A_249 = arith.constant 0 : i32
      %dma_start3A_250 = tpu.memref_slice %arg2[%squeeze3A_242, %dma_start3A_249] : memref<1000000x64xf32, #tpu.memory_space<hbm>> -> memref<1x64xf32, #tpu.memory_space<hbm>>
      %dma_start3A_251 = arith.constant 0 : i32
      %dma_start3A_252 = tpu.memref_slice %arg10[%add3A_246, %dma_start3A_251] : memref<256x64xf32, #tpu.memory_space<vmem>> -> memref<1x64xf32, #tpu.memory_space<vmem>>
      %dma_start3A_253 = arith.constant 0 : i32
      %dma_start3A_254 = tpu.memref_slice %arg2[%squeeze3A_242, %dma_start3A_253] : memref<1000000x64xf32, #tpu.memory_space<hbm>> -> memref<1x64xf32, #tpu.memory_space<hbm>>
      tpu.enqueue_dma source(%dma_start3A_254 : memref<1x64xf32, #tpu.memory_space<hbm>>) target(%dma_start3A_252 : memref<1x64xf32, #tpu.memory_space<vmem>>) target_semaphore(%arg12 : memref<!tpu.dma_semaphore, #tpu.memory_space<semaphore_mem>>)
      %slice3A_255 = vector.extract_strided_slice %get3A_46 {offsets = [15], sizes = [1], strides = [1]} : vector<16xi32> to vector<1xi32>
      %squeeze3A_256 = vector.extract %slice3A_255[0] : i32 from vector<1xi32>
      %mul3A_257 = arith.constant 16 : i32
      %mul3A_258 = arith.muli %add3A_40, %mul3A_257 : i32
      %add3A_259 = arith.constant 15 : i32
      %add3A_260 = arith.addi %mul3A_258, %add3A_259 : i32
      %dma_start3A_261 = arith.constant 0 : i32
      %dma_start3A_262 = tpu.memref_slice %arg10[%add3A_260, %dma_start3A_261] : memref<256x64xf32, #tpu.memory_space<vmem>> -> memref<1x64xf32, #tpu.memory_space<vmem>>
      %dma_start3A_263 = arith.constant 0 : i32
      %dma_start3A_264 = tpu.memref_slice %arg2[%squeeze3A_256, %dma_start3A_263] : memref<1000000x64xf32, #tpu.memory_space<hbm>> -> memref<1x64xf32, #tpu.memory_space<hbm>>
      %dma_start3A_265 = arith.constant 0 : i32
      %dma_start3A_266 = tpu.memref_slice %arg10[%add3A_260, %dma_start3A_265] : memref<256x64xf32, #tpu.memory_space<vmem>> -> memref<1x64xf32, #tpu.memory_space<vmem>>
      %dma_start3A_267 = arith.constant 0 : i32
      %dma_start3A_268 = tpu.memref_slice %arg2[%squeeze3A_256, %dma_start3A_267] : memref<1000000x64xf32, #tpu.memory_space<hbm>> -> memref<1x64xf32, #tpu.memory_space<hbm>>
      tpu.enqueue_dma source(%dma_start3A_268 : memref<1x64xf32, #tpu.memory_space<hbm>>) target(%dma_start3A_266 : memref<1x64xf32, #tpu.memory_space<vmem>>) target_semaphore(%arg12 : memref<!tpu.dma_semaphore, #tpu.memory_space<semaphore_mem>>)
      %mul3A_269 = arith.constant 16 : i32
      %mul3A_270 = arith.muli %add3A_40, %mul3A_269 : i32
      %add3A_271 = arith.constant 256 : i32
      %add3A_272 = arith.addi %add3A_271, %mul3A_270 : i32
      %get3A_273 = arith.index_cast %add3A_272 : i32 to index
      %get3A_274 = tpu.vector_load %arg9[%get3A_273] {strides = array<i32>} : memref<512xi32, #tpu.memory_space<vmem>>, vector<16xi32>,
      %get3A_275 = vector.shape_cast %get3A_274 : vector<16xi32> to vector<16xi32>
      %slice3A_276 = vector.extract_strided_slice %get3A_275 {offsets = [0], sizes = [1], strides = [1]} : vector<16xi32> to vector<1xi32>
      %squeeze3A_277 = vector.extract %slice3A_276[0] : i32 from vector<1xi32>
      %mul3A_278 = arith.constant 16 : i32
      %mul3A_279 = arith.muli %add3A_40, %mul3A_278 : i32
      %add3A_280 = arith.constant 0 : i32
      %add3A_281 = arith.addi %mul3A_279, %add3A_280 : i32
      %dma_start3A_282 = arith.constant 0 : i32
      %dma_start3A_283 = tpu.memref_slice %arg11[%add3A_281, %dma_start3A_282] : memref<256x64xf32, #tpu.memory_space<vmem>> -> memref<1x64xf32, #tpu.memory_space<vmem>>
      %dma_start3A_284 = arith.constant 0 : i32
      %dma_start3A_285 = tpu.memref_slice %arg3[%squeeze3A_277, %dma_start3A_284] : memref<100000x64xf32, #tpu.memory_space<hbm>> -> memref<1x64xf32, #tpu.memory_space<hbm>>
      %dma_start3A_286 = arith.constant 0 : i32
      %dma_start3A_287 = tpu.memref_slice %arg11[%add3A_281, %dma_start3A_286] : memref<256x64xf32, #tpu.memory_space<vmem>> -> memref<1x64xf32, #tpu.memory_space<vmem>>
      %dma_start3A_288 = arith.constant 0 : i32
      %dma_start3A_289 = tpu.memref_slice %arg3[%squeeze3A_277, %dma_start3A_288] : memref<100000x64xf32, #tpu.memory_space<hbm>> -> memref<1x64xf32, #tpu.memory_space<hbm>>
      tpu.enqueue_dma source(%dma_start3A_289 : memref<1x64xf32, #tpu.memory_space<hbm>>) target(%dma_start3A_287 : memref<1x64xf32, #tpu.memory_space<vmem>>) target_semaphore(%arg12 : memref<!tpu.dma_semaphore, #tpu.memory_space<semaphore_mem>>)
      %slice3A_290 = vector.extract_strided_slice %get3A_275 {offsets = [1], sizes = [1], strides = [1]} : vector<16xi32> to vector<1xi32>
      %squeeze3A_291 = vector.extract %slice3A_290[0] : i32 from vector<1xi32>
      %mul3A_292 = arith.constant 16 : i32
      %mul3A_293 = arith.muli %add3A_40, %mul3A_292 : i32
      %add3A_294 = arith.constant 1 : i32
      %add3A_295 = arith.addi %mul3A_293, %add3A_294 : i32
      %dma_start3A_296 = arith.constant 0 : i32
      %dma_start3A_297 = tpu.memref_slice %arg11[%add3A_295, %dma_start3A_296] : memref<256x64xf32, #tpu.memory_space<vmem>> -> memref<1x64xf32, #tpu.memory_space<vmem>>
      %dma_start3A_298 = arith.constant 0 : i32
      %dma_start3A_299 = tpu.memref_slice %arg3[%squeeze3A_291, %dma_start3A_298] : memref<100000x64xf32, #tpu.memory_space<hbm>> -> memref<1x64xf32, #tpu.memory_space<hbm>>
      %dma_start3A_300 = arith.constant 0 : i32
      %dma_start3A_301 = tpu.memref_slice %arg11[%add3A_295, %dma_start3A_300] : memref<256x64xf32, #tpu.memory_space<vmem>> -> memref<1x64xf32, #tpu.memory_space<vmem>>
      %dma_start3A_302 = arith.constant 0 : i32
      %dma_start3A_303 = tpu.memref_slice %arg3[%squeeze3A_291, %dma_start3A_302] : memref<100000x64xf32, #tpu.memory_space<hbm>> -> memref<1x64xf32, #tpu.memory_space<hbm>>
      tpu.enqueue_dma source(%dma_start3A_303 : memref<1x64xf32, #tpu.memory_space<hbm>>) target(%dma_start3A_301 : memref<1x64xf32, #tpu.memory_space<vmem>>) target_semaphore(%arg12 : memref<!tpu.dma_semaphore, #tpu.memory_space<semaphore_mem>>)
      %slice3A_304 = vector.extract_strided_slice %get3A_275 {offsets = [2], sizes = [1], strides = [1]} : vector<16xi32> to vector<1xi32>
      %squeeze3A_305 = vector.extract %slice3A_304[0] : i32 from vector<1xi32>
      %mul3A_306 = arith.constant 16 : i32
      %mul3A_307 = arith.muli %add3A_40, %mul3A_306 : i32
      %add3A_308 = arith.constant 2 : i32
      %add3A_309 = arith.addi %mul3A_307, %add3A_308 : i32
      %dma_start3A_310 = arith.constant 0 : i32
      %dma_start3A_311 = tpu.memref_slice %arg11[%add3A_309, %dma_start3A_310] : memref<256x64xf32, #tpu.memory_space<vmem>> -> memref<1x64xf32, #tpu.memory_space<vmem>>
      %dma_start3A_312 = arith.constant 0 : i32
      %dma_start3A_313 = tpu.memref_slice %arg3[%squeeze3A_305, %dma_start3A_312] : memref<100000x64xf32, #tpu.memory_space<hbm>> -> memref<1x64xf32, #tpu.memory_space<hbm>>
      %dma_start3A_314 = arith.constant 0 : i32
      %dma_start3A_315 = tpu.memref_slice %arg11[%add3A_309, %dma_start3A_314] : memref<256x64xf32, #tpu.memory_space<vmem>> -> memref<1x64xf32, #tpu.memory_space<vmem>>
      %dma_start3A_316 = arith.constant 0 : i32
      %dma_start3A_317 = tpu.memref_slice %arg3[%squeeze3A_305, %dma_start3A_316] : memref<100000x64xf32, #tpu.memory_space<hbm>> -> memref<1x64xf32, #tpu.memory_space<hbm>>
      tpu.enqueue_dma source(%dma_start3A_317 : memref<1x64xf32, #tpu.memory_space<hbm>>) target(%dma_start3A_315 : memref<1x64xf32, #tpu.memory_space<vmem>>) target_semaphore(%arg12 : memref<!tpu.dma_semaphore, #tpu.memory_space<semaphore_mem>>)
      %slice3A_318 = vector.extract_strided_slice %get3A_275 {offsets = [3], sizes = [1], strides = [1]} : vector<16xi32> to vector<1xi32>
      %squeeze3A_319 = vector.extract %slice3A_318[0] : i32 from vector<1xi32>
      %mul3A_320 = arith.constant 16 : i32
      %mul3A_321 = arith.muli %add3A_40, %mul3A_320 : i32
      %add3A_322 = arith.constant 3 : i32
      %add3A_323 = arith.addi %mul3A_321, %add3A_322 : i32
      %dma_start3A_324 = arith.constant 0 : i32
      %dma_start3A_325 = tpu.memref_slice %arg11[%add3A_323, %dma_start3A_324] : memref<256x64xf32, #tpu.memory_space<vmem>> -> memref<1x64xf32, #tpu.memory_space<vmem>>
      %dma_start3A_326 = arith.constant 0 : i32
      %dma_start3A_327 = tpu.memref_slice %arg3[%squeeze3A_319, %dma_start3A_326] : memref<100000x64xf32, #tpu.memory_space<hbm>> -> memref<1x64xf32, #tpu.memory_space<hbm>>
      %dma_start3A_328 = arith.constant 0 : i32
      %dma_start3A_329 = tpu.memref_slice %arg11[%add3A_323, %dma_start3A_328] : memref<256x64xf32, #tpu.memory_space<vmem>> -> memref<1x64xf32, #tpu.memory_space<vmem>>
      %dma_start3A_330 = arith.constant 0 : i32
      %dma_start3A_331 = tpu.memref_slice %arg3[%squeeze3A_319, %dma_start3A_330] : memref<100000x64xf32, #tpu.memory_space<hbm>> -> memref<1x64xf32, #tpu.memory_space<hbm>>
      tpu.enqueue_dma source(%dma_start3A_331 : memref<1x64xf32, #tpu.memory_space<hbm>>) target(%dma_start3A_329 : memref<1x64xf32, #tpu.memory_space<vmem>>) target_semaphore(%arg12 : memref<!tpu.dma_semaphore, #tpu.memory_space<semaphore_mem>>)
      %slice3A_332 = vector.extract_strided_slice %get3A_275 {offsets = [4], sizes = [1], strides = [1]} : vector<16xi32> to vector<1xi32>
      %squeeze3A_333 = vector.extract %slice3A_332[0] : i32 from vector<1xi32>
      %mul3A_334 = arith.constant 16 : i32
      %mul3A_335 = arith.muli %add3A_40, %mul3A_334 : i32
      %add3A_336 = arith.constant 4 : i32
      %add3A_337 = arith.addi %mul3A_335, %add3A_336 : i32
      %dma_start3A_338 = arith.constant 0 : i32
      %dma_start3A_339 = tpu.memref_slice %arg11[%add3A_337, %dma_start3A_338] : memref<256x64xf32, #tpu.memory_space<vmem>> -> memref<1x64xf32, #tpu.memory_space<vmem>>
      %dma_start3A_340 = arith.constant 0 : i32
      %dma_start3A_341 = tpu.memref_slice %arg3[%squeeze3A_333, %dma_start3A_340] : memref<100000x64xf32, #tpu.memory_space<hbm>> -> memref<1x64xf32, #tpu.memory_space<hbm>>
      %dma_start3A_342 = arith.constant 0 : i32
      %dma_start3A_343 = tpu.memref_slice %arg11[%add3A_337, %dma_start3A_342] : memref<256x64xf32, #tpu.memory_space<vmem>> -> memref<1x64xf32, #tpu.memory_space<vmem>>
      %dma_start3A_344 = arith.constant 0 : i32
      %dma_start3A_345 = tpu.memref_slice %arg3[%squeeze3A_333, %dma_start3A_344] : memref<100000x64xf32, #tpu.memory_space<hbm>> -> memref<1x64xf32, #tpu.memory_space<hbm>>
      tpu.enqueue_dma source(%dma_start3A_345 : memref<1x64xf32, #tpu.memory_space<hbm>>) target(%dma_start3A_343 : memref<1x64xf32, #tpu.memory_space<vmem>>) target_semaphore(%arg12 : memref<!tpu.dma_semaphore, #tpu.memory_space<semaphore_mem>>)
      %slice3A_346 = vector.extract_strided_slice %get3A_275 {offsets = [5], sizes = [1], strides = [1]} : vector<16xi32> to vector<1xi32>
      %squeeze3A_347 = vector.extract %slice3A_346[0] : i32 from vector<1xi32>
      %mul3A_348 = arith.constant 16 : i32
      %mul3A_349 = arith.muli %add3A_40, %mul3A_348 : i32
      %add3A_350 = arith.constant 5 : i32
      %add3A_351 = arith.addi %mul3A_349, %add3A_350 : i32
      %dma_start3A_352 = arith.constant 0 : i32
      %dma_start3A_353 = tpu.memref_slice %arg11[%add3A_351, %dma_start3A_352] : memref<256x64xf32, #tpu.memory_space<vmem>> -> memref<1x64xf32, #tpu.memory_space<vmem>>
      %dma_start3A_354 = arith.constant 0 : i32
      %dma_start3A_355 = tpu.memref_slice %arg3[%squeeze3A_347, %dma_start3A_354] : memref<100000x64xf32, #tpu.memory_space<hbm>> -> memref<1x64xf32, #tpu.memory_space<hbm>>
      %dma_start3A_356 = arith.constant 0 : i32
      %dma_start3A_357 = tpu.memref_slice %arg11[%add3A_351, %dma_start3A_356] : memref<256x64xf32, #tpu.memory_space<vmem>> -> memref<1x64xf32, #tpu.memory_space<vmem>>
      %dma_start3A_358 = arith.constant 0 : i32
      %dma_start3A_359 = tpu.memref_slice %arg3[%squeeze3A_347, %dma_start3A_358] : memref<100000x64xf32, #tpu.memory_space<hbm>> -> memref<1x64xf32, #tpu.memory_space<hbm>>
      tpu.enqueue_dma source(%dma_start3A_359 : memref<1x64xf32, #tpu.memory_space<hbm>>) target(%dma_start3A_357 : memref<1x64xf32, #tpu.memory_space<vmem>>) target_semaphore(%arg12 : memref<!tpu.dma_semaphore, #tpu.memory_space<semaphore_mem>>)
      %slice3A_360 = vector.extract_strided_slice %get3A_275 {offsets = [6], sizes = [1], strides = [1]} : vector<16xi32> to vector<1xi32>
      %squeeze3A_361 = vector.extract %slice3A_360[0] : i32 from vector<1xi32>
      %mul3A_362 = arith.constant 16 : i32
      %mul3A_363 = arith.muli %add3A_40, %mul3A_362 : i32
      %add3A_364 = arith.constant 6 : i32
      %add3A_365 = arith.addi %mul3A_363, %add3A_364 : i32
      %dma_start3A_366 = arith.constant 0 : i32
      %dma_start3A_367 = tpu.memref_slice %arg11[%add3A_365, %dma_start3A_366] : memref<256x64xf32, #tpu.memory_space<vmem>> -> memref<1x64xf32, #tpu.memory_space<vmem>>
      %dma_start3A_368 = arith.constant 0 : i32
      %dma_start3A_369 = tpu.memref_slice %arg3[%squeeze3A_361, %dma_start3A_368] : memref<100000x64xf32, #tpu.memory_space<hbm>> -> memref<1x64xf32, #tpu.memory_space<hbm>>
      %dma_start3A_370 = arith.constant 0 : i32
      %dma_start3A_371 = tpu.memref_slice %arg11[%add3A_365, %dma_start3A_370] : memref<256x64xf32, #tpu.memory_space<vmem>> -> memref<1x64xf32, #tpu.memory_space<vmem>>
      %dma_start3A_372 = arith.constant 0 : i32
      %dma_start3A_373 = tpu.memref_slice %arg3[%squeeze3A_361, %dma_start3A_372] : memref<100000x64xf32, #tpu.memory_space<hbm>> -> memref<1x64xf32, #tpu.memory_space<hbm>>
      tpu.enqueue_dma source(%dma_start3A_373 : memref<1x64xf32, #tpu.memory_space<hbm>>) target(%dma_start3A_371 : memref<1x64xf32, #tpu.memory_space<vmem>>) target_semaphore(%arg12 : memref<!tpu.dma_semaphore, #tpu.memory_space<semaphore_mem>>)
      %slice3A_374 = vector.extract_strided_slice %get3A_275 {offsets = [7], sizes = [1], strides = [1]} : vector<16xi32> to vector<1xi32>
      %squeeze3A_375 = vector.extract %slice3A_374[0] : i32 from vector<1xi32>
      %mul3A_376 = arith.constant 16 : i32
      %mul3A_377 = arith.muli %add3A_40, %mul3A_376 : i32
      %add3A_378 = arith.constant 7 : i32
      %add3A_379 = arith.addi %mul3A_377, %add3A_378 : i32
      %dma_start3A_380 = arith.constant 0 : i32
      %dma_start3A_381 = tpu.memref_slice %arg11[%add3A_379, %dma_start3A_380] : memref<256x64xf32, #tpu.memory_space<vmem>> -> memref<1x64xf32, #tpu.memory_space<vmem>>
      %dma_start3A_382 = arith.constant 0 : i32
      %dma_start3A_383 = tpu.memref_slice %arg3[%squeeze3A_375, %dma_start3A_382] : memref<100000x64xf32, #tpu.memory_space<hbm>> -> memref<1x64xf32, #tpu.memory_space<hbm>>
      %dma_start3A_384 = arith.constant 0 : i32
      %dma_start3A_385 = tpu.memref_slice %arg11[%add3A_379, %dma_start3A_384] : memref<256x64xf32, #tpu.memory_space<vmem>> -> memref<1x64xf32, #tpu.memory_space<vmem>>
      %dma_start3A_386 = arith.constant 0 : i32
      %dma_start3A_387 = tpu.memref_slice %arg3[%squeeze3A_375, %dma_start3A_386] : memref<100000x64xf32, #tpu.memory_space<hbm>> -> memref<1x64xf32, #tpu.memory_space<hbm>>
      tpu.enqueue_dma source(%dma_start3A_387 : memref<1x64xf32, #tpu.memory_space<hbm>>) target(%dma_start3A_385 : memref<1x64xf32, #tpu.memory_space<vmem>>) target_semaphore(%arg12 : memref<!tpu.dma_semaphore, #tpu.memory_space<semaphore_mem>>)
      %slice3A_388 = vector.extract_strided_slice %get3A_275 {offsets = [8], sizes = [1], strides = [1]} : vector<16xi32> to vector<1xi32>
      %squeeze3A_389 = vector.extract %slice3A_388[0] : i32 from vector<1xi32>
      %mul3A_390 = arith.constant 16 : i32
      %mul3A_391 = arith.muli %add3A_40, %mul3A_390 : i32
      %add3A_392 = arith.constant 8 : i32
      %add3A_393 = arith.addi %mul3A_391, %add3A_392 : i32
      %dma_start3A_394 = arith.constant 0 : i32
      %dma_start3A_395 = tpu.memref_slice %arg11[%add3A_393, %dma_start3A_394] : memref<256x64xf32, #tpu.memory_space<vmem>> -> memref<1x64xf32, #tpu.memory_space<vmem>>
      %dma_start3A_396 = arith.constant 0 : i32
      %dma_start3A_397 = tpu.memref_slice %arg3[%squeeze3A_389, %dma_start3A_396] : memref<100000x64xf32, #tpu.memory_space<hbm>> -> memref<1x64xf32, #tpu.memory_space<hbm>>
      %dma_start3A_398 = arith.constant 0 : i32
      %dma_start3A_399 = tpu.memref_slice %arg11[%add3A_393, %dma_start3A_398] : memref<256x64xf32, #tpu.memory_space<vmem>> -> memref<1x64xf32, #tpu.memory_space<vmem>>
      %dma_start3A_400 = arith.constant 0 : i32
      %dma_start3A_401 = tpu.memref_slice %arg3[%squeeze3A_389, %dma_start3A_400] : memref<100000x64xf32, #tpu.memory_space<hbm>> -> memref<1x64xf32, #tpu.memory_space<hbm>>
      tpu.enqueue_dma source(%dma_start3A_401 : memref<1x64xf32, #tpu.memory_space<hbm>>) target(%dma_start3A_399 : memref<1x64xf32, #tpu.memory_space<vmem>>) target_semaphore(%arg12 : memref<!tpu.dma_semaphore, #tpu.memory_space<semaphore_mem>>)
      %slice3A_402 = vector.extract_strided_slice %get3A_275 {offsets = [9], sizes = [1], strides = [1]} : vector<16xi32> to vector<1xi32>
      %squeeze3A_403 = vector.extract %slice3A_402[0] : i32 from vector<1xi32>
      %mul3A_404 = arith.constant 16 : i32
      %mul3A_405 = arith.muli %add3A_40, %mul3A_404 : i32
      %add3A_406 = arith.constant 9 : i32
      %add3A_407 = arith.addi %mul3A_405, %add3A_406 : i32
      %dma_start3A_408 = arith.constant 0 : i32
      %dma_start3A_409 = tpu.memref_slice %arg11[%add3A_407, %dma_start3A_408] : memref<256x64xf32, #tpu.memory_space<vmem>> -> memref<1x64xf32, #tpu.memory_space<vmem>>
      %dma_start3A_410 = arith.constant 0 : i32
      %dma_start3A_411 = tpu.memref_slice %arg3[%squeeze3A_403, %dma_start3A_410] : memref<100000x64xf32, #tpu.memory_space<hbm>> -> memref<1x64xf32, #tpu.memory_space<hbm>>
      %dma_start3A_412 = arith.constant 0 : i32
      %dma_start3A_413 = tpu.memref_slice %arg11[%add3A_407, %dma_start3A_412] : memref<256x64xf32, #tpu.memory_space<vmem>> -> memref<1x64xf32, #tpu.memory_space<vmem>>
      %dma_start3A_414 = arith.constant 0 : i32
      %dma_start3A_415 = tpu.memref_slice %arg3[%squeeze3A_403, %dma_start3A_414] : memref<100000x64xf32, #tpu.memory_space<hbm>> -> memref<1x64xf32, #tpu.memory_space<hbm>>
      tpu.enqueue_dma source(%dma_start3A_415 : memref<1x64xf32, #tpu.memory_space<hbm>>) target(%dma_start3A_413 : memref<1x64xf32, #tpu.memory_space<vmem>>) target_semaphore(%arg12 : memref<!tpu.dma_semaphore, #tpu.memory_space<semaphore_mem>>)
      %slice3A_416 = vector.extract_strided_slice %get3A_275 {offsets = [10], sizes = [1], strides = [1]} : vector<16xi32> to vector<1xi32>
      %squeeze3A_417 = vector.extract %slice3A_416[0] : i32 from vector<1xi32>
      %mul3A_418 = arith.constant 16 : i32
      %mul3A_419 = arith.muli %add3A_40, %mul3A_418 : i32
      %add3A_420 = arith.constant 10 : i32
      %add3A_421 = arith.addi %mul3A_419, %add3A_420 : i32
      %dma_start3A_422 = arith.constant 0 : i32
      %dma_start3A_423 = tpu.memref_slice %arg11[%add3A_421, %dma_start3A_422] : memref<256x64xf32, #tpu.memory_space<vmem>> -> memref<1x64xf32, #tpu.memory_space<vmem>>
      %dma_start3A_424 = arith.constant 0 : i32
      %dma_start3A_425 = tpu.memref_slice %arg3[%squeeze3A_417, %dma_start3A_424] : memref<100000x64xf32, #tpu.memory_space<hbm>> -> memref<1x64xf32, #tpu.memory_space<hbm>>
      %dma_start3A_426 = arith.constant 0 : i32
      %dma_start3A_427 = tpu.memref_slice %arg11[%add3A_421, %dma_start3A_426] : memref<256x64xf32, #tpu.memory_space<vmem>> -> memref<1x64xf32, #tpu.memory_space<vmem>>
      %dma_start3A_428 = arith.constant 0 : i32
      %dma_start3A_429 = tpu.memref_slice %arg3[%squeeze3A_417, %dma_start3A_428] : memref<100000x64xf32, #tpu.memory_space<hbm>> -> memref<1x64xf32, #tpu.memory_space<hbm>>
      tpu.enqueue_dma source(%dma_start3A_429 : memref<1x64xf32, #tpu.memory_space<hbm>>) target(%dma_start3A_427 : memref<1x64xf32, #tpu.memory_space<vmem>>) target_semaphore(%arg12 : memref<!tpu.dma_semaphore, #tpu.memory_space<semaphore_mem>>)
      %slice3A_430 = vector.extract_strided_slice %get3A_275 {offsets = [11], sizes = [1], strides = [1]} : vector<16xi32> to vector<1xi32>
      %squeeze3A_431 = vector.extract %slice3A_430[0] : i32 from vector<1xi32>
      %mul3A_432 = arith.constant 16 : i32
      %mul3A_433 = arith.muli %add3A_40, %mul3A_432 : i32
      %add3A_434 = arith.constant 11 : i32
      %add3A_435 = arith.addi %mul3A_433, %add3A_434 : i32
      %dma_start3A_436 = arith.constant 0 : i32
      %dma_start3A_437 = tpu.memref_slice %arg11[%add3A_435, %dma_start3A_436] : memref<256x64xf32, #tpu.memory_space<vmem>> -> memref<1x64xf32, #tpu.memory_space<vmem>>
      %dma_start3A_438 = arith.constant 0 : i32
      %dma_start3A_439 = tpu.memref_slice %arg3[%squeeze3A_431, %dma_start3A_438] : memref<100000x64xf32, #tpu.memory_space<hbm>> -> memref<1x64xf32, #tpu.memory_space<hbm>>
      %dma_start3A_440 = arith.constant 0 : i32
      %dma_start3A_441 = tpu.memref_slice %arg11[%add3A_435, %dma_start3A_440] : memref<256x64xf32, #tpu.memory_space<vmem>> -> memref<1x64xf32, #tpu.memory_space<vmem>>
      %dma_start3A_442 = arith.constant 0 : i32
      %dma_start3A_443 = tpu.memref_slice %arg3[%squeeze3A_431, %dma_start3A_442] : memref<100000x64xf32, #tpu.memory_space<hbm>> -> memref<1x64xf32, #tpu.memory_space<hbm>>
      tpu.enqueue_dma source(%dma_start3A_443 : memref<1x64xf32, #tpu.memory_space<hbm>>) target(%dma_start3A_441 : memref<1x64xf32, #tpu.memory_space<vmem>>) target_semaphore(%arg12 : memref<!tpu.dma_semaphore, #tpu.memory_space<semaphore_mem>>)
      %slice3A_444 = vector.extract_strided_slice %get3A_275 {offsets = [12], sizes = [1], strides = [1]} : vector<16xi32> to vector<1xi32>
      %squeeze3A_445 = vector.extract %slice3A_444[0] : i32 from vector<1xi32>
      %mul3A_446 = arith.constant 16 : i32
      %mul3A_447 = arith.muli %add3A_40, %mul3A_446 : i32
      %add3A_448 = arith.constant 12 : i32
      %add3A_449 = arith.addi %mul3A_447, %add3A_448 : i32
      %dma_start3A_450 = arith.constant 0 : i32
      %dma_start3A_451 = tpu.memref_slice %arg11[%add3A_449, %dma_start3A_450] : memref<256x64xf32, #tpu.memory_space<vmem>> -> memref<1x64xf32, #tpu.memory_space<vmem>>
      %dma_start3A_452 = arith.constant 0 : i32
      %dma_start3A_453 = tpu.memref_slice %arg3[%squeeze3A_445, %dma_start3A_452] : memref<100000x64xf32, #tpu.memory_space<hbm>> -> memref<1x64xf32, #tpu.memory_space<hbm>>
      %dma_start3A_454 = arith.constant 0 : i32
      %dma_start3A_455 = tpu.memref_slice %arg11[%add3A_449, %dma_start3A_454] : memref<256x64xf32, #tpu.memory_space<vmem>> -> memref<1x64xf32, #tpu.memory_space<vmem>>
      %dma_start3A_456 = arith.constant 0 : i32
      %dma_start3A_457 = tpu.memref_slice %arg3[%squeeze3A_445, %dma_start3A_456] : memref<100000x64xf32, #tpu.memory_space<hbm>> -> memref<1x64xf32, #tpu.memory_space<hbm>>
      tpu.enqueue_dma source(%dma_start3A_457 : memref<1x64xf32, #tpu.memory_space<hbm>>) target(%dma_start3A_455 : memref<1x64xf32, #tpu.memory_space<vmem>>) target_semaphore(%arg12 : memref<!tpu.dma_semaphore, #tpu.memory_space<semaphore_mem>>)
      %slice3A_458 = vector.extract_strided_slice %get3A_275 {offsets = [13], sizes = [1], strides = [1]} : vector<16xi32> to vector<1xi32>
      %squeeze3A_459 = vector.extract %slice3A_458[0] : i32 from vector<1xi32>
      %mul3A_460 = arith.constant 16 : i32
      %mul3A_461 = arith.muli %add3A_40, %mul3A_460 : i32
      %add3A_462 = arith.constant 13 : i32
      %add3A_463 = arith.addi %mul3A_461, %add3A_462 : i32
      %dma_start3A_464 = arith.constant 0 : i32
      %dma_start3A_465 = tpu.memref_slice %arg11[%add3A_463, %dma_start3A_464] : memref<256x64xf32, #tpu.memory_space<vmem>> -> memref<1x64xf32, #tpu.memory_space<vmem>>
      %dma_start3A_466 = arith.constant 0 : i32
      %dma_start3A_467 = tpu.memref_slice %arg3[%squeeze3A_459, %dma_start3A_466] : memref<100000x64xf32, #tpu.memory_space<hbm>> -> memref<1x64xf32, #tpu.memory_space<hbm>>
      %dma_start3A_468 = arith.constant 0 : i32
      %dma_start3A_469 = tpu.memref_slice %arg11[%add3A_463, %dma_start3A_468] : memref<256x64xf32, #tpu.memory_space<vmem>> -> memref<1x64xf32, #tpu.memory_space<vmem>>
      %dma_start3A_470 = arith.constant 0 : i32
      %dma_start3A_471 = tpu.memref_slice %arg3[%squeeze3A_459, %dma_start3A_470] : memref<100000x64xf32, #tpu.memory_space<hbm>> -> memref<1x64xf32, #tpu.memory_space<hbm>>
      tpu.enqueue_dma source(%dma_start3A_471 : memref<1x64xf32, #tpu.memory_space<hbm>>) target(%dma_start3A_469 : memref<1x64xf32, #tpu.memory_space<vmem>>) target_semaphore(%arg12 : memref<!tpu.dma_semaphore, #tpu.memory_space<semaphore_mem>>)
      %slice3A_472 = vector.extract_strided_slice %get3A_275 {offsets = [14], sizes = [1], strides = [1]} : vector<16xi32> to vector<1xi32>
      %squeeze3A_473 = vector.extract %slice3A_472[0] : i32 from vector<1xi32>
      %mul3A_474 = arith.constant 16 : i32
      %mul3A_475 = arith.muli %add3A_40, %mul3A_474 : i32
      %add3A_476 = arith.constant 14 : i32
      %add3A_477 = arith.addi %mul3A_475, %add3A_476 : i32
      %dma_start3A_478 = arith.constant 0 : i32
      %dma_start3A_479 = tpu.memref_slice %arg11[%add3A_477, %dma_start3A_478] : memref<256x64xf32, #tpu.memory_space<vmem>> -> memref<1x64xf32, #tpu.memory_space<vmem>>
      %dma_start3A_480 = arith.constant 0 : i32
      %dma_start3A_481 = tpu.memref_slice %arg3[%squeeze3A_473, %dma_start3A_480] : memref<100000x64xf32, #tpu.memory_space<hbm>> -> memref<1x64xf32, #tpu.memory_space<hbm>>
      %dma_start3A_482 = arith.constant 0 : i32
      %dma_start3A_483 = tpu.memref_slice %arg11[%add3A_477, %dma_start3A_482] : memref<256x64xf32, #tpu.memory_space<vmem>> -> memref<1x64xf32, #tpu.memory_space<vmem>>
      %dma_start3A_484 = arith.constant 0 : i32
      %dma_start3A_485 = tpu.memref_slice %arg3[%squeeze3A_473, %dma_start3A_484] : memref<100000x64xf32, #tpu.memory_space<hbm>> -> memref<1x64xf32, #tpu.memory_space<hbm>>
      tpu.enqueue_dma source(%dma_start3A_485 : memref<1x64xf32, #tpu.memory_space<hbm>>) target(%dma_start3A_483 : memref<1x64xf32, #tpu.memory_space<vmem>>) target_semaphore(%arg12 : memref<!tpu.dma_semaphore, #tpu.memory_space<semaphore_mem>>)
      %slice3A_486 = vector.extract_strided_slice %get3A_275 {offsets = [15], sizes = [1], strides = [1]} : vector<16xi32> to vector<1xi32>
      %squeeze3A_487 = vector.extract %slice3A_486[0] : i32 from vector<1xi32>
      %mul3A_488 = arith.constant 16 : i32
      %mul3A_489 = arith.muli %add3A_40, %mul3A_488 : i32
      %add3A_490 = arith.constant 15 : i32
      %add3A_491 = arith.addi %mul3A_489, %add3A_490 : i32
      %dma_start3A_492 = arith.constant 0 : i32
      %dma_start3A_493 = tpu.memref_slice %arg11[%add3A_491, %dma_start3A_492] : memref<256x64xf32, #tpu.memory_space<vmem>> -> memref<1x64xf32, #tpu.memory_space<vmem>>
      %dma_start3A_494 = arith.constant 0 : i32
      %dma_start3A_495 = tpu.memref_slice %arg3[%squeeze3A_487, %dma_start3A_494] : memref<100000x64xf32, #tpu.memory_space<hbm>> -> memref<1x64xf32, #tpu.memory_space<hbm>>
      %dma_start3A_496 = arith.constant 0 : i32
      %dma_start3A_497 = tpu.memref_slice %arg11[%add3A_491, %dma_start3A_496] : memref<256x64xf32, #tpu.memory_space<vmem>> -> memref<1x64xf32, #tpu.memory_space<vmem>>
      %dma_start3A_498 = arith.constant 0 : i32
      %dma_start3A_499 = tpu.memref_slice %arg3[%squeeze3A_487, %dma_start3A_498] : memref<100000x64xf32, #tpu.memory_space<hbm>> -> memref<1x64xf32, #tpu.memory_space<hbm>>
      tpu.enqueue_dma source(%dma_start3A_499 : memref<1x64xf32, #tpu.memory_space<hbm>>) target(%dma_start3A_497 : memref<1x64xf32, #tpu.memory_space<vmem>>) target_semaphore(%arg12 : memref<!tpu.dma_semaphore, #tpu.memory_space<semaphore_mem>>)
      %ge3A = arith.constant 8 : i32
      %ge3A_500 = arith.cmpi sge, %add3A_40, %ge3A : i32
      %convert_element_type3A = arith.extui %ge3A_500 : i1 to i32
      %cond3A = arith.constant 0 : i32
      %cond3A_501 = arith.cmpi ne, %convert_element_type3A, %cond3A : i32
      scf.if %cond3A_501 {
        %dma_wait3A_502 = arith.constant 0 : i32
        %dma_wait3A_503 = arith.constant 0 : i32
        %dma_wait3A_504 = tpu.memref_slice %arg10[%dma_wait3A_502, %dma_wait3A_503] : memref<256x64xf32, #tpu.memory_space<vmem>> -> memref<1x64xf32, #tpu.memory_space<vmem>>
        %dma_wait3A_505 = arith.constant 0 : i32
        %dma_wait3A_506 = arith.constant 0 : i32
        %dma_wait3A_507 = tpu.memref_slice %arg2[%dma_wait3A_505, %dma_wait3A_506] : memref<1000000x64xf32, #tpu.memory_space<hbm>> -> memref<1x64xf32, #tpu.memory_space<hbm>>
        %dma_wait3A_508 = arith.constant 0 : i32
        %dma_wait3A_509 = arith.constant 0 : i32
        %dma_wait3A_510 = tpu.memref_slice %arg10[%dma_wait3A_508, %dma_wait3A_509] : memref<256x64xf32, #tpu.memory_space<vmem>> -> memref<1x64xf32, #tpu.memory_space<vmem>>
        %dma_wait3A_511 = arith.constant 0 : i32
        %dma_wait3A_512 = arith.constant 0 : i32
        %dma_wait3A_513 = tpu.memref_slice %arg2[%dma_wait3A_511, %dma_wait3A_512] : memref<1000000x64xf32, #tpu.memory_space<hbm>> -> memref<1x64xf32, #tpu.memory_space<hbm>>
        tpu.wait_dma2 semaphore(%arg12 : memref<!tpu.dma_semaphore, #tpu.memory_space<semaphore_mem>>) src(%dma_wait3A_513 : memref<1x64xf32, #tpu.memory_space<hbm>>) dst(%dma_wait3A_510 : memref<1x64xf32, #tpu.memory_space<vmem>>)
        %dma_wait3A_514 = arith.constant 0 : i32
        %dma_wait3A_515 = arith.constant 0 : i32
        %dma_wait3A_516 = tpu.memref_slice %arg10[%dma_wait3A_514, %dma_wait3A_515] : memref<256x64xf32, #tpu.memory_space<vmem>> -> memref<1x64xf32, #tpu.memory_space<vmem>>
        %dma_wait3A_517 = arith.constant 0 : i32
        %dma_wait3A_518 = arith.constant 0 : i32
        %dma_wait3A_519 = tpu.memref_slice %arg2[%dma_wait3A_517, %dma_wait3A_518] : memref<1000000x64xf32, #tpu.memory_space<hbm>> -> memref<1x64xf32, #tpu.memory_space<hbm>>
        %dma_wait3A_520 = arith.constant 0 : i32
        %dma_wait3A_521 = arith.constant 0 : i32
        %dma_wait3A_522 = tpu.memref_slice %arg10[%dma_wait3A_520, %dma_wait3A_521] : memref<256x64xf32, #tpu.memory_space<vmem>> -> memref<1x64xf32, #tpu.memory_space<vmem>>
        %dma_wait3A_523 = arith.constant 0 : i32
        %dma_wait3A_524 = arith.constant 0 : i32
        %dma_wait3A_525 = tpu.memref_slice %arg2[%dma_wait3A_523, %dma_wait3A_524] : memref<1000000x64xf32, #tpu.memory_space<hbm>> -> memref<1x64xf32, #tpu.memory_space<hbm>>
        tpu.wait_dma2 semaphore(%arg12 : memref<!tpu.dma_semaphore, #tpu.memory_space<semaphore_mem>>) src(%dma_wait3A_525 : memref<1x64xf32, #tpu.memory_space<hbm>>) dst(%dma_wait3A_522 : memref<1x64xf32, #tpu.memory_space<vmem>>)
        %dma_wait3A_526 = arith.constant 0 : i32
        %dma_wait3A_527 = arith.constant 0 : i32
        %dma_wait3A_528 = tpu.memref_slice %arg10[%dma_wait3A_526, %dma_wait3A_527] : memref<256x64xf32, #tpu.memory_space<vmem>> -> memref<1x64xf32, #tpu.memory_space<vmem>>
        %dma_wait3A_529 = arith.constant 0 : i32
        %dma_wait3A_530 = arith.constant 0 : i32
        %dma_wait3A_531 = tpu.memref_slice %arg2[%dma_wait3A_529, %dma_wait3A_530] : memref<1000000x64xf32, #tpu.memory_space<hbm>> -> memref<1x64xf32, #tpu.memory_space<hbm>>
        %dma_wait3A_532 = arith.constant 0 : i32
        %dma_wait3A_533 = arith.constant 0 : i32
        %dma_wait3A_534 = tpu.memref_slice %arg10[%dma_wait3A_532, %dma_wait3A_533] : memref<256x64xf32, #tpu.memory_space<vmem>> -> memref<1x64xf32, #tpu.memory_space<vmem>>
        %dma_wait3A_535 = arith.constant 0 : i32
        %dma_wait3A_536 = arith.constant 0 : i32
        %dma_wait3A_537 = tpu.memref_slice %arg2[%dma_wait3A_535, %dma_wait3A_536] : memref<1000000x64xf32, #tpu.memory_space<hbm>> -> memref<1x64xf32, #tpu.memory_space<hbm>>
        tpu.wait_dma2 semaphore(%arg12 : memref<!tpu.dma_semaphore, #tpu.memory_space<semaphore_mem>>) src(%dma_wait3A_537 : memref<1x64xf32, #tpu.memory_space<hbm>>) dst(%dma_wait3A_534 : memref<1x64xf32, #tpu.memory_space<vmem>>)
        %dma_wait3A_538 = arith.constant 0 : i32
        %dma_wait3A_539 = arith.constant 0 : i32
        %dma_wait3A_540 = tpu.memref_slice %arg10[%dma_wait3A_538, %dma_wait3A_539] : memref<256x64xf32, #tpu.memory_space<vmem>> -> memref<1x64xf32, #tpu.memory_space<vmem>>
        %dma_wait3A_541 = arith.constant 0 : i32
        %dma_wait3A_542 = arith.constant 0 : i32
        %dma_wait3A_543 = tpu.memref_slice %arg2[%dma_wait3A_541, %dma_wait3A_542] : memref<1000000x64xf32, #tpu.memory_space<hbm>> -> memref<1x64xf32, #tpu.memory_space<hbm>>
        %dma_wait3A_544 = arith.constant 0 : i32
        %dma_wait3A_545 = arith.constant 0 : i32
        %dma_wait3A_546 = tpu.memref_slice %arg10[%dma_wait3A_544, %dma_wait3A_545] : memref<256x64xf32, #tpu.memory_space<vmem>> -> memref<1x64xf32, #tpu.memory_space<vmem>>
        %dma_wait3A_547 = arith.constant 0 : i32
        %dma_wait3A_548 = arith.constant 0 : i32
        %dma_wait3A_549 = tpu.memref_slice %arg2[%dma_wait3A_547, %dma_wait3A_548] : memref<1000000x64xf32, #tpu.memory_space<hbm>> -> memref<1x64xf32, #tpu.memory_space<hbm>>
        tpu.wait_dma2 semaphore(%arg12 : memref<!tpu.dma_semaphore, #tpu.memory_space<semaphore_mem>>) src(%dma_wait3A_549 : memref<1x64xf32, #tpu.memory_space<hbm>>) dst(%dma_wait3A_546 : memref<1x64xf32, #tpu.memory_space<vmem>>)
        %dma_wait3A_550 = arith.constant 0 : i32
        %dma_wait3A_551 = arith.constant 0 : i32
        %dma_wait3A_552 = tpu.memref_slice %arg10[%dma_wait3A_550, %dma_wait3A_551] : memref<256x64xf32, #tpu.memory_space<vmem>> -> memref<1x64xf32, #tpu.memory_space<vmem>>
        %dma_wait3A_553 = arith.constant 0 : i32
        %dma_wait3A_554 = arith.constant 0 : i32
        %dma_wait3A_555 = tpu.memref_slice %arg2[%dma_wait3A_553, %dma_wait3A_554] : memref<1000000x64xf32, #tpu.memory_space<hbm>> -> memref<1x64xf32, #tpu.memory_space<hbm>>
        %dma_wait3A_556 = arith.constant 0 : i32
        %dma_wait3A_557 = arith.constant 0 : i32
        %dma_wait3A_558 = tpu.memref_slice %arg10[%dma_wait3A_556, %dma_wait3A_557] : memref<256x64xf32, #tpu.memory_space<vmem>> -> memref<1x64xf32, #tpu.memory_space<vmem>>
        %dma_wait3A_559 = arith.constant 0 : i32
        %dma_wait3A_560 = arith.constant 0 : i32
        %dma_wait3A_561 = tpu.memref_slice %arg2[%dma_wait3A_559, %dma_wait3A_560] : memref<1000000x64xf32, #tpu.memory_space<hbm>> -> memref<1x64xf32, #tpu.memory_space<hbm>>
        tpu.wait_dma2 semaphore(%arg12 : memref<!tpu.dma_semaphore, #tpu.memory_space<semaphore_mem>>) src(%dma_wait3A_561 : memref<1x64xf32, #tpu.memory_space<hbm>>) dst(%dma_wait3A_558 : memref<1x64xf32, #tpu.memory_space<vmem>>)
        %dma_wait3A_562 = arith.constant 0 : i32
        %dma_wait3A_563 = arith.constant 0 : i32
        %dma_wait3A_564 = tpu.memref_slice %arg10[%dma_wait3A_562, %dma_wait3A_563] : memref<256x64xf32, #tpu.memory_space<vmem>> -> memref<1x64xf32, #tpu.memory_space<vmem>>
        %dma_wait3A_565 = arith.constant 0 : i32
        %dma_wait3A_566 = arith.constant 0 : i32
        %dma_wait3A_567 = tpu.memref_slice %arg2[%dma_wait3A_565, %dma_wait3A_566] : memref<1000000x64xf32, #tpu.memory_space<hbm>> -> memref<1x64xf32, #tpu.memory_space<hbm>>
        %dma_wait3A_568 = arith.constant 0 : i32
        %dma_wait3A_569 = arith.constant 0 : i32
        %dma_wait3A_570 = tpu.memref_slice %arg10[%dma_wait3A_568, %dma_wait3A_569] : memref<256x64xf32, #tpu.memory_space<vmem>> -> memref<1x64xf32, #tpu.memory_space<vmem>>
        %dma_wait3A_571 = arith.constant 0 : i32
        %dma_wait3A_572 = arith.constant 0 : i32
        %dma_wait3A_573 = tpu.memref_slice %arg2[%dma_wait3A_571, %dma_wait3A_572] : memref<1000000x64xf32, #tpu.memory_space<hbm>> -> memref<1x64xf32, #tpu.memory_space<hbm>>
        tpu.wait_dma2 semaphore(%arg12 : memref<!tpu.dma_semaphore, #tpu.memory_space<semaphore_mem>>) src(%dma_wait3A_573 : memref<1x64xf32, #tpu.memory_space<hbm>>) dst(%dma_wait3A_570 : memref<1x64xf32, #tpu.memory_space<vmem>>)
        %dma_wait3A_574 = arith.constant 0 : i32
        %dma_wait3A_575 = arith.constant 0 : i32
        %dma_wait3A_576 = tpu.memref_slice %arg10[%dma_wait3A_574, %dma_wait3A_575] : memref<256x64xf32, #tpu.memory_space<vmem>> -> memref<1x64xf32, #tpu.memory_space<vmem>>
        %dma_wait3A_577 = arith.constant 0 : i32
        %dma_wait3A_578 = arith.constant 0 : i32
        %dma_wait3A_579 = tpu.memref_slice %arg2[%dma_wait3A_577, %dma_wait3A_578] : memref<1000000x64xf32, #tpu.memory_space<hbm>> -> memref<1x64xf32, #tpu.memory_space<hbm>>
        %dma_wait3A_580 = arith.constant 0 : i32
        %dma_wait3A_581 = arith.constant 0 : i32
        %dma_wait3A_582 = tpu.memref_slice %arg10[%dma_wait3A_580, %dma_wait3A_581] : memref<256x64xf32, #tpu.memory_space<vmem>> -> memref<1x64xf32, #tpu.memory_space<vmem>>
        %dma_wait3A_583 = arith.constant 0 : i32
        %dma_wait3A_584 = arith.constant 0 : i32
        %dma_wait3A_585 = tpu.memref_slice %arg2[%dma_wait3A_583, %dma_wait3A_584] : memref<1000000x64xf32, #tpu.memory_space<hbm>> -> memref<1x64xf32, #tpu.memory_space<hbm>>
        tpu.wait_dma2 semaphore(%arg12 : memref<!tpu.dma_semaphore, #tpu.memory_space<semaphore_mem>>) src(%dma_wait3A_585 : memref<1x64xf32, #tpu.memory_space<hbm>>) dst(%dma_wait3A_582 : memref<1x64xf32, #tpu.memory_space<vmem>>)
        %dma_wait3A_586 = arith.constant 0 : i32
        %dma_wait3A_587 = arith.constant 0 : i32
        %dma_wait3A_588 = tpu.memref_slice %arg10[%dma_wait3A_586, %dma_wait3A_587] : memref<256x64xf32, #tpu.memory_space<vmem>> -> memref<1x64xf32, #tpu.memory_space<vmem>>
        %dma_wait3A_589 = arith.constant 0 : i32
        %dma_wait3A_590 = arith.constant 0 : i32
        %dma_wait3A_591 = tpu.memref_slice %arg2[%dma_wait3A_589, %dma_wait3A_590] : memref<1000000x64xf32, #tpu.memory_space<hbm>> -> memref<1x64xf32, #tpu.memory_space<hbm>>
        %dma_wait3A_592 = arith.constant 0 : i32
        %dma_wait3A_593 = arith.constant 0 : i32
        %dma_wait3A_594 = tpu.memref_slice %arg10[%dma_wait3A_592, %dma_wait3A_593] : memref<256x64xf32, #tpu.memory_space<vmem>> -> memref<1x64xf32, #tpu.memory_space<vmem>>
        %dma_wait3A_595 = arith.constant 0 : i32
        %dma_wait3A_596 = arith.constant 0 : i32
        %dma_wait3A_597 = tpu.memref_slice %arg2[%dma_wait3A_595, %dma_wait3A_596] : memref<1000000x64xf32, #tpu.memory_space<hbm>> -> memref<1x64xf32, #tpu.memory_space<hbm>>
        tpu.wait_dma2 semaphore(%arg12 : memref<!tpu.dma_semaphore, #tpu.memory_space<semaphore_mem>>) src(%dma_wait3A_597 : memref<1x64xf32, #tpu.memory_space<hbm>>) dst(%dma_wait3A_594 : memref<1x64xf32, #tpu.memory_space<vmem>>)
        %dma_wait3A_598 = arith.constant 0 : i32
        %dma_wait3A_599 = arith.constant 0 : i32
        %dma_wait3A_600 = tpu.memref_slice %arg10[%dma_wait3A_598, %dma_wait3A_599] : memref<256x64xf32, #tpu.memory_space<vmem>> -> memref<1x64xf32, #tpu.memory_space<vmem>>
        %dma_wait3A_601 = arith.constant 0 : i32
        %dma_wait3A_602 = arith.constant 0 : i32
        %dma_wait3A_603 = tpu.memref_slice %arg2[%dma_wait3A_601, %dma_wait3A_602] : memref<1000000x64xf32, #tpu.memory_space<hbm>> -> memref<1x64xf32, #tpu.memory_space<hbm>>
        %dma_wait3A_604 = arith.constant 0 : i32
        %dma_wait3A_605 = arith.constant 0 : i32
        %dma_wait3A_606 = tpu.memref_slice %arg10[%dma_wait3A_604, %dma_wait3A_605] : memref<256x64xf32, #tpu.memory_space<vmem>> -> memref<1x64xf32, #tpu.memory_space<vmem>>
        %dma_wait3A_607 = arith.constant 0 : i32
        %dma_wait3A_608 = arith.constant 0 : i32
        %dma_wait3A_609 = tpu.memref_slice %arg2[%dma_wait3A_607, %dma_wait3A_608] : memref<1000000x64xf32, #tpu.memory_space<hbm>> -> memref<1x64xf32, #tpu.memory_space<hbm>>
        tpu.wait_dma2 semaphore(%arg12 : memref<!tpu.dma_semaphore, #tpu.memory_space<semaphore_mem>>) src(%dma_wait3A_609 : memref<1x64xf32, #tpu.memory_space<hbm>>) dst(%dma_wait3A_606 : memref<1x64xf32, #tpu.memory_space<vmem>>)
        %dma_wait3A_610 = arith.constant 0 : i32
        %dma_wait3A_611 = arith.constant 0 : i32
        %dma_wait3A_612 = tpu.memref_slice %arg10[%dma_wait3A_610, %dma_wait3A_611] : memref<256x64xf32, #tpu.memory_space<vmem>> -> memref<1x64xf32, #tpu.memory_space<vmem>>
        %dma_wait3A_613 = arith.constant 0 : i32
        %dma_wait3A_614 = arith.constant 0 : i32
        %dma_wait3A_615 = tpu.memref_slice %arg2[%dma_wait3A_613, %dma_wait3A_614] : memref<1000000x64xf32, #tpu.memory_space<hbm>> -> memref<1x64xf32, #tpu.memory_space<hbm>>
        %dma_wait3A_616 = arith.constant 0 : i32
        %dma_wait3A_617 = arith.constant 0 : i32
        %dma_wait3A_618 = tpu.memref_slice %arg10[%dma_wait3A_616, %dma_wait3A_617] : memref<256x64xf32, #tpu.memory_space<vmem>> -> memref<1x64xf32, #tpu.memory_space<vmem>>
        %dma_wait3A_619 = arith.constant 0 : i32
        %dma_wait3A_620 = arith.constant 0 : i32
        %dma_wait3A_621 = tpu.memref_slice %arg2[%dma_wait3A_619, %dma_wait3A_620] : memref<1000000x64xf32, #tpu.memory_space<hbm>> -> memref<1x64xf32, #tpu.memory_space<hbm>>
        tpu.wait_dma2 semaphore(%arg12 : memref<!tpu.dma_semaphore, #tpu.memory_space<semaphore_mem>>) src(%dma_wait3A_621 : memref<1x64xf32, #tpu.memory_space<hbm>>) dst(%dma_wait3A_618 : memref<1x64xf32, #tpu.memory_space<vmem>>)
        %dma_wait3A_622 = arith.constant 0 : i32
        %dma_wait3A_623 = arith.constant 0 : i32
        %dma_wait3A_624 = tpu.memref_slice %arg10[%dma_wait3A_622, %dma_wait3A_623] : memref<256x64xf32, #tpu.memory_space<vmem>> -> memref<1x64xf32, #tpu.memory_space<vmem>>
        %dma_wait3A_625 = arith.constant 0 : i32
        %dma_wait3A_626 = arith.constant 0 : i32
        %dma_wait3A_627 = tpu.memref_slice %arg2[%dma_wait3A_625, %dma_wait3A_626] : memref<1000000x64xf32, #tpu.memory_space<hbm>> -> memref<1x64xf32, #tpu.memory_space<hbm>>
        %dma_wait3A_628 = arith.constant 0 : i32
        %dma_wait3A_629 = arith.constant 0 : i32
        %dma_wait3A_630 = tpu.memref_slice %arg10[%dma_wait3A_628, %dma_wait3A_629] : memref<256x64xf32, #tpu.memory_space<vmem>> -> memref<1x64xf32, #tpu.memory_space<vmem>>
        %dma_wait3A_631 = arith.constant 0 : i32
        %dma_wait3A_632 = arith.constant 0 : i32
        %dma_wait3A_633 = tpu.memref_slice %arg2[%dma_wait3A_631, %dma_wait3A_632] : memref<1000000x64xf32, #tpu.memory_space<hbm>> -> memref<1x64xf32, #tpu.memory_space<hbm>>
        tpu.wait_dma2 semaphore(%arg12 : memref<!tpu.dma_semaphore, #tpu.memory_space<semaphore_mem>>) src(%dma_wait3A_633 : memref<1x64xf32, #tpu.memory_space<hbm>>) dst(%dma_wait3A_630 : memref<1x64xf32, #tpu.memory_space<vmem>>)
        %dma_wait3A_634 = arith.constant 0 : i32
        %dma_wait3A_635 = arith.constant 0 : i32
        %dma_wait3A_636 = tpu.memref_slice %arg10[%dma_wait3A_634, %dma_wait3A_635] : memref<256x64xf32, #tpu.memory_space<vmem>> -> memref<1x64xf32, #tpu.memory_space<vmem>>
        %dma_wait3A_637 = arith.constant 0 : i32
        %dma_wait3A_638 = arith.constant 0 : i32
        %dma_wait3A_639 = tpu.memref_slice %arg2[%dma_wait3A_637, %dma_wait3A_638] : memref<1000000x64xf32, #tpu.memory_space<hbm>> -> memref<1x64xf32, #tpu.memory_space<hbm>>
        %dma_wait3A_640 = arith.constant 0 : i32
        %dma_wait3A_641 = arith.constant 0 : i32
        %dma_wait3A_642 = tpu.memref_slice %arg10[%dma_wait3A_640, %dma_wait3A_641] : memref<256x64xf32, #tpu.memory_space<vmem>> -> memref<1x64xf32, #tpu.memory_space<vmem>>
        %dma_wait3A_643 = arith.constant 0 : i32
        %dma_wait3A_644 = arith.constant 0 : i32
        %dma_wait3A_645 = tpu.memref_slice %arg2[%dma_wait3A_643, %dma_wait3A_644] : memref<1000000x64xf32, #tpu.memory_space<hbm>> -> memref<1x64xf32, #tpu.memory_space<hbm>>
        tpu.wait_dma2 semaphore(%arg12 : memref<!tpu.dma_semaphore, #tpu.memory_space<semaphore_mem>>) src(%dma_wait3A_645 : memref<1x64xf32, #tpu.memory_space<hbm>>) dst(%dma_wait3A_642 : memref<1x64xf32, #tpu.memory_space<vmem>>)
        %dma_wait3A_646 = arith.constant 0 : i32
        %dma_wait3A_647 = arith.constant 0 : i32
        %dma_wait3A_648 = tpu.memref_slice %arg10[%dma_wait3A_646, %dma_wait3A_647] : memref<256x64xf32, #tpu.memory_space<vmem>> -> memref<1x64xf32, #tpu.memory_space<vmem>>
        %dma_wait3A_649 = arith.constant 0 : i32
        %dma_wait3A_650 = arith.constant 0 : i32
        %dma_wait3A_651 = tpu.memref_slice %arg2[%dma_wait3A_649, %dma_wait3A_650] : memref<1000000x64xf32, #tpu.memory_space<hbm>> -> memref<1x64xf32, #tpu.memory_space<hbm>>
        %dma_wait3A_652 = arith.constant 0 : i32
        %dma_wait3A_653 = arith.constant 0 : i32
        %dma_wait3A_654 = tpu.memref_slice %arg10[%dma_wait3A_652, %dma_wait3A_653] : memref<256x64xf32, #tpu.memory_space<vmem>> -> memref<1x64xf32, #tpu.memory_space<vmem>>
        %dma_wait3A_655 = arith.constant 0 : i32
        %dma_wait3A_656 = arith.constant 0 : i32
        %dma_wait3A_657 = tpu.memref_slice %arg2[%dma_wait3A_655, %dma_wait3A_656] : memref<1000000x64xf32, #tpu.memory_space<hbm>> -> memref<1x64xf32, #tpu.memory_space<hbm>>
        tpu.wait_dma2 semaphore(%arg12 : memref<!tpu.dma_semaphore, #tpu.memory_space<semaphore_mem>>) src(%dma_wait3A_657 : memref<1x64xf32, #tpu.memory_space<hbm>>) dst(%dma_wait3A_654 : memref<1x64xf32, #tpu.memory_space<vmem>>)
        %dma_wait3A_658 = arith.constant 0 : i32
        %dma_wait3A_659 = arith.constant 0 : i32
        %dma_wait3A_660 = tpu.memref_slice %arg10[%dma_wait3A_658, %dma_wait3A_659] : memref<256x64xf32, #tpu.memory_space<vmem>> -> memref<1x64xf32, #tpu.memory_space<vmem>>
        %dma_wait3A_661 = arith.constant 0 : i32
        %dma_wait3A_662 = arith.constant 0 : i32
        %dma_wait3A_663 = tpu.memref_slice %arg2[%dma_wait3A_661, %dma_wait3A_662] : memref<1000000x64xf32, #tpu.memory_space<hbm>> -> memref<1x64xf32, #tpu.memory_space<hbm>>
        %dma_wait3A_664 = arith.constant 0 : i32
        %dma_wait3A_665 = arith.constant 0 : i32
        %dma_wait3A_666 = tpu.memref_slice %arg10[%dma_wait3A_664, %dma_wait3A_665] : memref<256x64xf32, #tpu.memory_space<vmem>> -> memref<1x64xf32, #tpu.memory_space<vmem>>
        %dma_wait3A_667 = arith.constant 0 : i32
        %dma_wait3A_668 = arith.constant 0 : i32
        %dma_wait3A_669 = tpu.memref_slice %arg2[%dma_wait3A_667, %dma_wait3A_668] : memref<1000000x64xf32, #tpu.memory_space<hbm>> -> memref<1x64xf32, #tpu.memory_space<hbm>>
        tpu.wait_dma2 semaphore(%arg12 : memref<!tpu.dma_semaphore, #tpu.memory_space<semaphore_mem>>) src(%dma_wait3A_669 : memref<1x64xf32, #tpu.memory_space<hbm>>) dst(%dma_wait3A_666 : memref<1x64xf32, #tpu.memory_space<vmem>>)
        %dma_wait3A_670 = arith.constant 0 : i32
        %dma_wait3A_671 = arith.constant 0 : i32
        %dma_wait3A_672 = tpu.memref_slice %arg10[%dma_wait3A_670, %dma_wait3A_671] : memref<256x64xf32, #tpu.memory_space<vmem>> -> memref<1x64xf32, #tpu.memory_space<vmem>>
        %dma_wait3A_673 = arith.constant 0 : i32
        %dma_wait3A_674 = arith.constant 0 : i32
        %dma_wait3A_675 = tpu.memref_slice %arg2[%dma_wait3A_673, %dma_wait3A_674] : memref<1000000x64xf32, #tpu.memory_space<hbm>> -> memref<1x64xf32, #tpu.memory_space<hbm>>
        %dma_wait3A_676 = arith.constant 0 : i32
        %dma_wait3A_677 = arith.constant 0 : i32
        %dma_wait3A_678 = tpu.memref_slice %arg10[%dma_wait3A_676, %dma_wait3A_677] : memref<256x64xf32, #tpu.memory_space<vmem>> -> memref<1x64xf32, #tpu.memory_space<vmem>>
        %dma_wait3A_679 = arith.constant 0 : i32
        %dma_wait3A_680 = arith.constant 0 : i32
        %dma_wait3A_681 = tpu.memref_slice %arg2[%dma_wait3A_679, %dma_wait3A_680] : memref<1000000x64xf32, #tpu.memory_space<hbm>> -> memref<1x64xf32, #tpu.memory_space<hbm>>
        tpu.wait_dma2 semaphore(%arg12 : memref<!tpu.dma_semaphore, #tpu.memory_space<semaphore_mem>>) src(%dma_wait3A_681 : memref<1x64xf32, #tpu.memory_space<hbm>>) dst(%dma_wait3A_678 : memref<1x64xf32, #tpu.memory_space<vmem>>)
        %dma_wait3A_682 = arith.constant 0 : i32
        %dma_wait3A_683 = arith.constant 0 : i32
        %dma_wait3A_684 = tpu.memref_slice %arg10[%dma_wait3A_682, %dma_wait3A_683] : memref<256x64xf32, #tpu.memory_space<vmem>> -> memref<1x64xf32, #tpu.memory_space<vmem>>
        %dma_wait3A_685 = arith.constant 0 : i32
        %dma_wait3A_686 = arith.constant 0 : i32
        %dma_wait3A_687 = tpu.memref_slice %arg2[%dma_wait3A_685, %dma_wait3A_686] : memref<1000000x64xf32, #tpu.memory_space<hbm>> -> memref<1x64xf32, #tpu.memory_space<hbm>>
        %dma_wait3A_688 = arith.constant 0 : i32
        %dma_wait3A_689 = arith.constant 0 : i32
        %dma_wait3A_690 = tpu.memref_slice %arg10[%dma_wait3A_688, %dma_wait3A_689] : memref<256x64xf32, #tpu.memory_space<vmem>> -> memref<1x64xf32, #tpu.memory_space<vmem>>
        %dma_wait3A_691 = arith.constant 0 : i32
        %dma_wait3A_692 = arith.constant 0 : i32
        %dma_wait3A_693 = tpu.memref_slice %arg2[%dma_wait3A_691, %dma_wait3A_692] : memref<1000000x64xf32, #tpu.memory_space<hbm>> -> memref<1x64xf32, #tpu.memory_space<hbm>>
        tpu.wait_dma2 semaphore(%arg12 : memref<!tpu.dma_semaphore, #tpu.memory_space<semaphore_mem>>) src(%dma_wait3A_693 : memref<1x64xf32, #tpu.memory_space<hbm>>) dst(%dma_wait3A_690 : memref<1x64xf32, #tpu.memory_space<vmem>>)
        %dma_wait3A_694 = arith.constant 0 : i32
        %dma_wait3A_695 = arith.constant 0 : i32
        %dma_wait3A_696 = tpu.memref_slice %arg10[%dma_wait3A_694, %dma_wait3A_695] : memref<256x64xf32, #tpu.memory_space<vmem>> -> memref<1x64xf32, #tpu.memory_space<vmem>>
        %dma_wait3A_697 = arith.constant 0 : i32
        %dma_wait3A_698 = arith.constant 0 : i32
        %dma_wait3A_699 = tpu.memref_slice %arg2[%dma_wait3A_697, %dma_wait3A_698] : memref<1000000x64xf32, #tpu.memory_space<hbm>> -> memref<1x64xf32, #tpu.memory_space<hbm>>
        %dma_wait3A_700 = arith.constant 0 : i32
        %dma_wait3A_701 = arith.constant 0 : i32
        %dma_wait3A_702 = tpu.memref_slice %arg10[%dma_wait3A_700, %dma_wait3A_701] : memref<256x64xf32, #tpu.memory_space<vmem>> -> memref<1x64xf32, #tpu.memory_space<vmem>>
        %dma_wait3A_703 = arith.constant 0 : i32
        %dma_wait3A_704 = arith.constant 0 : i32
        %dma_wait3A_705 = tpu.memref_slice %arg2[%dma_wait3A_703, %dma_wait3A_704] : memref<1000000x64xf32, #tpu.memory_space<hbm>> -> memref<1x64xf32, #tpu.memory_space<hbm>>
        tpu.wait_dma2 semaphore(%arg12 : memref<!tpu.dma_semaphore, #tpu.memory_space<semaphore_mem>>) src(%dma_wait3A_705 : memref<1x64xf32, #tpu.memory_space<hbm>>) dst(%dma_wait3A_702 : memref<1x64xf32, #tpu.memory_space<vmem>>)
        %dma_wait3A_706 = arith.constant 0 : i32
        %dma_wait3A_707 = arith.constant 0 : i32
        %dma_wait3A_708 = tpu.memref_slice %arg10[%dma_wait3A_706, %dma_wait3A_707] : memref<256x64xf32, #tpu.memory_space<vmem>> -> memref<1x64xf32, #tpu.memory_space<vmem>>
        %dma_wait3A_709 = arith.constant 0 : i32
        %dma_wait3A_710 = arith.constant 0 : i32
        %dma_wait3A_711 = tpu.memref_slice %arg2[%dma_wait3A_709, %dma_wait3A_710] : memref<1000000x64xf32, #tpu.memory_space<hbm>> -> memref<1x64xf32, #tpu.memory_space<hbm>>
        %dma_wait3A_712 = arith.constant 0 : i32
        %dma_wait3A_713 = arith.constant 0 : i32
        %dma_wait3A_714 = tpu.memref_slice %arg10[%dma_wait3A_712, %dma_wait3A_713] : memref<256x64xf32, #tpu.memory_space<vmem>> -> memref<1x64xf32, #tpu.memory_space<vmem>>
        %dma_wait3A_715 = arith.constant 0 : i32
        %dma_wait3A_716 = arith.constant 0 : i32
        %dma_wait3A_717 = tpu.memref_slice %arg2[%dma_wait3A_715, %dma_wait3A_716] : memref<1000000x64xf32, #tpu.memory_space<hbm>> -> memref<1x64xf32, #tpu.memory_space<hbm>>
        tpu.wait_dma2 semaphore(%arg12 : memref<!tpu.dma_semaphore, #tpu.memory_space<semaphore_mem>>) src(%dma_wait3A_717 : memref<1x64xf32, #tpu.memory_space<hbm>>) dst(%dma_wait3A_714 : memref<1x64xf32, #tpu.memory_space<vmem>>)
        %dma_wait3A_718 = arith.constant 0 : i32
        %dma_wait3A_719 = arith.constant 0 : i32
        %dma_wait3A_720 = tpu.memref_slice %arg10[%dma_wait3A_718, %dma_wait3A_719] : memref<256x64xf32, #tpu.memory_space<vmem>> -> memref<1x64xf32, #tpu.memory_space<vmem>>
        %dma_wait3A_721 = arith.constant 0 : i32
        %dma_wait3A_722 = arith.constant 0 : i32
        %dma_wait3A_723 = tpu.memref_slice %arg2[%dma_wait3A_721, %dma_wait3A_722] : memref<1000000x64xf32, #tpu.memory_space<hbm>> -> memref<1x64xf32, #tpu.memory_space<hbm>>
        %dma_wait3A_724 = arith.constant 0 : i32
        %dma_wait3A_725 = arith.constant 0 : i32
        %dma_wait3A_726 = tpu.memref_slice %arg10[%dma_wait3A_724, %dma_wait3A_725] : memref<256x64xf32, #tpu.memory_space<vmem>> -> memref<1x64xf32, #tpu.memory_space<vmem>>
        %dma_wait3A_727 = arith.constant 0 : i32
        %dma_wait3A_728 = arith.constant 0 : i32
        %dma_wait3A_729 = tpu.memref_slice %arg2[%dma_wait3A_727, %dma_wait3A_728] : memref<1000000x64xf32, #tpu.memory_space<hbm>> -> memref<1x64xf32, #tpu.memory_space<hbm>>
        tpu.wait_dma2 semaphore(%arg12 : memref<!tpu.dma_semaphore, #tpu.memory_space<semaphore_mem>>) src(%dma_wait3A_729 : memref<1x64xf32, #tpu.memory_space<hbm>>) dst(%dma_wait3A_726 : memref<1x64xf32, #tpu.memory_space<vmem>>)
        %dma_wait3A_730 = arith.constant 0 : i32
        %dma_wait3A_731 = arith.constant 0 : i32
        %dma_wait3A_732 = tpu.memref_slice %arg10[%dma_wait3A_730, %dma_wait3A_731] : memref<256x64xf32, #tpu.memory_space<vmem>> -> memref<1x64xf32, #tpu.memory_space<vmem>>
        %dma_wait3A_733 = arith.constant 0 : i32
        %dma_wait3A_734 = arith.constant 0 : i32
        %dma_wait3A_735 = tpu.memref_slice %arg2[%dma_wait3A_733, %dma_wait3A_734] : memref<1000000x64xf32, #tpu.memory_space<hbm>> -> memref<1x64xf32, #tpu.memory_space<hbm>>
        %dma_wait3A_736 = arith.constant 0 : i32
        %dma_wait3A_737 = arith.constant 0 : i32
        %dma_wait3A_738 = tpu.memref_slice %arg10[%dma_wait3A_736, %dma_wait3A_737] : memref<256x64xf32, #tpu.memory_space<vmem>> -> memref<1x64xf32, #tpu.memory_space<vmem>>
        %dma_wait3A_739 = arith.constant 0 : i32
        %dma_wait3A_740 = arith.constant 0 : i32
        %dma_wait3A_741 = tpu.memref_slice %arg2[%dma_wait3A_739, %dma_wait3A_740] : memref<1000000x64xf32, #tpu.memory_space<hbm>> -> memref<1x64xf32, #tpu.memory_space<hbm>>
        tpu.wait_dma2 semaphore(%arg12 : memref<!tpu.dma_semaphore, #tpu.memory_space<semaphore_mem>>) src(%dma_wait3A_741 : memref<1x64xf32, #tpu.memory_space<hbm>>) dst(%dma_wait3A_738 : memref<1x64xf32, #tpu.memory_space<vmem>>)
        %dma_wait3A_742 = arith.constant 0 : i32
        %dma_wait3A_743 = arith.constant 0 : i32
        %dma_wait3A_744 = tpu.memref_slice %arg10[%dma_wait3A_742, %dma_wait3A_743] : memref<256x64xf32, #tpu.memory_space<vmem>> -> memref<1x64xf32, #tpu.memory_space<vmem>>
        %dma_wait3A_745 = arith.constant 0 : i32
        %dma_wait3A_746 = arith.constant 0 : i32
        %dma_wait3A_747 = tpu.memref_slice %arg2[%dma_wait3A_745, %dma_wait3A_746] : memref<1000000x64xf32, #tpu.memory_space<hbm>> -> memref<1x64xf32, #tpu.memory_space<hbm>>
        %dma_wait3A_748 = arith.constant 0 : i32
        %dma_wait3A_749 = arith.constant 0 : i32
        %dma_wait3A_750 = tpu.memref_slice %arg10[%dma_wait3A_748, %dma_wait3A_749] : memref<256x64xf32, #tpu.memory_space<vmem>> -> memref<1x64xf32, #tpu.memory_space<vmem>>
        %dma_wait3A_751 = arith.constant 0 : i32
        %dma_wait3A_752 = arith.constant 0 : i32
        %dma_wait3A_753 = tpu.memref_slice %arg2[%dma_wait3A_751, %dma_wait3A_752] : memref<1000000x64xf32, #tpu.memory_space<hbm>> -> memref<1x64xf32, #tpu.memory_space<hbm>>
        tpu.wait_dma2 semaphore(%arg12 : memref<!tpu.dma_semaphore, #tpu.memory_space<semaphore_mem>>) src(%dma_wait3A_753 : memref<1x64xf32, #tpu.memory_space<hbm>>) dst(%dma_wait3A_750 : memref<1x64xf32, #tpu.memory_space<vmem>>)
        %dma_wait3A_754 = arith.constant 0 : i32
        %dma_wait3A_755 = arith.constant 0 : i32
        %dma_wait3A_756 = tpu.memref_slice %arg10[%dma_wait3A_754, %dma_wait3A_755] : memref<256x64xf32, #tpu.memory_space<vmem>> -> memref<1x64xf32, #tpu.memory_space<vmem>>
        %dma_wait3A_757 = arith.constant 0 : i32
        %dma_wait3A_758 = arith.constant 0 : i32
        %dma_wait3A_759 = tpu.memref_slice %arg2[%dma_wait3A_757, %dma_wait3A_758] : memref<1000000x64xf32, #tpu.memory_space<hbm>> -> memref<1x64xf32, #tpu.memory_space<hbm>>
        %dma_wait3A_760 = arith.constant 0 : i32
        %dma_wait3A_761 = arith.constant 0 : i32
        %dma_wait3A_762 = tpu.memref_slice %arg10[%dma_wait3A_760, %dma_wait3A_761] : memref<256x64xf32, #tpu.memory_space<vmem>> -> memref<1x64xf32, #tpu.memory_space<vmem>>
        %dma_wait3A_763 = arith.constant 0 : i32
        %dma_wait3A_764 = arith.constant 0 : i32
        %dma_wait3A_765 = tpu.memref_slice %arg2[%dma_wait3A_763, %dma_wait3A_764] : memref<1000000x64xf32, #tpu.memory_space<hbm>> -> memref<1x64xf32, #tpu.memory_space<hbm>>
        tpu.wait_dma2 semaphore(%arg12 : memref<!tpu.dma_semaphore, #tpu.memory_space<semaphore_mem>>) src(%dma_wait3A_765 : memref<1x64xf32, #tpu.memory_space<hbm>>) dst(%dma_wait3A_762 : memref<1x64xf32, #tpu.memory_space<vmem>>)
        %dma_wait3A_766 = arith.constant 0 : i32
        %dma_wait3A_767 = arith.constant 0 : i32
        %dma_wait3A_768 = tpu.memref_slice %arg10[%dma_wait3A_766, %dma_wait3A_767] : memref<256x64xf32, #tpu.memory_space<vmem>> -> memref<1x64xf32, #tpu.memory_space<vmem>>
        %dma_wait3A_769 = arith.constant 0 : i32
        %dma_wait3A_770 = arith.constant 0 : i32
        %dma_wait3A_771 = tpu.memref_slice %arg2[%dma_wait3A_769, %dma_wait3A_770] : memref<1000000x64xf32, #tpu.memory_space<hbm>> -> memref<1x64xf32, #tpu.memory_space<hbm>>
        %dma_wait3A_772 = arith.constant 0 : i32
        %dma_wait3A_773 = arith.constant 0 : i32
        %dma_wait3A_774 = tpu.memref_slice %arg10[%dma_wait3A_772, %dma_wait3A_773] : memref<256x64xf32, #tpu.memory_space<vmem>> -> memref<1x64xf32, #tpu.memory_space<vmem>>
        %dma_wait3A_775 = arith.constant 0 : i32
        %dma_wait3A_776 = arith.constant 0 : i32
        %dma_wait3A_777 = tpu.memref_slice %arg2[%dma_wait3A_775, %dma_wait3A_776] : memref<1000000x64xf32, #tpu.memory_space<hbm>> -> memref<1x64xf32, #tpu.memory_space<hbm>>
        tpu.wait_dma2 semaphore(%arg12 : memref<!tpu.dma_semaphore, #tpu.memory_space<semaphore_mem>>) src(%dma_wait3A_777 : memref<1x64xf32, #tpu.memory_space<hbm>>) dst(%dma_wait3A_774 : memref<1x64xf32, #tpu.memory_space<vmem>>)
        %dma_wait3A_778 = arith.constant 0 : i32
        %dma_wait3A_779 = arith.constant 0 : i32
        %dma_wait3A_780 = tpu.memref_slice %arg10[%dma_wait3A_778, %dma_wait3A_779] : memref<256x64xf32, #tpu.memory_space<vmem>> -> memref<1x64xf32, #tpu.memory_space<vmem>>
        %dma_wait3A_781 = arith.constant 0 : i32
        %dma_wait3A_782 = arith.constant 0 : i32
        %dma_wait3A_783 = tpu.memref_slice %arg2[%dma_wait3A_781, %dma_wait3A_782] : memref<1000000x64xf32, #tpu.memory_space<hbm>> -> memref<1x64xf32, #tpu.memory_space<hbm>>
        %dma_wait3A_784 = arith.constant 0 : i32
        %dma_wait3A_785 = arith.constant 0 : i32
        %dma_wait3A_786 = tpu.memref_slice %arg10[%dma_wait3A_784, %dma_wait3A_785] : memref<256x64xf32, #tpu.memory_space<vmem>> -> memref<1x64xf32, #tpu.memory_space<vmem>>
        %dma_wait3A_787 = arith.constant 0 : i32
        %dma_wait3A_788 = arith.constant 0 : i32
        %dma_wait3A_789 = tpu.memref_slice %arg2[%dma_wait3A_787, %dma_wait3A_788] : memref<1000000x64xf32, #tpu.memory_space<hbm>> -> memref<1x64xf32, #tpu.memory_space<hbm>>
        tpu.wait_dma2 semaphore(%arg12 : memref<!tpu.dma_semaphore, #tpu.memory_space<semaphore_mem>>) src(%dma_wait3A_789 : memref<1x64xf32, #tpu.memory_space<hbm>>) dst(%dma_wait3A_786 : memref<1x64xf32, #tpu.memory_space<vmem>>)
        %dma_wait3A_790 = arith.constant 0 : i32
        %dma_wait3A_791 = arith.constant 0 : i32
        %dma_wait3A_792 = tpu.memref_slice %arg10[%dma_wait3A_790, %dma_wait3A_791] : memref<256x64xf32, #tpu.memory_space<vmem>> -> memref<1x64xf32, #tpu.memory_space<vmem>>
        %dma_wait3A_793 = arith.constant 0 : i32
        %dma_wait3A_794 = arith.constant 0 : i32
        %dma_wait3A_795 = tpu.memref_slice %arg2[%dma_wait3A_793, %dma_wait3A_794] : memref<1000000x64xf32, #tpu.memory_space<hbm>> -> memref<1x64xf32, #tpu.memory_space<hbm>>
        %dma_wait3A_796 = arith.constant 0 : i32
        %dma_wait3A_797 = arith.constant 0 : i32
        %dma_wait3A_798 = tpu.memref_slice %arg10[%dma_wait3A_796, %dma_wait3A_797] : memref<256x64xf32, #tpu.memory_space<vmem>> -> memref<1x64xf32, #tpu.memory_space<vmem>>
        %dma_wait3A_799 = arith.constant 0 : i32
        %dma_wait3A_800 = arith.constant 0 : i32
        %dma_wait3A_801 = tpu.memref_slice %arg2[%dma_wait3A_799, %dma_wait3A_800] : memref<1000000x64xf32, #tpu.memory_space<hbm>> -> memref<1x64xf32, #tpu.memory_space<hbm>>
        tpu.wait_dma2 semaphore(%arg12 : memref<!tpu.dma_semaphore, #tpu.memory_space<semaphore_mem>>) src(%dma_wait3A_801 : memref<1x64xf32, #tpu.memory_space<hbm>>) dst(%dma_wait3A_798 : memref<1x64xf32, #tpu.memory_space<vmem>>)
        %dma_wait3A_802 = arith.constant 0 : i32
        %dma_wait3A_803 = arith.constant 0 : i32
        %dma_wait3A_804 = tpu.memref_slice %arg10[%dma_wait3A_802, %dma_wait3A_803] : memref<256x64xf32, #tpu.memory_space<vmem>> -> memref<1x64xf32, #tpu.memory_space<vmem>>
        %dma_wait3A_805 = arith.constant 0 : i32
        %dma_wait3A_806 = arith.constant 0 : i32
        %dma_wait3A_807 = tpu.memref_slice %arg2[%dma_wait3A_805, %dma_wait3A_806] : memref<1000000x64xf32, #tpu.memory_space<hbm>> -> memref<1x64xf32, #tpu.memory_space<hbm>>
        %dma_wait3A_808 = arith.constant 0 : i32
        %dma_wait3A_809 = arith.constant 0 : i32
        %dma_wait3A_810 = tpu.memref_slice %arg10[%dma_wait3A_808, %dma_wait3A_809] : memref<256x64xf32, #tpu.memory_space<vmem>> -> memref<1x64xf32, #tpu.memory_space<vmem>>
        %dma_wait3A_811 = arith.constant 0 : i32
        %dma_wait3A_812 = arith.constant 0 : i32
        %dma_wait3A_813 = tpu.memref_slice %arg2[%dma_wait3A_811, %dma_wait3A_812] : memref<1000000x64xf32, #tpu.memory_space<hbm>> -> memref<1x64xf32, #tpu.memory_space<hbm>>
        tpu.wait_dma2 semaphore(%arg12 : memref<!tpu.dma_semaphore, #tpu.memory_space<semaphore_mem>>) src(%dma_wait3A_813 : memref<1x64xf32, #tpu.memory_space<hbm>>) dst(%dma_wait3A_810 : memref<1x64xf32, #tpu.memory_space<vmem>>)
        %dma_wait3A_814 = arith.constant 0 : i32
        %dma_wait3A_815 = arith.constant 0 : i32
        %dma_wait3A_816 = tpu.memref_slice %arg10[%dma_wait3A_814, %dma_wait3A_815] : memref<256x64xf32, #tpu.memory_space<vmem>> -> memref<1x64xf32, #tpu.memory_space<vmem>>
        %dma_wait3A_817 = arith.constant 0 : i32
        %dma_wait3A_818 = arith.constant 0 : i32
        %dma_wait3A_819 = tpu.memref_slice %arg2[%dma_wait3A_817, %dma_wait3A_818] : memref<1000000x64xf32, #tpu.memory_space<hbm>> -> memref<1x64xf32, #tpu.memory_space<hbm>>
        %dma_wait3A_820 = arith.constant 0 : i32
        %dma_wait3A_821 = arith.constant 0 : i32
        %dma_wait3A_822 = tpu.memref_slice %arg10[%dma_wait3A_820, %dma_wait3A_821] : memref<256x64xf32, #tpu.memory_space<vmem>> -> memref<1x64xf32, #tpu.memory_space<vmem>>
        %dma_wait3A_823 = arith.constant 0 : i32
        %dma_wait3A_824 = arith.constant 0 : i32
        %dma_wait3A_825 = tpu.memref_slice %arg2[%dma_wait3A_823, %dma_wait3A_824] : memref<1000000x64xf32, #tpu.memory_space<hbm>> -> memref<1x64xf32, #tpu.memory_space<hbm>>
        tpu.wait_dma2 semaphore(%arg12 : memref<!tpu.dma_semaphore, #tpu.memory_space<semaphore_mem>>) src(%dma_wait3A_825 : memref<1x64xf32, #tpu.memory_space<hbm>>) dst(%dma_wait3A_822 : memref<1x64xf32, #tpu.memory_space<vmem>>)
        %dma_wait3A_826 = arith.constant 0 : i32
        %dma_wait3A_827 = arith.constant 0 : i32
        %dma_wait3A_828 = tpu.memref_slice %arg10[%dma_wait3A_826, %dma_wait3A_827] : memref<256x64xf32, #tpu.memory_space<vmem>> -> memref<1x64xf32, #tpu.memory_space<vmem>>
        %dma_wait3A_829 = arith.constant 0 : i32
        %dma_wait3A_830 = arith.constant 0 : i32
        %dma_wait3A_831 = tpu.memref_slice %arg2[%dma_wait3A_829, %dma_wait3A_830] : memref<1000000x64xf32, #tpu.memory_space<hbm>> -> memref<1x64xf32, #tpu.memory_space<hbm>>
        %dma_wait3A_832 = arith.constant 0 : i32
        %dma_wait3A_833 = arith.constant 0 : i32
        %dma_wait3A_834 = tpu.memref_slice %arg10[%dma_wait3A_832, %dma_wait3A_833] : memref<256x64xf32, #tpu.memory_space<vmem>> -> memref<1x64xf32, #tpu.memory_space<vmem>>
        %dma_wait3A_835 = arith.constant 0 : i32
        %dma_wait3A_836 = arith.constant 0 : i32
        %dma_wait3A_837 = tpu.memref_slice %arg2[%dma_wait3A_835, %dma_wait3A_836] : memref<1000000x64xf32, #tpu.memory_space<hbm>> -> memref<1x64xf32, #tpu.memory_space<hbm>>
        tpu.wait_dma2 semaphore(%arg12 : memref<!tpu.dma_semaphore, #tpu.memory_space<semaphore_mem>>) src(%dma_wait3A_837 : memref<1x64xf32, #tpu.memory_space<hbm>>) dst(%dma_wait3A_834 : memref<1x64xf32, #tpu.memory_space<vmem>>)
        %dma_wait3A_838 = arith.constant 0 : i32
        %dma_wait3A_839 = arith.constant 0 : i32
        %dma_wait3A_840 = tpu.memref_slice %arg10[%dma_wait3A_838, %dma_wait3A_839] : memref<256x64xf32, #tpu.memory_space<vmem>> -> memref<1x64xf32, #tpu.memory_space<vmem>>
        %dma_wait3A_841 = arith.constant 0 : i32
        %dma_wait3A_842 = arith.constant 0 : i32
        %dma_wait3A_843 = tpu.memref_slice %arg2[%dma_wait3A_841, %dma_wait3A_842] : memref<1000000x64xf32, #tpu.memory_space<hbm>> -> memref<1x64xf32, #tpu.memory_space<hbm>>
        %dma_wait3A_844 = arith.constant 0 : i32
        %dma_wait3A_845 = arith.constant 0 : i32
        %dma_wait3A_846 = tpu.memref_slice %arg10[%dma_wait3A_844, %dma_wait3A_845] : memref<256x64xf32, #tpu.memory_space<vmem>> -> memref<1x64xf32, #tpu.memory_space<vmem>>
        %dma_wait3A_847 = arith.constant 0 : i32
        %dma_wait3A_848 = arith.constant 0 : i32
        %dma_wait3A_849 = tpu.memref_slice %arg2[%dma_wait3A_847, %dma_wait3A_848] : memref<1000000x64xf32, #tpu.memory_space<hbm>> -> memref<1x64xf32, #tpu.memory_space<hbm>>
        tpu.wait_dma2 semaphore(%arg12 : memref<!tpu.dma_semaphore, #tpu.memory_space<semaphore_mem>>) src(%dma_wait3A_849 : memref<1x64xf32, #tpu.memory_space<hbm>>) dst(%dma_wait3A_846 : memref<1x64xf32, #tpu.memory_space<vmem>>)
        %dma_wait3A_850 = arith.constant 0 : i32
        %dma_wait3A_851 = arith.constant 0 : i32
        %dma_wait3A_852 = tpu.memref_slice %arg10[%dma_wait3A_850, %dma_wait3A_851] : memref<256x64xf32, #tpu.memory_space<vmem>> -> memref<1x64xf32, #tpu.memory_space<vmem>>
        %dma_wait3A_853 = arith.constant 0 : i32
        %dma_wait3A_854 = arith.constant 0 : i32
        %dma_wait3A_855 = tpu.memref_slice %arg2[%dma_wait3A_853, %dma_wait3A_854] : memref<1000000x64xf32, #tpu.memory_space<hbm>> -> memref<1x64xf32, #tpu.memory_space<hbm>>
        %dma_wait3A_856 = arith.constant 0 : i32
        %dma_wait3A_857 = arith.constant 0 : i32
        %dma_wait3A_858 = tpu.memref_slice %arg10[%dma_wait3A_856, %dma_wait3A_857] : memref<256x64xf32, #tpu.memory_space<vmem>> -> memref<1x64xf32, #tpu.memory_space<vmem>>
        %dma_wait3A_859 = arith.constant 0 : i32
        %dma_wait3A_860 = arith.constant 0 : i32
        %dma_wait3A_861 = tpu.memref_slice %arg2[%dma_wait3A_859, %dma_wait3A_860] : memref<1000000x64xf32, #tpu.memory_space<hbm>> -> memref<1x64xf32, #tpu.memory_space<hbm>>
        tpu.wait_dma2 semaphore(%arg12 : memref<!tpu.dma_semaphore, #tpu.memory_space<semaphore_mem>>) src(%dma_wait3A_861 : memref<1x64xf32, #tpu.memory_space<hbm>>) dst(%dma_wait3A_858 : memref<1x64xf32, #tpu.memory_space<vmem>>)
        %dma_wait3A_862 = arith.constant 0 : i32
        %dma_wait3A_863 = arith.constant 0 : i32
        %dma_wait3A_864 = tpu.memref_slice %arg10[%dma_wait3A_862, %dma_wait3A_863] : memref<256x64xf32, #tpu.memory_space<vmem>> -> memref<1x64xf32, #tpu.memory_space<vmem>>
        %dma_wait3A_865 = arith.constant 0 : i32
        %dma_wait3A_866 = arith.constant 0 : i32
        %dma_wait3A_867 = tpu.memref_slice %arg2[%dma_wait3A_865, %dma_wait3A_866] : memref<1000000x64xf32, #tpu.memory_space<hbm>> -> memref<1x64xf32, #tpu.memory_space<hbm>>
        %dma_wait3A_868 = arith.constant 0 : i32
        %dma_wait3A_869 = arith.constant 0 : i32
        %dma_wait3A_870 = tpu.memref_slice %arg10[%dma_wait3A_868, %dma_wait3A_869] : memref<256x64xf32, #tpu.memory_space<vmem>> -> memref<1x64xf32, #tpu.memory_space<vmem>>
        %dma_wait3A_871 = arith.constant 0 : i32
        %dma_wait3A_872 = arith.constant 0 : i32
        %dma_wait3A_873 = tpu.memref_slice %arg2[%dma_wait3A_871, %dma_wait3A_872] : memref<1000000x64xf32, #tpu.memory_space<hbm>> -> memref<1x64xf32, #tpu.memory_space<hbm>>
        tpu.wait_dma2 semaphore(%arg12 : memref<!tpu.dma_semaphore, #tpu.memory_space<semaphore_mem>>) src(%dma_wait3A_873 : memref<1x64xf32, #tpu.memory_space<hbm>>) dst(%dma_wait3A_870 : memref<1x64xf32, #tpu.memory_space<vmem>>)
        %dma_wait3A_874 = arith.constant 0 : i32
        %dma_wait3A_875 = arith.constant 0 : i32
        %dma_wait3A_876 = tpu.memref_slice %arg10[%dma_wait3A_874, %dma_wait3A_875] : memref<256x64xf32, #tpu.memory_space<vmem>> -> memref<1x64xf32, #tpu.memory_space<vmem>>
        %dma_wait3A_877 = arith.constant 0 : i32
        %dma_wait3A_878 = arith.constant 0 : i32
        %dma_wait3A_879 = tpu.memref_slice %arg2[%dma_wait3A_877, %dma_wait3A_878] : memref<1000000x64xf32, #tpu.memory_space<hbm>> -> memref<1x64xf32, #tpu.memory_space<hbm>>
        %dma_wait3A_880 = arith.constant 0 : i32
        %dma_wait3A_881 = arith.constant 0 : i32
        %dma_wait3A_882 = tpu.memref_slice %arg10[%dma_wait3A_880, %dma_wait3A_881] : memref<256x64xf32, #tpu.memory_space<vmem>> -> memref<1x64xf32, #tpu.memory_space<vmem>>
        %dma_wait3A_883 = arith.constant 0 : i32
        %dma_wait3A_884 = arith.constant 0 : i32
        %dma_wait3A_885 = tpu.memref_slice %arg2[%dma_wait3A_883, %dma_wait3A_884] : memref<1000000x64xf32, #tpu.memory_space<hbm>> -> memref<1x64xf32, #tpu.memory_space<hbm>>
        tpu.wait_dma2 semaphore(%arg12 : memref<!tpu.dma_semaphore, #tpu.memory_space<semaphore_mem>>) src(%dma_wait3A_885 : memref<1x64xf32, #tpu.memory_space<hbm>>) dst(%dma_wait3A_882 : memref<1x64xf32, #tpu.memory_space<vmem>>)
      } else {
      }
    }
    %scan3A_26 = arith.constant 16 : i32
    %scan3A_27 = arith.constant 0 : i32
    %scan3A_28 = arith.constant 8 : i32
    %scan3A_29 = arith.addi %scan3A_27, %scan3A_28 : i32
    %scan3A_30 = arith.constant 1 : i32
    scf.for %scan3A_36 = %scan3A_27 to %scan3A_29 step %scan3A_30  : i32 {
      %mul3A_37 = arith.constant 1 : i32
      %mul3A_38 = arith.muli %scan3A_36, %mul3A_37 : i32
      %add3A_39 = arith.constant 0 : i32
      %add3A_40 = arith.addi %add3A_39, %mul3A_38 : i32
      %dma_wait3A_41 = arith.constant 0 : i32
      %dma_wait3A_42 = arith.constant 0 : i32
      %dma_wait3A_43 = tpu.memref_slice %arg10[%dma_wait3A_41, %dma_wait3A_42] : memref<256x64xf32, #tpu.memory_space<vmem>> -> memref<1x64xf32, #tpu.memory_space<vmem>>
      %dma_wait3A_44 = arith.constant 0 : i32
      %dma_wait3A_45 = arith.constant 0 : i32
      %dma_wait3A_46 = tpu.memref_slice %arg2[%dma_wait3A_44, %dma_wait3A_45] : memref<1000000x64xf32, #tpu.memory_space<hbm>> -> memref<1x64xf32, #tpu.memory_space<hbm>>
      %dma_wait3A_47 = arith.constant 0 : i32
      %dma_wait3A_48 = arith.constant 0 : i32
      %dma_wait3A_49 = tpu.memref_slice %arg10[%dma_wait3A_47, %dma_wait3A_48] : memref<256x64xf32, #tpu.memory_space<vmem>> -> memref<1x64xf32, #tpu.memory_space<vmem>>
      %dma_wait3A_50 = arith.constant 0 : i32
      %dma_wait3A_51 = arith.constant 0 : i32
      %dma_wait3A_52 = tpu.memref_slice %arg2[%dma_wait3A_50, %dma_wait3A_51] : memref<1000000x64xf32, #tpu.memory_space<hbm>> -> memref<1x64xf32, #tpu.memory_space<hbm>>
      tpu.wait_dma2 semaphore(%arg12 : memref<!tpu.dma_semaphore, #tpu.memory_space<semaphore_mem>>) src(%dma_wait3A_52 : memref<1x64xf32, #tpu.memory_space<hbm>>) dst(%dma_wait3A_49 : memref<1x64xf32, #tpu.memory_space<vmem>>)
      %dma_wait3A_53 = arith.constant 0 : i32
      %dma_wait3A_54 = arith.constant 0 : i32
      %dma_wait3A_55 = tpu.memref_slice %arg10[%dma_wait3A_53, %dma_wait3A_54] : memref<256x64xf32, #tpu.memory_space<vmem>> -> memref<1x64xf32, #tpu.memory_space<vmem>>
      %dma_wait3A_56 = arith.constant 0 : i32
      %dma_wait3A_57 = arith.constant 0 : i32
      %dma_wait3A_58 = tpu.memref_slice %arg2[%dma_wait3A_56, %dma_wait3A_57] : memref<1000000x64xf32, #tpu.memory_space<hbm>> -> memref<1x64xf32, #tpu.memory_space<hbm>>
      %dma_wait3A_59 = arith.constant 0 : i32
      %dma_wait3A_60 = arith.constant 0 : i32
      %dma_wait3A_61 = tpu.memref_slice %arg10[%dma_wait3A_59, %dma_wait3A_60] : memref<256x64xf32, #tpu.memory_space<vmem>> -> memref<1x64xf32, #tpu.memory_space<vmem>>
      %dma_wait3A_62 = arith.constant 0 : i32
      %dma_wait3A_63 = arith.constant 0 : i32
      %dma_wait3A_64 = tpu.memref_slice %arg2[%dma_wait3A_62, %dma_wait3A_63] : memref<1000000x64xf32, #tpu.memory_space<hbm>> -> memref<1x64xf32, #tpu.memory_space<hbm>>
      tpu.wait_dma2 semaphore(%arg12 : memref<!tpu.dma_semaphore, #tpu.memory_space<semaphore_mem>>) src(%dma_wait3A_64 : memref<1x64xf32, #tpu.memory_space<hbm>>) dst(%dma_wait3A_61 : memref<1x64xf32, #tpu.memory_space<vmem>>)
      %dma_wait3A_65 = arith.constant 0 : i32
      %dma_wait3A_66 = arith.constant 0 : i32
      %dma_wait3A_67 = tpu.memref_slice %arg10[%dma_wait3A_65, %dma_wait3A_66] : memref<256x64xf32, #tpu.memory_space<vmem>> -> memref<1x64xf32, #tpu.memory_space<vmem>>
      %dma_wait3A_68 = arith.constant 0 : i32
      %dma_wait3A_69 = arith.constant 0 : i32
      %dma_wait3A_70 = tpu.memref_slice %arg2[%dma_wait3A_68, %dma_wait3A_69] : memref<1000000x64xf32, #tpu.memory_space<hbm>> -> memref<1x64xf32, #tpu.memory_space<hbm>>
      %dma_wait3A_71 = arith.constant 0 : i32
      %dma_wait3A_72 = arith.constant 0 : i32
      %dma_wait3A_73 = tpu.memref_slice %arg10[%dma_wait3A_71, %dma_wait3A_72] : memref<256x64xf32, #tpu.memory_space<vmem>> -> memref<1x64xf32, #tpu.memory_space<vmem>>
      %dma_wait3A_74 = arith.constant 0 : i32
      %dma_wait3A_75 = arith.constant 0 : i32
      %dma_wait3A_76 = tpu.memref_slice %arg2[%dma_wait3A_74, %dma_wait3A_75] : memref<1000000x64xf32, #tpu.memory_space<hbm>> -> memref<1x64xf32, #tpu.memory_space<hbm>>
      tpu.wait_dma2 semaphore(%arg12 : memref<!tpu.dma_semaphore, #tpu.memory_space<semaphore_mem>>) src(%dma_wait3A_76 : memref<1x64xf32, #tpu.memory_space<hbm>>) dst(%dma_wait3A_73 : memref<1x64xf32, #tpu.memory_space<vmem>>)
      %dma_wait3A_77 = arith.constant 0 : i32
      %dma_wait3A_78 = arith.constant 0 : i32
      %dma_wait3A_79 = tpu.memref_slice %arg10[%dma_wait3A_77, %dma_wait3A_78] : memref<256x64xf32, #tpu.memory_space<vmem>> -> memref<1x64xf32, #tpu.memory_space<vmem>>
      %dma_wait3A_80 = arith.constant 0 : i32
      %dma_wait3A_81 = arith.constant 0 : i32
      %dma_wait3A_82 = tpu.memref_slice %arg2[%dma_wait3A_80, %dma_wait3A_81] : memref<1000000x64xf32, #tpu.memory_space<hbm>> -> memref<1x64xf32, #tpu.memory_space<hbm>>
      %dma_wait3A_83 = arith.constant 0 : i32
      %dma_wait3A_84 = arith.constant 0 : i32
      %dma_wait3A_85 = tpu.memref_slice %arg10[%dma_wait3A_83, %dma_wait3A_84] : memref<256x64xf32, #tpu.memory_space<vmem>> -> memref<1x64xf32, #tpu.memory_space<vmem>>
      %dma_wait3A_86 = arith.constant 0 : i32
      %dma_wait3A_87 = arith.constant 0 : i32
      %dma_wait3A_88 = tpu.memref_slice %arg2[%dma_wait3A_86, %dma_wait3A_87] : memref<1000000x64xf32, #tpu.memory_space<hbm>> -> memref<1x64xf32, #tpu.memory_space<hbm>>
      tpu.wait_dma2 semaphore(%arg12 : memref<!tpu.dma_semaphore, #tpu.memory_space<semaphore_mem>>) src(%dma_wait3A_88 : memref<1x64xf32, #tpu.memory_space<hbm>>) dst(%dma_wait3A_85 : memref<1x64xf32, #tpu.memory_space<vmem>>)
      %dma_wait3A_89 = arith.constant 0 : i32
      %dma_wait3A_90 = arith.constant 0 : i32
      %dma_wait3A_91 = tpu.memref_slice %arg10[%dma_wait3A_89, %dma_wait3A_90] : memref<256x64xf32, #tpu.memory_space<vmem>> -> memref<1x64xf32, #tpu.memory_space<vmem>>
      %dma_wait3A_92 = arith.constant 0 : i32
      %dma_wait3A_93 = arith.constant 0 : i32
      %dma_wait3A_94 = tpu.memref_slice %arg2[%dma_wait3A_92, %dma_wait3A_93] : memref<1000000x64xf32, #tpu.memory_space<hbm>> -> memref<1x64xf32, #tpu.memory_space<hbm>>
      %dma_wait3A_95 = arith.constant 0 : i32
      %dma_wait3A_96 = arith.constant 0 : i32
      %dma_wait3A_97 = tpu.memref_slice %arg10[%dma_wait3A_95, %dma_wait3A_96] : memref<256x64xf32, #tpu.memory_space<vmem>> -> memref<1x64xf32, #tpu.memory_space<vmem>>
      %dma_wait3A_98 = arith.constant 0 : i32
      %dma_wait3A_99 = arith.constant 0 : i32
      %dma_wait3A_100 = tpu.memref_slice %arg2[%dma_wait3A_98, %dma_wait3A_99] : memref<1000000x64xf32, #tpu.memory_space<hbm>> -> memref<1x64xf32, #tpu.memory_space<hbm>>
      tpu.wait_dma2 semaphore(%arg12 : memref<!tpu.dma_semaphore, #tpu.memory_space<semaphore_mem>>) src(%dma_wait3A_100 : memref<1x64xf32, #tpu.memory_space<hbm>>) dst(%dma_wait3A_97 : memref<1x64xf32, #tpu.memory_space<vmem>>)
      %dma_wait3A_101 = arith.constant 0 : i32
      %dma_wait3A_102 = arith.constant 0 : i32
      %dma_wait3A_103 = tpu.memref_slice %arg10[%dma_wait3A_101, %dma_wait3A_102] : memref<256x64xf32, #tpu.memory_space<vmem>> -> memref<1x64xf32, #tpu.memory_space<vmem>>
      %dma_wait3A_104 = arith.constant 0 : i32
      %dma_wait3A_105 = arith.constant 0 : i32
      %dma_wait3A_106 = tpu.memref_slice %arg2[%dma_wait3A_104, %dma_wait3A_105] : memref<1000000x64xf32, #tpu.memory_space<hbm>> -> memref<1x64xf32, #tpu.memory_space<hbm>>
      %dma_wait3A_107 = arith.constant 0 : i32
      %dma_wait3A_108 = arith.constant 0 : i32
      %dma_wait3A_109 = tpu.memref_slice %arg10[%dma_wait3A_107, %dma_wait3A_108] : memref<256x64xf32, #tpu.memory_space<vmem>> -> memref<1x64xf32, #tpu.memory_space<vmem>>
      %dma_wait3A_110 = arith.constant 0 : i32
      %dma_wait3A_111 = arith.constant 0 : i32
      %dma_wait3A_112 = tpu.memref_slice %arg2[%dma_wait3A_110, %dma_wait3A_111] : memref<1000000x64xf32, #tpu.memory_space<hbm>> -> memref<1x64xf32, #tpu.memory_space<hbm>>
      tpu.wait_dma2 semaphore(%arg12 : memref<!tpu.dma_semaphore, #tpu.memory_space<semaphore_mem>>) src(%dma_wait3A_112 : memref<1x64xf32, #tpu.memory_space<hbm>>) dst(%dma_wait3A_109 : memref<1x64xf32, #tpu.memory_space<vmem>>)
      %dma_wait3A_113 = arith.constant 0 : i32
      %dma_wait3A_114 = arith.constant 0 : i32
      %dma_wait3A_115 = tpu.memref_slice %arg10[%dma_wait3A_113, %dma_wait3A_114] : memref<256x64xf32, #tpu.memory_space<vmem>> -> memref<1x64xf32, #tpu.memory_space<vmem>>
      %dma_wait3A_116 = arith.constant 0 : i32
      %dma_wait3A_117 = arith.constant 0 : i32
      %dma_wait3A_118 = tpu.memref_slice %arg2[%dma_wait3A_116, %dma_wait3A_117] : memref<1000000x64xf32, #tpu.memory_space<hbm>> -> memref<1x64xf32, #tpu.memory_space<hbm>>
      %dma_wait3A_119 = arith.constant 0 : i32
      %dma_wait3A_120 = arith.constant 0 : i32
      %dma_wait3A_121 = tpu.memref_slice %arg10[%dma_wait3A_119, %dma_wait3A_120] : memref<256x64xf32, #tpu.memory_space<vmem>> -> memref<1x64xf32, #tpu.memory_space<vmem>>
      %dma_wait3A_122 = arith.constant 0 : i32
      %dma_wait3A_123 = arith.constant 0 : i32
      %dma_wait3A_124 = tpu.memref_slice %arg2[%dma_wait3A_122, %dma_wait3A_123] : memref<1000000x64xf32, #tpu.memory_space<hbm>> -> memref<1x64xf32, #tpu.memory_space<hbm>>
      tpu.wait_dma2 semaphore(%arg12 : memref<!tpu.dma_semaphore, #tpu.memory_space<semaphore_mem>>) src(%dma_wait3A_124 : memref<1x64xf32, #tpu.memory_space<hbm>>) dst(%dma_wait3A_121 : memref<1x64xf32, #tpu.memory_space<vmem>>)
      %dma_wait3A_125 = arith.constant 0 : i32
      %dma_wait3A_126 = arith.constant 0 : i32
      %dma_wait3A_127 = tpu.memref_slice %arg10[%dma_wait3A_125, %dma_wait3A_126] : memref<256x64xf32, #tpu.memory_space<vmem>> -> memref<1x64xf32, #tpu.memory_space<vmem>>
      %dma_wait3A_128 = arith.constant 0 : i32
      %dma_wait3A_129 = arith.constant 0 : i32
      %dma_wait3A_130 = tpu.memref_slice %arg2[%dma_wait3A_128, %dma_wait3A_129] : memref<1000000x64xf32, #tpu.memory_space<hbm>> -> memref<1x64xf32, #tpu.memory_space<hbm>>
      %dma_wait3A_131 = arith.constant 0 : i32
      %dma_wait3A_132 = arith.constant 0 : i32
      %dma_wait3A_133 = tpu.memref_slice %arg10[%dma_wait3A_131, %dma_wait3A_132] : memref<256x64xf32, #tpu.memory_space<vmem>> -> memref<1x64xf32, #tpu.memory_space<vmem>>
      %dma_wait3A_134 = arith.constant 0 : i32
      %dma_wait3A_135 = arith.constant 0 : i32
      %dma_wait3A_136 = tpu.memref_slice %arg2[%dma_wait3A_134, %dma_wait3A_135] : memref<1000000x64xf32, #tpu.memory_space<hbm>> -> memref<1x64xf32, #tpu.memory_space<hbm>>
      tpu.wait_dma2 semaphore(%arg12 : memref<!tpu.dma_semaphore, #tpu.memory_space<semaphore_mem>>) src(%dma_wait3A_136 : memref<1x64xf32, #tpu.memory_space<hbm>>) dst(%dma_wait3A_133 : memref<1x64xf32, #tpu.memory_space<vmem>>)
      %dma_wait3A_137 = arith.constant 0 : i32
      %dma_wait3A_138 = arith.constant 0 : i32
      %dma_wait3A_139 = tpu.memref_slice %arg10[%dma_wait3A_137, %dma_wait3A_138] : memref<256x64xf32, #tpu.memory_space<vmem>> -> memref<1x64xf32, #tpu.memory_space<vmem>>
      %dma_wait3A_140 = arith.constant 0 : i32
      %dma_wait3A_141 = arith.constant 0 : i32
      %dma_wait3A_142 = tpu.memref_slice %arg2[%dma_wait3A_140, %dma_wait3A_141] : memref<1000000x64xf32, #tpu.memory_space<hbm>> -> memref<1x64xf32, #tpu.memory_space<hbm>>
      %dma_wait3A_143 = arith.constant 0 : i32
      %dma_wait3A_144 = arith.constant 0 : i32
      %dma_wait3A_145 = tpu.memref_slice %arg10[%dma_wait3A_143, %dma_wait3A_144] : memref<256x64xf32, #tpu.memory_space<vmem>> -> memref<1x64xf32, #tpu.memory_space<vmem>>
      %dma_wait3A_146 = arith.constant 0 : i32
      %dma_wait3A_147 = arith.constant 0 : i32
      %dma_wait3A_148 = tpu.memref_slice %arg2[%dma_wait3A_146, %dma_wait3A_147] : memref<1000000x64xf32, #tpu.memory_space<hbm>> -> memref<1x64xf32, #tpu.memory_space<hbm>>
      tpu.wait_dma2 semaphore(%arg12 : memref<!tpu.dma_semaphore, #tpu.memory_space<semaphore_mem>>) src(%dma_wait3A_148 : memref<1x64xf32, #tpu.memory_space<hbm>>) dst(%dma_wait3A_145 : memref<1x64xf32, #tpu.memory_space<vmem>>)
      %dma_wait3A_149 = arith.constant 0 : i32
      %dma_wait3A_150 = arith.constant 0 : i32
      %dma_wait3A_151 = tpu.memref_slice %arg10[%dma_wait3A_149, %dma_wait3A_150] : memref<256x64xf32, #tpu.memory_space<vmem>> -> memref<1x64xf32, #tpu.memory_space<vmem>>
      %dma_wait3A_152 = arith.constant 0 : i32
      %dma_wait3A_153 = arith.constant 0 : i32
      %dma_wait3A_154 = tpu.memref_slice %arg2[%dma_wait3A_152, %dma_wait3A_153] : memref<1000000x64xf32, #tpu.memory_space<hbm>> -> memref<1x64xf32, #tpu.memory_space<hbm>>
      %dma_wait3A_155 = arith.constant 0 : i32
      %dma_wait3A_156 = arith.constant 0 : i32
      %dma_wait3A_157 = tpu.memref_slice %arg10[%dma_wait3A_155, %dma_wait3A_156] : memref<256x64xf32, #tpu.memory_space<vmem>> -> memref<1x64xf32, #tpu.memory_space<vmem>>
      %dma_wait3A_158 = arith.constant 0 : i32
      %dma_wait3A_159 = arith.constant 0 : i32
      %dma_wait3A_160 = tpu.memref_slice %arg2[%dma_wait3A_158, %dma_wait3A_159] : memref<1000000x64xf32, #tpu.memory_space<hbm>> -> memref<1x64xf32, #tpu.memory_space<hbm>>
      tpu.wait_dma2 semaphore(%arg12 : memref<!tpu.dma_semaphore, #tpu.memory_space<semaphore_mem>>) src(%dma_wait3A_160 : memref<1x64xf32, #tpu.memory_space<hbm>>) dst(%dma_wait3A_157 : memref<1x64xf32, #tpu.memory_space<vmem>>)
      %dma_wait3A_161 = arith.constant 0 : i32
      %dma_wait3A_162 = arith.constant 0 : i32
      %dma_wait3A_163 = tpu.memref_slice %arg10[%dma_wait3A_161, %dma_wait3A_162] : memref<256x64xf32, #tpu.memory_space<vmem>> -> memref<1x64xf32, #tpu.memory_space<vmem>>
      %dma_wait3A_164 = arith.constant 0 : i32
      %dma_wait3A_165 = arith.constant 0 : i32
      %dma_wait3A_166 = tpu.memref_slice %arg2[%dma_wait3A_164, %dma_wait3A_165] : memref<1000000x64xf32, #tpu.memory_space<hbm>> -> memref<1x64xf32, #tpu.memory_space<hbm>>
      %dma_wait3A_167 = arith.constant 0 : i32
      %dma_wait3A_168 = arith.constant 0 : i32
      %dma_wait3A_169 = tpu.memref_slice %arg10[%dma_wait3A_167, %dma_wait3A_168] : memref<256x64xf32, #tpu.memory_space<vmem>> -> memref<1x64xf32, #tpu.memory_space<vmem>>
      %dma_wait3A_170 = arith.constant 0 : i32
      %dma_wait3A_171 = arith.constant 0 : i32
      %dma_wait3A_172 = tpu.memref_slice %arg2[%dma_wait3A_170, %dma_wait3A_171] : memref<1000000x64xf32, #tpu.memory_space<hbm>> -> memref<1x64xf32, #tpu.memory_space<hbm>>
      tpu.wait_dma2 semaphore(%arg12 : memref<!tpu.dma_semaphore, #tpu.memory_space<semaphore_mem>>) src(%dma_wait3A_172 : memref<1x64xf32, #tpu.memory_space<hbm>>) dst(%dma_wait3A_169 : memref<1x64xf32, #tpu.memory_space<vmem>>)
      %dma_wait3A_173 = arith.constant 0 : i32
      %dma_wait3A_174 = arith.constant 0 : i32
      %dma_wait3A_175 = tpu.memref_slice %arg10[%dma_wait3A_173, %dma_wait3A_174] : memref<256x64xf32, #tpu.memory_space<vmem>> -> memref<1x64xf32, #tpu.memory_space<vmem>>
      %dma_wait3A_176 = arith.constant 0 : i32
      %dma_wait3A_177 = arith.constant 0 : i32
      %dma_wait3A_178 = tpu.memref_slice %arg2[%dma_wait3A_176, %dma_wait3A_177] : memref<1000000x64xf32, #tpu.memory_space<hbm>> -> memref<1x64xf32, #tpu.memory_space<hbm>>
      %dma_wait3A_179 = arith.constant 0 : i32
      %dma_wait3A_180 = arith.constant 0 : i32
      %dma_wait3A_181 = tpu.memref_slice %arg10[%dma_wait3A_179, %dma_wait3A_180] : memref<256x64xf32, #tpu.memory_space<vmem>> -> memref<1x64xf32, #tpu.memory_space<vmem>>
      %dma_wait3A_182 = arith.constant 0 : i32
      %dma_wait3A_183 = arith.constant 0 : i32
      %dma_wait3A_184 = tpu.memref_slice %arg2[%dma_wait3A_182, %dma_wait3A_183] : memref<1000000x64xf32, #tpu.memory_space<hbm>> -> memref<1x64xf32, #tpu.memory_space<hbm>>
      tpu.wait_dma2 semaphore(%arg12 : memref<!tpu.dma_semaphore, #tpu.memory_space<semaphore_mem>>) src(%dma_wait3A_184 : memref<1x64xf32, #tpu.memory_space<hbm>>) dst(%dma_wait3A_181 : memref<1x64xf32, #tpu.memory_space<vmem>>)
      %dma_wait3A_185 = arith.constant 0 : i32
      %dma_wait3A_186 = arith.constant 0 : i32
      %dma_wait3A_187 = tpu.memref_slice %arg10[%dma_wait3A_185, %dma_wait3A_186] : memref<256x64xf32, #tpu.memory_space<vmem>> -> memref<1x64xf32, #tpu.memory_space<vmem>>
      %dma_wait3A_188 = arith.constant 0 : i32
      %dma_wait3A_189 = arith.constant 0 : i32
      %dma_wait3A_190 = tpu.memref_slice %arg2[%dma_wait3A_188, %dma_wait3A_189] : memref<1000000x64xf32, #tpu.memory_space<hbm>> -> memref<1x64xf32, #tpu.memory_space<hbm>>
      %dma_wait3A_191 = arith.constant 0 : i32
      %dma_wait3A_192 = arith.constant 0 : i32
      %dma_wait3A_193 = tpu.memref_slice %arg10[%dma_wait3A_191, %dma_wait3A_192] : memref<256x64xf32, #tpu.memory_space<vmem>> -> memref<1x64xf32, #tpu.memory_space<vmem>>
      %dma_wait3A_194 = arith.constant 0 : i32
      %dma_wait3A_195 = arith.constant 0 : i32
      %dma_wait3A_196 = tpu.memref_slice %arg2[%dma_wait3A_194, %dma_wait3A_195] : memref<1000000x64xf32, #tpu.memory_space<hbm>> -> memref<1x64xf32, #tpu.memory_space<hbm>>
      tpu.wait_dma2 semaphore(%arg12 : memref<!tpu.dma_semaphore, #tpu.memory_space<semaphore_mem>>) src(%dma_wait3A_196 : memref<1x64xf32, #tpu.memory_space<hbm>>) dst(%dma_wait3A_193 : memref<1x64xf32, #tpu.memory_space<vmem>>)
      %dma_wait3A_197 = arith.constant 0 : i32
      %dma_wait3A_198 = arith.constant 0 : i32
      %dma_wait3A_199 = tpu.memref_slice %arg10[%dma_wait3A_197, %dma_wait3A_198] : memref<256x64xf32, #tpu.memory_space<vmem>> -> memref<1x64xf32, #tpu.memory_space<vmem>>
      %dma_wait3A_200 = arith.constant 0 : i32
      %dma_wait3A_201 = arith.constant 0 : i32
      %dma_wait3A_202 = tpu.memref_slice %arg2[%dma_wait3A_200, %dma_wait3A_201] : memref<1000000x64xf32, #tpu.memory_space<hbm>> -> memref<1x64xf32, #tpu.memory_space<hbm>>
      %dma_wait3A_203 = arith.constant 0 : i32
      %dma_wait3A_204 = arith.constant 0 : i32
      %dma_wait3A_205 = tpu.memref_slice %arg10[%dma_wait3A_203, %dma_wait3A_204] : memref<256x64xf32, #tpu.memory_space<vmem>> -> memref<1x64xf32, #tpu.memory_space<vmem>>
      %dma_wait3A_206 = arith.constant 0 : i32
      %dma_wait3A_207 = arith.constant 0 : i32
      %dma_wait3A_208 = tpu.memref_slice %arg2[%dma_wait3A_206, %dma_wait3A_207] : memref<1000000x64xf32, #tpu.memory_space<hbm>> -> memref<1x64xf32, #tpu.memory_space<hbm>>
      tpu.wait_dma2 semaphore(%arg12 : memref<!tpu.dma_semaphore, #tpu.memory_space<semaphore_mem>>) src(%dma_wait3A_208 : memref<1x64xf32, #tpu.memory_space<hbm>>) dst(%dma_wait3A_205 : memref<1x64xf32, #tpu.memory_space<vmem>>)
      %dma_wait3A_209 = arith.constant 0 : i32
      %dma_wait3A_210 = arith.constant 0 : i32
      %dma_wait3A_211 = tpu.memref_slice %arg10[%dma_wait3A_209, %dma_wait3A_210] : memref<256x64xf32, #tpu.memory_space<vmem>> -> memref<1x64xf32, #tpu.memory_space<vmem>>
      %dma_wait3A_212 = arith.constant 0 : i32
      %dma_wait3A_213 = arith.constant 0 : i32
      %dma_wait3A_214 = tpu.memref_slice %arg2[%dma_wait3A_212, %dma_wait3A_213] : memref<1000000x64xf32, #tpu.memory_space<hbm>> -> memref<1x64xf32, #tpu.memory_space<hbm>>
      %dma_wait3A_215 = arith.constant 0 : i32
      %dma_wait3A_216 = arith.constant 0 : i32
      %dma_wait3A_217 = tpu.memref_slice %arg10[%dma_wait3A_215, %dma_wait3A_216] : memref<256x64xf32, #tpu.memory_space<vmem>> -> memref<1x64xf32, #tpu.memory_space<vmem>>
      %dma_wait3A_218 = arith.constant 0 : i32
      %dma_wait3A_219 = arith.constant 0 : i32
      %dma_wait3A_220 = tpu.memref_slice %arg2[%dma_wait3A_218, %dma_wait3A_219] : memref<1000000x64xf32, #tpu.memory_space<hbm>> -> memref<1x64xf32, #tpu.memory_space<hbm>>
      tpu.wait_dma2 semaphore(%arg12 : memref<!tpu.dma_semaphore, #tpu.memory_space<semaphore_mem>>) src(%dma_wait3A_220 : memref<1x64xf32, #tpu.memory_space<hbm>>) dst(%dma_wait3A_217 : memref<1x64xf32, #tpu.memory_space<vmem>>)
      %dma_wait3A_221 = arith.constant 0 : i32
      %dma_wait3A_222 = arith.constant 0 : i32
      %dma_wait3A_223 = tpu.memref_slice %arg10[%dma_wait3A_221, %dma_wait3A_222] : memref<256x64xf32, #tpu.memory_space<vmem>> -> memref<1x64xf32, #tpu.memory_space<vmem>>
      %dma_wait3A_224 = arith.constant 0 : i32
      %dma_wait3A_225 = arith.constant 0 : i32
      %dma_wait3A_226 = tpu.memref_slice %arg2[%dma_wait3A_224, %dma_wait3A_225] : memref<1000000x64xf32, #tpu.memory_space<hbm>> -> memref<1x64xf32, #tpu.memory_space<hbm>>
      %dma_wait3A_227 = arith.constant 0 : i32
      %dma_wait3A_228 = arith.constant 0 : i32
      %dma_wait3A_229 = tpu.memref_slice %arg10[%dma_wait3A_227, %dma_wait3A_228] : memref<256x64xf32, #tpu.memory_space<vmem>> -> memref<1x64xf32, #tpu.memory_space<vmem>>
      %dma_wait3A_230 = arith.constant 0 : i32
      %dma_wait3A_231 = arith.constant 0 : i32
      %dma_wait3A_232 = tpu.memref_slice %arg2[%dma_wait3A_230, %dma_wait3A_231] : memref<1000000x64xf32, #tpu.memory_space<hbm>> -> memref<1x64xf32, #tpu.memory_space<hbm>>
      tpu.wait_dma2 semaphore(%arg12 : memref<!tpu.dma_semaphore, #tpu.memory_space<semaphore_mem>>) src(%dma_wait3A_232 : memref<1x64xf32, #tpu.memory_space<hbm>>) dst(%dma_wait3A_229 : memref<1x64xf32, #tpu.memory_space<vmem>>)
      %dma_wait3A_233 = arith.constant 0 : i32
      %dma_wait3A_234 = arith.constant 0 : i32
      %dma_wait3A_235 = tpu.memref_slice %arg10[%dma_wait3A_233, %dma_wait3A_234] : memref<256x64xf32, #tpu.memory_space<vmem>> -> memref<1x64xf32, #tpu.memory_space<vmem>>
      %dma_wait3A_236 = arith.constant 0 : i32
      %dma_wait3A_237 = arith.constant 0 : i32
      %dma_wait3A_238 = tpu.memref_slice %arg2[%dma_wait3A_236, %dma_wait3A_237] : memref<1000000x64xf32, #tpu.memory_space<hbm>> -> memref<1x64xf32, #tpu.memory_space<hbm>>
      %dma_wait3A_239 = arith.constant 0 : i32
      %dma_wait3A_240 = arith.constant 0 : i32
      %dma_wait3A_241 = tpu.memref_slice %arg10[%dma_wait3A_239, %dma_wait3A_240] : memref<256x64xf32, #tpu.memory_space<vmem>> -> memref<1x64xf32, #tpu.memory_space<vmem>>
      %dma_wait3A_242 = arith.constant 0 : i32
      %dma_wait3A_243 = arith.constant 0 : i32
      %dma_wait3A_244 = tpu.memref_slice %arg2[%dma_wait3A_242, %dma_wait3A_243] : memref<1000000x64xf32, #tpu.memory_space<hbm>> -> memref<1x64xf32, #tpu.memory_space<hbm>>
      tpu.wait_dma2 semaphore(%arg12 : memref<!tpu.dma_semaphore, #tpu.memory_space<semaphore_mem>>) src(%dma_wait3A_244 : memref<1x64xf32, #tpu.memory_space<hbm>>) dst(%dma_wait3A_241 : memref<1x64xf32, #tpu.memory_space<vmem>>)
      %dma_wait3A_245 = arith.constant 0 : i32
      %dma_wait3A_246 = arith.constant 0 : i32
      %dma_wait3A_247 = tpu.memref_slice %arg10[%dma_wait3A_245, %dma_wait3A_246] : memref<256x64xf32, #tpu.memory_space<vmem>> -> memref<1x64xf32, #tpu.memory_space<vmem>>
      %dma_wait3A_248 = arith.constant 0 : i32
      %dma_wait3A_249 = arith.constant 0 : i32
      %dma_wait3A_250 = tpu.memref_slice %arg2[%dma_wait3A_248, %dma_wait3A_249] : memref<1000000x64xf32, #tpu.memory_space<hbm>> -> memref<1x64xf32, #tpu.memory_space<hbm>>
      %dma_wait3A_251 = arith.constant 0 : i32
      %dma_wait3A_252 = arith.constant 0 : i32
      %dma_wait3A_253 = tpu.memref_slice %arg10[%dma_wait3A_251, %dma_wait3A_252] : memref<256x64xf32, #tpu.memory_space<vmem>> -> memref<1x64xf32, #tpu.memory_space<vmem>>
      %dma_wait3A_254 = arith.constant 0 : i32
      %dma_wait3A_255 = arith.constant 0 : i32
      %dma_wait3A_256 = tpu.memref_slice %arg2[%dma_wait3A_254, %dma_wait3A_255] : memref<1000000x64xf32, #tpu.memory_space<hbm>> -> memref<1x64xf32, #tpu.memory_space<hbm>>
      tpu.wait_dma2 semaphore(%arg12 : memref<!tpu.dma_semaphore, #tpu.memory_space<semaphore_mem>>) src(%dma_wait3A_256 : memref<1x64xf32, #tpu.memory_space<hbm>>) dst(%dma_wait3A_253 : memref<1x64xf32, #tpu.memory_space<vmem>>)
      %dma_wait3A_257 = arith.constant 0 : i32
      %dma_wait3A_258 = arith.constant 0 : i32
      %dma_wait3A_259 = tpu.memref_slice %arg10[%dma_wait3A_257, %dma_wait3A_258] : memref<256x64xf32, #tpu.memory_space<vmem>> -> memref<1x64xf32, #tpu.memory_space<vmem>>
      %dma_wait3A_260 = arith.constant 0 : i32
      %dma_wait3A_261 = arith.constant 0 : i32
      %dma_wait3A_262 = tpu.memref_slice %arg2[%dma_wait3A_260, %dma_wait3A_261] : memref<1000000x64xf32, #tpu.memory_space<hbm>> -> memref<1x64xf32, #tpu.memory_space<hbm>>
      %dma_wait3A_263 = arith.constant 0 : i32
      %dma_wait3A_264 = arith.constant 0 : i32
      %dma_wait3A_265 = tpu.memref_slice %arg10[%dma_wait3A_263, %dma_wait3A_264] : memref<256x64xf32, #tpu.memory_space<vmem>> -> memref<1x64xf32, #tpu.memory_space<vmem>>
      %dma_wait3A_266 = arith.constant 0 : i32
      %dma_wait3A_267 = arith.constant 0 : i32
      %dma_wait3A_268 = tpu.memref_slice %arg2[%dma_wait3A_266, %dma_wait3A_267] : memref<1000000x64xf32, #tpu.memory_space<hbm>> -> memref<1x64xf32, #tpu.memory_space<hbm>>
      tpu.wait_dma2 semaphore(%arg12 : memref<!tpu.dma_semaphore, #tpu.memory_space<semaphore_mem>>) src(%dma_wait3A_268 : memref<1x64xf32, #tpu.memory_space<hbm>>) dst(%dma_wait3A_265 : memref<1x64xf32, #tpu.memory_space<vmem>>)
      %dma_wait3A_269 = arith.constant 0 : i32
      %dma_wait3A_270 = arith.constant 0 : i32
      %dma_wait3A_271 = tpu.memref_slice %arg10[%dma_wait3A_269, %dma_wait3A_270] : memref<256x64xf32, #tpu.memory_space<vmem>> -> memref<1x64xf32, #tpu.memory_space<vmem>>
      %dma_wait3A_272 = arith.constant 0 : i32
      %dma_wait3A_273 = arith.constant 0 : i32
      %dma_wait3A_274 = tpu.memref_slice %arg2[%dma_wait3A_272, %dma_wait3A_273] : memref<1000000x64xf32, #tpu.memory_space<hbm>> -> memref<1x64xf32, #tpu.memory_space<hbm>>
      %dma_wait3A_275 = arith.constant 0 : i32
      %dma_wait3A_276 = arith.constant 0 : i32
      %dma_wait3A_277 = tpu.memref_slice %arg10[%dma_wait3A_275, %dma_wait3A_276] : memref<256x64xf32, #tpu.memory_space<vmem>> -> memref<1x64xf32, #tpu.memory_space<vmem>>
      %dma_wait3A_278 = arith.constant 0 : i32
      %dma_wait3A_279 = arith.constant 0 : i32
      %dma_wait3A_280 = tpu.memref_slice %arg2[%dma_wait3A_278, %dma_wait3A_279] : memref<1000000x64xf32, #tpu.memory_space<hbm>> -> memref<1x64xf32, #tpu.memory_space<hbm>>
      tpu.wait_dma2 semaphore(%arg12 : memref<!tpu.dma_semaphore, #tpu.memory_space<semaphore_mem>>) src(%dma_wait3A_280 : memref<1x64xf32, #tpu.memory_space<hbm>>) dst(%dma_wait3A_277 : memref<1x64xf32, #tpu.memory_space<vmem>>)
      %dma_wait3A_281 = arith.constant 0 : i32
      %dma_wait3A_282 = arith.constant 0 : i32
      %dma_wait3A_283 = tpu.memref_slice %arg10[%dma_wait3A_281, %dma_wait3A_282] : memref<256x64xf32, #tpu.memory_space<vmem>> -> memref<1x64xf32, #tpu.memory_space<vmem>>
      %dma_wait3A_284 = arith.constant 0 : i32
      %dma_wait3A_285 = arith.constant 0 : i32
      %dma_wait3A_286 = tpu.memref_slice %arg2[%dma_wait3A_284, %dma_wait3A_285] : memref<1000000x64xf32, #tpu.memory_space<hbm>> -> memref<1x64xf32, #tpu.memory_space<hbm>>
      %dma_wait3A_287 = arith.constant 0 : i32
      %dma_wait3A_288 = arith.constant 0 : i32
      %dma_wait3A_289 = tpu.memref_slice %arg10[%dma_wait3A_287, %dma_wait3A_288] : memref<256x64xf32, #tpu.memory_space<vmem>> -> memref<1x64xf32, #tpu.memory_space<vmem>>
      %dma_wait3A_290 = arith.constant 0 : i32
      %dma_wait3A_291 = arith.constant 0 : i32
      %dma_wait3A_292 = tpu.memref_slice %arg2[%dma_wait3A_290, %dma_wait3A_291] : memref<1000000x64xf32, #tpu.memory_space<hbm>> -> memref<1x64xf32, #tpu.memory_space<hbm>>
      tpu.wait_dma2 semaphore(%arg12 : memref<!tpu.dma_semaphore, #tpu.memory_space<semaphore_mem>>) src(%dma_wait3A_292 : memref<1x64xf32, #tpu.memory_space<hbm>>) dst(%dma_wait3A_289 : memref<1x64xf32, #tpu.memory_space<vmem>>)
      %dma_wait3A_293 = arith.constant 0 : i32
      %dma_wait3A_294 = arith.constant 0 : i32
      %dma_wait3A_295 = tpu.memref_slice %arg10[%dma_wait3A_293, %dma_wait3A_294] : memref<256x64xf32, #tpu.memory_space<vmem>> -> memref<1x64xf32, #tpu.memory_space<vmem>>
      %dma_wait3A_296 = arith.constant 0 : i32
      %dma_wait3A_297 = arith.constant 0 : i32
      %dma_wait3A_298 = tpu.memref_slice %arg2[%dma_wait3A_296, %dma_wait3A_297] : memref<1000000x64xf32, #tpu.memory_space<hbm>> -> memref<1x64xf32, #tpu.memory_space<hbm>>
      %dma_wait3A_299 = arith.constant 0 : i32
      %dma_wait3A_300 = arith.constant 0 : i32
      %dma_wait3A_301 = tpu.memref_slice %arg10[%dma_wait3A_299, %dma_wait3A_300] : memref<256x64xf32, #tpu.memory_space<vmem>> -> memref<1x64xf32, #tpu.memory_space<vmem>>
      %dma_wait3A_302 = arith.constant 0 : i32
      %dma_wait3A_303 = arith.constant 0 : i32
      %dma_wait3A_304 = tpu.memref_slice %arg2[%dma_wait3A_302, %dma_wait3A_303] : memref<1000000x64xf32, #tpu.memory_space<hbm>> -> memref<1x64xf32, #tpu.memory_space<hbm>>
      tpu.wait_dma2 semaphore(%arg12 : memref<!tpu.dma_semaphore, #tpu.memory_space<semaphore_mem>>) src(%dma_wait3A_304 : memref<1x64xf32, #tpu.memory_space<hbm>>) dst(%dma_wait3A_301 : memref<1x64xf32, #tpu.memory_space<vmem>>)
      %dma_wait3A_305 = arith.constant 0 : i32
      %dma_wait3A_306 = arith.constant 0 : i32
      %dma_wait3A_307 = tpu.memref_slice %arg10[%dma_wait3A_305, %dma_wait3A_306] : memref<256x64xf32, #tpu.memory_space<vmem>> -> memref<1x64xf32, #tpu.memory_space<vmem>>
      %dma_wait3A_308 = arith.constant 0 : i32
      %dma_wait3A_309 = arith.constant 0 : i32
      %dma_wait3A_310 = tpu.memref_slice %arg2[%dma_wait3A_308, %dma_wait3A_309] : memref<1000000x64xf32, #tpu.memory_space<hbm>> -> memref<1x64xf32, #tpu.memory_space<hbm>>
      %dma_wait3A_311 = arith.constant 0 : i32
      %dma_wait3A_312 = arith.constant 0 : i32
      %dma_wait3A_313 = tpu.memref_slice %arg10[%dma_wait3A_311, %dma_wait3A_312] : memref<256x64xf32, #tpu.memory_space<vmem>> -> memref<1x64xf32, #tpu.memory_space<vmem>>
      %dma_wait3A_314 = arith.constant 0 : i32
      %dma_wait3A_315 = arith.constant 0 : i32
      %dma_wait3A_316 = tpu.memref_slice %arg2[%dma_wait3A_314, %dma_wait3A_315] : memref<1000000x64xf32, #tpu.memory_space<hbm>> -> memref<1x64xf32, #tpu.memory_space<hbm>>
      tpu.wait_dma2 semaphore(%arg12 : memref<!tpu.dma_semaphore, #tpu.memory_space<semaphore_mem>>) src(%dma_wait3A_316 : memref<1x64xf32, #tpu.memory_space<hbm>>) dst(%dma_wait3A_313 : memref<1x64xf32, #tpu.memory_space<vmem>>)
      %dma_wait3A_317 = arith.constant 0 : i32
      %dma_wait3A_318 = arith.constant 0 : i32
      %dma_wait3A_319 = tpu.memref_slice %arg10[%dma_wait3A_317, %dma_wait3A_318] : memref<256x64xf32, #tpu.memory_space<vmem>> -> memref<1x64xf32, #tpu.memory_space<vmem>>
      %dma_wait3A_320 = arith.constant 0 : i32
      %dma_wait3A_321 = arith.constant 0 : i32
      %dma_wait3A_322 = tpu.memref_slice %arg2[%dma_wait3A_320, %dma_wait3A_321] : memref<1000000x64xf32, #tpu.memory_space<hbm>> -> memref<1x64xf32, #tpu.memory_space<hbm>>
      %dma_wait3A_323 = arith.constant 0 : i32
      %dma_wait3A_324 = arith.constant 0 : i32
      %dma_wait3A_325 = tpu.memref_slice %arg10[%dma_wait3A_323, %dma_wait3A_324] : memref<256x64xf32, #tpu.memory_space<vmem>> -> memref<1x64xf32, #tpu.memory_space<vmem>>
      %dma_wait3A_326 = arith.constant 0 : i32
      %dma_wait3A_327 = arith.constant 0 : i32
      %dma_wait3A_328 = tpu.memref_slice %arg2[%dma_wait3A_326, %dma_wait3A_327] : memref<1000000x64xf32, #tpu.memory_space<hbm>> -> memref<1x64xf32, #tpu.memory_space<hbm>>
      tpu.wait_dma2 semaphore(%arg12 : memref<!tpu.dma_semaphore, #tpu.memory_space<semaphore_mem>>) src(%dma_wait3A_328 : memref<1x64xf32, #tpu.memory_space<hbm>>) dst(%dma_wait3A_325 : memref<1x64xf32, #tpu.memory_space<vmem>>)
      %dma_wait3A_329 = arith.constant 0 : i32
      %dma_wait3A_330 = arith.constant 0 : i32
      %dma_wait3A_331 = tpu.memref_slice %arg10[%dma_wait3A_329, %dma_wait3A_330] : memref<256x64xf32, #tpu.memory_space<vmem>> -> memref<1x64xf32, #tpu.memory_space<vmem>>
      %dma_wait3A_332 = arith.constant 0 : i32
      %dma_wait3A_333 = arith.constant 0 : i32
      %dma_wait3A_334 = tpu.memref_slice %arg2[%dma_wait3A_332, %dma_wait3A_333] : memref<1000000x64xf32, #tpu.memory_space<hbm>> -> memref<1x64xf32, #tpu.memory_space<hbm>>
      %dma_wait3A_335 = arith.constant 0 : i32
      %dma_wait3A_336 = arith.constant 0 : i32
      %dma_wait3A_337 = tpu.memref_slice %arg10[%dma_wait3A_335, %dma_wait3A_336] : memref<256x64xf32, #tpu.memory_space<vmem>> -> memref<1x64xf32, #tpu.memory_space<vmem>>
      %dma_wait3A_338 = arith.constant 0 : i32
      %dma_wait3A_339 = arith.constant 0 : i32
      %dma_wait3A_340 = tpu.memref_slice %arg2[%dma_wait3A_338, %dma_wait3A_339] : memref<1000000x64xf32, #tpu.memory_space<hbm>> -> memref<1x64xf32, #tpu.memory_space<hbm>>
      tpu.wait_dma2 semaphore(%arg12 : memref<!tpu.dma_semaphore, #tpu.memory_space<semaphore_mem>>) src(%dma_wait3A_340 : memref<1x64xf32, #tpu.memory_space<hbm>>) dst(%dma_wait3A_337 : memref<1x64xf32, #tpu.memory_space<vmem>>)
      %dma_wait3A_341 = arith.constant 0 : i32
      %dma_wait3A_342 = arith.constant 0 : i32
      %dma_wait3A_343 = tpu.memref_slice %arg10[%dma_wait3A_341, %dma_wait3A_342] : memref<256x64xf32, #tpu.memory_space<vmem>> -> memref<1x64xf32, #tpu.memory_space<vmem>>
      %dma_wait3A_344 = arith.constant 0 : i32
      %dma_wait3A_345 = arith.constant 0 : i32
      %dma_wait3A_346 = tpu.memref_slice %arg2[%dma_wait3A_344, %dma_wait3A_345] : memref<1000000x64xf32, #tpu.memory_space<hbm>> -> memref<1x64xf32, #tpu.memory_space<hbm>>
      %dma_wait3A_347 = arith.constant 0 : i32
      %dma_wait3A_348 = arith.constant 0 : i32
      %dma_wait3A_349 = tpu.memref_slice %arg10[%dma_wait3A_347, %dma_wait3A_348] : memref<256x64xf32, #tpu.memory_space<vmem>> -> memref<1x64xf32, #tpu.memory_space<vmem>>
      %dma_wait3A_350 = arith.constant 0 : i32
      %dma_wait3A_351 = arith.constant 0 : i32
      %dma_wait3A_352 = tpu.memref_slice %arg2[%dma_wait3A_350, %dma_wait3A_351] : memref<1000000x64xf32, #tpu.memory_space<hbm>> -> memref<1x64xf32, #tpu.memory_space<hbm>>
      tpu.wait_dma2 semaphore(%arg12 : memref<!tpu.dma_semaphore, #tpu.memory_space<semaphore_mem>>) src(%dma_wait3A_352 : memref<1x64xf32, #tpu.memory_space<hbm>>) dst(%dma_wait3A_349 : memref<1x64xf32, #tpu.memory_space<vmem>>)
      %dma_wait3A_353 = arith.constant 0 : i32
      %dma_wait3A_354 = arith.constant 0 : i32
      %dma_wait3A_355 = tpu.memref_slice %arg10[%dma_wait3A_353, %dma_wait3A_354] : memref<256x64xf32, #tpu.memory_space<vmem>> -> memref<1x64xf32, #tpu.memory_space<vmem>>
      %dma_wait3A_356 = arith.constant 0 : i32
      %dma_wait3A_357 = arith.constant 0 : i32
      %dma_wait3A_358 = tpu.memref_slice %arg2[%dma_wait3A_356, %dma_wait3A_357] : memref<1000000x64xf32, #tpu.memory_space<hbm>> -> memref<1x64xf32, #tpu.memory_space<hbm>>
      %dma_wait3A_359 = arith.constant 0 : i32
      %dma_wait3A_360 = arith.constant 0 : i32
      %dma_wait3A_361 = tpu.memref_slice %arg10[%dma_wait3A_359, %dma_wait3A_360] : memref<256x64xf32, #tpu.memory_space<vmem>> -> memref<1x64xf32, #tpu.memory_space<vmem>>
      %dma_wait3A_362 = arith.constant 0 : i32
      %dma_wait3A_363 = arith.constant 0 : i32
      %dma_wait3A_364 = tpu.memref_slice %arg2[%dma_wait3A_362, %dma_wait3A_363] : memref<1000000x64xf32, #tpu.memory_space<hbm>> -> memref<1x64xf32, #tpu.memory_space<hbm>>
      tpu.wait_dma2 semaphore(%arg12 : memref<!tpu.dma_semaphore, #tpu.memory_space<semaphore_mem>>) src(%dma_wait3A_364 : memref<1x64xf32, #tpu.memory_space<hbm>>) dst(%dma_wait3A_361 : memref<1x64xf32, #tpu.memory_space<vmem>>)
      %dma_wait3A_365 = arith.constant 0 : i32
      %dma_wait3A_366 = arith.constant 0 : i32
      %dma_wait3A_367 = tpu.memref_slice %arg10[%dma_wait3A_365, %dma_wait3A_366] : memref<256x64xf32, #tpu.memory_space<vmem>> -> memref<1x64xf32, #tpu.memory_space<vmem>>
      %dma_wait3A_368 = arith.constant 0 : i32
      %dma_wait3A_369 = arith.constant 0 : i32
      %dma_wait3A_370 = tpu.memref_slice %arg2[%dma_wait3A_368, %dma_wait3A_369] : memref<1000000x64xf32, #tpu.memory_space<hbm>> -> memref<1x64xf32, #tpu.memory_space<hbm>>
      %dma_wait3A_371 = arith.constant 0 : i32
      %dma_wait3A_372 = arith.constant 0 : i32
      %dma_wait3A_373 = tpu.memref_slice %arg10[%dma_wait3A_371, %dma_wait3A_372] : memref<256x64xf32, #tpu.memory_space<vmem>> -> memref<1x64xf32, #tpu.memory_space<vmem>>
      %dma_wait3A_374 = arith.constant 0 : i32
      %dma_wait3A_375 = arith.constant 0 : i32
      %dma_wait3A_376 = tpu.memref_slice %arg2[%dma_wait3A_374, %dma_wait3A_375] : memref<1000000x64xf32, #tpu.memory_space<hbm>> -> memref<1x64xf32, #tpu.memory_space<hbm>>
      tpu.wait_dma2 semaphore(%arg12 : memref<!tpu.dma_semaphore, #tpu.memory_space<semaphore_mem>>) src(%dma_wait3A_376 : memref<1x64xf32, #tpu.memory_space<hbm>>) dst(%dma_wait3A_373 : memref<1x64xf32, #tpu.memory_space<vmem>>)
      %dma_wait3A_377 = arith.constant 0 : i32
      %dma_wait3A_378 = arith.constant 0 : i32
      %dma_wait3A_379 = tpu.memref_slice %arg10[%dma_wait3A_377, %dma_wait3A_378] : memref<256x64xf32, #tpu.memory_space<vmem>> -> memref<1x64xf32, #tpu.memory_space<vmem>>
      %dma_wait3A_380 = arith.constant 0 : i32
      %dma_wait3A_381 = arith.constant 0 : i32
      %dma_wait3A_382 = tpu.memref_slice %arg2[%dma_wait3A_380, %dma_wait3A_381] : memref<1000000x64xf32, #tpu.memory_space<hbm>> -> memref<1x64xf32, #tpu.memory_space<hbm>>
      %dma_wait3A_383 = arith.constant 0 : i32
      %dma_wait3A_384 = arith.constant 0 : i32
      %dma_wait3A_385 = tpu.memref_slice %arg10[%dma_wait3A_383, %dma_wait3A_384] : memref<256x64xf32, #tpu.memory_space<vmem>> -> memref<1x64xf32, #tpu.memory_space<vmem>>
      %dma_wait3A_386 = arith.constant 0 : i32
      %dma_wait3A_387 = arith.constant 0 : i32
      %dma_wait3A_388 = tpu.memref_slice %arg2[%dma_wait3A_386, %dma_wait3A_387] : memref<1000000x64xf32, #tpu.memory_space<hbm>> -> memref<1x64xf32, #tpu.memory_space<hbm>>
      tpu.wait_dma2 semaphore(%arg12 : memref<!tpu.dma_semaphore, #tpu.memory_space<semaphore_mem>>) src(%dma_wait3A_388 : memref<1x64xf32, #tpu.memory_space<hbm>>) dst(%dma_wait3A_385 : memref<1x64xf32, #tpu.memory_space<vmem>>)
      %dma_wait3A_389 = arith.constant 0 : i32
      %dma_wait3A_390 = arith.constant 0 : i32
      %dma_wait3A_391 = tpu.memref_slice %arg10[%dma_wait3A_389, %dma_wait3A_390] : memref<256x64xf32, #tpu.memory_space<vmem>> -> memref<1x64xf32, #tpu.memory_space<vmem>>
      %dma_wait3A_392 = arith.constant 0 : i32
      %dma_wait3A_393 = arith.constant 0 : i32
      %dma_wait3A_394 = tpu.memref_slice %arg2[%dma_wait3A_392, %dma_wait3A_393] : memref<1000000x64xf32, #tpu.memory_space<hbm>> -> memref<1x64xf32, #tpu.memory_space<hbm>>
      %dma_wait3A_395 = arith.constant 0 : i32
      %dma_wait3A_396 = arith.constant 0 : i32
      %dma_wait3A_397 = tpu.memref_slice %arg10[%dma_wait3A_395, %dma_wait3A_396] : memref<256x64xf32, #tpu.memory_space<vmem>> -> memref<1x64xf32, #tpu.memory_space<vmem>>
      %dma_wait3A_398 = arith.constant 0 : i32
      %dma_wait3A_399 = arith.constant 0 : i32
      %dma_wait3A_400 = tpu.memref_slice %arg2[%dma_wait3A_398, %dma_wait3A_399] : memref<1000000x64xf32, #tpu.memory_space<hbm>> -> memref<1x64xf32, #tpu.memory_space<hbm>>
      tpu.wait_dma2 semaphore(%arg12 : memref<!tpu.dma_semaphore, #tpu.memory_space<semaphore_mem>>) src(%dma_wait3A_400 : memref<1x64xf32, #tpu.memory_space<hbm>>) dst(%dma_wait3A_397 : memref<1x64xf32, #tpu.memory_space<vmem>>)
      %dma_wait3A_401 = arith.constant 0 : i32
      %dma_wait3A_402 = arith.constant 0 : i32
      %dma_wait3A_403 = tpu.memref_slice %arg10[%dma_wait3A_401, %dma_wait3A_402] : memref<256x64xf32, #tpu.memory_space<vmem>> -> memref<1x64xf32, #tpu.memory_space<vmem>>
      %dma_wait3A_404 = arith.constant 0 : i32
      %dma_wait3A_405 = arith.constant 0 : i32
      %dma_wait3A_406 = tpu.memref_slice %arg2[%dma_wait3A_404, %dma_wait3A_405] : memref<1000000x64xf32, #tpu.memory_space<hbm>> -> memref<1x64xf32, #tpu.memory_space<hbm>>
      %dma_wait3A_407 = arith.constant 0 : i32
      %dma_wait3A_408 = arith.constant 0 : i32
      %dma_wait3A_409 = tpu.memref_slice %arg10[%dma_wait3A_407, %dma_wait3A_408] : memref<256x64xf32, #tpu.memory_space<vmem>> -> memref<1x64xf32, #tpu.memory_space<vmem>>
      %dma_wait3A_410 = arith.constant 0 : i32
      %dma_wait3A_411 = arith.constant 0 : i32
      %dma_wait3A_412 = tpu.memref_slice %arg2[%dma_wait3A_410, %dma_wait3A_411] : memref<1000000x64xf32, #tpu.memory_space<hbm>> -> memref<1x64xf32, #tpu.memory_space<hbm>>
      tpu.wait_dma2 semaphore(%arg12 : memref<!tpu.dma_semaphore, #tpu.memory_space<semaphore_mem>>) src(%dma_wait3A_412 : memref<1x64xf32, #tpu.memory_space<hbm>>) dst(%dma_wait3A_409 : memref<1x64xf32, #tpu.memory_space<vmem>>)
      %dma_wait3A_413 = arith.constant 0 : i32
      %dma_wait3A_414 = arith.constant 0 : i32
      %dma_wait3A_415 = tpu.memref_slice %arg10[%dma_wait3A_413, %dma_wait3A_414] : memref<256x64xf32, #tpu.memory_space<vmem>> -> memref<1x64xf32, #tpu.memory_space<vmem>>
      %dma_wait3A_416 = arith.constant 0 : i32
      %dma_wait3A_417 = arith.constant 0 : i32
      %dma_wait3A_418 = tpu.memref_slice %arg2[%dma_wait3A_416, %dma_wait3A_417] : memref<1000000x64xf32, #tpu.memory_space<hbm>> -> memref<1x64xf32, #tpu.memory_space<hbm>>
      %dma_wait3A_419 = arith.constant 0 : i32
      %dma_wait3A_420 = arith.constant 0 : i32
      %dma_wait3A_421 = tpu.memref_slice %arg10[%dma_wait3A_419, %dma_wait3A_420] : memref<256x64xf32, #tpu.memory_space<vmem>> -> memref<1x64xf32, #tpu.memory_space<vmem>>
      %dma_wait3A_422 = arith.constant 0 : i32
      %dma_wait3A_423 = arith.constant 0 : i32
      %dma_wait3A_424 = tpu.memref_slice %arg2[%dma_wait3A_422, %dma_wait3A_423] : memref<1000000x64xf32, #tpu.memory_space<hbm>> -> memref<1x64xf32, #tpu.memory_space<hbm>>
      tpu.wait_dma2 semaphore(%arg12 : memref<!tpu.dma_semaphore, #tpu.memory_space<semaphore_mem>>) src(%dma_wait3A_424 : memref<1x64xf32, #tpu.memory_space<hbm>>) dst(%dma_wait3A_421 : memref<1x64xf32, #tpu.memory_space<vmem>>)
    }
    %scan3A_31 = arith.constant 8 : i32
    %add3A_32 = arith.constant 256 : i32
    %add3A_33 = arith.addi %mul3A_2, %add3A_32 : i32
    "tpu.region"() ({
      %run_scoped3A = tpu.sem_alloc : memref<!tpu.dma_semaphore, #tpu.memory_space<semaphore_mem>>
      %dma_start3A_36 = arith.constant 0 : i32
      %dma_start3A_37 = tpu.memref_slice %arg6[%add3A_33, %dma_start3A_36] : memref<16384x64xf32, #tpu.memory_space<hbm>> -> memref<256x64xf32, #tpu.memory_space<hbm>>
      %dma_start3A_38 = arith.constant 0 : i32
      %dma_start3A_39 = tpu.memref_slice %arg6[%add3A_33, %dma_start3A_38] : memref<16384x64xf32, #tpu.memory_space<hbm>> -> memref<256x64xf32, #tpu.memory_space<hbm>>
      tpu.enqueue_dma source(%arg10 : memref<256x64xf32, #tpu.memory_space<vmem>>) target(%dma_start3A_39 : memref<256x64xf32, #tpu.memory_space<hbm>>) target_semaphore(%run_scoped3A : memref<!tpu.dma_semaphore, #tpu.memory_space<semaphore_mem>>)
      %dma_wait3A_40 = arith.constant 0 : i32
      %dma_wait3A_41 = tpu.memref_slice %arg6[%add3A_33, %dma_wait3A_40] : memref<16384x64xf32, #tpu.memory_space<hbm>> -> memref<256x64xf32, #tpu.memory_space<hbm>>
      %dma_wait3A_42 = arith.constant 0 : i32
      %dma_wait3A_43 = tpu.memref_slice %arg6[%add3A_33, %dma_wait3A_42] : memref<16384x64xf32, #tpu.memory_space<hbm>> -> memref<256x64xf32, #tpu.memory_space<hbm>>
      tpu.wait_dma2 semaphore(%run_scoped3A : memref<!tpu.dma_semaphore, #tpu.memory_space<semaphore_mem>>) src(%arg10 : memref<256x64xf32, #tpu.memory_space<vmem>>) dst(%dma_wait3A_43 : memref<256x64xf32, #tpu.memory_space<hbm>>)
      tpu.yield
    }) : () -> ()
    %add3A_34 = arith.constant 256 : i32
    %add3A_35 = arith.addi %mul3A_2, %add3A_34 : i32
    "tpu.region"() ({
      %run_scoped3A = tpu.sem_alloc : memref<!tpu.dma_semaphore, #tpu.memory_space<semaphore_mem>>
      %dma_start3A_36 = arith.constant 0 : i32
      %dma_start3A_37 = tpu.memref_slice %arg7[%add3A_35, %dma_start3A_36] : memref<16384x64xf32, #tpu.memory_space<hbm>> -> memref<256x64xf32, #tpu.memory_space<hbm>>
      %dma_start3A_38 = arith.constant 0 : i32
      %dma_start3A_39 = tpu.memref_slice %arg7[%add3A_35, %dma_start3A_38] : memref<16384x64xf32, #tpu.memory_space<hbm>> -> memref<256x64xf32, #tpu.memory_space<hbm>>
      tpu.enqueue_dma source(%arg11 : memref<256x64xf32, #tpu.memory_space<vmem>>) target(%dma_start3A_39 : memref<256x64xf32, #tpu.memory_space<hbm>>) target_semaphore(%run_scoped3A : memref<!tpu.dma_semaphore, #tpu.memory_space<semaphore_mem>>)
      %dma_wait3A_40 = arith.constant 0 : i32
      %dma_wait3A_41 = tpu.memref_slice %arg7[%add3A_35, %dma_wait3A_40] : memref<16384x64xf32, #tpu.memory_space<hbm>> -> memref<256x64xf32, #tpu.memory_space<hbm>>
      %dma_wait3A_42 = arith.constant 0 : i32
      %dma_wait3A_43 = tpu.memref_slice %arg7[%add3A_35, %dma_wait3A_42] : memref<16384x64xf32, #tpu.memory_space<hbm>> -> memref<256x64xf32, #tpu.memory_space<hbm>>
      tpu.wait_dma2 semaphore(%run_scoped3A : memref<!tpu.dma_semaphore, #tpu.memory_space<semaphore_mem>>) src(%arg11 : memref<256x64xf32, #tpu.memory_space<vmem>>) dst(%dma_wait3A_43 : memref<256x64xf32, #tpu.memory_space<hbm>>)
      tpu.yield
    }) : () -> ()
    return
  }
}

module attributes {stable_mosaic.version = 14 : i64} {
  func.func @_tc_mlp_body(%arg0: i32, %arg1: memref<2048x64xf32, #tpu.memory_space<vmem>>, %arg2: memref<2048x64xf32, #tpu.memory_space<vmem>>, %arg3: memref<64x128xf32, #tpu.memory_space<vmem>>, %arg4: memref<1x128xf32, #tpu.memory_space<vmem>>, %arg5: memref<128x64xf32, #tpu.memory_space<vmem>>, %arg6: memref<1x64xf32, #tpu.memory_space<vmem>>, %arg7: memref<64x128xf32, #tpu.memory_space<vmem>>, %arg8: memref<1x128xf32, #tpu.memory_space<vmem>>, %arg9: memref<128x64xf32, #tpu.memory_space<vmem>>, %arg10: memref<1x64xf32, #tpu.memory_space<vmem>>, %arg11: memref<2048x64xf32, #tpu.memory_space<vmem>>, %arg12: memref<2048x64xf32, #tpu.memory_space<vmem>>) attributes {dimension_semantics = [#tpu.dimension_semantics<arbitrary>], iteration_bounds = array<i64: 8>, scalar_prefetch = 0 : i64, scratch_operands = 0 : i64, tpu.core_type = #tpu.core_type<tc>, window_params = [{transform_indices = @transform_0, window_bounds = array<i64: 2048, 64>}, {transform_indices = @transform_1, window_bounds = array<i64: 2048, 64>}, {pipeline_mode = #tpu.pipeline_mode<synchronous>, transform_indices = @transform_2, window_bounds = array<i64: 64, 128>}, {pipeline_mode = #tpu.pipeline_mode<synchronous>, transform_indices = @transform_3, window_bounds = array<i64: 1, 128>}, {pipeline_mode = #tpu.pipeline_mode<synchronous>, transform_indices = @transform_4, window_bounds = array<i64: 128, 64>}, {pipeline_mode = #tpu.pipeline_mode<synchronous>, transform_indices = @transform_5, window_bounds = array<i64: 1, 64>}, {pipeline_mode = #tpu.pipeline_mode<synchronous>, transform_indices = @transform_6, window_bounds = array<i64: 64, 128>}, {pipeline_mode = #tpu.pipeline_mode<synchronous>, transform_indices = @transform_7, window_bounds = array<i64: 1, 128>}, {pipeline_mode = #tpu.pipeline_mode<synchronous>, transform_indices = @transform_8, window_bounds = array<i64: 128, 64>}, {pipeline_mode = #tpu.pipeline_mode<synchronous>, transform_indices = @transform_9, window_bounds = array<i64: 1, 64>}, {transform_indices = @transform_10, window_bounds = array<i64: 2048, 64>}, {transform_indices = @transform_11, window_bounds = array<i64: 2048, 64>}]} {
    %get3A = arith.constant 0 : index
    %get3A_0 = arith.constant 0 : index
    %get3A_1 = vector.load %arg1[%get3A, %get3A_0] : memref<2048x64xf32, #tpu.memory_space<vmem>>, vector<2048x64xf32>
    %get3A_2 = arith.constant 0 : index
    %get3A_3 = arith.constant 0 : index
    %get3A_4 = vector.load %arg3[%get3A_2, %get3A_3] : memref<64x128xf32, #tpu.memory_space<vmem>>, vector<64x128xf32>
    %dot_general3A = arith.constant dense<0.000000e+00> : vector<2048x128xf32>
    %dot_general3A_5 = tpu.matmul %get3A_1, %get3A_4, %dot_general3A {dimension_numbers = #tpu.dot_dimension_numbers<[1], [0], [0], [1], [0, 0, 1, 1], [], []>, transpose_lhs_hint = false} : vector<2048x64xf32>, vector<64x128xf32>, vector<2048x128xf32> -> vector<2048x128xf32>
    %get3A_6 = arith.constant 0 : index
    %get3A_7 = arith.constant 0 : index
    %get3A_8 = vector.load %arg4[%get3A_6, %get3A_7] : memref<1x128xf32, #tpu.memory_space<vmem>>, vector<1x128xf32>
    %add3A = vector.broadcast %get3A_8 : vector<1x128xf32> to vector<2048x128xf32>
    %add3A_9 = arith.addf %dot_general3A_5, %add3A : vector<2048x128xf32>
    %max3A = arith.constant 0.000000e+00 : f32
    %max3A_10 = vector.broadcast %max3A : f32 to vector<2048x128xf32>
    %max3A_11 = arith.maximumf %add3A_9, %max3A_10 : vector<2048x128xf32>
    %get3A_12 = arith.constant 0 : index
    %get3A_13 = arith.constant 0 : index
    %get3A_14 = vector.load %arg5[%get3A_12, %get3A_13] : memref<128x64xf32, #tpu.memory_space<vmem>>, vector<128x64xf32>
    %dot_general3A_15 = arith.constant dense<0.000000e+00> : vector<2048x64xf32>
    %dot_general3A_16 = tpu.matmul %max3A_11, %get3A_14, %dot_general3A_15 {dimension_numbers = #tpu.dot_dimension_numbers<[1], [0], [0], [1], [0, 0, 1, 1], [], []>, transpose_lhs_hint = false} : vector<2048x128xf32>, vector<128x64xf32>, vector<2048x64xf32> -> vector<2048x64xf32>
    %get3A_17 = arith.constant 0 : index
    %get3A_18 = arith.constant 0 : index
    %get3A_19 = vector.load %arg6[%get3A_17, %get3A_18] : memref<1x64xf32, #tpu.memory_space<vmem>>, vector<1x64xf32>
    %add3A_20 = vector.broadcast %get3A_19 : vector<1x64xf32> to vector<2048x64xf32>
    %add3A_21 = arith.addf %dot_general3A_16, %add3A_20 : vector<2048x64xf32>
    %max3A_22 = arith.constant 0.000000e+00 : f32
    %max3A_23 = vector.broadcast %max3A_22 : f32 to vector<2048x64xf32>
    %max3A_24 = arith.maximumf %add3A_21, %max3A_23 : vector<2048x64xf32>
    %swap3A = arith.constant 0 : index
    %swap3A_25 = arith.constant 0 : index
    %swap3A_26 = vector.load %arg11[%swap3A, %swap3A_25] : memref<2048x64xf32, #tpu.memory_space<vmem>>, vector<2048x64xf32>
    tpu.vector_store %arg11[%swap3A, %swap3A_25], %max3A_24 {strides = array<i32>} : memref<2048x64xf32, #tpu.memory_space<vmem>>, vector<2048x64xf32>,
    %get3A_27 = arith.constant 0 : index
    %get3A_28 = arith.constant 0 : index
    %get3A_29 = vector.load %arg2[%get3A_27, %get3A_28] : memref<2048x64xf32, #tpu.memory_space<vmem>>, vector<2048x64xf32>
    %get3A_30 = arith.constant 0 : index
    %get3A_31 = arith.constant 0 : index
    %get3A_32 = vector.load %arg7[%get3A_30, %get3A_31] : memref<64x128xf32, #tpu.memory_space<vmem>>, vector<64x128xf32>
    %dot_general3A_33 = arith.constant dense<0.000000e+00> : vector<2048x128xf32>
    %dot_general3A_34 = tpu.matmul %get3A_29, %get3A_32, %dot_general3A_33 {dimension_numbers = #tpu.dot_dimension_numbers<[1], [0], [0], [1], [0, 0, 1, 1], [], []>, transpose_lhs_hint = false} : vector<2048x64xf32>, vector<64x128xf32>, vector<2048x128xf32> -> vector<2048x128xf32>
    %get3A_35 = arith.constant 0 : index
    %get3A_36 = arith.constant 0 : index
    %get3A_37 = vector.load %arg8[%get3A_35, %get3A_36] : memref<1x128xf32, #tpu.memory_space<vmem>>, vector<1x128xf32>
    %add3A_38 = vector.broadcast %get3A_37 : vector<1x128xf32> to vector<2048x128xf32>
    %add3A_39 = arith.addf %dot_general3A_34, %add3A_38 : vector<2048x128xf32>
    %max3A_40 = arith.constant 0.000000e+00 : f32
    %max3A_41 = vector.broadcast %max3A_40 : f32 to vector<2048x128xf32>
    %max3A_42 = arith.maximumf %add3A_39, %max3A_41 : vector<2048x128xf32>
    %get3A_43 = arith.constant 0 : index
    %get3A_44 = arith.constant 0 : index
    %get3A_45 = vector.load %arg9[%get3A_43, %get3A_44] : memref<128x64xf32, #tpu.memory_space<vmem>>, vector<128x64xf32>
    %dot_general3A_46 = arith.constant dense<0.000000e+00> : vector<2048x64xf32>
    %dot_general3A_47 = tpu.matmul %max3A_42, %get3A_45, %dot_general3A_46 {dimension_numbers = #tpu.dot_dimension_numbers<[1], [0], [0], [1], [0, 0, 1, 1], [], []>, transpose_lhs_hint = false} : vector<2048x128xf32>, vector<128x64xf32>, vector<2048x64xf32> -> vector<2048x64xf32>
    %get3A_48 = arith.constant 0 : index
    %get3A_49 = arith.constant 0 : index
    %get3A_50 = vector.load %arg10[%get3A_48, %get3A_49] : memref<1x64xf32, #tpu.memory_space<vmem>>, vector<1x64xf32>
    %add3A_51 = vector.broadcast %get3A_50 : vector<1x64xf32> to vector<2048x64xf32>
    %add3A_52 = arith.addf %dot_general3A_47, %add3A_51 : vector<2048x64xf32>
    %max3A_53 = arith.constant 0.000000e+00 : f32
    %max3A_54 = vector.broadcast %max3A_53 : f32 to vector<2048x64xf32>
    %max3A_55 = arith.maximumf %add3A_52, %max3A_54 : vector<2048x64xf32>
    %swap3A_56 = arith.constant 0 : index
    %swap3A_57 = arith.constant 0 : index
    %swap3A_58 = vector.load %arg12[%swap3A_56, %swap3A_57] : memref<2048x64xf32, #tpu.memory_space<vmem>>, vector<2048x64xf32>
    tpu.vector_store %arg12[%swap3A_56, %swap3A_57], %max3A_55 {strides = array<i32>} : memref<2048x64xf32, #tpu.memory_space<vmem>>, vector<2048x64xf32>,
    return
  }
  func.func @transform_0(%arg0: i32) -> (i32, i32) {
    %c0_i32 = arith.constant 0 : i32
    %c0_i32_0 = arith.constant 0 : i32
    return %arg0, %c0_i32 : i32, i32
  }
  func.func @transform_1(%arg0: i32) -> (i32, i32) {
    %c0_i32 = arith.constant 0 : i32
    %c0_i32_0 = arith.constant 0 : i32
    return %arg0, %c0_i32 : i32, i32
  }
  func.func @transform_2(%arg0: i32) -> (i32, i32) {
    %c0_i32 = arith.constant 0 : i32
    %c0_i32_0 = arith.constant 0 : i32
    %c0_i32_1 = arith.constant 0 : i32
    return %c0_i32, %c0_i32_0 : i32, i32
  }
  func.func @transform_3(%arg0: i32) -> (i32, i32) {
    %c0_i32 = arith.constant 0 : i32
    %c0_i32_0 = arith.constant 0 : i32
    %c0_i32_1 = arith.constant 0 : i32
    return %c0_i32, %c0_i32_0 : i32, i32
  }
  func.func @transform_4(%arg0: i32) -> (i32, i32) {
    %c0_i32 = arith.constant 0 : i32
    %c0_i32_0 = arith.constant 0 : i32
    %c0_i32_1 = arith.constant 0 : i32
    return %c0_i32, %c0_i32_0 : i32, i32
  }
  func.func @transform_5(%arg0: i32) -> (i32, i32) {
    %c0_i32 = arith.constant 0 : i32
    %c0_i32_0 = arith.constant 0 : i32
    %c0_i32_1 = arith.constant 0 : i32
    return %c0_i32, %c0_i32_0 : i32, i32
  }
  func.func @transform_6(%arg0: i32) -> (i32, i32) {
    %c0_i32 = arith.constant 0 : i32
    %c0_i32_0 = arith.constant 0 : i32
    %c0_i32_1 = arith.constant 0 : i32
    return %c0_i32, %c0_i32_0 : i32, i32
  }
  func.func @transform_7(%arg0: i32) -> (i32, i32) {
    %c0_i32 = arith.constant 0 : i32
    %c0_i32_0 = arith.constant 0 : i32
    %c0_i32_1 = arith.constant 0 : i32
    return %c0_i32, %c0_i32_0 : i32, i32
  }
  func.func @transform_8(%arg0: i32) -> (i32, i32) {
    %c0_i32 = arith.constant 0 : i32
    %c0_i32_0 = arith.constant 0 : i32
    %c0_i32_1 = arith.constant 0 : i32
    return %c0_i32, %c0_i32_0 : i32, i32
  }
  func.func @transform_9(%arg0: i32) -> (i32, i32) {
    %c0_i32 = arith.constant 0 : i32
    %c0_i32_0 = arith.constant 0 : i32
    %c0_i32_1 = arith.constant 0 : i32
    return %c0_i32, %c0_i32_0 : i32, i32
  }
  func.func @transform_10(%arg0: i32) -> (i32, i32) {
    %c0_i32 = arith.constant 0 : i32
    %c0_i32_0 = arith.constant 0 : i32
    return %arg0, %c0_i32 : i32, i32
  }
  func.func @transform_11(%arg0: i32) -> (i32, i32) {
    %c0_i32 = arith.constant 0 : i32
    %c0_i32_0 = arith.constant 0 : i32
    return %arg0, %c0_i32 : i32, i32
  }
}

</mosaic_0001>

<sc_bundles>
// kernel: kernel.4.cloned.1.call-start
scs
__scs_entry_jumppad:
0x0: {  	(pc) =	sbr.rel $0x88, $3  }
0x1: {  	(tag) =	ssettag $0x0;
	lr =	simm.s32 $0x1  }
0x2: {  	[smem:$0x3F95] =	sst lr;
	_ =	strace $0xD0000000  }
0x3: {  	_ = 	snop  }
0x4: {  	_ = 	snop  }
0x5: {  	_ = 	snop  }
0x6: {  	_ = 	snop  }
0x7: {  	_ = 	snop  }
__scs_overlays_trampoline_lowered:
0x8: {  	[smem:$0x3FA4] =	sst s0  }
0x9: {  	[smem:$0x3FA5] =	sst s1  }
0xa: {  	[smem:$0x3FA6] =	sst s2  }
0xb: {  	[smem:$0x3FA7] =	sst s3  }
0xc: {  	[smem:$0x3FA8] =	sst s4  }
0xd: {  	[smem:$0x3FA9] =	sst s5  }
0xe: {  	[smem:$0x3FAA] =	sst s6  }
0xf: {  	[smem:$0x3FAB] =	sst s7  }
0x10: {  	[smem:$0x3FAC] =	sst s8  }
0x11: {  	[smem:$0x3FAD] =	sst s9;
	s0 =	simm.s32 @!p0 $0x0  }
0x12: {  	s1 =	sld [smem:$0x3F93];
	s0 =	simm.s32 @p0 $0x1  }
0x13: {  	[smem:$0x3FAE] =	sst s0;
	s0 =	simm.s32 @!p1 $0x0  }
0x14: {  	s2 =	sld [smem:$0x3F92];
	s0 =	simm.s32 @p1 $0x1  }
0x15: {  	[smem:$0x3FAF] =	sst s0;
	s0 =	simm.s32 @!p2 $0x0  }
0x16: {  	s3 =	sld [smem:$0x3FDB];
	s0 =	simm.s32 @p2 $0x1  }
0x17: {  	s4 =	simm.s32 $0x1BF5;
	[smem:$0x3FB1] =	sst s0  }
0x18: {  	s0 =	sld [smem:$0x3F94];
	_ =	swait.ge [sflag:s4], $0x0  }
0x19: {  	s7 =	sld [smem:$0x3F95]  }
0x1a: {  	s8 =	sadd.s32 $0xFFFFE003, lr  }
0x1b: {  	s9 =	sadd.s32 $0xFFFFFEF7, lr;
	s5 =	simm.s32 $0xFFFFFFFF;
	p2 =	slt.u32 s8, $0xFFFFF086  }
0x1c: {  	p1 =	slt.u32 s9, $0xF7A;
	s5 =	simm.s32 @!p2 $0x0  }
0x1d: {  	s5 =	simm.s32 @p1 $0x1;
	p0 =	seq.s32 s7, s2  }
0x1e: {  	s7 =	smul.u32 @!p0 $0xF7A, s2;
	p2 =	seq.s32 @!p0 s5, $0x0  }
0x1f: {  	s9 =	smul.u32 $0xF7A, s1;
	s8 =	simm.s32 @!p0 $0x1BF5;
	p2 =	por !p2, p0  }
0x20: {  	[sflag:s8] =	ssyncset.s32 @!p0 $0xFFFFF086;
	s6 =	sadd.s32 @!p0 s3, s7;
	s7 =	simm.s32 @!p0 $0x108  }
0x21: {  	s3 =	sadd.s32 s3, s9;
	s6 =	sadd.s32 @!p0 $0x88, s6;
	s7 =	simm.s32 @p2 $0x1082  }
0x22: {  	[simem:s7], [sflag:s8] =	dma.local @!p0 [hbm:s6], $0xF7A  }
0x23: {  	s9 =	sor.u32 $0xD0000000, s2;
	s6 =	simm.s32 $0x108;
	_ =	swait.ge @!p0 [sflag:s8], $0x0  }
0x24: {  	s3 =	sadd.s32 $0x88, s3;
	s6 =	simm.s32 @!p1 $0x1082;
	[sflag:s4] =	ssyncset.s32 $0xFFFFF086  }
0x25: {  	[simem:s6], [sflag:s4] =	dma.local [hbm:s3], $0xF7A  }
0x26: {  	[smem:$0x3F95] =	sst s1;
	(tag) =	ssettag s2;
	_ =	strace s9  }
0x27: {  	s1 =	sld [smem:$0x3FA5]  }
0x28: {  	s2 =	sld [smem:$0x3FA6]  }
0x29: {  	s4 =	sld [smem:$0x3FA8]  }
0x2a: {  	p0 =	seq.s32 s5, $0x0;
	s5 =	sld [smem:$0x3FA9]  }
0x2b: {  	s6 =	sld [smem:$0x3FAA]  }
0x2c: {  	s7 =	sld [smem:$0x3FAB]  }
0x2d: {  	s3 =	simm.s32 $0x108;
	s8 =	sld [smem:$0x3FAC]  }
0x2e: {  	s3 =	simm.s32 @!p0 $0x1082;
	s9 =	sld [smem:$0x3FAD]  }
0x2f: {  	lr =	sadd.s32 s0, s3;
	s0 =	sld [smem:$0x3FA4]  }
0x30: {  	s3 =	sld [smem:$0x3FA7]  }
0x31: {  	[smem:$0x3FB0] =	sst s10  }
0x32: {  	s10 =	sld [smem:$0x3FAE];
	_ =	sdelay $0x3  }
0x33: {  	p0 =	seq.s32 s10, $0x1;
	s10 =	sld [smem:$0x3FB0];
	_ =	sdelay $0x3  }
0x34: {  	[smem:$0x3FB0] =	sst s10  }
0x35: {  	s10 =	sld [smem:$0x3FAF];
	_ =	sdelay $0x3  }
0x36: {  	p1 =	seq.s32 s10, $0x1;
	s10 =	sld [smem:$0x3FB0];
	_ =	sdelay $0x3  }
0x37: {  	[smem:$0x3FB0] =	sst s10  }
0x38: {  	s10 =	sld [smem:$0x3FB1]  }
0x39: {  	_ = 	snop;
	(pc) =	sbr.ind lr, $3  }
0x3a: {  	_ = 	snop  }
0x3b: {  	_ = 	snop  }
0x3c: {  	p2 =	seq.s32 s10, $0x1;
	s10 =	sld [smem:$0x3FB0]  }
0x3d: {  	_ =	shalt  }
0x3e: {  	_ =	shalt  }
0x3f: {  	_ =	shalt  }
0x40: {  	_ =	shalt  }
0x41: {  	_ =	shalt  }
0x42: {  	_ =	shalt  }
0x43: {  	_ =	shalt  }
0x44: {  	_ =	shalt  }
0x45: {  	_ =	shalt  }
0x46: {  	_ =	shalt  }
0x47: {  	_ =	shalt  }
0x48: {  	_ =	shalt  }
0x49: {  	_ =	shalt  }
0x4a: {  	_ =	shalt  }
0x4b: {  	_ =	shalt  }
0x4c: {  	_ =	shalt  }
0x4d: {  	_ =	shalt  }
0x4e: {  	_ =	shalt  }
0x4f: {  	_ =	shalt  }
0x50: {  	_ =	shalt  }
0x51: {  	_ =	shalt  }
0x52: {  	_ =	shalt  }
0x53: {  	_ =	shalt  }
0x54: {  	_ =	shalt  }
0x55: {  	_ =	shalt  }
0x56: {  	_ =	shalt  }
0x57: {  	_ =	shalt  }
0x58: {  	_ =	shalt  }
0x59: {  	_ =	shalt  }
0x5a: {  	_ =	shalt  }
0x5b: {  	_ =	shalt  }
0x5c: {  	_ =	shalt  }
0x5d: {  	_ =	shalt  }
0x5e: {  	_ =	shalt  }
0x5f: {  	_ =	shalt  }
0x60: {  	_ =	shalt  }
0x61: {  	_ =	shalt  }
0x62: {  	_ =	shalt  }
0x63: {  	_ =	shalt  }
0x64: {  	_ =	shalt  }
0x65: {  	_ =	shalt  }
0x66: {  	_ =	shalt  }
0x67: {  	_ =	shalt  }
0x68: {  	_ =	shalt  }
0x69: {  	_ =	shalt  }
0x6a: {  	_ =	shalt  }
0x6b: {  	_ =	shalt  }
0x6c: {  	_ =	shalt  }
0x6d: {  	_ =	shalt  }
0x6e: {  	_ =	shalt  }
0x6f: {  	_ =	shalt  }
0x70: {  	_ =	shalt  }
0x71: {  	_ =	shalt  }
0x72: {  	_ =	shalt  }
0x73: {  	_ =	shalt  }
0x74: {  	_ =	shalt  }
0x75: {  	_ =	shalt  }
0x76: {  	_ =	shalt  }
0x77: {  	_ =	shalt  }
0x78: {  	_ =	shalt  }
0x79: {  	_ =	shalt  }
0x7a: {  	_ =	shalt  }
0x7b: {  	_ =	shalt  }
0x7c: {  	_ =	shalt  }
0x7d: {  	_ =	shalt  }
0x7e: {  	_ =	shalt  }
0x7f: {  	_ =	shalt  }
0x80: {  	_ =	shalt  }
0x81: {  	_ =	shalt  }
0x82: {  	_ =	shalt  }
0x83: {  	_ =	shalt  }
0x84: {  	_ =	shalt  }
0x85: {  	_ =	shalt  }
0x86: {  	_ =	shalt  }
0x87: {  	_ =	shalt  }
.Lfunc_end0:
.L_simem_size_0:
called_computation_lowered:
.L_overlay_start_0:
0x88: {  	s2 =	sld [smem:$0x3FD9]  }
0x89: {  	s3 =	sld [smem:$0x3FFE];
	_ =	sdelay $0x1  }
0x8a: {  	s1 =	srdreg.scid  }
0x8b: {  	s0 =	sand.u32 $0x1, s1  }
0x8c: {  	s17 =	sshll.u32 s0, $0xA;
	s2 =	sadd.s32 s3, s2  }
0x8d: {  	s2 =	sadd.s32 s2, s17  }
0x8e: {  	[smem:$0x3FBC] =	sst s2  }
0x8f: {  	_ = 	snop  }
0x90: {  	s2 =	sld [smem:$0x3FC9]  }
0x91: {  	s18 =	sld [smem:$0x3FC8];
	(tm) =	ssettm $0x1  }
0x92: {  	s4 =	sld [smem:$0x3FFB];
	_ =	sdelay $0x3  }
0x93: {  	_ =	strace s4  }
0x94: {  	s4 =	sld [smem:$0x3FFC];
	_ =	sdelay $0x3  }
0x95: {  	_ =	strace s4  }
0x96: {  	s4 =	sld [smem:$0x3FFD];
	_ =	sdelay $0x3  }
0x97: {  	_ =	strace s4  }
0x98: {  	_ =	strace $0x8FFFFFFF  }
0x99: {  	s19 =	sld [smem:$0x3FDB];
	_ =	sdelay $0x1  }
0x9a: {  	s5 =	simm.s32 $_scs_section_size  }
0x9b: {  	s6 =	simm.s32 $_size__tile_overlayer_lowered;
	s7 =	simm.s32 $_tile_overlayer_lowered  }
0x9c: {  	s22 =	simm.s32 $0x1BFF;
	s21 =	sshll.u32 s7, $0x1;
	s4 =	sadd.s32 s5, s19  }
0x9d: {  	s8 =	simm.s32 $0x0;
	s20 =	sshll.u32 s6, $0x1;
	s6 =	sadd.s32 s21, s4  }
0x9e: {  	[timem:s8], [sflag:s22] =	dma.local [hbm:s6], s20  }
0x9f: {  	_ =	swait.ge [sflag:s22], s20  }
0xa0: {  	s5 =	ssub.s32 $0x0, s20;
	[sflag:s22] =	ssyncset.done $0x0  }
0xa1: {  	[sflag:s22] =	ssyncadd.s32 s5;
	_ =	sdelay $0x1  }
0xa2: {  	s23 =	simm.s32 $0x1B8B  }
0xa3: {  	_ =	swait.ge [sflag:s23], $0x1  }
0xa4: {  	[sflag:s23] =	ssyncset.done $0x0  }
0xa5: {  	s25 =	simm.s32 $0x1B8E;
	s24 =	sld [smem:$0x3FFE];
	[sflag:s23] =	ssyncadd.s32 $0xFFFFFFFF  }
0xa6: {  	s26 =	simm.s32 $execute0_lowered;
	[smem:$0x3FD2] =	sst s25  }
0xa7: {  	s6 =	sshll.u32 s26, $0x1;
	_ =	strace $0x80000046;
	[dreg:$0x1] =	wrdreg $0xFFFFFFFF  }
0xa8: {  	s28 =	simm.s32 $_size_execute0_lowered;
	s4 =	sadd.s32 s4, s6;
	[dreg:$0x0] =	wrdreg $0x0  }
0xa9: {  	s6 =	sshll.u32 s28, $0x1;
	[dreg:$0x2] =	wrdreg s4  }
0xaa: {  	[dreg:$0x3] =	wrdreg s6  }
0xab: {  	[dreg:$0x4] =	wrdreg $0xC0  }
0xac: {  	_ =	task [dreg:s8], $0x5FFFF  }
0xad: {  	[dreg:$0x1] =	wrdreg $0xFFFFFFFF  }
0xae: {  	[dreg:$0x0] =	wrdreg $0x60  }
0xaf: {  	[dreg:$0x2] =	wrdreg s24  }
0xb0: {  	[dreg:$0x3] =	wrdreg s2  }
0xb1: {  	[dreg:$0x4] =	wrdreg s18  }
0xb2: {  	[dreg:$0x5] =	wrdreg $0x9  }
0xb3: {  	_ =	task.clear_ibuf [dreg:s8], $0x6FFFF;
	_ =	strace $0x90000046  }
0xb4: {  	s29 =	simm.s32 $0x9;
	_ =	strace $0x80000048  }
0xb5: {  	_ =	swait.ge [sflag:s29], $0x1  }
0xb6: {  	[sflag:s29] =	ssyncadd.s32 $0xFFFFFFFF  }
0xb7: {  	_ =	strace $0x90000048  }
0xb8: {  	_ =	sfence  }
0xb9: {  	s30 =	sld [smem:$0x0];
	_ =	sdelay $0x2  }
0xba: {  	s31 =	sshll.u32 s1, $0xD;
	s1 =	sshrl.u32 s1, $0x2  }
0xbb: {  	s3 =	sand.u32 $0x4000, s31;
	s1 =	sadd.s32 s1, s30  }
0xbc: {  	s0 =	sor.u32 s3, s0;
	s1 =	sshll.u32 s1, $0x11  }
0xbd: {  	s0 =	sor.u32 s1, s0  }
0xbe: {  	s0 =	sadd.s32 $0x8F2B, s0  }
0xbf: {  	[sflag:s0] =	ssyncadd.remote.s32 $0x1  }
0xc0: {  	_ =	sfence.sel $0xFFFF  }
0xc1: {  	[dreg:$0x0] =	wrdreg $0xFFFFFFFF;
	(pc) =	sbr.abs _section_cstart, $3  }
0xc2: {  	[dreg:$0x1] =	wrdreg $0xFFFFFFFF  }
0xc3: {  	_ =	task.clear_ibuf [dreg:s8], $0x2FFFF;
	_ =	strace $0x9FFFFFFF  }
0xc4: {  	(tm) =	ssettm $0x7FFFFFFF  }
0xc5: {  	_ =	shalt  }
tec
execute0_lowered:
.L_overlay_start_1:
0x0: {  	(tag) =	ssettag $0x1  }
0x1: {  	s5 =	rddreg [dreg:$0x0]  }
0x2: {  	s6 =	rddreg [dreg:$0x1]  }
0x3: {  	s7 =	rddreg [dreg:$0x2]  }
0x4: {  	s0 =	rddreg [dreg:$0x3];
	s1 =	simm.s32 $0x0  }
0x5: {  	s4 =	srdreg.scid;
	s2 =	stileid.u32;
	s14 =	simm.s32 $0x2  }
0x6: {  	s15 =	simm.s32 $0x8400;
	s16 =	simm.s32 $0x0;
	[smem:$0x7FF] =	sst s1  }
0x7: {  	s3 =	sadd.s32 $0x1A00, s5;
	s8 =	sand.u32 $0x1, s4;
	s4 =	sadd.s32 $0xF43E00, s5  }
0x8: {  	s9 =	sshll.u32 s2, $0xA;
	s11 =	sadd.s32 $0x10CA800, s5;
	s10 =	sshll.u32 s8, $0x9  }
0x9: {  	s28 =	sadd.s32 $0x110A800, s5;
	s8 =	ssub.s32 $0x2, s8;
	s9 =	sor.u32 s10, s9  }
0xa: {  	_ =	strace $0x80000047;
	s29 =	sshrl.u32 s8, $0x1;
	s12 =	sshrl.u32 s9, $0x3  }
0xb: {  	s13 =	ssub.s32 s8, s29;
	s30 =	sshll.u32 s9, $0x4;
	s5 =	sadd.s32 s6, s12  }
0xc: {  	s6 =	sadd.s32 s7, s12;
	s7 =	sadd.s32 s11, s30;
	s31 =	sor.u32 $0x1000, s30  }
0xd: {  	s8 =	sadd.s32 s28, s30;
	s12 =	simm.s32 $0x1;
	s9 =	sadd.s32 s11, s31  }
0xe: {  	s10 =	sadd.s32 s28, s31;
	s11 =	smax.u32 s13, $0x1;
	s13 =	simm.s32 $0x400  }
.LBB2_1:
0xf: {  	[tilespmem:s1], [sflag:$0x1] =	stream.linear.gather [hbm4b:s5+s1], $0x200, $0x38;
	[tilespmem:$0x10400] =	vst v63  }
0x10: {  	s17 =	simm.s32 $0x200  }
0x11: {  	[tilespmem:s17], [sflag:$0x1] =	stream.linear.gather [hbm4b:s6+s1], $0x200, $0x38;
	[tilespmem:$0x10400] =	vst v63  }
0x12: {  	_ =	swait.ge [sflag:s12], $0x200  }
.Ltmp0:
0x13: {  	[sflag:s12] =	ssyncset.done $0x0;
	(pc) =	sbr.rel .LBB2_2-.Ltmp0, $4  }
0x14: {  	[sflag:s12] =	ssyncadd.s32 $0xFFFFFE00  }
0x15: {  	_ =	swait.ge [sflag:s12], $0x200  }
0x16: {  	s18 =	simm.s32 $0x0;
	[sflag:s12] =	ssyncset.done $0x0  }
0x17: {  	s19 =	simm.s32 $0x0;
	s20 =	simm.s32 $0x0;
	[sflag:s12] =	ssyncadd.s32 $0xFFFFFE00  }
.LBB2_4:
0x18: {  	s19 =	sadd.s32 $0x2000, s19  }
0x19: {  	p0 =	sne.s32 s19, $0x20000  }
.Ltmp1:
0x1a: {  	_ = 	snop;
	(pc) =	sbr.rel @!p0 .LBB2_5-.Ltmp1, $2  }
0x1b: {  	_ =	sdelay $0x2  }
0x1c: {  	s20 =	sadd.s32 $0x1, s20;
	s18 =	sadd.s32 $0x10, s18;
	s17 =	sadd.s32 $0x10, s17  }
.LBB2_2:
0x1d: {  	v0 =	vld [tilespmem:s18+$0x0];
	_ =	sdelay $0x4  }
0x1e: {  	v0 =	vshll.u32 v0, $0x4  }
0x1f: {  	(v2sf) =	vpush v0, $0x0;
	_ =	sdelay $0x1  }
0x20: {  	(v2sf) =	vpush v0, $0x1;
	_ =	sdelay $0x1  }
0x21: {  	(v2sf) =	vpush v0, $0x2;
	_ =	sdelay $0x2  }
0x22: {  	(v2sf) =	vpush v0, $0x3;
	_ =	sdelay $0x7  }
0x23: {  	s22 =	spop (v2sf);
	(v2sf) =	vpush v0, $0x4;
	_ =	sdelay $0x1  }
0x24: {  	s25 =	spop (v2sf);
	(v2sf) =	vpush v0, $0x5;
	_ =	sdelay $0x1  }
0x25: {  	s28 =	spop (v2sf);
	(v2sf) =	vpush v0, $0x6;
	_ =	sdelay $0x1  }
0x26: {  	s21 =	sshra.s32 s19, $0x2;
	s22 =	sand.u32 $0x1FFFFFF0, s22  }
0x27: {  	s23 =	sadd.s32 $0x400, s21;
	s22 =	sadd.s32 s3, s22;
	s30 =	spop (v2sf);
	(v2sf) =	vpush v0, $0x7  }
0x28: {  	[tilespmem:s23], [sflag:$0x1] =	stream.linear.gather [hbm4b:s22+s1], $0x80, $0x38;
	[tilespmem:$0x10400] =	vst v63  }
0x29: {  	s22 =	sand.u32 $0x1FFFFFF0, s25  }
0x2a: {  	s26 =	sadd.s32 $0x480, s21;
	s22 =	sadd.s32 s3, s22  }
0x2b: {  	[tilespmem:s26], [sflag:$0x1] =	stream.linear.gather [hbm4b:s22+s1], $0x80, $0x38;
	[tilespmem:$0x10400] =	vst v63  }
0x2c: {  	s22 =	sand.u32 $0x1FFFFFF0, s28  }
0x2d: {  	s29 =	sadd.s32 $0x500, s21;
	s22 =	sadd.s32 s3, s22  }
0x2e: {  	[tilespmem:s29], [sflag:$0x1] =	stream.linear.gather [hbm4b:s22+s1], $0x80, $0x38;
	[tilespmem:$0x10400] =	vst v63  }
0x2f: {  	s23 =	spop (v2sf);
	(v2sf) =	vpush v0, $0x8  }
0x30: {  	s22 =	sand.u32 $0x1FFFFFF0, s30  }
0x31: {  	s31 =	sadd.s32 $0x580, s21;
	s22 =	sadd.s32 s3, s22;
	s25 =	spop (v2sf);
	(v2sf) =	vpush v0, $0x9  }
0x32: {  	[tilespmem:s31], [sflag:$0x1] =	stream.linear.gather [hbm4b:s22+s1], $0x80, $0x38;
	[tilespmem:$0x10400] =	vst v63  }
0x33: {  	s22 =	sand.u32 $0x1FFFFFF0, s23;
	s28 =	spop (v2sf);
	(v2sf) =	vpush v0, $0xA  }
0x34: {  	s24 =	sadd.s32 $0x600, s21;
	s22 =	sadd.s32 s3, s22  }
0x35: {  	[tilespmem:s24], [sflag:$0x1] =	stream.linear.gather [hbm4b:s22+s1], $0x80, $0x38;
	[tilespmem:$0x10400] =	vst v63  }
0x36: {  	s30 =	spop (v2sf);
	(v2sf) =	vpush v0, $0xB  }
0x37: {  	s22 =	sand.u32 $0x1FFFFFF0, s25  }
0x38: {  	s26 =	sadd.s32 $0x680, s21;
	s22 =	sadd.s32 s3, s22  }
0x39: {  	[tilespmem:s26], [sflag:$0x1] =	stream.linear.gather [hbm4b:s22+s1], $0x80, $0x38;
	[tilespmem:$0x10400] =	vst v63  }
0x3a: {  	s22 =	sand.u32 $0x1FFFFFF0, s28  }
0x3b: {  	s29 =	sadd.s32 $0x700, s21;
	s22 =	sadd.s32 s3, s22  }
0x3c: {  	[tilespmem:s29], [sflag:$0x1] =	stream.linear.gather [hbm4b:s22+s1], $0x80, $0x38;
	[tilespmem:$0x10400] =	vst v63  }
0x3d: {  	s22 =	sand.u32 $0x1FFFFFF0, s30  }
0x3e: {  	s31 =	sadd.s32 $0x780, s21;
	s22 =	sadd.s32 s3, s22;
	s23 =	spop (v2sf);
	(v2sf) =	vpush v0, $0xC  }
0x3f: {  	[tilespmem:s31], [sflag:$0x1] =	stream.linear.gather [hbm4b:s22+s1], $0x80, $0x38;
	[tilespmem:$0x10400] =	vst v63  }
0x40: {  	s25 =	spop (v2sf);
	(v2sf) =	vpush v0, $0xD  }
0x41: {  	s22 =	sand.u32 $0x1FFFFFF0, s23  }
0x42: {  	s24 =	sadd.s32 $0x800, s21;
	s22 =	sadd.s32 s3, s22;
	s28 =	spop (v2sf)  }
0x43: {  	(v2sf) =	vpush v0, $0xE;
	[tilespmem:s24], [sflag:$0x1] =	stream.linear.gather [hbm4b:s22+s1], $0x80, $0x38;
	[tilespmem:$0x10400] =	vst v63  }
0x44: {  	s22 =	sand.u32 $0x1FFFFFF0, s25  }
0x45: {  	s26 =	sadd.s32 $0x880, s21;
	s30 =	spop (v2sf);
	s22 =	sadd.s32 s3, s22  }
0x46: {  	(v2sf) =	vpush v0, $0xF;
	[tilespmem:s26], [sflag:$0x1] =	stream.linear.gather [hbm4b:s22+s1], $0x80, $0x38;
	[tilespmem:$0x10400] =	vst v63  }
0x47: {  	s22 =	sand.u32 $0x1FFFFFF0, s28  }
0x48: {  	s29 =	sadd.s32 $0x900, s21;
	s22 =	sadd.s32 s3, s22  }
0x49: {  	[tilespmem:s29], [sflag:$0x1] =	stream.linear.gather [hbm4b:s22+s1], $0x80, $0x38;
	[tilespmem:$0x10400] =	vst v63  }
0x4a: {  	s22 =	sand.u32 $0x1FFFFFF0, s30  }
0x4b: {  	s31 =	sadd.s32 $0x980, s21;
	s22 =	sadd.s32 s3, s22  }
0x4c: {  	[tilespmem:s31], [sflag:$0x1] =	stream.linear.gather [hbm4b:s22+s1], $0x80, $0x38;
	[tilespmem:$0x10400] =	vst v63  }
0x4d: {  	s23 =	spop (v2sf)  }
0x4e: {  	s22 =	sand.u32 $0x1FFFFFF0, s23  }
0x4f: {  	s24 =	sadd.s32 $0xA00, s21;
	s25 =	spop (v2sf);
	s22 =	sadd.s32 s3, s22  }
0x50: {  	[tilespmem:s24], [sflag:$0x1] =	stream.linear.gather [hbm4b:s22+s1], $0x80, $0x38;
	[tilespmem:$0x10400] =	vst v63  }
0x51: {  	s22 =	sand.u32 $0x1FFFFFF0, s25  }
0x52: {  	s26 =	sadd.s32 $0xA80, s21;
	s28 =	spop (v2sf);
	s22 =	sadd.s32 s3, s22  }
0x53: {  	[tilespmem:s26], [sflag:$0x1] =	stream.linear.gather [hbm4b:s22+s1], $0x80, $0x38;
	[tilespmem:$0x10400] =	vst v63  }
0x54: {  	s22 =	sand.u32 $0x1FFFFFF0, s28  }
0x55: {  	s29 =	sadd.s32 $0xB00, s21;
	s30 =	spop (v2sf);
	s22 =	sadd.s32 s3, s22  }
0x56: {  	[tilespmem:s29], [sflag:$0x1] =	stream.linear.gather [hbm4b:s22+s1], $0x80, $0x38;
	[tilespmem:$0x10400] =	vst v63  }
0x57: {  	s22 =	sand.u32 $0x1FFFFFF0, s30  }
0x58: {  	s31 =	sadd.s32 $0xB80, s21;
	s22 =	sadd.s32 s3, s22  }
0x59: {  	[tilespmem:s31], [sflag:$0x1] =	stream.linear.gather [hbm4b:s22+s1], $0x80, $0x38;
	[tilespmem:$0x10400] =	vst v63  }
0x5a: {  	v63 =	vld [tilespmem:s17+$0x0];
	_ =	sdelay $0x4  }
0x5b: {  	v0 =	vshll.u32 v63, $0x4  }
0x5c: {  	(v2sf) =	vpush v0, $0x0;
	_ =	sdelay $0x1  }
0x5d: {  	(v2sf) =	vpush v0, $0x1;
	_ =	sdelay $0x1  }
0x5e: {  	(v2sf) =	vpush v0, $0x2;
	_ =	sdelay $0x2  }
0x5f: {  	(v2sf) =	vpush v0, $0x3;
	_ =	sdelay $0x7  }
0x60: {  	s23 =	spop (v2sf);
	(v2sf) =	vpush v0, $0x4;
	_ =	sdelay $0x1  }
0x61: {  	s25 =	spop (v2sf);
	(v2sf) =	vpush v0, $0x5;
	_ =	sdelay $0x1  }
0x62: {  	s28 =	spop (v2sf);
	(v2sf) =	vpush v0, $0x6;
	_ =	sdelay $0x1  }
0x63: {  	s22 =	sand.u32 $0x1FFFFFF0, s23  }
0x64: {  	s24 =	sadd.s32 $0x8400, s21;
	s22 =	sadd.s32 s4, s22;
	s30 =	spop (v2sf);
	(v2sf) =	vpush v0, $0x7  }
0x65: {  	[tilespmem:s24], [sflag:$0x1] =	stream.linear.gather [hbm4b:s22+s1], $0x80, $0x38;
	[tilespmem:$0x10400] =	vst v63  }
0x66: {  	s22 =	sand.u32 $0x1FFFFFF0, s25  }
0x67: {  	s26 =	sadd.s32 $0x8480, s21;
	s22 =	sadd.s32 s4, s22  }
0x68: {  	[tilespmem:s26], [sflag:$0x1] =	stream.linear.gather [hbm4b:s22+s1], $0x80, $0x38;
	[tilespmem:$0x10400] =	vst v63  }
0x69: {  	s22 =	sand.u32 $0x1FFFFFF0, s28  }
0x6a: {  	s29 =	sadd.s32 $0x8500, s21;
	s22 =	sadd.s32 s4, s22  }
0x6b: {  	[tilespmem:s29], [sflag:$0x1] =	stream.linear.gather [hbm4b:s22+s1], $0x80, $0x38;
	[tilespmem:$0x10400] =	vst v63  }
0x6c: {  	s23 =	spop (v2sf);
	(v2sf) =	vpush v0, $0x8  }
0x6d: {  	s22 =	sand.u32 $0x1FFFFFF0, s30  }
0x6e: {  	s31 =	sadd.s32 $0x8580, s21;
	s22 =	sadd.s32 s4, s22;
	s25 =	spop (v2sf);
	(v2sf) =	vpush v0, $0x9  }
0x6f: {  	[tilespmem:s31], [sflag:$0x1] =	stream.linear.gather [hbm4b:s22+s1], $0x80, $0x38;
	[tilespmem:$0x10400] =	vst v63  }
0x70: {  	s22 =	sand.u32 $0x1FFFFFF0, s23;
	s28 =	spop (v2sf);
	(v2sf) =	vpush v0, $0xA  }
0x71: {  	s24 =	sadd.s32 $0x8600, s21;
	s22 =	sadd.s32 s4, s22  }
0x72: {  	[tilespmem:s24], [sflag:$0x1] =	stream.linear.gather [hbm4b:s22+s1], $0x80, $0x38;
	[tilespmem:$0x10400] =	vst v63  }
0x73: {  	s30 =	spop (v2sf);
	(v2sf) =	vpush v0, $0xB  }
0x74: {  	s22 =	sand.u32 $0x1FFFFFF0, s25  }
0x75: {  	s26 =	sadd.s32 $0x8680, s21;
	s22 =	sadd.s32 s4, s22  }
0x76: {  	[tilespmem:s26], [sflag:$0x1] =	stream.linear.gather [hbm4b:s22+s1], $0x80, $0x38;
	[tilespmem:$0x10400] =	vst v63  }
0x77: {  	s22 =	sand.u32 $0x1FFFFFF0, s28  }
0x78: {  	s29 =	sadd.s32 $0x8700, s21;
	s22 =	sadd.s32 s4, s22  }
0x79: {  	[tilespmem:s29], [sflag:$0x1] =	stream.linear.gather [hbm4b:s22+s1], $0x80, $0x38;
	[tilespmem:$0x10400] =	vst v63  }
0x7a: {  	s22 =	sand.u32 $0x1FFFFFF0, s30  }
0x7b: {  	s31 =	sadd.s32 $0x8780, s21;
	s22 =	sadd.s32 s4, s22;
	s23 =	spop (v2sf);
	(v2sf) =	vpush v0, $0xC  }
0x7c: {  	[tilespmem:s31], [sflag:$0x1] =	stream.linear.gather [hbm4b:s22+s1], $0x80, $0x38;
	[tilespmem:$0x10400] =	vst v63  }
0x7d: {  	s25 =	spop (v2sf);
	(v2sf) =	vpush v0, $0xD  }
0x7e: {  	s22 =	sand.u32 $0x1FFFFFF0, s23  }
0x7f: {  	s24 =	sadd.s32 $0x8800, s21;
	s22 =	sadd.s32 s4, s22;
	s28 =	spop (v2sf)  }
0x80: {  	(v2sf) =	vpush v0, $0xE;
	[tilespmem:s24], [sflag:$0x1] =	stream.linear.gather [hbm4b:s22+s1], $0x80, $0x38;
	[tilespmem:$0x10400] =	vst v63  }
0x81: {  	s22 =	sand.u32 $0x1FFFFFF0, s25  }
0x82: {  	s26 =	sadd.s32 $0x8880, s21;
	s30 =	spop (v2sf);
	s22 =	sadd.s32 s4, s22  }
0x83: {  	(v2sf) =	vpush v0, $0xF;
	[tilespmem:s26], [sflag:$0x1] =	stream.linear.gather [hbm4b:s22+s1], $0x80, $0x38;
	[tilespmem:$0x10400] =	vst v63  }
0x84: {  	s22 =	sand.u32 $0x1FFFFFF0, s28  }
0x85: {  	s29 =	sadd.s32 $0x8900, s21;
	s22 =	sadd.s32 s4, s22  }
0x86: {  	[tilespmem:s29], [sflag:$0x1] =	stream.linear.gather [hbm4b:s22+s1], $0x80, $0x38;
	[tilespmem:$0x10400] =	vst v63  }
0x87: {  	s22 =	sand.u32 $0x1FFFFFF0, s30  }
0x88: {  	s31 =	sadd.s32 $0x8980, s21;
	s22 =	sadd.s32 s4, s22  }
0x89: {  	[tilespmem:s31], [sflag:$0x1] =	stream.linear.gather [hbm4b:s22+s1], $0x80, $0x38;
	[tilespmem:$0x10400] =	vst v63  }
0x8a: {  	s24 =	spop (v2sf)  }
0x8b: {  	s22 =	sand.u32 $0x1FFFFFF0, s24  }
0x8c: {  	s25 =	sadd.s32 $0x8A00, s21;
	s26 =	spop (v2sf);
	s22 =	sadd.s32 s4, s22  }
0x8d: {  	[tilespmem:s25], [sflag:$0x1] =	stream.linear.gather [hbm4b:s22+s1], $0x80, $0x38;
	[tilespmem:$0x10400] =	vst v63  }
0x8e: {  	s22 =	sand.u32 $0x1FFFFFF0, s26  }
0x8f: {  	s28 =	sadd.s32 $0x8A80, s21;
	s29 =	spop (v2sf);
	s22 =	sadd.s32 s4, s22  }
0x90: {  	[tilespmem:s28], [sflag:$0x1] =	stream.linear.gather [hbm4b:s22+s1], $0x80, $0x38;
	[tilespmem:$0x10400] =	vst v63  }
0x91: {  	p0 =	slt.u32 s20, $0x8;
	s30 =	sadd.s32 $0x8B00, s21;
	s22 =	sand.u32 $0x1FFFFFF0, s29  }
.Ltmp2:
0x92: {  	s31 =	spop (v2sf);
	s22 =	sadd.s32 s4, s22;
	(pc) =	sbr.rel @p0 .LBB2_4-.Ltmp2, $4  }
0x93: {  	[tilespmem:s30], [sflag:$0x1] =	stream.linear.gather [hbm4b:s22+s1], $0x80, $0x38;
	[tilespmem:$0x10400] =	vst v63  }
0x94: {  	s22 =	sand.u32 $0x1FFFFFF0, s31  }
0x95: {  	s21 =	sadd.s32 $0x8B80, s21;
	s22 =	sadd.s32 s4, s22  }
0x96: {  	[tilespmem:s21], [sflag:$0x1] =	stream.linear.gather [hbm4b:s22+s1], $0x80, $0x38;
	[tilespmem:$0x10400] =	vst v63  }
0x97: {  	_ =	swait.ge [sflag:s12], $0x80  }
0x98: {  	[sflag:s12] =	ssyncset.done $0x0  }
0x99: {  	[sflag:s12] =	ssyncadd.s32 $0xFFFFFF80  }
0x9a: {  	_ =	swait.ge [sflag:s12], $0x80  }
0x9b: {  	[sflag:s12] =	ssyncset.done $0x0  }
0x9c: {  	[sflag:s12] =	ssyncadd.s32 $0xFFFFFF80  }
0x9d: {  	_ =	swait.ge [sflag:s12], $0x80  }
0x9e: {  	[sflag:s12] =	ssyncset.done $0x0  }
0x9f: {  	[sflag:s12] =	ssyncadd.s32 $0xFFFFFF80  }
0xa0: {  	_ =	swait.ge [sflag:s12], $0x80  }
0xa1: {  	[sflag:s12] =	ssyncset.done $0x0  }
0xa2: {  	[sflag:s12] =	ssyncadd.s32 $0xFFFFFF80  }
0xa3: {  	_ =	swait.ge [sflag:s12], $0x80  }
0xa4: {  	[sflag:s12] =	ssyncset.done $0x0  }
0xa5: {  	[sflag:s12] =	ssyncadd.s32 $0xFFFFFF80  }
0xa6: {  	_ =	swait.ge [sflag:s12], $0x80  }
0xa7: {  	[sflag:s12] =	ssyncset.done $0x0  }
0xa8: {  	[sflag:s12] =	ssyncadd.s32 $0xFFFFFF80  }
0xa9: {  	_ =	swait.ge [sflag:s12], $0x80  }
0xaa: {  	[sflag:s12] =	ssyncset.done $0x0  }
0xab: {  	[sflag:s12] =	ssyncadd.s32 $0xFFFFFF80  }
0xac: {  	_ =	swait.ge [sflag:s12], $0x80  }
0xad: {  	[sflag:s12] =	ssyncset.done $0x0  }
0xae: {  	[sflag:s12] =	ssyncadd.s32 $0xFFFFFF80  }
0xaf: {  	_ =	swait.ge [sflag:s12], $0x80  }
0xb0: {  	[sflag:s12] =	ssyncset.done $0x0  }
0xb1: {  	[sflag:s12] =	ssyncadd.s32 $0xFFFFFF80  }
0xb2: {  	_ =	swait.ge [sflag:s12], $0x80  }
0xb3: {  	[sflag:s12] =	ssyncset.done $0x0  }
0xb4: {  	[sflag:s12] =	ssyncadd.s32 $0xFFFFFF80  }
0xb5: {  	_ =	swait.ge [sflag:s12], $0x80  }
0xb6: {  	[sflag:s12] =	ssyncset.done $0x0  }
0xb7: {  	[sflag:s12] =	ssyncadd.s32 $0xFFFFFF80  }
0xb8: {  	_ =	swait.ge [sflag:s12], $0x80  }
0xb9: {  	[sflag:s12] =	ssyncset.done $0x0  }
0xba: {  	[sflag:s12] =	ssyncadd.s32 $0xFFFFFF80  }
0xbb: {  	_ =	swait.ge [sflag:s12], $0x80  }
0xbc: {  	[sflag:s12] =	ssyncset.done $0x0  }
0xbd: {  	[sflag:s12] =	ssyncadd.s32 $0xFFFFFF80  }
0xbe: {  	_ =	swait.ge [sflag:s12], $0x80  }
0xbf: {  	[sflag:s12] =	ssyncset.done $0x0  }
0xc0: {  	[sflag:s12] =	ssyncadd.s32 $0xFFFFFF80  }
0xc1: {  	_ =	swait.ge [sflag:s12], $0x80  }
0xc2: {  	[sflag:s12] =	ssyncset.done $0x0  }
0xc3: {  	[sflag:s12] =	ssyncadd.s32 $0xFFFFFF80  }
0xc4: {  	_ =	swait.ge [sflag:s12], $0x80  }
0xc5: {  	[sflag:s12] =	ssyncset.done $0x0  }
0xc6: {  	[sflag:s12] =	ssyncadd.s32 $0xFFFFFF80  }
0xc7: {  	_ =	swait.ge [sflag:s12], $0x80  }
0xc8: {  	[sflag:s12] =	ssyncset.done $0x0  }
0xc9: {  	[sflag:s12] =	ssyncadd.s32 $0xFFFFFF80  }
0xca: {  	_ =	swait.ge [sflag:s12], $0x80  }
0xcb: {  	[sflag:s12] =	ssyncset.done $0x0  }
0xcc: {  	[sflag:s12] =	ssyncadd.s32 $0xFFFFFF80  }
0xcd: {  	_ =	swait.ge [sflag:s12], $0x80  }
0xce: {  	[sflag:s12] =	ssyncset.done $0x0  }
0xcf: {  	[sflag:s12] =	ssyncadd.s32 $0xFFFFFF80  }
0xd0: {  	_ =	swait.ge [sflag:s12], $0x80  }
0xd1: {  	[sflag:s12] =	ssyncset.done $0x0  }
0xd2: {  	[sflag:s12] =	ssyncadd.s32 $0xFFFFFF80  }
0xd3: {  	_ =	swait.ge [sflag:s12], $0x80  }
0xd4: {  	[sflag:s12] =	ssyncset.done $0x0  }
0xd5: {  	[sflag:s12] =	ssyncadd.s32 $0xFFFFFF80  }
0xd6: {  	_ =	swait.ge [sflag:s12], $0x80  }
0xd7: {  	[sflag:s12] =	ssyncset.done $0x0  }
0xd8: {  	[sflag:s12] =	ssyncadd.s32 $0xFFFFFF80  }
0xd9: {  	_ =	swait.ge [sflag:s12], $0x80  }
0xda: {  	[sflag:s12] =	ssyncset.done $0x0  }
0xdb: {  	[sflag:s12] =	ssyncadd.s32 $0xFFFFFF80  }
0xdc: {  	_ =	swait.ge [sflag:s12], $0x80  }
0xdd: {  	[sflag:s12] =	ssyncset.done $0x0  }
0xde: {  	[sflag:s12] =	ssyncadd.s32 $0xFFFFFF80  }
0xdf: {  	_ =	swait.ge [sflag:s12], $0x80  }
0xe0: {  	[sflag:s12] =	ssyncset.done $0x0  }
0xe1: {  	[sflag:s12] =	ssyncadd.s32 $0xFFFFFF80  }
0xe2: {  	_ =	swait.ge [sflag:s12], $0x80  }
0xe3: {  	[sflag:s12] =	ssyncset.done $0x0  }
0xe4: {  	[sflag:s12] =	ssyncadd.s32 $0xFFFFFF80  }
0xe5: {  	_ =	swait.ge [sflag:s12], $0x80  }
0xe6: {  	[sflag:s12] =	ssyncset.done $0x0  }
0xe7: {  	[sflag:s12] =	ssyncadd.s32 $0xFFFFFF80  }
0xe8: {  	_ =	swait.ge [sflag:s12], $0x80  }
0xe9: {  	[sflag:s12] =	ssyncset.done $0x0  }
0xea: {  	[sflag:s12] =	ssyncadd.s32 $0xFFFFFF80  }
0xeb: {  	_ =	swait.ge [sflag:s12], $0x80  }
0xec: {  	[sflag:s12] =	ssyncset.done $0x0  }
0xed: {  	[sflag:s12] =	ssyncadd.s32 $0xFFFFFF80  }
0xee: {  	_ =	swait.ge [sflag:s12], $0x80  }
0xef: {  	[sflag:s12] =	ssyncset.done $0x0  }
0xf0: {  	[sflag:s12] =	ssyncadd.s32 $0xFFFFFF80  }
0xf1: {  	_ =	swait.ge [sflag:s12], $0x80  }
.Ltmp3:
0xf2: {  	[sflag:s12] =	ssyncset.done $0x0;
	(pc) =	sbr.rel .LBB2_4-.Ltmp3, $4  }
0xf3: {  	[sflag:s12] =	ssyncadd.s32 $0xFFFFFF80  }
0xf4: {  	_ =	swait.ge [sflag:s12], $0x80  }
0xf5: {  	[sflag:s12] =	ssyncset.done $0x0  }
0xf6: {  	[sflag:s12] =	ssyncadd.s32 $0xFFFFFF80  }
.LBB2_5:
0xf7: {  	_ =	swait.ge [sflag:s12], $0x80  }
0xf8: {  	[sflag:s12] =	ssyncset.done $0x0  }
0xf9: {  	[sflag:s12] =	ssyncadd.s32 $0xFFFFFF80  }
0xfa: {  	_ =	swait.ge [sflag:s12], $0x80  }
0xfb: {  	[sflag:s12] =	ssyncset.done $0x0  }
0xfc: {  	[sflag:s12] =	ssyncadd.s32 $0xFFFFFF80  }
0xfd: {  	_ =	swait.ge [sflag:s12], $0x80  }
0xfe: {  	[sflag:s12] =	ssyncset.done $0x0  }
0xff: {  	[sflag:s12] =	ssyncadd.s32 $0xFFFFFF80  }
0x100: {  	_ =	swait.ge [sflag:s12], $0x80  }
0x101: {  	[sflag:s12] =	ssyncset.done $0x0  }
0x102: {  	[sflag:s12] =	ssyncadd.s32 $0xFFFFFF80  }
0x103: {  	_ =	swait.ge [sflag:s12], $0x80  }
0x104: {  	[sflag:s12] =	ssyncset.done $0x0  }
0x105: {  	[sflag:s12] =	ssyncadd.s32 $0xFFFFFF80  }
0x106: {  	_ =	swait.ge [sflag:s12], $0x80  }
0x107: {  	[sflag:s12] =	ssyncset.done $0x0  }
0x108: {  	[sflag:s12] =	ssyncadd.s32 $0xFFFFFF80  }
0x109: {  	_ =	swait.ge [sflag:s12], $0x80  }
0x10a: {  	[sflag:s12] =	ssyncset.done $0x0  }
0x10b: {  	[sflag:s12] =	ssyncadd.s32 $0xFFFFFF80  }
0x10c: {  	_ =	swait.ge [sflag:s12], $0x80  }
0x10d: {  	[sflag:s12] =	ssyncset.done $0x0  }
0x10e: {  	[sflag:s12] =	ssyncadd.s32 $0xFFFFFF80  }
0x10f: {  	_ =	swait.ge [sflag:s12], $0x80  }
0x110: {  	[sflag:s12] =	ssyncset.done $0x0  }
0x111: {  	[sflag:s12] =	ssyncadd.s32 $0xFFFFFF80  }
0x112: {  	_ =	swait.ge [sflag:s12], $0x80  }
0x113: {  	[sflag:s12] =	ssyncset.done $0x0  }
0x114: {  	[sflag:s12] =	ssyncadd.s32 $0xFFFFFF80  }
0x115: {  	_ =	swait.ge [sflag:s12], $0x80  }
0x116: {  	[sflag:s12] =	ssyncset.done $0x0  }
0x117: {  	[sflag:s12] =	ssyncadd.s32 $0xFFFFFF80  }
0x118: {  	_ =	swait.ge [sflag:s12], $0x80  }
0x119: {  	[sflag:s12] =	ssyncset.done $0x0  }
0x11a: {  	[sflag:s12] =	ssyncadd.s32 $0xFFFFFF80  }
0x11b: {  	_ =	swait.ge [sflag:s12], $0x80  }
0x11c: {  	[sflag:s12] =	ssyncset.done $0x0  }
0x11d: {  	[sflag:s12] =	ssyncadd.s32 $0xFFFFFF80  }
0x11e: {  	_ =	swait.ge [sflag:s12], $0x80  }
0x11f: {  	[sflag:s12] =	ssyncset.done $0x0  }
0x120: {  	[sflag:s12] =	ssyncadd.s32 $0xFFFFFF80  }
0x121: {  	_ =	swait.ge [sflag:s12], $0x80  }
0x122: {  	[sflag:s12] =	ssyncset.done $0x0  }
0x123: {  	[sflag:s12] =	ssyncadd.s32 $0xFFFFFF80  }
0x124: {  	_ =	swait.ge [sflag:s12], $0x80  }
0x125: {  	[sflag:s12] =	ssyncset.done $0x0  }
0x126: {  	[sflag:s12] =	ssyncadd.s32 $0xFFFFFF80  }
0x127: {  	_ =	swait.ge [sflag:s12], $0x80  }
0x128: {  	[sflag:s12] =	ssyncset.done $0x0  }
0x129: {  	[sflag:s12] =	ssyncadd.s32 $0xFFFFFF80  }
0x12a: {  	_ =	swait.ge [sflag:s12], $0x80  }
0x12b: {  	[sflag:s12] =	ssyncset.done $0x0  }
0x12c: {  	[sflag:s12] =	ssyncadd.s32 $0xFFFFFF80  }
0x12d: {  	_ =	swait.ge [sflag:s12], $0x80  }
0x12e: {  	[sflag:s12] =	ssyncset.done $0x0  }
0x12f: {  	[sflag:s12] =	ssyncadd.s32 $0xFFFFFF80  }
0x130: {  	_ =	swait.ge [sflag:s12], $0x80  }
0x131: {  	[sflag:s12] =	ssyncset.done $0x0  }
0x132: {  	[sflag:s12] =	ssyncadd.s32 $0xFFFFFF80  }
0x133: {  	_ =	swait.ge [sflag:s12], $0x80  }
0x134: {  	[sflag:s12] =	ssyncset.done $0x0  }
0x135: {  	[sflag:s12] =	ssyncadd.s32 $0xFFFFFF80  }
0x136: {  	_ =	swait.ge [sflag:s12], $0x80  }
0x137: {  	[sflag:s12] =	ssyncset.done $0x0  }
0x138: {  	[sflag:s12] =	ssyncadd.s32 $0xFFFFFF80  }
0x139: {  	_ =	swait.ge [sflag:s12], $0x80  }
0x13a: {  	[sflag:s12] =	ssyncset.done $0x0  }
0x13b: {  	[sflag:s12] =	ssyncadd.s32 $0xFFFFFF80  }
0x13c: {  	_ =	swait.ge [sflag:s12], $0x80  }
0x13d: {  	[sflag:s12] =	ssyncset.done $0x0  }
0x13e: {  	[sflag:s12] =	ssyncadd.s32 $0xFFFFFF80  }
0x13f: {  	_ =	swait.ge [sflag:s12], $0x80  }
0x140: {  	[sflag:s12] =	ssyncset.done $0x0  }
0x141: {  	[sflag:s12] =	ssyncadd.s32 $0xFFFFFF80  }
0x142: {  	_ =	swait.ge [sflag:s12], $0x80  }
0x143: {  	[sflag:s12] =	ssyncset.done $0x0  }
0x144: {  	[sflag:s12] =	ssyncadd.s32 $0xFFFFFF80  }
0x145: {  	_ =	swait.ge [sflag:s12], $0x80  }
0x146: {  	[sflag:s12] =	ssyncset.done $0x0  }
0x147: {  	[sflag:s12] =	ssyncadd.s32 $0xFFFFFF80  }
0x148: {  	_ =	swait.ge [sflag:s12], $0x80  }
0x149: {  	[sflag:s12] =	ssyncset.done $0x0  }
0x14a: {  	[sflag:s12] =	ssyncadd.s32 $0xFFFFFF80  }
0x14b: {  	_ =	swait.ge [sflag:s12], $0x80  }
0x14c: {  	[sflag:s12] =	ssyncset.done $0x0  }
0x14d: {  	[sflag:s12] =	ssyncadd.s32 $0xFFFFFF80  }
0x14e: {  	_ =	swait.ge [sflag:s12], $0x80  }
0x14f: {  	[sflag:s12] =	ssyncset.done $0x0  }
0x150: {  	[sflag:s12] =	ssyncadd.s32 $0xFFFFFF80  }
0x151: {  	_ =	swait.ge [sflag:s12], $0x80  }
0x152: {  	[sflag:s12] =	ssyncset.done $0x0  }
0x153: {  	[sflag:s12] =	ssyncadd.s32 $0xFFFFFF80  }
0x154: {  	_ =	swait.ge [sflag:s12], $0x80  }
0x155: {  	s17 =	simm.s32 $0x7;
	[sflag:s12] =	ssyncset.done $0x0  }
.LBB2_6:
0x156: {  	p0 =	sne.s32 s17, $0x1;
	s17 =	sadd.s32 $0xFFFFFFFF, s17;
	[sflag:s12] =	ssyncadd.s32 $0xFFFFFF80  }
0x157: {  	_ =	swait.ge [sflag:s12], $0x80  }
0x158: {  	[sflag:s12] =	ssyncset.done $0x0  }
0x159: {  	[sflag:s12] =	ssyncadd.s32 $0xFFFFFF80  }
0x15a: {  	_ =	swait.ge [sflag:s12], $0x80  }
0x15b: {  	[sflag:s12] =	ssyncset.done $0x0  }
0x15c: {  	[sflag:s12] =	ssyncadd.s32 $0xFFFFFF80  }
0x15d: {  	_ =	swait.ge [sflag:s12], $0x80  }
0x15e: {  	[sflag:s12] =	ssyncset.done $0x0  }
0x15f: {  	[sflag:s12] =	ssyncadd.s32 $0xFFFFFF80  }
0x160: {  	_ =	swait.ge [sflag:s12], $0x80  }
0x161: {  	[sflag:s12] =	ssyncset.done $0x0  }
0x162: {  	[sflag:s12] =	ssyncadd.s32 $0xFFFFFF80  }
0x163: {  	_ =	swait.ge [sflag:s12], $0x80  }
0x164: {  	[sflag:s12] =	ssyncset.done $0x0  }
0x165: {  	[sflag:s12] =	ssyncadd.s32 $0xFFFFFF80  }
0x166: {  	_ =	swait.ge [sflag:s12], $0x80  }
0x167: {  	[sflag:s12] =	ssyncset.done $0x0  }
0x168: {  	[sflag:s12] =	ssyncadd.s32 $0xFFFFFF80  }
0x169: {  	_ =	swait.ge [sflag:s12], $0x80  }
0x16a: {  	[sflag:s12] =	ssyncset.done $0x0  }
0x16b: {  	[sflag:s12] =	ssyncadd.s32 $0xFFFFFF80  }
0x16c: {  	_ =	swait.ge [sflag:s12], $0x80  }
0x16d: {  	[sflag:s12] =	ssyncset.done $0x0  }
0x16e: {  	[sflag:s12] =	ssyncadd.s32 $0xFFFFFF80  }
0x16f: {  	_ =	swait.ge [sflag:s12], $0x80  }
0x170: {  	[sflag:s12] =	ssyncset.done $0x0  }
0x171: {  	[sflag:s12] =	ssyncadd.s32 $0xFFFFFF80  }
0x172: {  	_ =	swait.ge [sflag:s12], $0x80  }
0x173: {  	[sflag:s12] =	ssyncset.done $0x0  }
0x174: {  	[sflag:s12] =	ssyncadd.s32 $0xFFFFFF80  }
0x175: {  	_ =	swait.ge [sflag:s12], $0x80  }
0x176: {  	[sflag:s12] =	ssyncset.done $0x0  }
0x177: {  	[sflag:s12] =	ssyncadd.s32 $0xFFFFFF80  }
0x178: {  	_ =	swait.ge [sflag:s12], $0x80  }
0x179: {  	[sflag:s12] =	ssyncset.done $0x0  }
0x17a: {  	[sflag:s12] =	ssyncadd.s32 $0xFFFFFF80  }
0x17b: {  	_ =	swait.ge [sflag:s12], $0x80  }
0x17c: {  	[sflag:s12] =	ssyncset.done $0x0  }
0x17d: {  	[sflag:s12] =	ssyncadd.s32 $0xFFFFFF80  }
0x17e: {  	_ =	swait.ge [sflag:s12], $0x80  }
0x17f: {  	[sflag:s12] =	ssyncset.done $0x0  }
0x180: {  	[sflag:s12] =	ssyncadd.s32 $0xFFFFFF80  }
0x181: {  	_ =	swait.ge [sflag:s12], $0x80  }
0x182: {  	[sflag:s12] =	ssyncset.done $0x0  }
0x183: {  	[sflag:s12] =	ssyncadd.s32 $0xFFFFFF80  }
0x184: {  	_ =	swait.ge [sflag:s12], $0x80  }
0x185: {  	[sflag:s12] =	ssyncset.done $0x0  }
0x186: {  	[sflag:s12] =	ssyncadd.s32 $0xFFFFFF80  }
0x187: {  	_ =	swait.ge [sflag:s12], $0x80  }
0x188: {  	[sflag:s12] =	ssyncset.done $0x0  }
0x189: {  	[sflag:s12] =	ssyncadd.s32 $0xFFFFFF80  }
0x18a: {  	_ =	swait.ge [sflag:s12], $0x80  }
0x18b: {  	[sflag:s12] =	ssyncset.done $0x0  }
0x18c: {  	[sflag:s12] =	ssyncadd.s32 $0xFFFFFF80  }
0x18d: {  	_ =	swait.ge [sflag:s12], $0x80  }
0x18e: {  	[sflag:s12] =	ssyncset.done $0x0  }
0x18f: {  	[sflag:s12] =	ssyncadd.s32 $0xFFFFFF80  }
0x190: {  	_ =	swait.ge [sflag:s12], $0x80  }
0x191: {  	[sflag:s12] =	ssyncset.done $0x0  }
0x192: {  	[sflag:s12] =	ssyncadd.s32 $0xFFFFFF80  }
0x193: {  	_ =	swait.ge [sflag:s12], $0x80  }
0x194: {  	[sflag:s12] =	ssyncset.done $0x0  }
0x195: {  	[sflag:s12] =	ssyncadd.s32 $0xFFFFFF80  }
0x196: {  	_ =	swait.ge [sflag:s12], $0x80  }
0x197: {  	[sflag:s12] =	ssyncset.done $0x0  }
0x198: {  	[sflag:s12] =	ssyncadd.s32 $0xFFFFFF80  }
0x199: {  	_ =	swait.ge [sflag:s12], $0x80  }
0x19a: {  	[sflag:s12] =	ssyncset.done $0x0  }
0x19b: {  	[sflag:s12] =	ssyncadd.s32 $0xFFFFFF80  }
0x19c: {  	_ =	swait.ge [sflag:s12], $0x80  }
0x19d: {  	[sflag:s12] =	ssyncset.done $0x0  }
0x19e: {  	[sflag:s12] =	ssyncadd.s32 $0xFFFFFF80  }
0x19f: {  	_ =	swait.ge [sflag:s12], $0x80  }
0x1a0: {  	[sflag:s12] =	ssyncset.done $0x0  }
0x1a1: {  	[sflag:s12] =	ssyncadd.s32 $0xFFFFFF80  }
0x1a2: {  	_ =	swait.ge [sflag:s12], $0x80  }
0x1a3: {  	[sflag:s12] =	ssyncset.done $0x0  }
0x1a4: {  	[sflag:s12] =	ssyncadd.s32 $0xFFFFFF80  }
0x1a5: {  	_ =	swait.ge [sflag:s12], $0x80  }
0x1a6: {  	[sflag:s12] =	ssyncset.done $0x0  }
0x1a7: {  	[sflag:s12] =	ssyncadd.s32 $0xFFFFFF80  }
0x1a8: {  	_ =	swait.ge [sflag:s12], $0x80  }
0x1a9: {  	[sflag:s12] =	ssyncset.done $0x0  }
0x1aa: {  	[sflag:s12] =	ssyncadd.s32 $0xFFFFFF80  }
0x1ab: {  	_ =	swait.ge [sflag:s12], $0x80  }
0x1ac: {  	[sflag:s12] =	ssyncset.done $0x0  }
0x1ad: {  	[sflag:s12] =	ssyncadd.s32 $0xFFFFFF80  }
0x1ae: {  	_ =	swait.ge [sflag:s12], $0x80  }
0x1af: {  	[sflag:s12] =	ssyncset.done $0x0  }
0x1b0: {  	[sflag:s12] =	ssyncadd.s32 $0xFFFFFF80  }
.Ltmp4:
0x1b1: {  	_ =	swait.ge [sflag:s12], $0x80;
	(pc) =	sbr.rel @p0 .LBB2_6-.Ltmp4, $4  }
0x1b2: {  	[sflag:s12] =	ssyncset.done $0x0  }
0x1b3: {  	[sflag:s12] =	ssyncadd.s32 $0xFFFFFF80  }
0x1b4: {  	_ =	swait.ge [sflag:s12], $0x80  }
0x1b5: {  	[sflag:s12] =	ssyncset.done $0x0  }
0x1b6: {  	[sflag:s12] =	ssyncadd.s32 $0xFFFFFF80;
	s17 =	simm.s32 $0x0  }
0x1b7: {  	[hbm4b:s7+s17] =	stream.linear.scatter [tilespmem:s13], [sflag:$0x2], $0x8000, $0x38;
	[tilespmem:$0x10400] =	vst v63  }
0x1b8: {  	_ =	swait.ge [sflag:s14], $0x8000  }
0x1b9: {  	[sflag:s14] =	ssyncset.done $0x0  }
.Ltmp5:
0x1ba: {  	[sflag:s14] =	ssyncadd.s32 $0xFFFF8000;
	(pc) =	sbr.rel .LBB2_8-.Ltmp5, $4  }
0x1bb: {  	[hbm4b:s8+s17] =	stream.linear.scatter [tilespmem:s15], [sflag:$0x2], $0x8000, $0x38;
	[tilespmem:$0x10400] =	vst v63  }
0x1bc: {  	_ =	swait.ge [sflag:s14], $0x8000  }
0x1bd: {  	s18 =	simm.s32 $0x100;
	[sflag:s14] =	ssyncset.done $0x0  }
0x1be: {  	s19 =	simm.s32 $0x300;
	s20 =	simm.s32 $0x0;
	[sflag:s14] =	ssyncadd.s32 $0xFFFF8000  }
.LBB2_10:
0x1bf: {  	s17 =	sadd.s32 $0x2000, s17  }
0x1c0: {  	p0 =	sne.s32 s17, $0x20000  }
.Ltmp6:
0x1c1: {  	_ = 	snop;
	(pc) =	sbr.rel @!p0 .LBB2_11-.Ltmp6, $2  }
0x1c2: {  	_ =	sdelay $0x2  }
0x1c3: {  	s20 =	sadd.s32 $0x1, s20;
	s18 =	sadd.s32 $0x10, s18;
	s19 =	sadd.s32 $0x10, s19  }
.LBB2_8:
0x1c4: {  	v0 =	vld [tilespmem:s18+$0x0];
	_ =	sdelay $0x4  }
0x1c5: {  	v0 =	vshll.u32 v0, $0x4  }
0x1c6: {  	(v2sf) =	vpush v0, $0x0;
	_ =	sdelay $0x1  }
0x1c7: {  	(v2sf) =	vpush v0, $0x1;
	_ =	sdelay $0x1  }
0x1c8: {  	(v2sf) =	vpush v0, $0x2;
	_ =	sdelay $0x2  }
0x1c9: {  	(v2sf) =	vpush v0, $0x3;
	_ =	sdelay $0x7  }
0x1ca: {  	s22 =	spop (v2sf);
	(v2sf) =	vpush v0, $0x4;
	_ =	sdelay $0x1  }
0x1cb: {  	s25 =	spop (v2sf);
	(v2sf) =	vpush v0, $0x5;
	_ =	sdelay $0x1  }
0x1cc: {  	s28 =	spop (v2sf);
	(v2sf) =	vpush v0, $0x6;
	_ =	sdelay $0x1  }
0x1cd: {  	s21 =	sshra.s32 s17, $0x2;
	s22 =	sand.u32 $0x1FFFFFF0, s22  }
0x1ce: {  	s23 =	sadd.s32 $0x400, s21;
	s22 =	sadd.s32 s3, s22;
	s30 =	spop (v2sf);
	(v2sf) =	vpush v0, $0x7  }
0x1cf: {  	[tilespmem:s23], [sflag:$0x1] =	stream.linear.gather [hbm4b:s22+s1], $0x80, $0x38;
	[tilespmem:$0x10400] =	vst v63  }
0x1d0: {  	s22 =	sand.u32 $0x1FFFFFF0, s25  }
0x1d1: {  	s26 =	sadd.s32 $0x480, s21;
	s22 =	sadd.s32 s3, s22  }
0x1d2: {  	[tilespmem:s26], [sflag:$0x1] =	stream.linear.gather [hbm4b:s22+s1], $0x80, $0x38;
	[tilespmem:$0x10400] =	vst v63  }
0x1d3: {  	s22 =	sand.u32 $0x1FFFFFF0, s28  }
0x1d4: {  	s29 =	sadd.s32 $0x500, s21;
	s22 =	sadd.s32 s3, s22  }
0x1d5: {  	[tilespmem:s29], [sflag:$0x1] =	stream.linear.gather [hbm4b:s22+s1], $0x80, $0x38;
	[tilespmem:$0x10400] =	vst v63  }
0x1d6: {  	s23 =	spop (v2sf);
	(v2sf) =	vpush v0, $0x8  }
0x1d7: {  	s22 =	sand.u32 $0x1FFFFFF0, s30  }
0x1d8: {  	s31 =	sadd.s32 $0x580, s21;
	s22 =	sadd.s32 s3, s22;
	s25 =	spop (v2sf);
	(v2sf) =	vpush v0, $0x9  }
0x1d9: {  	[tilespmem:s31], [sflag:$0x1] =	stream.linear.gather [hbm4b:s22+s1], $0x80, $0x38;
	[tilespmem:$0x10400] =	vst v63  }
0x1da: {  	s22 =	sand.u32 $0x1FFFFFF0, s23;
	s28 =	spop (v2sf);
	(v2sf) =	vpush v0, $0xA  }
0x1db: {  	s24 =	sadd.s32 $0x600, s21;
	s22 =	sadd.s32 s3, s22  }
0x1dc: {  	[tilespmem:s24], [sflag:$0x1] =	stream.linear.gather [hbm4b:s22+s1], $0x80, $0x38;
	[tilespmem:$0x10400] =	vst v63  }
0x1dd: {  	s30 =	spop (v2sf);
	(v2sf) =	vpush v0, $0xB  }
0x1de: {  	s22 =	sand.u32 $0x1FFFFFF0, s25  }
0x1df: {  	s26 =	sadd.s32 $0x680, s21;
	s22 =	sadd.s32 s3, s22  }
0x1e0: {  	[tilespmem:s26], [sflag:$0x1] =	stream.linear.gather [hbm4b:s22+s1], $0x80, $0x38;
	[tilespmem:$0x10400] =	vst v63  }
0x1e1: {  	s22 =	sand.u32 $0x1FFFFFF0, s28  }
0x1e2: {  	s29 =	sadd.s32 $0x700, s21;
	s22 =	sadd.s32 s3, s22  }
0x1e3: {  	[tilespmem:s29], [sflag:$0x1] =	stream.linear.gather [hbm4b:s22+s1], $0x80, $0x38;
	[tilespmem:$0x10400] =	vst v63  }
0x1e4: {  	s22 =	sand.u32 $0x1FFFFFF0, s30  }
0x1e5: {  	s31 =	sadd.s32 $0x780, s21;
	s22 =	sadd.s32 s3, s22;
	s23 =	spop (v2sf);
	(v2sf) =	vpush v0, $0xC  }
0x1e6: {  	[tilespmem:s31], [sflag:$0x1] =	stream.linear.gather [hbm4b:s22+s1], $0x80, $0x38;
	[tilespmem:$0x10400] =	vst v63  }
0x1e7: {  	s25 =	spop (v2sf);
	(v2sf) =	vpush v0, $0xD  }
0x1e8: {  	s22 =	sand.u32 $0x1FFFFFF0, s23  }
0x1e9: {  	s24 =	sadd.s32 $0x800, s21;
	s22 =	sadd.s32 s3, s22;
	s28 =	spop (v2sf)  }
0x1ea: {  	(v2sf) =	vpush v0, $0xE;
	[tilespmem:s24], [sflag:$0x1] =	stream.linear.gather [hbm4b:s22+s1], $0x80, $0x38;
	[tilespmem:$0x10400] =	vst v63  }
0x1eb: {  	s22 =	sand.u32 $0x1FFFFFF0, s25  }
0x1ec: {  	s26 =	sadd.s32 $0x880, s21;
	s30 =	spop (v2sf);
	s22 =	sadd.s32 s3, s22  }
0x1ed: {  	(v2sf) =	vpush v0, $0xF;
	[tilespmem:s26], [sflag:$0x1] =	stream.linear.gather [hbm4b:s22+s1], $0x80, $0x38;
	[tilespmem:$0x10400] =	vst v63  }
0x1ee: {  	s22 =	sand.u32 $0x1FFFFFF0, s28  }
0x1ef: {  	s29 =	sadd.s32 $0x900, s21;
	s22 =	sadd.s32 s3, s22  }
0x1f0: {  	[tilespmem:s29], [sflag:$0x1] =	stream.linear.gather [hbm4b:s22+s1], $0x80, $0x38;
	[tilespmem:$0x10400] =	vst v63  }
0x1f1: {  	s22 =	sand.u32 $0x1FFFFFF0, s30  }
0x1f2: {  	s31 =	sadd.s32 $0x980, s21;
	s22 =	sadd.s32 s3, s22  }
0x1f3: {  	[tilespmem:s31], [sflag:$0x1] =	stream.linear.gather [hbm4b:s22+s1], $0x80, $0x38;
	[tilespmem:$0x10400] =	vst v63  }
0x1f4: {  	s23 =	spop (v2sf)  }
0x1f5: {  	s22 =	sand.u32 $0x1FFFFFF0, s23  }
0x1f6: {  	s24 =	sadd.s32 $0xA00, s21;
	s25 =	spop (v2sf);
	s22 =	sadd.s32 s3, s22  }
0x1f7: {  	[tilespmem:s24], [sflag:$0x1] =	stream.linear.gather [hbm4b:s22+s1], $0x80, $0x38;
	[tilespmem:$0x10400] =	vst v63  }
0x1f8: {  	s22 =	sand.u32 $0x1FFFFFF0, s25  }
0x1f9: {  	s26 =	sadd.s32 $0xA80, s21;
	s28 =	spop (v2sf);
	s22 =	sadd.s32 s3, s22  }
0x1fa: {  	[tilespmem:s26], [sflag:$0x1] =	stream.linear.gather [hbm4b:s22+s1], $0x80, $0x38;
	[tilespmem:$0x10400] =	vst v63  }
0x1fb: {  	s22 =	sand.u32 $0x1FFFFFF0, s28  }
0x1fc: {  	s29 =	sadd.s32 $0xB00, s21;
	s30 =	spop (v2sf);
	s22 =	sadd.s32 s3, s22  }
0x1fd: {  	[tilespmem:s29], [sflag:$0x1] =	stream.linear.gather [hbm4b:s22+s1], $0x80, $0x38;
	[tilespmem:$0x10400] =	vst v63  }
0x1fe: {  	s22 =	sand.u32 $0x1FFFFFF0, s30  }
0x1ff: {  	s31 =	sadd.s32 $0xB80, s21;
	s22 =	sadd.s32 s3, s22  }
0x200: {  	[tilespmem:s31], [sflag:$0x1] =	stream.linear.gather [hbm4b:s22+s1], $0x80, $0x38;
	[tilespmem:$0x10400] =	vst v63  }
0x201: {  	v63 =	vld [tilespmem:s19+$0x0];
	_ =	sdelay $0x4  }
0x202: {  	v0 =	vshll.u32 v63, $0x4  }
0x203: {  	(v2sf) =	vpush v0, $0x0;
	_ =	sdelay $0x1  }
0x204: {  	(v2sf) =	vpush v0, $0x1;
	_ =	sdelay $0x1  }
0x205: {  	(v2sf) =	vpush v0, $0x2;
	_ =	sdelay $0x2  }
0x206: {  	(v2sf) =	vpush v0, $0x3;
	_ =	sdelay $0x7  }
0x207: {  	s23 =	spop (v2sf);
	(v2sf) =	vpush v0, $0x4;
	_ =	sdelay $0x1  }
0x208: {  	s25 =	spop (v2sf);
	(v2sf) =	vpush v0, $0x5;
	_ =	sdelay $0x1  }
0x209: {  	s28 =	spop (v2sf);
	(v2sf) =	vpush v0, $0x6;
	_ =	sdelay $0x1  }
0x20a: {  	s22 =	sand.u32 $0x1FFFFFF0, s23  }
0x20b: {  	s24 =	sadd.s32 $0x8400, s21;
	s22 =	sadd.s32 s4, s22;
	s30 =	spop (v2sf);
	(v2sf) =	vpush v0, $0x7  }
0x20c: {  	[tilespmem:s24], [sflag:$0x1] =	stream.linear.gather [hbm4b:s22+s1], $0x80, $0x38;
	[tilespmem:$0x10400] =	vst v63  }
0x20d: {  	s22 =	sand.u32 $0x1FFFFFF0, s25  }
0x20e: {  	s26 =	sadd.s32 $0x8480, s21;
	s22 =	sadd.s32 s4, s22  }
0x20f: {  	[tilespmem:s26], [sflag:$0x1] =	stream.linear.gather [hbm4b:s22+s1], $0x80, $0x38;
	[tilespmem:$0x10400] =	vst v63  }
0x210: {  	s22 =	sand.u32 $0x1FFFFFF0, s28  }
0x211: {  	s29 =	sadd.s32 $0x8500, s21;
	s22 =	sadd.s32 s4, s22  }
0x212: {  	[tilespmem:s29], [sflag:$0x1] =	stream.linear.gather [hbm4b:s22+s1], $0x80, $0x38;
	[tilespmem:$0x10400] =	vst v63  }
0x213: {  	s23 =	spop (v2sf);
	(v2sf) =	vpush v0, $0x8  }
0x214: {  	s22 =	sand.u32 $0x1FFFFFF0, s30  }
0x215: {  	s31 =	sadd.s32 $0x8580, s21;
	s22 =	sadd.s32 s4, s22;
	s25 =	spop (v2sf);
	(v2sf) =	vpush v0, $0x9  }
0x216: {  	[tilespmem:s31], [sflag:$0x1] =	stream.linear.gather [hbm4b:s22+s1], $0x80, $0x38;
	[tilespmem:$0x10400] =	vst v63  }
0x217: {  	s22 =	sand.u32 $0x1FFFFFF0, s23;
	s28 =	spop (v2sf);
	(v2sf) =	vpush v0, $0xA  }
0x218: {  	s24 =	sadd.s32 $0x8600, s21;
	s22 =	sadd.s32 s4, s22  }
0x219: {  	[tilespmem:s24], [sflag:$0x1] =	stream.linear.gather [hbm4b:s22+s1], $0x80, $0x38;
	[tilespmem:$0x10400] =	vst v63  }
0x21a: {  	s30 =	spop (v2sf);
	(v2sf) =	vpush v0, $0xB  }
0x21b: {  	s22 =	sand.u32 $0x1FFFFFF0, s25  }
0x21c: {  	s26 =	sadd.s32 $0x8680, s21;
	s22 =	sadd.s32 s4, s22  }
0x21d: {  	[tilespmem:s26], [sflag:$0x1] =	stream.linear.gather [hbm4b:s22+s1], $0x80, $0x38;
	[tilespmem:$0x10400] =	vst v63  }
0x21e: {  	s22 =	sand.u32 $0x1FFFFFF0, s28  }
0x21f: {  	s29 =	sadd.s32 $0x8700, s21;
	s22 =	sadd.s32 s4, s22  }
0x220: {  	[tilespmem:s29], [sflag:$0x1] =	stream.linear.gather [hbm4b:s22+s1], $0x80, $0x38;
	[tilespmem:$0x10400] =	vst v63  }
0x221: {  	s22 =	sand.u32 $0x1FFFFFF0, s30  }
0x222: {  	s31 =	sadd.s32 $0x8780, s21;
	s22 =	sadd.s32 s4, s22;
	s23 =	spop (v2sf);
	(v2sf) =	vpush v0, $0xC  }
0x223: {  	[tilespmem:s31], [sflag:$0x1] =	stream.linear.gather [hbm4b:s22+s1], $0x80, $0x38;
	[tilespmem:$0x10400] =	vst v63  }
0x224: {  	s25 =	spop (v2sf);
	(v2sf) =	vpush v0, $0xD  }
0x225: {  	s22 =	sand.u32 $0x1FFFFFF0, s23  }
0x226: {  	s24 =	sadd.s32 $0x8800, s21;
	s22 =	sadd.s32 s4, s22;
	s28 =	spop (v2sf)  }
0x227: {  	(v2sf) =	vpush v0, $0xE;
	[tilespmem:s24], [sflag:$0x1] =	stream.linear.gather [hbm4b:s22+s1], $0x80, $0x38;
	[tilespmem:$0x10400] =	vst v63  }
0x228: {  	s22 =	sand.u32 $0x1FFFFFF0, s25  }
0x229: {  	s26 =	sadd.s32 $0x8880, s21;
	s30 =	spop (v2sf);
	s22 =	sadd.s32 s4, s22  }
0x22a: {  	(v2sf) =	vpush v0, $0xF;
	[tilespmem:s26], [sflag:$0x1] =	stream.linear.gather [hbm4b:s22+s1], $0x80, $0x38;
	[tilespmem:$0x10400] =	vst v63  }
0x22b: {  	s22 =	sand.u32 $0x1FFFFFF0, s28  }
0x22c: {  	s29 =	sadd.s32 $0x8900, s21;
	s22 =	sadd.s32 s4, s22  }
0x22d: {  	[tilespmem:s29], [sflag:$0x1] =	stream.linear.gather [hbm4b:s22+s1], $0x80, $0x38;
	[tilespmem:$0x10400] =	vst v63  }
0x22e: {  	s22 =	sand.u32 $0x1FFFFFF0, s30  }
0x22f: {  	s31 =	sadd.s32 $0x8980, s21;
	s22 =	sadd.s32 s4, s22  }
0x230: {  	[tilespmem:s31], [sflag:$0x1] =	stream.linear.gather [hbm4b:s22+s1], $0x80, $0x38;
	[tilespmem:$0x10400] =	vst v63  }
0x231: {  	s24 =	spop (v2sf)  }
0x232: {  	s22 =	sand.u32 $0x1FFFFFF0, s24  }
0x233: {  	s25 =	sadd.s32 $0x8A00, s21;
	s26 =	spop (v2sf);
	s22 =	sadd.s32 s4, s22  }
0x234: {  	[tilespmem:s25], [sflag:$0x1] =	stream.linear.gather [hbm4b:s22+s1], $0x80, $0x38;
	[tilespmem:$0x10400] =	vst v63  }
0x235: {  	s22 =	sand.u32 $0x1FFFFFF0, s26  }
0x236: {  	s28 =	sadd.s32 $0x8A80, s21;
	s29 =	spop (v2sf);
	s22 =	sadd.s32 s4, s22  }
0x237: {  	[tilespmem:s28], [sflag:$0x1] =	stream.linear.gather [hbm4b:s22+s1], $0x80, $0x38;
	[tilespmem:$0x10400] =	vst v63  }
0x238: {  	p0 =	slt.u32 s20, $0x8;
	s30 =	sadd.s32 $0x8B00, s21;
	s22 =	sand.u32 $0x1FFFFFF0, s29  }
.Ltmp7:
0x239: {  	s31 =	spop (v2sf);
	s22 =	sadd.s32 s4, s22;
	(pc) =	sbr.rel @p0 .LBB2_10-.Ltmp7, $4  }
0x23a: {  	[tilespmem:s30], [sflag:$0x1] =	stream.linear.gather [hbm4b:s22+s1], $0x80, $0x38;
	[tilespmem:$0x10400] =	vst v63  }
0x23b: {  	s22 =	sand.u32 $0x1FFFFFF0, s31  }
0x23c: {  	s21 =	sadd.s32 $0x8B80, s21;
	s22 =	sadd.s32 s4, s22  }
0x23d: {  	[tilespmem:s21], [sflag:$0x1] =	stream.linear.gather [hbm4b:s22+s1], $0x80, $0x38;
	[tilespmem:$0x10400] =	vst v63  }
0x23e: {  	_ =	swait.ge [sflag:s12], $0x80  }
0x23f: {  	[sflag:s12] =	ssyncset.done $0x0  }
0x240: {  	[sflag:s12] =	ssyncadd.s32 $0xFFFFFF80  }
0x241: {  	_ =	swait.ge [sflag:s12], $0x80  }
0x242: {  	[sflag:s12] =	ssyncset.done $0x0  }
0x243: {  	[sflag:s12] =	ssyncadd.s32 $0xFFFFFF80  }
0x244: {  	_ =	swait.ge [sflag:s12], $0x80  }
0x245: {  	[sflag:s12] =	ssyncset.done $0x0  }
0x246: {  	[sflag:s12] =	ssyncadd.s32 $0xFFFFFF80  }
0x247: {  	_ =	swait.ge [sflag:s12], $0x80  }
0x248: {  	[sflag:s12] =	ssyncset.done $0x0  }
0x249: {  	[sflag:s12] =	ssyncadd.s32 $0xFFFFFF80  }
0x24a: {  	_ =	swait.ge [sflag:s12], $0x80  }
0x24b: {  	[sflag:s12] =	ssyncset.done $0x0  }
0x24c: {  	[sflag:s12] =	ssyncadd.s32 $0xFFFFFF80  }
0x24d: {  	_ =	swait.ge [sflag:s12], $0x80  }
0x24e: {  	[sflag:s12] =	ssyncset.done $0x0  }
0x24f: {  	[sflag:s12] =	ssyncadd.s32 $0xFFFFFF80  }
0x250: {  	_ =	swait.ge [sflag:s12], $0x80  }
0x251: {  	[sflag:s12] =	ssyncset.done $0x0  }
0x252: {  	[sflag:s12] =	ssyncadd.s32 $0xFFFFFF80  }
0x253: {  	_ =	swait.ge [sflag:s12], $0x80  }
0x254: {  	[sflag:s12] =	ssyncset.done $0x0  }
0x255: {  	[sflag:s12] =	ssyncadd.s32 $0xFFFFFF80  }
0x256: {  	_ =	swait.ge [sflag:s12], $0x80  }
0x257: {  	[sflag:s12] =	ssyncset.done $0x0  }
0x258: {  	[sflag:s12] =	ssyncadd.s32 $0xFFFFFF80  }
0x259: {  	_ =	swait.ge [sflag:s12], $0x80  }
0x25a: {  	[sflag:s12] =	ssyncset.done $0x0  }
0x25b: {  	[sflag:s12] =	ssyncadd.s32 $0xFFFFFF80  }
0x25c: {  	_ =	swait.ge [sflag:s12], $0x80  }
0x25d: {  	[sflag:s12] =	ssyncset.done $0x0  }
0x25e: {  	[sflag:s12] =	ssyncadd.s32 $0xFFFFFF80  }
0x25f: {  	_ =	swait.ge [sflag:s12], $0x80  }
0x260: {  	[sflag:s12] =	ssyncset.done $0x0  }
0x261: {  	[sflag:s12] =	ssyncadd.s32 $0xFFFFFF80  }
0x262: {  	_ =	swait.ge [sflag:s12], $0x80  }
0x263: {  	[sflag:s12] =	ssyncset.done $0x0  }
0x264: {  	[sflag:s12] =	ssyncadd.s32 $0xFFFFFF80  }
0x265: {  	_ =	swait.ge [sflag:s12], $0x80  }
0x266: {  	[sflag:s12] =	ssyncset.done $0x0  }
0x267: {  	[sflag:s12] =	ssyncadd.s32 $0xFFFFFF80  }
0x268: {  	_ =	swait.ge [sflag:s12], $0x80  }
0x269: {  	[sflag:s12] =	ssyncset.done $0x0  }
0x26a: {  	[sflag:s12] =	ssyncadd.s32 $0xFFFFFF80  }
0x26b: {  	_ =	swait.ge [sflag:s12], $0x80  }
0x26c: {  	[sflag:s12] =	ssyncset.done $0x0  }
0x26d: {  	[sflag:s12] =	ssyncadd.s32 $0xFFFFFF80  }
0x26e: {  	_ =	swait.ge [sflag:s12], $0x80  }
0x26f: {  	[sflag:s12] =	ssyncset.done $0x0  }
0x270: {  	[sflag:s12] =	ssyncadd.s32 $0xFFFFFF80  }
0x271: {  	_ =	swait.ge [sflag:s12], $0x80  }
0x272: {  	[sflag:s12] =	ssyncset.done $0x0  }
0x273: {  	[sflag:s12] =	ssyncadd.s32 $0xFFFFFF80  }
0x274: {  	_ =	swait.ge [sflag:s12], $0x80  }
0x275: {  	[sflag:s12] =	ssyncset.done $0x0  }
0x276: {  	[sflag:s12] =	ssyncadd.s32 $0xFFFFFF80  }
0x277: {  	_ =	swait.ge [sflag:s12], $0x80  }
0x278: {  	[sflag:s12] =	ssyncset.done $0x0  }
0x279: {  	[sflag:s12] =	ssyncadd.s32 $0xFFFFFF80  }
0x27a: {  	_ =	swait.ge [sflag:s12], $0x80  }
0x27b: {  	[sflag:s12] =	ssyncset.done $0x0  }
0x27c: {  	[sflag:s12] =	ssyncadd.s32 $0xFFFFFF80  }
0x27d: {  	_ =	swait.ge [sflag:s12], $0x80  }
0x27e: {  	[sflag:s12] =	ssyncset.done $0x0  }
0x27f: {  	[sflag:s12] =	ssyncadd.s32 $0xFFFFFF80  }
0x280: {  	_ =	swait.ge [sflag:s12], $0x80  }
0x281: {  	[sflag:s12] =	ssyncset.done $0x0  }
0x282: {  	[sflag:s12] =	ssyncadd.s32 $0xFFFFFF80  }
0x283: {  	_ =	swait.ge [sflag:s12], $0x80  }
0x284: {  	[sflag:s12] =	ssyncset.done $0x0  }
0x285: {  	[sflag:s12] =	ssyncadd.s32 $0xFFFFFF80  }
0x286: {  	_ =	swait.ge [sflag:s12], $0x80  }
0x287: {  	[sflag:s12] =	ssyncset.done $0x0  }
0x288: {  	[sflag:s12] =	ssyncadd.s32 $0xFFFFFF80  }
0x289: {  	_ =	swait.ge [sflag:s12], $0x80  }
0x28a: {  	[sflag:s12] =	ssyncset.done $0x0  }
0x28b: {  	[sflag:s12] =	ssyncadd.s32 $0xFFFFFF80  }
0x28c: {  	_ =	swait.ge [sflag:s12], $0x80  }
0x28d: {  	[sflag:s12] =	ssyncset.done $0x0  }
0x28e: {  	[sflag:s12] =	ssyncadd.s32 $0xFFFFFF80  }
0x28f: {  	_ =	swait.ge [sflag:s12], $0x80  }
0x290: {  	[sflag:s12] =	ssyncset.done $0x0  }
0x291: {  	[sflag:s12] =	ssyncadd.s32 $0xFFFFFF80  }
0x292: {  	_ =	swait.ge [sflag:s12], $0x80  }
0x293: {  	[sflag:s12] =	ssyncset.done $0x0  }
0x294: {  	[sflag:s12] =	ssyncadd.s32 $0xFFFFFF80  }
0x295: {  	_ =	swait.ge [sflag:s12], $0x80  }
0x296: {  	[sflag:s12] =	ssyncset.done $0x0  }
0x297: {  	[sflag:s12] =	ssyncadd.s32 $0xFFFFFF80  }
0x298: {  	_ =	swait.ge [sflag:s12], $0x80  }
.Ltmp8:
0x299: {  	[sflag:s12] =	ssyncset.done $0x0;
	(pc) =	sbr.rel .LBB2_10-.Ltmp8, $4  }
0x29a: {  	[sflag:s12] =	ssyncadd.s32 $0xFFFFFF80  }
0x29b: {  	_ =	swait.ge [sflag:s12], $0x80  }
0x29c: {  	[sflag:s12] =	ssyncset.done $0x0  }
0x29d: {  	[sflag:s12] =	ssyncadd.s32 $0xFFFFFF80  }
.LBB2_11:
0x29e: {  	_ =	swait.ge [sflag:s12], $0x80  }
0x29f: {  	[sflag:s12] =	ssyncset.done $0x0  }
0x2a0: {  	[sflag:s12] =	ssyncadd.s32 $0xFFFFFF80  }
0x2a1: {  	_ =	swait.ge [sflag:s12], $0x80  }
0x2a2: {  	[sflag:s12] =	ssyncset.done $0x0  }
0x2a3: {  	[sflag:s12] =	ssyncadd.s32 $0xFFFFFF80  }
0x2a4: {  	_ =	swait.ge [sflag:s12], $0x80  }
0x2a5: {  	[sflag:s12] =	ssyncset.done $0x0  }
0x2a6: {  	[sflag:s12] =	ssyncadd.s32 $0xFFFFFF80  }
0x2a7: {  	_ =	swait.ge [sflag:s12], $0x80  }
0x2a8: {  	[sflag:s12] =	ssyncset.done $0x0  }
0x2a9: {  	[sflag:s12] =	ssyncadd.s32 $0xFFFFFF80  }
0x2aa: {  	_ =	swait.ge [sflag:s12], $0x80  }
0x2ab: {  	[sflag:s12] =	ssyncset.done $0x0  }
0x2ac: {  	[sflag:s12] =	ssyncadd.s32 $0xFFFFFF80  }
0x2ad: {  	_ =	swait.ge [sflag:s12], $0x80  }
0x2ae: {  	[sflag:s12] =	ssyncset.done $0x0  }
0x2af: {  	[sflag:s12] =	ssyncadd.s32 $0xFFFFFF80  }
0x2b0: {  	_ =	swait.ge [sflag:s12], $0x80  }
0x2b1: {  	[sflag:s12] =	ssyncset.done $0x0  }
0x2b2: {  	[sflag:s12] =	ssyncadd.s32 $0xFFFFFF80  }
0x2b3: {  	_ =	swait.ge [sflag:s12], $0x80  }
0x2b4: {  	[sflag:s12] =	ssyncset.done $0x0  }
0x2b5: {  	[sflag:s12] =	ssyncadd.s32 $0xFFFFFF80  }
0x2b6: {  	_ =	swait.ge [sflag:s12], $0x80  }
0x2b7: {  	[sflag:s12] =	ssyncset.done $0x0  }
0x2b8: {  	[sflag:s12] =	ssyncadd.s32 $0xFFFFFF80  }
0x2b9: {  	_ =	swait.ge [sflag:s12], $0x80  }
0x2ba: {  	[sflag:s12] =	ssyncset.done $0x0  }
0x2bb: {  	[sflag:s12] =	ssyncadd.s32 $0xFFFFFF80  }
0x2bc: {  	_ =	swait.ge [sflag:s12], $0x80  }
0x2bd: {  	[sflag:s12] =	ssyncset.done $0x0  }
0x2be: {  	[sflag:s12] =	ssyncadd.s32 $0xFFFFFF80  }
0x2bf: {  	_ =	swait.ge [sflag:s12], $0x80  }
0x2c0: {  	[sflag:s12] =	ssyncset.done $0x0  }
0x2c1: {  	[sflag:s12] =	ssyncadd.s32 $0xFFFFFF80  }
0x2c2: {  	_ =	swait.ge [sflag:s12], $0x80  }
0x2c3: {  	[sflag:s12] =	ssyncset.done $0x0  }
0x2c4: {  	[sflag:s12] =	ssyncadd.s32 $0xFFFFFF80  }
0x2c5: {  	_ =	swait.ge [sflag:s12], $0x80  }
0x2c6: {  	[sflag:s12] =	ssyncset.done $0x0  }
0x2c7: {  	[sflag:s12] =	ssyncadd.s32 $0xFFFFFF80  }
0x2c8: {  	_ =	swait.ge [sflag:s12], $0x80  }
0x2c9: {  	[sflag:s12] =	ssyncset.done $0x0  }
0x2ca: {  	[sflag:s12] =	ssyncadd.s32 $0xFFFFFF80  }
0x2cb: {  	_ =	swait.ge [sflag:s12], $0x80  }
0x2cc: {  	[sflag:s12] =	ssyncset.done $0x0  }
0x2cd: {  	[sflag:s12] =	ssyncadd.s32 $0xFFFFFF80  }
0x2ce: {  	_ =	swait.ge [sflag:s12], $0x80  }
0x2cf: {  	[sflag:s12] =	ssyncset.done $0x0  }
0x2d0: {  	[sflag:s12] =	ssyncadd.s32 $0xFFFFFF80  }
0x2d1: {  	_ =	swait.ge [sflag:s12], $0x80  }
0x2d2: {  	[sflag:s12] =	ssyncset.done $0x0  }
0x2d3: {  	[sflag:s12] =	ssyncadd.s32 $0xFFFFFF80  }
0x2d4: {  	_ =	swait.ge [sflag:s12], $0x80  }
0x2d5: {  	[sflag:s12] =	ssyncset.done $0x0  }
0x2d6: {  	[sflag:s12] =	ssyncadd.s32 $0xFFFFFF80  }
0x2d7: {  	_ =	swait.ge [sflag:s12], $0x80  }
0x2d8: {  	[sflag:s12] =	ssyncset.done $0x0  }
0x2d9: {  	[sflag:s12] =	ssyncadd.s32 $0xFFFFFF80  }
0x2da: {  	_ =	swait.ge [sflag:s12], $0x80  }
0x2db: {  	[sflag:s12] =	ssyncset.done $0x0  }
0x2dc: {  	[sflag:s12] =	ssyncadd.s32 $0xFFFFFF80  }
0x2dd: {  	_ =	swait.ge [sflag:s12], $0x80  }
0x2de: {  	[sflag:s12] =	ssyncset.done $0x0  }
0x2df: {  	[sflag:s12] =	ssyncadd.s32 $0xFFFFFF80  }
0x2e0: {  	_ =	swait.ge [sflag:s12], $0x80  }
0x2e1: {  	[sflag:s12] =	ssyncset.done $0x0  }
0x2e2: {  	[sflag:s12] =	ssyncadd.s32 $0xFFFFFF80  }
0x2e3: {  	_ =	swait.ge [sflag:s12], $0x80  }
0x2e4: {  	[sflag:s12] =	ssyncset.done $0x0  }
0x2e5: {  	[sflag:s12] =	ssyncadd.s32 $0xFFFFFF80  }
0x2e6: {  	_ =	swait.ge [sflag:s12], $0x80  }
0x2e7: {  	[sflag:s12] =	ssyncset.done $0x0  }
0x2e8: {  	[sflag:s12] =	ssyncadd.s32 $0xFFFFFF80  }
0x2e9: {  	_ =	swait.ge [sflag:s12], $0x80  }
0x2ea: {  	[sflag:s12] =	ssyncset.done $0x0  }
0x2eb: {  	[sflag:s12] =	ssyncadd.s32 $0xFFFFFF80  }
0x2ec: {  	_ =	swait.ge [sflag:s12], $0x80  }
0x2ed: {  	[sflag:s12] =	ssyncset.done $0x0  }
0x2ee: {  	[sflag:s12] =	ssyncadd.s32 $0xFFFFFF80  }
0x2ef: {  	_ =	swait.ge [sflag:s12], $0x80  }
0x2f0: {  	[sflag:s12] =	ssyncset.done $0x0  }
0x2f1: {  	[sflag:s12] =	ssyncadd.s32 $0xFFFFFF80  }
0x2f2: {  	_ =	swait.ge [sflag:s12], $0x80  }
0x2f3: {  	[sflag:s12] =	ssyncset.done $0x0  }
0x2f4: {  	[sflag:s12] =	ssyncadd.s32 $0xFFFFFF80  }
0x2f5: {  	_ =	swait.ge [sflag:s12], $0x80  }
0x2f6: {  	[sflag:s12] =	ssyncset.done $0x0  }
0x2f7: {  	[sflag:s12] =	ssyncadd.s32 $0xFFFFFF80  }
0x2f8: {  	_ =	swait.ge [sflag:s12], $0x80  }
0x2f9: {  	[sflag:s12] =	ssyncset.done $0x0  }
0x2fa: {  	[sflag:s12] =	ssyncadd.s32 $0xFFFFFF80  }
0x2fb: {  	_ =	swait.ge [sflag:s12], $0x80  }
0x2fc: {  	s17 =	simm.s32 $0x7;
	[sflag:s12] =	ssyncset.done $0x0  }
.LBB2_12:
0x2fd: {  	p0 =	sne.s32 s17, $0x1;
	s17 =	sadd.s32 $0xFFFFFFFF, s17;
	[sflag:s12] =	ssyncadd.s32 $0xFFFFFF80  }
0x2fe: {  	_ =	swait.ge [sflag:s12], $0x80  }
0x2ff: {  	[sflag:s12] =	ssyncset.done $0x0  }
0x300: {  	[sflag:s12] =	ssyncadd.s32 $0xFFFFFF80  }
0x301: {  	_ =	swait.ge [sflag:s12], $0x80  }
0x302: {  	[sflag:s12] =	ssyncset.done $0x0  }
0x303: {  	[sflag:s12] =	ssyncadd.s32 $0xFFFFFF80  }
0x304: {  	_ =	swait.ge [sflag:s12], $0x80  }
0x305: {  	[sflag:s12] =	ssyncset.done $0x0  }
0x306: {  	[sflag:s12] =	ssyncadd.s32 $0xFFFFFF80  }
0x307: {  	_ =	swait.ge [sflag:s12], $0x80  }
0x308: {  	[sflag:s12] =	ssyncset.done $0x0  }
0x309: {  	[sflag:s12] =	ssyncadd.s32 $0xFFFFFF80  }
0x30a: {  	_ =	swait.ge [sflag:s12], $0x80  }
0x30b: {  	[sflag:s12] =	ssyncset.done $0x0  }
0x30c: {  	[sflag:s12] =	ssyncadd.s32 $0xFFFFFF80  }
0x30d: {  	_ =	swait.ge [sflag:s12], $0x80  }
0x30e: {  	[sflag:s12] =	ssyncset.done $0x0  }
0x30f: {  	[sflag:s12] =	ssyncadd.s32 $0xFFFFFF80  }
0x310: {  	_ =	swait.ge [sflag:s12], $0x80  }
0x311: {  	[sflag:s12] =	ssyncset.done $0x0  }
0x312: {  	[sflag:s12] =	ssyncadd.s32 $0xFFFFFF80  }
0x313: {  	_ =	swait.ge [sflag:s12], $0x80  }
0x314: {  	[sflag:s12] =	ssyncset.done $0x0  }
0x315: {  	[sflag:s12] =	ssyncadd.s32 $0xFFFFFF80  }
0x316: {  	_ =	swait.ge [sflag:s12], $0x80  }
0x317: {  	[sflag:s12] =	ssyncset.done $0x0  }
0x318: {  	[sflag:s12] =	ssyncadd.s32 $0xFFFFFF80  }
0x319: {  	_ =	swait.ge [sflag:s12], $0x80  }
0x31a: {  	[sflag:s12] =	ssyncset.done $0x0  }
0x31b: {  	[sflag:s12] =	ssyncadd.s32 $0xFFFFFF80  }
0x31c: {  	_ =	swait.ge [sflag:s12], $0x80  }
0x31d: {  	[sflag:s12] =	ssyncset.done $0x0  }
0x31e: {  	[sflag:s12] =	ssyncadd.s32 $0xFFFFFF80  }
0x31f: {  	_ =	swait.ge [sflag:s12], $0x80  }
0x320: {  	[sflag:s12] =	ssyncset.done $0x0  }
0x321: {  	[sflag:s12] =	ssyncadd.s32 $0xFFFFFF80  }
0x322: {  	_ =	swait.ge [sflag:s12], $0x80  }
0x323: {  	[sflag:s12] =	ssyncset.done $0x0  }
0x324: {  	[sflag:s12] =	ssyncadd.s32 $0xFFFFFF80  }
0x325: {  	_ =	swait.ge [sflag:s12], $0x80  }
0x326: {  	[sflag:s12] =	ssyncset.done $0x0  }
0x327: {  	[sflag:s12] =	ssyncadd.s32 $0xFFFFFF80  }
0x328: {  	_ =	swait.ge [sflag:s12], $0x80  }
0x329: {  	[sflag:s12] =	ssyncset.done $0x0  }
0x32a: {  	[sflag:s12] =	ssyncadd.s32 $0xFFFFFF80  }
0x32b: {  	_ =	swait.ge [sflag:s12], $0x80  }
0x32c: {  	[sflag:s12] =	ssyncset.done $0x0  }
0x32d: {  	[sflag:s12] =	ssyncadd.s32 $0xFFFFFF80  }
0x32e: {  	_ =	swait.ge [sflag:s12], $0x80  }
0x32f: {  	[sflag:s12] =	ssyncset.done $0x0  }
0x330: {  	[sflag:s12] =	ssyncadd.s32 $0xFFFFFF80  }
0x331: {  	_ =	swait.ge [sflag:s12], $0x80  }
0x332: {  	[sflag:s12] =	ssyncset.done $0x0  }
0x333: {  	[sflag:s12] =	ssyncadd.s32 $0xFFFFFF80  }
0x334: {  	_ =	swait.ge [sflag:s12], $0x80  }
0x335: {  	[sflag:s12] =	ssyncset.done $0x0  }
0x336: {  	[sflag:s12] =	ssyncadd.s32 $0xFFFFFF80  }
0x337: {  	_ =	swait.ge [sflag:s12], $0x80  }
0x338: {  	[sflag:s12] =	ssyncset.done $0x0  }
0x339: {  	[sflag:s12] =	ssyncadd.s32 $0xFFFFFF80  }
0x33a: {  	_ =	swait.ge [sflag:s12], $0x80  }
0x33b: {  	[sflag:s12] =	ssyncset.done $0x0  }
0x33c: {  	[sflag:s12] =	ssyncadd.s32 $0xFFFFFF80  }
0x33d: {  	_ =	swait.ge [sflag:s12], $0x80  }
0x33e: {  	[sflag:s12] =	ssyncset.done $0x0  }
0x33f: {  	[sflag:s12] =	ssyncadd.s32 $0xFFFFFF80  }
0x340: {  	_ =	swait.ge [sflag:s12], $0x80  }
0x341: {  	[sflag:s12] =	ssyncset.done $0x0  }
0x342: {  	[sflag:s12] =	ssyncadd.s32 $0xFFFFFF80  }
0x343: {  	_ =	swait.ge [sflag:s12], $0x80  }
0x344: {  	[sflag:s12] =	ssyncset.done $0x0  }
0x345: {  	[sflag:s12] =	ssyncadd.s32 $0xFFFFFF80  }
0x346: {  	_ =	swait.ge [sflag:s12], $0x80  }
0x347: {  	[sflag:s12] =	ssyncset.done $0x0  }
0x348: {  	[sflag:s12] =	ssyncadd.s32 $0xFFFFFF80  }
0x349: {  	_ =	swait.ge [sflag:s12], $0x80  }
0x34a: {  	[sflag:s12] =	ssyncset.done $0x0  }
0x34b: {  	[sflag:s12] =	ssyncadd.s32 $0xFFFFFF80  }
0x34c: {  	_ =	swait.ge [sflag:s12], $0x80  }
0x34d: {  	[sflag:s12] =	ssyncset.done $0x0  }
0x34e: {  	[sflag:s12] =	ssyncadd.s32 $0xFFFFFF80  }
0x34f: {  	_ =	swait.ge [sflag:s12], $0x80  }
0x350: {  	[sflag:s12] =	ssyncset.done $0x0  }
0x351: {  	[sflag:s12] =	ssyncadd.s32 $0xFFFFFF80  }
0x352: {  	_ =	swait.ge [sflag:s12], $0x80  }
0x353: {  	[sflag:s12] =	ssyncset.done $0x0  }
0x354: {  	[sflag:s12] =	ssyncadd.s32 $0xFFFFFF80  }
0x355: {  	_ =	swait.ge [sflag:s12], $0x80  }
0x356: {  	[sflag:s12] =	ssyncset.done $0x0  }
0x357: {  	[sflag:s12] =	ssyncadd.s32 $0xFFFFFF80  }
.Ltmp9:
0x358: {  	_ =	swait.ge [sflag:s12], $0x80;
	(pc) =	sbr.rel @p0 .LBB2_12-.Ltmp9, $4  }
0x359: {  	[sflag:s12] =	ssyncset.done $0x0  }
0x35a: {  	[sflag:s12] =	ssyncadd.s32 $0xFFFFFF80  }
0x35b: {  	_ =	swait.ge [sflag:s12], $0x80  }
0x35c: {  	[sflag:s12] =	ssyncset.done $0x0  }
0x35d: {  	[sflag:s12] =	ssyncadd.s32 $0xFFFFFF80  }
0x35e: {  	[hbm4b:s9+s1] =	stream.linear.scatter [tilespmem:s13], [sflag:$0x2], $0x8000, $0x38;
	[tilespmem:$0x10400] =	vst v63  }
0x35f: {  	s16 =	sadd.s32 $0x1, s16;
	_ =	swait.ge [sflag:s14], $0x8000  }
0x360: {  	p0 =	sne.s32 s16, s11;
	[sflag:s14] =	ssyncset.done $0x0  }
.Ltmp10:
0x361: {  	[sflag:s14] =	ssyncadd.s32 $0xFFFF8000;
	(pc) =	sbr.rel @p0 .LBB2_1-.Ltmp10, $4  }
0x362: {  	[hbm4b:s10+s1] =	stream.linear.scatter [tilespmem:s15], [sflag:$0x2], $0x8000, $0x38;
	[tilespmem:$0x10400] =	vst v63  }
0x363: {  	_ =	swait.ge [sflag:s14], $0x8000  }
0x364: {  	[sflag:s14] =	ssyncset.done $0x0  }
0x365: {  	[sflag:s14] =	ssyncadd.s32 $0xFFFF8000  }
0x366: {  	_ =	sfence.sel $0x180000  }
0x367: {  	[bflag:$0x0] =	sbarrier.arrive $0xFFFF  }
0x368: {  	p0 =	sne.s32 s2, $0x0;
	_ =	strace $0x90000047  }
0x369: {  	s0 =	sadd.s32 @!p0 $0x100000, s0;
	[bflag:$0x2] =	sbarrier.arrive $0xFFFF  }
0x36a: {  	[sflag:s0] =	ssyncadd.tile.s32 @!p0 $0x1;
	_ =	shalt  }
.Lfunc_end2:
_tile_overlayer_lowered:
.L_overlay_start_2:
0x36b: {  	(tag) =	ssettag $0x2  }
0x36c: {  	s0 =	rddreg [dreg:$0x0];
	s2 =	stileid.u32  }
0x36d: {  	s1 =	rddreg [dreg:$0x1];
	p0 =	sne.s32 s2, $0x0  }
0x36e: {  	s3 =	rddreg [dreg:$0x2];
	[bflag:$0x3] =	sbarrier.arrive $0xFFFF;
	s2 =	simm.s32 @!p0 $0x1C02  }
0x36f: {  	[timem:s3], [sflag:s2] =	dma.local @!p0 [hbm:s0], s1  }
0x370: {  	s0 =	simm.s32 @!p0 $0x2  }
0x371: {  	_ =	swait.ge @!p0 [sflag:s0], s1  }
0x372: {  	s1 =	ssub.s32 @!p0 $0x0, s1;
	[sflag:s0] =	ssyncset.done @!p0 $0x0  }
0x373: {  	[sflag:s0] =	ssyncadd.s32 @!p0 s1  }
0x374: {  	[bflag:$0x3] =	sbarrier.arrive $0xFFFF  }
0x375: {  	_ =	shalt  }

</sc_bundles>
